<compile_context>
chip_gen: v7x
topology: tpu7x:2x2x1
jax: 0.10.2.dev20260603
libtpu: 0.0.44.dev20260713+nightly
codegen_flags: <defaults>
</compile_context>

<pallas_src>
import functools

import jax
import jax.numpy as jnp
from jax import lax
from jax.experimental import pallas as pl
from jax.experimental.pallas import tpu as pltpu
from jax.experimental.pallas import tpu_sc as plsc

N = 10000
E = 320000
B = 128
NF = 128
K = 10
NPAD = 10240
EPAD = 330240
NC = 2
NS = 16

_MESH = dict(core_axis_name="c", subcore_axis_name="s")



def _sc_gather_rows(table, idx, D, CH):
    M = idx.shape[0]
    m_per_w = M // (NC * NS)
    assert m_per_w % CH == 0 and m_per_w % 8 == 0 and CH % 8 == 0

    @functools.partial(
        pl.kernel,
        mesh=plsc.VectorSubcoreMesh(**_MESH),
        out_type=jax.ShapeDtypeStruct((M, D), jnp.float32),
        scratch_types=[
            pltpu.VMEM((CH,), jnp.int32),
            pltpu.VMEM((CH, D), jnp.float32),
            pltpu.SemaphoreType.DMA,
        ],
    )
    def k(tab_hbm, idx_hbm, out, idx_v, rows_v, sem):
        c = lax.axis_index("c")
        s = lax.axis_index("s")
        base = (s * NC + c) * m_per_w

        def body(j, carry):
            off = base + j * CH
            pltpu.sync_copy(idx_hbm.at[pl.ds(off, CH)], idx_v)
            pltpu.async_copy(tab_hbm.at[idx_v], rows_v, sem).wait()
            pltpu.sync_copy(rows_v, out.at[pl.ds(off, CH)])
            return carry

        lax.fori_loop(0, m_per_w // CH, body, 0)

    return k(table, idx)


def _sc_pool_gather(h1, h2, h3, h4_128, sel):
    M = B * K
    m_per_w = M // (NC * NS)

    @functools.partial(
        pl.kernel,
        mesh=plsc.VectorSubcoreMesh(**_MESH),
        out_type=[jax.ShapeDtypeStruct((M, 256), jnp.float32)] * 3
        + [jax.ShapeDtypeStruct((M, 128), jnp.float32)],
        scratch_types=[
            pltpu.VMEM((m_per_w,), jnp.int32),
            pltpu.VMEM((m_per_w, 256), jnp.float32),
            pltpu.VMEM((m_per_w, 128), jnp.float32),
            pltpu.SemaphoreType.DMA,
        ],
    )
    def k(h1_hbm, h2_hbm, h3_hbm, h4_hbm, sel_hbm, o1, o2, o3, o4,
          idx_v, rows_v, rows4_v, sem):
        c = lax.axis_index("c")
        s = lax.axis_index("s")
        off = (s * NC + c) * m_per_w
        sl = pl.ds(off, m_per_w)
        pltpu.sync_copy(sel_hbm.at[sl], idx_v)
        pltpu.async_copy(h1_hbm.at[idx_v], rows_v, sem).wait()
        pltpu.sync_copy(rows_v, o1.at[sl])
        pltpu.async_copy(h2_hbm.at[idx_v], rows_v, sem).wait()
        pltpu.sync_copy(rows_v, o2.at[sl])
        pltpu.async_copy(h3_hbm.at[idx_v], rows_v, sem).wait()
        pltpu.sync_copy(rows_v, o3.at[sl])
        pltpu.async_copy(h4_hbm.at[idx_v], rows4_v, sem).wait()
        pltpu.sync_copy(rows4_v, o4.at[sl])

    return k(h1, h2, h3, h4_128, sel)



_BLK = 256
_GRID = NPAD // _BLK
_ROW2 = lambda i: (i, 0)
_FULL = lambda i: (0, 0)


def _tc_mm(h, W, b=None, relu=False):
    Kdim = h.shape[1]

    def body(h_ref, w_ref, *rest):
        o_ref = rest[-1]
        acc = jnp.dot(h_ref[...], w_ref[...], preferred_element_type=jnp.float32)
        if b is not None:
            acc = acc + rest[0][...]
        if relu:
            acc = jnp.maximum(acc, 0.0)
        o_ref[...] = acc

    in_specs = [pl.BlockSpec((_BLK, Kdim), _ROW2),
                pl.BlockSpec((Kdim, 256), _FULL)]
    args = [h, W]
    if b is not None:
        in_specs.append(pl.BlockSpec((1, 256), _FULL))
        args.append(b.reshape(1, 256))
    return pl.pallas_call(
        body,
        grid=(_GRID,),
        in_specs=in_specs,
        out_specs=pl.BlockSpec((_BLK, 256), _ROW2),
        out_shape=jax.ShapeDtypeStruct((NPAD, 256), jnp.float32),
    )(*args)


def _tc_head1(p1, p2, p3, p4, mask16, W1a, W1b, W1c, W1d, b1):
    M = B * K

    def body(p1_ref, p2_ref, p3_ref, p4_ref, m_ref,
             wa_ref, wb_ref, wc_ref, wd_ref, b_ref, o_ref):
        m = m_ref[...][:, 0:1]
        acc = jnp.dot(p1_ref[...] * m, wa_ref[...],
                      preferred_element_type=jnp.float32)
        acc += jnp.dot(p2_ref[...] * m, wb_ref[...],
                       preferred_element_type=jnp.float32)
        acc += jnp.dot(p3_ref[...] * m, wc_ref[...],
                       preferred_element_type=jnp.float32)
        acc += jnp.dot(p4_ref[...] * m, wd_ref[...],
                       preferred_element_type=jnp.float32)
        o_ref[...] = jnp.maximum(acc + b_ref[...], 0.0)

    return pl.pallas_call(
        body,
        grid=(M // 256,),
        in_specs=[
            pl.BlockSpec((256, 256), _ROW2),
            pl.BlockSpec((256, 256), _ROW2),
            pl.BlockSpec((256, 256), _ROW2),
            pl.BlockSpec((256, 128), _ROW2),
            pl.BlockSpec((256, 16), _ROW2),
            pl.BlockSpec((256, 16), _FULL),
            pl.BlockSpec((256, 16), _FULL),
            pl.BlockSpec((256, 16), _FULL),
            pl.BlockSpec((128, 16), _FULL),
            pl.BlockSpec((1, 16), _FULL),
        ],
        out_specs=pl.BlockSpec((256, 16), _ROW2),
        out_shape=jax.ShapeDtypeStruct((M, 16), jnp.float32),
    )(p1, p2, p3, p4, mask16, W1a, W1b, W1c, W1d, b1)


def _tc_head2(ya, yb, W2r, b2, Wl1, bl1, Wl2, bl2):

    def body(ya_ref, yb_ref, w2_ref, b2_ref, wl1_ref, bl1_ref, wl2_ref,
             bl2_ref, o_ref):
        m = jnp.maximum(ya_ref[...], yb_ref[...])
        y2 = jnp.maximum(
            jnp.dot(m, w2_ref[...], preferred_element_type=jnp.float32)
            + b2_ref[...], 0.0)
        y3 = jnp.maximum(
            jnp.dot(y2, wl1_ref[...], preferred_element_type=jnp.float32)
            + bl1_ref[...], 0.0)
        o_ref[...] = (jnp.dot(y3, wl2_ref[...],
                              preferred_element_type=jnp.float32)
                      + bl2_ref[...])

    return pl.pallas_call(
        body,
        out_shape=jax.ShapeDtypeStruct((B, 8), jnp.float32),
    )(ya, yb, W2r, b2, Wl1, bl1, Wl2, bl2)



def kernel(z, edge_index, batch, x, z_table, W_feat, b_feat, Wg0, bg0,
           Wg1, bg1, Wg2, bg2, Wg3, bg3, W1, b1, W2, b2, Wl1, bl1, Wl2, bl2):
    f32 = jnp.float32
    src, dst = edge_index[0], edge_index[1]
    loop = jnp.arange(N)
    s_all = jnp.concatenate([src, loop])
    d_all = jnp.concatenate([dst, loop])
    s_pad = jnp.concatenate(
        [s_all, jnp.zeros((EPAD - E - N,), s_all.dtype)]).astype(jnp.int32)

    deg = jax.ops.segment_sum(jnp.ones(s_all.shape[0], f32), d_all,
                              num_segments=N)
    dis = jnp.where(deg > 0, 1.0 / jnp.sqrt(deg), 0.0)
    norm = (dis[s_all] * dis[d_all])[:, None]

    def pad_rows(h):
        return jnp.concatenate([h, jnp.zeros((NPAD - N, h.shape[1]), f32)])

    def layer_agg(hw_pad):
        rows = _sc_gather_rows(hw_pad, s_pad, D=256, CH=80)
        upd = rows[:E + N] * norm
        return jax.ops.segment_sum(upd, d_all, num_segments=N)

    z_pad = jnp.concatenate([z.astype(jnp.int32),
                             jnp.zeros((NPAD - N,), jnp.int32)])
    z_emb = _sc_gather_rows(z_table, z_pad, D=256, CH=64)
    feat = _tc_mm(pad_rows(x), W_feat, b=b_feat, relu=True)
    h0_pad = jnp.concatenate([z_emb, feat], axis=1)

    hw1 = _tc_mm(h0_pad, Wg0)
    h1 = jnp.tanh(layer_agg(hw1) + bg0)
    h1_pad = pad_rows(h1)

    hw2 = _tc_mm(h1_pad, Wg1)
    h2 = jnp.tanh(layer_agg(hw2) + bg1)
    h2_pad = pad_rows(h2)

    hw3 = _tc_mm(h2_pad, Wg2)
    h3 = jnp.tanh(layer_agg(hw3) + bg2)
    h3_pad = pad_rows(h3)

    hw4 = h3 @ Wg3
    agg4 = jax.ops.segment_sum(hw4[s_all] * norm, d_all, num_segments=N)
    h4 = jnp.tanh(agg4 + bg3)

    keys = h4[:, 0]
    order = jnp.lexsort((-keys, batch))
    counts = jnp.bincount(batch, length=B)
    starts = jnp.cumsum(counts) - counts
    slot = starts[:, None] + jnp.arange(K, dtype=jnp.int32)[None, :]
    maskbk = jnp.arange(K)[None, :] < counts[:, None]
    sel = jnp.where(maskbk, order[jnp.clip(slot, 0, N - 1)], 0)
    sel_flat = sel.reshape(B * K).astype(jnp.int32)
    mask16 = jnp.broadcast_to(
        maskbk.reshape(B * K, 1).astype(f32), (B * K, 16))

    h4_128 = pad_rows(jnp.concatenate(
        [h4, jnp.zeros((N, 127), f32)], axis=1))
    p1, p2, p3, p4 = _sc_pool_gather(h1_pad, h2_pad, h3_pad, h4_128, sel_flat)

    W1a = W1[:, :256].T
    W1b = W1[:, 256:512].T
    W1c = W1[:, 512:768].T
    W1d = jnp.concatenate([W1[:, 768:769], jnp.zeros((16, 127), f32)],
                          axis=1).T
    y1 = _tc_head1(p1, p2, p3, p4, mask16, W1a, W1b, W1c, W1d,
                   b1.reshape(1, 16))

    y1r = y1.reshape(B, K, 16)
    ya = y1r[:, 0::2, :].reshape(B, 80)
    yb = y1r[:, 1::2, :].reshape(B, 80)
    W2r = jnp.transpose(W2, (2, 1, 0)).reshape(80, 32)
    Wl2p = jnp.concatenate([Wl2, jnp.zeros((128, 7), f32)], axis=1)
    bl2p = jnp.concatenate([bl2, jnp.zeros((7,), f32)]).reshape(1, 8)
    out8 = _tc_head2(ya, yb, W2r, b2.reshape(1, 32), Wl1,
                     bl1.reshape(1, 128), Wl2p, bl2p)
    return out8[:, :1]

# --- scband reference (transcript-rebuilt; emitter-appended) ---
"""Pipeline reference for scband-dgcnn-feat-84628035601271 (READ-ONLY COPY).

The authoritative reference and input builder live on the scoring server;
editing this copy changes nothing except your own understanding.
"""

import jax, jax.numpy as jnp
import numpy as np

N = 10000
E = 320000
B = 128
HID = 256
NF = 128
MAXZ = 1000
K = 10
D_TOT = HID * 3 + 1

def _glorot(k, shape):
    lim = jnp.sqrt(6.0 / (shape[0] + shape[1]))
    return jax.random.uniform(k, shape, jnp.float32, -lim, lim)

def setup_inputs(seed: int = 0):
    key = jax.random.key(seed)
    ks = jax.random.split(key, 16)
    inp = {}
    inp['z'] = jax.random.randint(ks[0], (N,), 0, MAXZ)
    inp['edge_index'] = jax.random.randint(ks[1], (2, E), 0, N)
    inp['batch'] = jnp.sort(jax.random.randint(ks[2], (N,), 0, B))
    inp['x'] = jax.random.normal(ks[3], (N, NF), dtype=jnp.float32)
    inp['z_table'] = jax.random.normal(ks[4], (MAXZ, HID), dtype=jnp.float32)
    inp['W_feat'] = _glorot(ks[5], (NF, HID)); inp['b_feat'] = jnp.zeros((HID,), jnp.float32)
    inp['Wg0'] = _glorot(ks[6], (2 * HID, HID)); inp['bg0'] = jnp.zeros((HID,), jnp.float32)
    inp['Wg1'] = _glorot(ks[7], (HID, HID)); inp['bg1'] = jnp.zeros((HID,), jnp.float32)
    inp['Wg2'] = _glorot(ks[8], (HID, HID)); inp['bg2'] = jnp.zeros((HID,), jnp.float32)
    inp['Wg3'] = _glorot(ks[9], (HID, 1)); inp['bg3'] = jnp.zeros((1,), jnp.float32)
    inp['W1'] = jax.random.normal(ks[10], (16, D_TOT), dtype=jnp.float32) * 0.05; inp['b1'] = jnp.zeros((16,), jnp.float32)
    inp['W2'] = jax.random.normal(ks[11], (32, 16, 5), dtype=jnp.float32) * 0.05; inp['b2'] = jnp.zeros((32,), jnp.float32)
    inp['Wl1'] = _glorot(ks[12], (32, 128)); inp['bl1'] = jnp.zeros((128,), jnp.float32)
    inp['Wl2'] = _glorot(ks[13], (128, 1)); inp['bl2'] = jnp.zeros((1,), jnp.float32)
    return inp

def _gcn(h, W, b, src, dst, n):
    # PyG GCNConv: xW, add self loops, symmetric deg normalization, scatter-add to dst, + bias
    hw = h @ W
    loop = jnp.arange(n)
    s = jnp.concatenate([src, loop])
    d = jnp.concatenate([dst, loop])
    deg = jax.ops.segment_sum(jnp.ones(s.shape[0], hw.dtype), d, num_segments=n)
    dis = jnp.where(deg > 0, 1.0 / jnp.sqrt(deg), 0.0)
    norm = dis[s] * dis[d]
    out = jax.ops.segment_sum(hw[s] * norm[:, None], d, num_segments=n)
    return out + b

def _forward(z, edge_index, batch, x, z_table, W_feat, b_feat, Wg0, bg0, Wg1, bg1, Wg2, bg2, Wg3, bg3, W1, b1, W2, b2, Wl1, bl1, Wl2, bl2):
    n = x.shape[0]
    src, dst = edge_index[0], edge_index[1]
    z_emb = z_table[z]
    feat = jax.nn.relu(x @ W_feat + b_feat)
    h = jnp.concatenate([z_emb, feat], axis=1)
    h1 = jnp.tanh(_gcn(h, Wg0, bg0, src, dst, n))
    h2 = jnp.tanh(_gcn(h1, Wg1, bg1, src, dst, n))
    h3 = jnp.tanh(_gcn(h2, Wg2, bg2, src, dst, n))
    h4 = jnp.tanh(_gcn(h3, Wg3, bg3, src, dst, n))
    hc = jnp.concatenate([h1, h2, h3, h4], axis=1)
    # global_sort_pool: per-graph descending sort by last channel, keep top K, zero-pad
    order = jnp.lexsort((-hc[:, -1], batch))
    sb = batch[order]
    sx = hc[order]
    counts = jnp.bincount(batch, length=B)
    starts = jnp.cumsum(counts) - counts
    pos = jnp.arange(n) - starts[sb]
    mask = pos < K
    pos_safe = jnp.where(mask, pos, K)
    pooled = jnp.zeros((B, K + 1, D_TOT), hc.dtype).at[sb, pos_safe].add(jnp.where(mask[:, None], sx, 0.0))
    pooled = pooled[:, :K, :]
    # Conv1d(1,16,kernel=D_TOT,stride=D_TOT) == per-row linear over feature dim
    y1 = jax.nn.relu(jnp.einsum('bkd,cd->bck', pooled, W1) + b1[None, :, None])
    # MaxPool1d(2,2)
    y1 = y1.reshape(B, 16, K // 2, 2).max(axis=-1)
    # Conv1d(16,32,5,1) over length 5 -> length 1 (full contraction)
    y2 = jax.nn.relu(jnp.einsum('bct,oct->bo', y1, W2) + b2)
    y3 = jax.nn.relu(y2 @ Wl1 + bl1)  # dropout is identity in eval mode
    return y3 @ Wl2 + bl2

def reference(z, edge_index, batch, x, z_table, W_feat, b_feat, Wg0, bg0, Wg1, bg1, Wg2, bg2, Wg3, bg3, W1, b1, W2, b2, Wl1, bl1, Wl2, bl2):
    return _forward(z, edge_index, batch, x, z_table, W_feat, b_feat, Wg0, bg0, Wg1, bg1, Wg2, bg2, Wg3, bg3, W1, b1, W2, b2, Wl1, bl1, Wl2, bl2)

if __name__ == "__main__":
    import jax
    _d = setup_inputs()
    print(jax.jit(kernel)(*tuple(_d.values())))

</pallas_src>

<mosaic_0001>
#map = affine_map<(d0, d1) -> (0, 0)>
#map1 = affine_map<(d0, d1) -> (0)>
module attributes {stable_mosaic.version = 14 : i64} {
  func.func @k(%arg0: i32, %arg1: i32, %arg2: memref<10240x256xf32, #tpu.memory_space<hbm>>, %arg3: memref<330240xi32, #tpu.memory_space<hbm>>, %arg4: memref<330240x256xf32, #tpu.memory_space<hbm>>, %arg5: memref<80xi32, #tpu.memory_space<vmem>>, %arg6: memref<80x256xf32, #tpu.memory_space<vmem>>, %arg7: memref<!tpu.dma_semaphore, #tpu.memory_space<semaphore_mem>>) attributes {dimension_semantics = [#tpu.dimension_semantics<core_parallel>, #tpu.dimension_semantics<subcore_parallel>], iteration_bounds = array<i64: 2, 16>, scalar_prefetch = 0 : i64, scratch_operands = 3 : i64, tpu.core_type = #tpu.core_type<sc_vector_subcore>, window_params = [{transform_indices = #map}, {transform_indices = #map1}, {transform_indices = #map}]} {
    %mul3A = arith.constant 2 : i32
    %mul3A_0 = arith.muli %arg1, %mul3A : i32
    %add3A = arith.addi %mul3A_0, %arg0 : i32
    %mul3A_1 = arith.constant 10320 : i32
    %mul3A_2 = arith.muli %add3A, %mul3A_1 : i32
    %scan3A = arith.constant 0 : i32
    %scan3A_3 = arith.constant 0 : i32
    %scan3A_4 = arith.constant 129 : i32
    %scan3A_5 = arith.addi %scan3A_3, %scan3A_4 : i32
    %scan3A_6 = arith.constant 1 : i32
    scf.for %scan3A_8 = %scan3A_3 to %scan3A_5 step %scan3A_6  : i32 {
      %mul3A_9 = arith.constant 80 : i32
      %mul3A_10 = arith.muli %scan3A_8, %mul3A_9 : i32
      %add3A_11 = arith.addi %mul3A_2, %mul3A_10 : i32
      "tpu.region"() ({
        %run_scoped3A = tpu.sem_alloc : memref<!tpu.dma_semaphore, #tpu.memory_space<semaphore_mem>>
        %dma_start3A_16 = tpu.memref_slice %arg3[%add3A_11] : memref<330240xi32, #tpu.memory_space<hbm>> -> memref<80xi32, #tpu.memory_space<hbm>>
        %dma_start3A_17 = tpu.memref_slice %arg3[%add3A_11] : memref<330240xi32, #tpu.memory_space<hbm>> -> memref<80xi32, #tpu.memory_space<hbm>>
        tpu.enqueue_dma source(%dma_start3A_17 : memref<80xi32, #tpu.memory_space<hbm>>) target(%arg5 : memref<80xi32, #tpu.memory_space<vmem>>) target_semaphore(%run_scoped3A : memref<!tpu.dma_semaphore, #tpu.memory_space<semaphore_mem>>)
        %dma_wait3A_18 = tpu.memref_slice %arg3[%add3A_11] : memref<330240xi32, #tpu.memory_space<hbm>> -> memref<80xi32, #tpu.memory_space<hbm>>
        %dma_wait3A_19 = tpu.memref_slice %arg3[%add3A_11] : memref<330240xi32, #tpu.memory_space<hbm>> -> memref<80xi32, #tpu.memory_space<hbm>>
        tpu.wait_dma2 semaphore(%run_scoped3A : memref<!tpu.dma_semaphore, #tpu.memory_space<semaphore_mem>>) src(%dma_wait3A_19 : memref<80xi32, #tpu.memory_space<hbm>>) dst(%arg5 : memref<80xi32, #tpu.memory_space<vmem>>)
        tpu.yield
      }) : () -> ()
      %dma_start3A = arith.constant 0 : i32
      %dma_start3A_12 = arith.constant 0 : i32
      %dma_start3A_13 = tpu.memref_slice %arg2[%dma_start3A, %dma_start3A_12] : memref<10240x256xf32, #tpu.memory_space<hbm>> -> memref<10240x256xf32, #tpu.memory_space<hbm>>
      tpu.enqueue_indirect_dma source(%dma_start3A_13 : memref<10240x256xf32, #tpu.memory_space<hbm>>) target(%arg6 : memref<80x256xf32, #tpu.memory_space<vmem>>) offsets(%arg5 : memref<80xi32, #tpu.memory_space<vmem>>) semaphore(%arg7 : memref<!tpu.dma_semaphore, #tpu.memory_space<semaphore_mem>>)
      %dma_wait3A = arith.constant 0 : i32
      %dma_wait3A_14 = arith.constant 0 : i32
      %dma_wait3A_15 = tpu.memref_slice %arg2[%dma_wait3A, %dma_wait3A_14] : memref<10240x256xf32, #tpu.memory_space<hbm>> -> memref<10240x256xf32, #tpu.memory_space<hbm>>
      tpu.wait_indirect_dma semaphore(%arg7 : memref<!tpu.dma_semaphore, #tpu.memory_space<semaphore_mem>>) src(%dma_wait3A_15 : memref<10240x256xf32, #tpu.memory_space<hbm>>) dst(%arg6 : memref<80x256xf32, #tpu.memory_space<vmem>>)
      "tpu.region"() ({
        %run_scoped3A = tpu.sem_alloc : memref<!tpu.dma_semaphore, #tpu.memory_space<semaphore_mem>>
        %dma_start3A_16 = arith.constant 0 : i32
        %dma_start3A_17 = tpu.memref_slice %arg4[%add3A_11, %dma_start3A_16] : memref<330240x256xf32, #tpu.memory_space<hbm>> -> memref<80x256xf32, #tpu.memory_space<hbm>>
        %dma_start3A_18 = arith.constant 0 : i32
        %dma_start3A_19 = tpu.memref_slice %arg4[%add3A_11, %dma_start3A_18] : memref<330240x256xf32, #tpu.memory_space<hbm>> -> memref<80x256xf32, #tpu.memory_space<hbm>>
        tpu.enqueue_dma source(%arg6 : memref<80x256xf32, #tpu.memory_space<vmem>>) target(%dma_start3A_19 : memref<80x256xf32, #tpu.memory_space<hbm>>) target_semaphore(%run_scoped3A : memref<!tpu.dma_semaphore, #tpu.memory_space<semaphore_mem>>)
        %dma_wait3A_20 = arith.constant 0 : i32
        %dma_wait3A_21 = tpu.memref_slice %arg4[%add3A_11, %dma_wait3A_20] : memref<330240x256xf32, #tpu.memory_space<hbm>> -> memref<80x256xf32, #tpu.memory_space<hbm>>
        %dma_wait3A_22 = arith.constant 0 : i32
        %dma_wait3A_23 = tpu.memref_slice %arg4[%add3A_11, %dma_wait3A_22] : memref<330240x256xf32, #tpu.memory_space<hbm>> -> memref<80x256xf32, #tpu.memory_space<hbm>>
        tpu.wait_dma2 semaphore(%run_scoped3A : memref<!tpu.dma_semaphore, #tpu.memory_space<semaphore_mem>>) src(%arg6 : memref<80x256xf32, #tpu.memory_space<vmem>>) dst(%dma_wait3A_23 : memref<80x256xf32, #tpu.memory_space<hbm>>)
        tpu.yield
      }) : () -> ()
    }
    %scan3A_7 = arith.constant 129 : i32
    return
  }
}

#map = affine_map<(d0, d1) -> (0, 0)>
#map1 = affine_map<(d0, d1) -> (0)>
module attributes {stable_mosaic.version = 14 : i64} {
  func.func @k(%arg0: i32, %arg1: i32, %arg2: memref<1000x256xf32, #tpu.memory_space<hbm>>, %arg3: memref<10240xi32, #tpu.memory_space<hbm>>, %arg4: memref<10240x256xf32, #tpu.memory_space<hbm>>, %arg5: memref<64xi32, #tpu.memory_space<vmem>>, %arg6: memref<64x256xf32, #tpu.memory_space<vmem>>, %arg7: memref<!tpu.dma_semaphore, #tpu.memory_space<semaphore_mem>>) attributes {dimension_semantics = [#tpu.dimension_semantics<core_parallel>, #tpu.dimension_semantics<subcore_parallel>], iteration_bounds = array<i64: 2, 16>, scalar_prefetch = 0 : i64, scratch_operands = 3 : i64, tpu.core_type = #tpu.core_type<sc_vector_subcore>, window_params = [{transform_indices = #map}, {transform_indices = #map1}, {transform_indices = #map}]} {
    %mul3A = arith.constant 2 : i32
    %mul3A_0 = arith.muli %arg1, %mul3A : i32
    %add3A = arith.addi %mul3A_0, %arg0 : i32
    %mul3A_1 = arith.constant 320 : i32
    %mul3A_2 = arith.muli %add3A, %mul3A_1 : i32
    %scan3A = arith.constant 0 : i32
    %scan3A_3 = arith.constant 0 : i32
    %scan3A_4 = arith.constant 5 : i32
    %scan3A_5 = arith.addi %scan3A_3, %scan3A_4 : i32
    %scan3A_6 = arith.constant 1 : i32
    scf.for %scan3A_8 = %scan3A_3 to %scan3A_5 step %scan3A_6  : i32 {
      %mul3A_9 = arith.constant 64 : i32
      %mul3A_10 = arith.muli %scan3A_8, %mul3A_9 : i32
      %add3A_11 = arith.addi %mul3A_2, %mul3A_10 : i32
      "tpu.region"() ({
        %run_scoped3A = tpu.sem_alloc : memref<!tpu.dma_semaphore, #tpu.memory_space<semaphore_mem>>
        %dma_start3A_16 = tpu.memref_slice %arg3[%add3A_11] : memref<10240xi32, #tpu.memory_space<hbm>> -> memref<64xi32, #tpu.memory_space<hbm>>
        %dma_start3A_17 = tpu.memref_slice %arg3[%add3A_11] : memref<10240xi32, #tpu.memory_space<hbm>> -> memref<64xi32, #tpu.memory_space<hbm>>
        tpu.enqueue_dma source(%dma_start3A_17 : memref<64xi32, #tpu.memory_space<hbm>>) target(%arg5 : memref<64xi32, #tpu.memory_space<vmem>>) target_semaphore(%run_scoped3A : memref<!tpu.dma_semaphore, #tpu.memory_space<semaphore_mem>>)
        %dma_wait3A_18 = tpu.memref_slice %arg3[%add3A_11] : memref<10240xi32, #tpu.memory_space<hbm>> -> memref<64xi32, #tpu.memory_space<hbm>>
        %dma_wait3A_19 = tpu.memref_slice %arg3[%add3A_11] : memref<10240xi32, #tpu.memory_space<hbm>> -> memref<64xi32, #tpu.memory_space<hbm>>
        tpu.wait_dma2 semaphore(%run_scoped3A : memref<!tpu.dma_semaphore, #tpu.memory_space<semaphore_mem>>) src(%dma_wait3A_19 : memref<64xi32, #tpu.memory_space<hbm>>) dst(%arg5 : memref<64xi32, #tpu.memory_space<vmem>>)
        tpu.yield
      }) : () -> ()
      %dma_start3A = arith.constant 0 : i32
      %dma_start3A_12 = arith.constant 0 : i32
      %dma_start3A_13 = tpu.memref_slice %arg2[%dma_start3A, %dma_start3A_12] : memref<1000x256xf32, #tpu.memory_space<hbm>> -> memref<1000x256xf32, #tpu.memory_space<hbm>>
      tpu.enqueue_indirect_dma source(%dma_start3A_13 : memref<1000x256xf32, #tpu.memory_space<hbm>>) target(%arg6 : memref<64x256xf32, #tpu.memory_space<vmem>>) offsets(%arg5 : memref<64xi32, #tpu.memory_space<vmem>>) semaphore(%arg7 : memref<!tpu.dma_semaphore, #tpu.memory_space<semaphore_mem>>)
      %dma_wait3A = arith.constant 0 : i32
      %dma_wait3A_14 = arith.constant 0 : i32
      %dma_wait3A_15 = tpu.memref_slice %arg2[%dma_wait3A, %dma_wait3A_14] : memref<1000x256xf32, #tpu.memory_space<hbm>> -> memref<1000x256xf32, #tpu.memory_space<hbm>>
      tpu.wait_indirect_dma semaphore(%arg7 : memref<!tpu.dma_semaphore, #tpu.memory_space<semaphore_mem>>) src(%dma_wait3A_15 : memref<1000x256xf32, #tpu.memory_space<hbm>>) dst(%arg6 : memref<64x256xf32, #tpu.memory_space<vmem>>)
      "tpu.region"() ({
        %run_scoped3A = tpu.sem_alloc : memref<!tpu.dma_semaphore, #tpu.memory_space<semaphore_mem>>
        %dma_start3A_16 = arith.constant 0 : i32
        %dma_start3A_17 = tpu.memref_slice %arg4[%add3A_11, %dma_start3A_16] : memref<10240x256xf32, #tpu.memory_space<hbm>> -> memref<64x256xf32, #tpu.memory_space<hbm>>
        %dma_start3A_18 = arith.constant 0 : i32
        %dma_start3A_19 = tpu.memref_slice %arg4[%add3A_11, %dma_start3A_18] : memref<10240x256xf32, #tpu.memory_space<hbm>> -> memref<64x256xf32, #tpu.memory_space<hbm>>
        tpu.enqueue_dma source(%arg6 : memref<64x256xf32, #tpu.memory_space<vmem>>) target(%dma_start3A_19 : memref<64x256xf32, #tpu.memory_space<hbm>>) target_semaphore(%run_scoped3A : memref<!tpu.dma_semaphore, #tpu.memory_space<semaphore_mem>>)
        %dma_wait3A_20 = arith.constant 0 : i32
        %dma_wait3A_21 = tpu.memref_slice %arg4[%add3A_11, %dma_wait3A_20] : memref<10240x256xf32, #tpu.memory_space<hbm>> -> memref<64x256xf32, #tpu.memory_space<hbm>>
        %dma_wait3A_22 = arith.constant 0 : i32
        %dma_wait3A_23 = tpu.memref_slice %arg4[%add3A_11, %dma_wait3A_22] : memref<10240x256xf32, #tpu.memory_space<hbm>> -> memref<64x256xf32, #tpu.memory_space<hbm>>
        tpu.wait_dma2 semaphore(%run_scoped3A : memref<!tpu.dma_semaphore, #tpu.memory_space<semaphore_mem>>) src(%arg6 : memref<64x256xf32, #tpu.memory_space<vmem>>) dst(%dma_wait3A_23 : memref<64x256xf32, #tpu.memory_space<hbm>>)
        tpu.yield
      }) : () -> ()
    }
    %scan3A_7 = arith.constant 5 : i32
    return
  }
}

#map = affine_map<(d0, d1) -> (0, 0)>
#map1 = affine_map<(d0, d1) -> (0)>
module attributes {stable_mosaic.version = 14 : i64} {
  func.func @k(%arg0: i32, %arg1: i32, %arg2: memref<10240x256xf32, #tpu.memory_space<hbm>>, %arg3: memref<330240xi32, #tpu.memory_space<hbm>>, %arg4: memref<330240x256xf32, #tpu.memory_space<hbm>>, %arg5: memref<80xi32, #tpu.memory_space<vmem>>, %arg6: memref<80x256xf32, #tpu.memory_space<vmem>>, %arg7: memref<!tpu.dma_semaphore, #tpu.memory_space<semaphore_mem>>) attributes {dimension_semantics = [#tpu.dimension_semantics<core_parallel>, #tpu.dimension_semantics<subcore_parallel>], iteration_bounds = array<i64: 2, 16>, scalar_prefetch = 0 : i64, scratch_operands = 3 : i64, tpu.core_type = #tpu.core_type<sc_vector_subcore>, window_params = [{transform_indices = #map}, {transform_indices = #map1}, {transform_indices = #map}]} {
    %mul3A = arith.constant 2 : i32
    %mul3A_0 = arith.muli %arg1, %mul3A : i32
    %add3A = arith.addi %mul3A_0, %arg0 : i32
    %mul3A_1 = arith.constant 10320 : i32
    %mul3A_2 = arith.muli %add3A, %mul3A_1 : i32
    %scan3A = arith.constant 0 : i32
    %scan3A_3 = arith.constant 0 : i32
    %scan3A_4 = arith.constant 129 : i32
    %scan3A_5 = arith.addi %scan3A_3, %scan3A_4 : i32
    %scan3A_6 = arith.constant 1 : i32
    scf.for %scan3A_8 = %scan3A_3 to %scan3A_5 step %scan3A_6  : i32 {
      %mul3A_9 = arith.constant 80 : i32
      %mul3A_10 = arith.muli %scan3A_8, %mul3A_9 : i32
      %add3A_11 = arith.addi %mul3A_2, %mul3A_10 : i32
      "tpu.region"() ({
        %run_scoped3A = tpu.sem_alloc : memref<!tpu.dma_semaphore, #tpu.memory_space<semaphore_mem>>
        %dma_start3A_16 = tpu.memref_slice %arg3[%add3A_11] : memref<330240xi32, #tpu.memory_space<hbm>> -> memref<80xi32, #tpu.memory_space<hbm>>
        %dma_start3A_17 = tpu.memref_slice %arg3[%add3A_11] : memref<330240xi32, #tpu.memory_space<hbm>> -> memref<80xi32, #tpu.memory_space<hbm>>
        tpu.enqueue_dma source(%dma_start3A_17 : memref<80xi32, #tpu.memory_space<hbm>>) target(%arg5 : memref<80xi32, #tpu.memory_space<vmem>>) target_semaphore(%run_scoped3A : memref<!tpu.dma_semaphore, #tpu.memory_space<semaphore_mem>>)
        %dma_wait3A_18 = tpu.memref_slice %arg3[%add3A_11] : memref<330240xi32, #tpu.memory_space<hbm>> -> memref<80xi32, #tpu.memory_space<hbm>>
        %dma_wait3A_19 = tpu.memref_slice %arg3[%add3A_11] : memref<330240xi32, #tpu.memory_space<hbm>> -> memref<80xi32, #tpu.memory_space<hbm>>
        tpu.wait_dma2 semaphore(%run_scoped3A : memref<!tpu.dma_semaphore, #tpu.memory_space<semaphore_mem>>) src(%dma_wait3A_19 : memref<80xi32, #tpu.memory_space<hbm>>) dst(%arg5 : memref<80xi32, #tpu.memory_space<vmem>>)
        tpu.yield
      }) : () -> ()
      %dma_start3A = arith.constant 0 : i32
      %dma_start3A_12 = arith.constant 0 : i32
      %dma_start3A_13 = tpu.memref_slice %arg2[%dma_start3A, %dma_start3A_12] : memref<10240x256xf32, #tpu.memory_space<hbm>> -> memref<10240x256xf32, #tpu.memory_space<hbm>>
      tpu.enqueue_indirect_dma source(%dma_start3A_13 : memref<10240x256xf32, #tpu.memory_space<hbm>>) target(%arg6 : memref<80x256xf32, #tpu.memory_space<vmem>>) offsets(%arg5 : memref<80xi32, #tpu.memory_space<vmem>>) semaphore(%arg7 : memref<!tpu.dma_semaphore, #tpu.memory_space<semaphore_mem>>)
      %dma_wait3A = arith.constant 0 : i32
      %dma_wait3A_14 = arith.constant 0 : i32
      %dma_wait3A_15 = tpu.memref_slice %arg2[%dma_wait3A, %dma_wait3A_14] : memref<10240x256xf32, #tpu.memory_space<hbm>> -> memref<10240x256xf32, #tpu.memory_space<hbm>>
      tpu.wait_indirect_dma semaphore(%arg7 : memref<!tpu.dma_semaphore, #tpu.memory_space<semaphore_mem>>) src(%dma_wait3A_15 : memref<10240x256xf32, #tpu.memory_space<hbm>>) dst(%arg6 : memref<80x256xf32, #tpu.memory_space<vmem>>)
      "tpu.region"() ({
        %run_scoped3A = tpu.sem_alloc : memref<!tpu.dma_semaphore, #tpu.memory_space<semaphore_mem>>
        %dma_start3A_16 = arith.constant 0 : i32
        %dma_start3A_17 = tpu.memref_slice %arg4[%add3A_11, %dma_start3A_16] : memref<330240x256xf32, #tpu.memory_space<hbm>> -> memref<80x256xf32, #tpu.memory_space<hbm>>
        %dma_start3A_18 = arith.constant 0 : i32
        %dma_start3A_19 = tpu.memref_slice %arg4[%add3A_11, %dma_start3A_18] : memref<330240x256xf32, #tpu.memory_space<hbm>> -> memref<80x256xf32, #tpu.memory_space<hbm>>
        tpu.enqueue_dma source(%arg6 : memref<80x256xf32, #tpu.memory_space<vmem>>) target(%dma_start3A_19 : memref<80x256xf32, #tpu.memory_space<hbm>>) target_semaphore(%run_scoped3A : memref<!tpu.dma_semaphore, #tpu.memory_space<semaphore_mem>>)
        %dma_wait3A_20 = arith.constant 0 : i32
        %dma_wait3A_21 = tpu.memref_slice %arg4[%add3A_11, %dma_wait3A_20] : memref<330240x256xf32, #tpu.memory_space<hbm>> -> memref<80x256xf32, #tpu.memory_space<hbm>>
        %dma_wait3A_22 = arith.constant 0 : i32
        %dma_wait3A_23 = tpu.memref_slice %arg4[%add3A_11, %dma_wait3A_22] : memref<330240x256xf32, #tpu.memory_space<hbm>> -> memref<80x256xf32, #tpu.memory_space<hbm>>
        tpu.wait_dma2 semaphore(%run_scoped3A : memref<!tpu.dma_semaphore, #tpu.memory_space<semaphore_mem>>) src(%arg6 : memref<80x256xf32, #tpu.memory_space<vmem>>) dst(%dma_wait3A_23 : memref<80x256xf32, #tpu.memory_space<hbm>>)
        tpu.yield
      }) : () -> ()
    }
    %scan3A_7 = arith.constant 129 : i32
    return
  }
}

#map = affine_map<(d0, d1) -> (0, 0)>
#map1 = affine_map<(d0, d1) -> (0)>
module attributes {stable_mosaic.version = 14 : i64} {
  func.func @k(%arg0: i32, %arg1: i32, %arg2: memref<10240x256xf32, #tpu.memory_space<hbm>>, %arg3: memref<330240xi32, #tpu.memory_space<hbm>>, %arg4: memref<330240x256xf32, #tpu.memory_space<hbm>>, %arg5: memref<80xi32, #tpu.memory_space<vmem>>, %arg6: memref<80x256xf32, #tpu.memory_space<vmem>>, %arg7: memref<!tpu.dma_semaphore, #tpu.memory_space<semaphore_mem>>) attributes {dimension_semantics = [#tpu.dimension_semantics<core_parallel>, #tpu.dimension_semantics<subcore_parallel>], iteration_bounds = array<i64: 2, 16>, scalar_prefetch = 0 : i64, scratch_operands = 3 : i64, tpu.core_type = #tpu.core_type<sc_vector_subcore>, window_params = [{transform_indices = #map}, {transform_indices = #map1}, {transform_indices = #map}]} {
    %mul3A = arith.constant 2 : i32
    %mul3A_0 = arith.muli %arg1, %mul3A : i32
    %add3A = arith.addi %mul3A_0, %arg0 : i32
    %mul3A_1 = arith.constant 10320 : i32
    %mul3A_2 = arith.muli %add3A, %mul3A_1 : i32
    %scan3A = arith.constant 0 : i32
    %scan3A_3 = arith.constant 0 : i32
    %scan3A_4 = arith.constant 129 : i32
    %scan3A_5 = arith.addi %scan3A_3, %scan3A_4 : i32
    %scan3A_6 = arith.constant 1 : i32
    scf.for %scan3A_8 = %scan3A_3 to %scan3A_5 step %scan3A_6  : i32 {
      %mul3A_9 = arith.constant 80 : i32
      %mul3A_10 = arith.muli %scan3A_8, %mul3A_9 : i32
      %add3A_11 = arith.addi %mul3A_2, %mul3A_10 : i32
      "tpu.region"() ({
        %run_scoped3A = tpu.sem_alloc : memref<!tpu.dma_semaphore, #tpu.memory_space<semaphore_mem>>
        %dma_start3A_16 = tpu.memref_slice %arg3[%add3A_11] : memref<330240xi32, #tpu.memory_space<hbm>> -> memref<80xi32, #tpu.memory_space<hbm>>
        %dma_start3A_17 = tpu.memref_slice %arg3[%add3A_11] : memref<330240xi32, #tpu.memory_space<hbm>> -> memref<80xi32, #tpu.memory_space<hbm>>
        tpu.enqueue_dma source(%dma_start3A_17 : memref<80xi32, #tpu.memory_space<hbm>>) target(%arg5 : memref<80xi32, #tpu.memory_space<vmem>>) target_semaphore(%run_scoped3A : memref<!tpu.dma_semaphore, #tpu.memory_space<semaphore_mem>>)
        %dma_wait3A_18 = tpu.memref_slice %arg3[%add3A_11] : memref<330240xi32, #tpu.memory_space<hbm>> -> memref<80xi32, #tpu.memory_space<hbm>>
        %dma_wait3A_19 = tpu.memref_slice %arg3[%add3A_11] : memref<330240xi32, #tpu.memory_space<hbm>> -> memref<80xi32, #tpu.memory_space<hbm>>
        tpu.wait_dma2 semaphore(%run_scoped3A : memref<!tpu.dma_semaphore, #tpu.memory_space<semaphore_mem>>) src(%dma_wait3A_19 : memref<80xi32, #tpu.memory_space<hbm>>) dst(%arg5 : memref<80xi32, #tpu.memory_space<vmem>>)
        tpu.yield
      }) : () -> ()
      %dma_start3A = arith.constant 0 : i32
      %dma_start3A_12 = arith.constant 0 : i32
      %dma_start3A_13 = tpu.memref_slice %arg2[%dma_start3A, %dma_start3A_12] : memref<10240x256xf32, #tpu.memory_space<hbm>> -> memref<10240x256xf32, #tpu.memory_space<hbm>>
      tpu.enqueue_indirect_dma source(%dma_start3A_13 : memref<10240x256xf32, #tpu.memory_space<hbm>>) target(%arg6 : memref<80x256xf32, #tpu.memory_space<vmem>>) offsets(%arg5 : memref<80xi32, #tpu.memory_space<vmem>>) semaphore(%arg7 : memref<!tpu.dma_semaphore, #tpu.memory_space<semaphore_mem>>)
      %dma_wait3A = arith.constant 0 : i32
      %dma_wait3A_14 = arith.constant 0 : i32
      %dma_wait3A_15 = tpu.memref_slice %arg2[%dma_wait3A, %dma_wait3A_14] : memref<10240x256xf32, #tpu.memory_space<hbm>> -> memref<10240x256xf32, #tpu.memory_space<hbm>>
      tpu.wait_indirect_dma semaphore(%arg7 : memref<!tpu.dma_semaphore, #tpu.memory_space<semaphore_mem>>) src(%dma_wait3A_15 : memref<10240x256xf32, #tpu.memory_space<hbm>>) dst(%arg6 : memref<80x256xf32, #tpu.memory_space<vmem>>)
      "tpu.region"() ({
        %run_scoped3A = tpu.sem_alloc : memref<!tpu.dma_semaphore, #tpu.memory_space<semaphore_mem>>
        %dma_start3A_16 = arith.constant 0 : i32
        %dma_start3A_17 = tpu.memref_slice %arg4[%add3A_11, %dma_start3A_16] : memref<330240x256xf32, #tpu.memory_space<hbm>> -> memref<80x256xf32, #tpu.memory_space<hbm>>
        %dma_start3A_18 = arith.constant 0 : i32
        %dma_start3A_19 = tpu.memref_slice %arg4[%add3A_11, %dma_start3A_18] : memref<330240x256xf32, #tpu.memory_space<hbm>> -> memref<80x256xf32, #tpu.memory_space<hbm>>
        tpu.enqueue_dma source(%arg6 : memref<80x256xf32, #tpu.memory_space<vmem>>) target(%dma_start3A_19 : memref<80x256xf32, #tpu.memory_space<hbm>>) target_semaphore(%run_scoped3A : memref<!tpu.dma_semaphore, #tpu.memory_space<semaphore_mem>>)
        %dma_wait3A_20 = arith.constant 0 : i32
        %dma_wait3A_21 = tpu.memref_slice %arg4[%add3A_11, %dma_wait3A_20] : memref<330240x256xf32, #tpu.memory_space<hbm>> -> memref<80x256xf32, #tpu.memory_space<hbm>>
        %dma_wait3A_22 = arith.constant 0 : i32
        %dma_wait3A_23 = tpu.memref_slice %arg4[%add3A_11, %dma_wait3A_22] : memref<330240x256xf32, #tpu.memory_space<hbm>> -> memref<80x256xf32, #tpu.memory_space<hbm>>
        tpu.wait_dma2 semaphore(%run_scoped3A : memref<!tpu.dma_semaphore, #tpu.memory_space<semaphore_mem>>) src(%arg6 : memref<80x256xf32, #tpu.memory_space<vmem>>) dst(%dma_wait3A_23 : memref<80x256xf32, #tpu.memory_space<hbm>>)
        tpu.yield
      }) : () -> ()
    }
    %scan3A_7 = arith.constant 129 : i32
    return
  }
}

#map = affine_map<(d0, d1) -> (0, 0)>
#map1 = affine_map<(d0, d1) -> (0)>
module attributes {stable_mosaic.version = 14 : i64} {
  func.func @k(%arg0: i32, %arg1: i32, %arg2: memref<10240x256xf32, #tpu.memory_space<hbm>>, %arg3: memref<10240x256xf32, #tpu.memory_space<hbm>>, %arg4: memref<10240x256xf32, #tpu.memory_space<hbm>>, %arg5: memref<10240x128xf32, #tpu.memory_space<hbm>>, %arg6: memref<1280xi32, #tpu.memory_space<hbm>>, %arg7: memref<1280x256xf32, #tpu.memory_space<hbm>>, %arg8: memref<1280x256xf32, #tpu.memory_space<hbm>>, %arg9: memref<1280x256xf32, #tpu.memory_space<hbm>>, %arg10: memref<1280x128xf32, #tpu.memory_space<hbm>>, %arg11: memref<40xi32, #tpu.memory_space<vmem>>, %arg12: memref<40x256xf32, #tpu.memory_space<vmem>>, %arg13: memref<40x128xf32, #tpu.memory_space<vmem>>, %arg14: memref<!tpu.dma_semaphore, #tpu.memory_space<semaphore_mem>>) attributes {dimension_semantics = [#tpu.dimension_semantics<core_parallel>, #tpu.dimension_semantics<subcore_parallel>], iteration_bounds = array<i64: 2, 16>, scalar_prefetch = 0 : i64, scratch_operands = 4 : i64, tpu.core_type = #tpu.core_type<sc_vector_subcore>, window_params = [{transform_indices = #map}, {transform_indices = #map}, {transform_indices = #map}, {transform_indices = #map}, {transform_indices = #map1}, {transform_indices = #map}, {transform_indices = #map}, {transform_indices = #map}, {transform_indices = #map}]} {
    %mul3A = arith.constant 2 : i32
    %mul3A_0 = arith.muli %arg1, %mul3A : i32
    %add3A = arith.addi %mul3A_0, %arg0 : i32
    %mul3A_1 = arith.constant 40 : i32
    %mul3A_2 = arith.muli %add3A, %mul3A_1 : i32
    "tpu.region"() ({
      %run_scoped3A = tpu.sem_alloc : memref<!tpu.dma_semaphore, #tpu.memory_space<semaphore_mem>>
      %dma_start3A_25 = tpu.memref_slice %arg6[%mul3A_2] : memref<1280xi32, #tpu.memory_space<hbm>> -> memref<40xi32, #tpu.memory_space<hbm>>
      %dma_start3A_26 = tpu.memref_slice %arg6[%mul3A_2] : memref<1280xi32, #tpu.memory_space<hbm>> -> memref<40xi32, #tpu.memory_space<hbm>>
      tpu.enqueue_dma source(%dma_start3A_26 : memref<40xi32, #tpu.memory_space<hbm>>) target(%arg11 : memref<40xi32, #tpu.memory_space<vmem>>) target_semaphore(%run_scoped3A : memref<!tpu.dma_semaphore, #tpu.memory_space<semaphore_mem>>)
      %dma_wait3A_27 = tpu.memref_slice %arg6[%mul3A_2] : memref<1280xi32, #tpu.memory_space<hbm>> -> memref<40xi32, #tpu.memory_space<hbm>>
      %dma_wait3A_28 = tpu.memref_slice %arg6[%mul3A_2] : memref<1280xi32, #tpu.memory_space<hbm>> -> memref<40xi32, #tpu.memory_space<hbm>>
      tpu.wait_dma2 semaphore(%run_scoped3A : memref<!tpu.dma_semaphore, #tpu.memory_space<semaphore_mem>>) src(%dma_wait3A_28 : memref<40xi32, #tpu.memory_space<hbm>>) dst(%arg11 : memref<40xi32, #tpu.memory_space<vmem>>)
      tpu.yield
    }) : () -> ()
    %dma_start3A = arith.constant 0 : i32
    %dma_start3A_3 = arith.constant 0 : i32
    %dma_start3A_4 = tpu.memref_slice %arg2[%dma_start3A, %dma_start3A_3] : memref<10240x256xf32, #tpu.memory_space<hbm>> -> memref<10240x256xf32, #tpu.memory_space<hbm>>
    tpu.enqueue_indirect_dma source(%dma_start3A_4 : memref<10240x256xf32, #tpu.memory_space<hbm>>) target(%arg12 : memref<40x256xf32, #tpu.memory_space<vmem>>) offsets(%arg11 : memref<40xi32, #tpu.memory_space<vmem>>) semaphore(%arg14 : memref<!tpu.dma_semaphore, #tpu.memory_space<semaphore_mem>>)
    %dma_wait3A = arith.constant 0 : i32
    %dma_wait3A_5 = arith.constant 0 : i32
    %dma_wait3A_6 = tpu.memref_slice %arg2[%dma_wait3A, %dma_wait3A_5] : memref<10240x256xf32, #tpu.memory_space<hbm>> -> memref<10240x256xf32, #tpu.memory_space<hbm>>
    tpu.wait_indirect_dma semaphore(%arg14 : memref<!tpu.dma_semaphore, #tpu.memory_space<semaphore_mem>>) src(%dma_wait3A_6 : memref<10240x256xf32, #tpu.memory_space<hbm>>) dst(%arg12 : memref<40x256xf32, #tpu.memory_space<vmem>>)
    "tpu.region"() ({
      %run_scoped3A = tpu.sem_alloc : memref<!tpu.dma_semaphore, #tpu.memory_space<semaphore_mem>>
      %dma_start3A_25 = arith.constant 0 : i32
      %dma_start3A_26 = tpu.memref_slice %arg7[%mul3A_2, %dma_start3A_25] : memref<1280x256xf32, #tpu.memory_space<hbm>> -> memref<40x256xf32, #tpu.memory_space<hbm>>
      %dma_start3A_27 = arith.constant 0 : i32
      %dma_start3A_28 = tpu.memref_slice %arg7[%mul3A_2, %dma_start3A_27] : memref<1280x256xf32, #tpu.memory_space<hbm>> -> memref<40x256xf32, #tpu.memory_space<hbm>>
      tpu.enqueue_dma source(%arg12 : memref<40x256xf32, #tpu.memory_space<vmem>>) target(%dma_start3A_28 : memref<40x256xf32, #tpu.memory_space<hbm>>) target_semaphore(%run_scoped3A : memref<!tpu.dma_semaphore, #tpu.memory_space<semaphore_mem>>)
      %dma_wait3A_29 = arith.constant 0 : i32
      %dma_wait3A_30 = tpu.memref_slice %arg7[%mul3A_2, %dma_wait3A_29] : memref<1280x256xf32, #tpu.memory_space<hbm>> -> memref<40x256xf32, #tpu.memory_space<hbm>>
      %dma_wait3A_31 = arith.constant 0 : i32
      %dma_wait3A_32 = tpu.memref_slice %arg7[%mul3A_2, %dma_wait3A_31] : memref<1280x256xf32, #tpu.memory_space<hbm>> -> memref<40x256xf32, #tpu.memory_space<hbm>>
      tpu.wait_dma2 semaphore(%run_scoped3A : memref<!tpu.dma_semaphore, #tpu.memory_space<semaphore_mem>>) src(%arg12 : memref<40x256xf32, #tpu.memory_space<vmem>>) dst(%dma_wait3A_32 : memref<40x256xf32, #tpu.memory_space<hbm>>)
      tpu.yield
    }) : () -> ()
    %dma_start3A_7 = arith.constant 0 : i32
    %dma_start3A_8 = arith.constant 0 : i32
    %dma_start3A_9 = tpu.memref_slice %arg3[%dma_start3A_7, %dma_start3A_8] : memref<10240x256xf32, #tpu.memory_space<hbm>> -> memref<10240x256xf32, #tpu.memory_space<hbm>>
    tpu.enqueue_indirect_dma source(%dma_start3A_9 : memref<10240x256xf32, #tpu.memory_space<hbm>>) target(%arg12 : memref<40x256xf32, #tpu.memory_space<vmem>>) offsets(%arg11 : memref<40xi32, #tpu.memory_space<vmem>>) semaphore(%arg14 : memref<!tpu.dma_semaphore, #tpu.memory_space<semaphore_mem>>)
    %dma_wait3A_10 = arith.constant 0 : i32
    %dma_wait3A_11 = arith.constant 0 : i32
    %dma_wait3A_12 = tpu.memref_slice %arg3[%dma_wait3A_10, %dma_wait3A_11] : memref<10240x256xf32, #tpu.memory_space<hbm>> -> memref<10240x256xf32, #tpu.memory_space<hbm>>
    tpu.wait_indirect_dma semaphore(%arg14 : memref<!tpu.dma_semaphore, #tpu.memory_space<semaphore_mem>>) src(%dma_wait3A_12 : memref<10240x256xf32, #tpu.memory_space<hbm>>) dst(%arg12 : memref<40x256xf32, #tpu.memory_space<vmem>>)
    "tpu.region"() ({
      %run_scoped3A = tpu.sem_alloc : memref<!tpu.dma_semaphore, #tpu.memory_space<semaphore_mem>>
      %dma_start3A_25 = arith.constant 0 : i32
      %dma_start3A_26 = tpu.memref_slice %arg8[%mul3A_2, %dma_start3A_25] : memref<1280x256xf32, #tpu.memory_space<hbm>> -> memref<40x256xf32, #tpu.memory_space<hbm>>
      %dma_start3A_27 = arith.constant 0 : i32
      %dma_start3A_28 = tpu.memref_slice %arg8[%mul3A_2, %dma_start3A_27] : memref<1280x256xf32, #tpu.memory_space<hbm>> -> memref<40x256xf32, #tpu.memory_space<hbm>>
      tpu.enqueue_dma source(%arg12 : memref<40x256xf32, #tpu.memory_space<vmem>>) target(%dma_start3A_28 : memref<40x256xf32, #tpu.memory_space<hbm>>) target_semaphore(%run_scoped3A : memref<!tpu.dma_semaphore, #tpu.memory_space<semaphore_mem>>)
      %dma_wait3A_29 = arith.constant 0 : i32
      %dma_wait3A_30 = tpu.memref_slice %arg8[%mul3A_2, %dma_wait3A_29] : memref<1280x256xf32, #tpu.memory_space<hbm>> -> memref<40x256xf32, #tpu.memory_space<hbm>>
      %dma_wait3A_31 = arith.constant 0 : i32
      %dma_wait3A_32 = tpu.memref_slice %arg8[%mul3A_2, %dma_wait3A_31] : memref<1280x256xf32, #tpu.memory_space<hbm>> -> memref<40x256xf32, #tpu.memory_space<hbm>>
      tpu.wait_dma2 semaphore(%run_scoped3A : memref<!tpu.dma_semaphore, #tpu.memory_space<semaphore_mem>>) src(%arg12 : memref<40x256xf32, #tpu.memory_space<vmem>>) dst(%dma_wait3A_32 : memref<40x256xf32, #tpu.memory_space<hbm>>)
      tpu.yield
    }) : () -> ()
    %dma_start3A_13 = arith.constant 0 : i32
    %dma_start3A_14 = arith.constant 0 : i32
    %dma_start3A_15 = tpu.memref_slice %arg4[%dma_start3A_13, %dma_start3A_14] : memref<10240x256xf32, #tpu.memory_space<hbm>> -> memref<10240x256xf32, #tpu.memory_space<hbm>>
    tpu.enqueue_indirect_dma source(%dma_start3A_15 : memref<10240x256xf32, #tpu.memory_space<hbm>>) target(%arg12 : memref<40x256xf32, #tpu.memory_space<vmem>>) offsets(%arg11 : memref<40xi32, #tpu.memory_space<vmem>>) semaphore(%arg14 : memref<!tpu.dma_semaphore, #tpu.memory_space<semaphore_mem>>)
    %dma_wait3A_16 = arith.constant 0 : i32
    %dma_wait3A_17 = arith.constant 0 : i32
    %dma_wait3A_18 = tpu.memref_slice %arg4[%dma_wait3A_16, %dma_wait3A_17] : memref<10240x256xf32, #tpu.memory_space<hbm>> -> memref<10240x256xf32, #tpu.memory_space<hbm>>
    tpu.wait_indirect_dma semaphore(%arg14 : memref<!tpu.dma_semaphore, #tpu.memory_space<semaphore_mem>>) src(%dma_wait3A_18 : memref<10240x256xf32, #tpu.memory_space<hbm>>) dst(%arg12 : memref<40x256xf32, #tpu.memory_space<vmem>>)
    "tpu.region"() ({
      %run_scoped3A = tpu.sem_alloc : memref<!tpu.dma_semaphore, #tpu.memory_space<semaphore_mem>>
      %dma_start3A_25 = arith.constant 0 : i32
      %dma_start3A_26 = tpu.memref_slice %arg9[%mul3A_2, %dma_start3A_25] : memref<1280x256xf32, #tpu.memory_space<hbm>> -> memref<40x256xf32, #tpu.memory_space<hbm>>
      %dma_start3A_27 = arith.constant 0 : i32
      %dma_start3A_28 = tpu.memref_slice %arg9[%mul3A_2, %dma_start3A_27] : memref<1280x256xf32, #tpu.memory_space<hbm>> -> memref<40x256xf32, #tpu.memory_space<hbm>>
      tpu.enqueue_dma source(%arg12 : memref<40x256xf32, #tpu.memory_space<vmem>>) target(%dma_start3A_28 : memref<40x256xf32, #tpu.memory_space<hbm>>) target_semaphore(%run_scoped3A : memref<!tpu.dma_semaphore, #tpu.memory_space<semaphore_mem>>)
      %dma_wait3A_29 = arith.constant 0 : i32
      %dma_wait3A_30 = tpu.memref_slice %arg9[%mul3A_2, %dma_wait3A_29] : memref<1280x256xf32, #tpu.memory_space<hbm>> -> memref<40x256xf32, #tpu.memory_space<hbm>>
      %dma_wait3A_31 = arith.constant 0 : i32
      %dma_wait3A_32 = tpu.memref_slice %arg9[%mul3A_2, %dma_wait3A_31] : memref<1280x256xf32, #tpu.memory_space<hbm>> -> memref<40x256xf32, #tpu.memory_space<hbm>>
      tpu.wait_dma2 semaphore(%run_scoped3A : memref<!tpu.dma_semaphore, #tpu.memory_space<semaphore_mem>>) src(%arg12 : memref<40x256xf32, #tpu.memory_space<vmem>>) dst(%dma_wait3A_32 : memref<40x256xf32, #tpu.memory_space<hbm>>)
      tpu.yield
    }) : () -> ()
    %dma_start3A_19 = arith.constant 0 : i32
    %dma_start3A_20 = arith.constant 0 : i32
    %dma_start3A_21 = tpu.memref_slice %arg5[%dma_start3A_19, %dma_start3A_20] : memref<10240x128xf32, #tpu.memory_space<hbm>> -> memref<10240x128xf32, #tpu.memory_space<hbm>>
    tpu.enqueue_indirect_dma source(%dma_start3A_21 : memref<10240x128xf32, #tpu.memory_space<hbm>>) target(%arg13 : memref<40x128xf32, #tpu.memory_space<vmem>>) offsets(%arg11 : memref<40xi32, #tpu.memory_space<vmem>>) semaphore(%arg14 : memref<!tpu.dma_semaphore, #tpu.memory_space<semaphore_mem>>)
    %dma_wait3A_22 = arith.constant 0 : i32
    %dma_wait3A_23 = arith.constant 0 : i32
    %dma_wait3A_24 = tpu.memref_slice %arg5[%dma_wait3A_22, %dma_wait3A_23] : memref<10240x128xf32, #tpu.memory_space<hbm>> -> memref<10240x128xf32, #tpu.memory_space<hbm>>
    tpu.wait_indirect_dma semaphore(%arg14 : memref<!tpu.dma_semaphore, #tpu.memory_space<semaphore_mem>>) src(%dma_wait3A_24 : memref<10240x128xf32, #tpu.memory_space<hbm>>) dst(%arg13 : memref<40x128xf32, #tpu.memory_space<vmem>>)
    "tpu.region"() ({
      %run_scoped3A = tpu.sem_alloc : memref<!tpu.dma_semaphore, #tpu.memory_space<semaphore_mem>>
      %dma_start3A_25 = arith.constant 0 : i32
      %dma_start3A_26 = tpu.memref_slice %arg10[%mul3A_2, %dma_start3A_25] : memref<1280x128xf32, #tpu.memory_space<hbm>> -> memref<40x128xf32, #tpu.memory_space<hbm>>
      %dma_start3A_27 = arith.constant 0 : i32
      %dma_start3A_28 = tpu.memref_slice %arg10[%mul3A_2, %dma_start3A_27] : memref<1280x128xf32, #tpu.memory_space<hbm>> -> memref<40x128xf32, #tpu.memory_space<hbm>>
      tpu.enqueue_dma source(%arg13 : memref<40x128xf32, #tpu.memory_space<vmem>>) target(%dma_start3A_28 : memref<40x128xf32, #tpu.memory_space<hbm>>) target_semaphore(%run_scoped3A : memref<!tpu.dma_semaphore, #tpu.memory_space<semaphore_mem>>)
      %dma_wait3A_29 = arith.constant 0 : i32
      %dma_wait3A_30 = tpu.memref_slice %arg10[%mul3A_2, %dma_wait3A_29] : memref<1280x128xf32, #tpu.memory_space<hbm>> -> memref<40x128xf32, #tpu.memory_space<hbm>>
      %dma_wait3A_31 = arith.constant 0 : i32
      %dma_wait3A_32 = tpu.memref_slice %arg10[%mul3A_2, %dma_wait3A_31] : memref<1280x128xf32, #tpu.memory_space<hbm>> -> memref<40x128xf32, #tpu.memory_space<hbm>>
      tpu.wait_dma2 semaphore(%run_scoped3A : memref<!tpu.dma_semaphore, #tpu.memory_space<semaphore_mem>>) src(%arg13 : memref<40x128xf32, #tpu.memory_space<vmem>>) dst(%dma_wait3A_32 : memref<40x128xf32, #tpu.memory_space<hbm>>)
      tpu.yield
    }) : () -> ()
    return
  }
}

module attributes {stable_mosaic.version = 14 : i64} {
  func.func @body(%arg0: i32, %arg1: memref<256x128xf32, #tpu.memory_space<vmem>>, %arg2: memref<128x256xf32, #tpu.memory_space<vmem>>, %arg3: memref<1x256xf32, #tpu.memory_space<vmem>>, %arg4: memref<256x256xf32, #tpu.memory_space<vmem>>) attributes {dimension_semantics = [#tpu.dimension_semantics<arbitrary>], iteration_bounds = array<i64: 40>, scalar_prefetch = 0 : i64, scratch_operands = 0 : i64, tpu.core_type = #tpu.core_type<tc>, window_params = [{transform_indices = @transform_0, window_bounds = array<i64: 256, 128>}, {pipeline_mode = #tpu.pipeline_mode<synchronous>, transform_indices = @transform_1, window_bounds = array<i64: 128, 256>}, {pipeline_mode = #tpu.pipeline_mode<synchronous>, transform_indices = @transform_2, window_bounds = array<i64: 1, 256>}, {transform_indices = @transform_3, window_bounds = array<i64: 256, 256>}]} {
    %get3A = arith.constant 0 : index
    %get3A_0 = arith.constant 0 : index
    %get3A_1 = vector.load %arg1[%get3A, %get3A_0] : memref<256x128xf32, #tpu.memory_space<vmem>>, vector<256x128xf32>
    %get3A_2 = arith.constant 0 : index
    %get3A_3 = arith.constant 0 : index
    %get3A_4 = vector.load %arg2[%get3A_2, %get3A_3] : memref<128x256xf32, #tpu.memory_space<vmem>>, vector<128x256xf32>
    %dot_general3A = arith.constant dense<0.000000e+00> : vector<256x256xf32>
    %dot_general3A_5 = tpu.matmul %get3A_1, %get3A_4, %dot_general3A {dimension_numbers = #tpu.dot_dimension_numbers<[1], [0], [0], [1], [0, 0, 1, 1], [], []>, transpose_lhs_hint = false} : vector<256x128xf32>, vector<128x256xf32>, vector<256x256xf32> -> vector<256x256xf32>
    %get3A_6 = arith.constant 0 : index
    %get3A_7 = arith.constant 0 : index
    %get3A_8 = vector.load %arg3[%get3A_6, %get3A_7] : memref<1x256xf32, #tpu.memory_space<vmem>>, vector<1x256xf32>
    %add3A = vector.broadcast %get3A_8 : vector<1x256xf32> to vector<256x256xf32>
    %add3A_9 = arith.addf %dot_general3A_5, %add3A : vector<256x256xf32>
    %max3A = arith.constant 0.000000e+00 : f32
    %max3A_10 = vector.broadcast %max3A : f32 to vector<256x256xf32>
    %max3A_11 = arith.maximumf %add3A_9, %max3A_10 : vector<256x256xf32>
    %swap3A = arith.constant 0 : index
    %swap3A_12 = arith.constant 0 : index
    %swap3A_13 = vector.load %arg4[%swap3A, %swap3A_12] : memref<256x256xf32, #tpu.memory_space<vmem>>, vector<256x256xf32>
    tpu.vector_store %arg4[%swap3A, %swap3A_12], %max3A_11 {strides = array<i32>} : memref<256x256xf32, #tpu.memory_space<vmem>>, vector<256x256xf32>,
    return
  }
  func.func @transform_0(%arg0: i32) -> (i32, i32) {
    %c0_i32 = arith.constant 0 : i32
    %c0_i32_0 = arith.constant 0 : i32
    return %arg0, %c0_i32 : i32, i32
  }
  func.func @transform_1(%arg0: i32) -> (i32, i32) {
    %c0_i32 = arith.constant 0 : i32
    %c0_i32_0 = arith.constant 0 : i32
    %c0_i32_1 = arith.constant 0 : i32
    return %c0_i32, %c0_i32_0 : i32, i32
  }
  func.func @transform_2(%arg0: i32) -> (i32, i32) {
    %c0_i32 = arith.constant 0 : i32
    %c0_i32_0 = arith.constant 0 : i32
    %c0_i32_1 = arith.constant 0 : i32
    return %c0_i32, %c0_i32_0 : i32, i32
  }
  func.func @transform_3(%arg0: i32) -> (i32, i32) {
    %c0_i32 = arith.constant 0 : i32
    %c0_i32_0 = arith.constant 0 : i32
    return %arg0, %c0_i32 : i32, i32
  }
}

module attributes {stable_mosaic.version = 14 : i64} {
  func.func @body(%arg0: i32, %arg1: memref<256x512xf32, #tpu.memory_space<vmem>>, %arg2: memref<512x256xf32, #tpu.memory_space<vmem>>, %arg3: memref<256x256xf32, #tpu.memory_space<vmem>>) attributes {dimension_semantics = [#tpu.dimension_semantics<arbitrary>], iteration_bounds = array<i64: 40>, scalar_prefetch = 0 : i64, scratch_operands = 0 : i64, tpu.core_type = #tpu.core_type<tc>, window_params = [{transform_indices = @transform_0, window_bounds = array<i64: 256, 512>}, {pipeline_mode = #tpu.pipeline_mode<synchronous>, transform_indices = @transform_1, window_bounds = array<i64: 512, 256>}, {transform_indices = @transform_2, window_bounds = array<i64: 256, 256>}]} {
    %get3A = arith.constant 0 : index
    %get3A_0 = arith.constant 0 : index
    %get3A_1 = vector.load %arg1[%get3A, %get3A_0] : memref<256x512xf32, #tpu.memory_space<vmem>>, vector<256x512xf32>
    %get3A_2 = arith.constant 0 : index
    %get3A_3 = arith.constant 0 : index
    %get3A_4 = vector.load %arg2[%get3A_2, %get3A_3] : memref<512x256xf32, #tpu.memory_space<vmem>>, vector<512x256xf32>
    %dot_general3A = arith.constant dense<0.000000e+00> : vector<256x256xf32>
    %dot_general3A_5 = tpu.matmul %get3A_1, %get3A_4, %dot_general3A {dimension_numbers = #tpu.dot_dimension_numbers<[1], [0], [0], [1], [0, 0, 1, 1], [], []>, transpose_lhs_hint = false} : vector<256x512xf32>, vector<512x256xf32>, vector<256x256xf32> -> vector<256x256xf32>
    %swap3A = arith.constant 0 : index
    %swap3A_6 = arith.constant 0 : index
    %swap3A_7 = vector.load %arg3[%swap3A, %swap3A_6] : memref<256x256xf32, #tpu.memory_space<vmem>>, vector<256x256xf32>
    tpu.vector_store %arg3[%swap3A, %swap3A_6], %dot_general3A_5 {strides = array<i32>} : memref<256x256xf32, #tpu.memory_space<vmem>>, vector<256x256xf32>,
    return
  }
  func.func @transform_0(%arg0: i32) -> (i32, i32) {
    %c0_i32 = arith.constant 0 : i32
    %c0_i32_0 = arith.constant 0 : i32
    return %arg0, %c0_i32 : i32, i32
  }
  func.func @transform_1(%arg0: i32) -> (i32, i32) {
    %c0_i32 = arith.constant 0 : i32
    %c0_i32_0 = arith.constant 0 : i32
    %c0_i32_1 = arith.constant 0 : i32
    return %c0_i32, %c0_i32_0 : i32, i32
  }
  func.func @transform_2(%arg0: i32) -> (i32, i32) {
    %c0_i32 = arith.constant 0 : i32
    %c0_i32_0 = arith.constant 0 : i32
    return %arg0, %c0_i32 : i32, i32
  }
}

module attributes {stable_mosaic.version = 14 : i64} {
  func.func @body(%arg0: i32, %arg1: memref<256x256xf32, #tpu.memory_space<vmem>>, %arg2: memref<256x256xf32, #tpu.memory_space<vmem>>, %arg3: memref<256x256xf32, #tpu.memory_space<vmem>>) attributes {dimension_semantics = [#tpu.dimension_semantics<arbitrary>], iteration_bounds = array<i64: 40>, scalar_prefetch = 0 : i64, scratch_operands = 0 : i64, tpu.core_type = #tpu.core_type<tc>, window_params = [{transform_indices = @transform_0, window_bounds = array<i64: 256, 256>}, {pipeline_mode = #tpu.pipeline_mode<synchronous>, transform_indices = @transform_1, window_bounds = array<i64: 256, 256>}, {transform_indices = @transform_2, window_bounds = array<i64: 256, 256>}]} {
    %get3A = arith.constant 0 : index
    %get3A_0 = arith.constant 0 : index
    %get3A_1 = vector.load %arg1[%get3A, %get3A_0] : memref<256x256xf32, #tpu.memory_space<vmem>>, vector<256x256xf32>
    %get3A_2 = arith.constant 0 : index
    %get3A_3 = arith.constant 0 : index
    %get3A_4 = vector.load %arg2[%get3A_2, %get3A_3] : memref<256x256xf32, #tpu.memory_space<vmem>>, vector<256x256xf32>
    %dot_general3A = arith.constant dense<0.000000e+00> : vector<256x256xf32>
    %dot_general3A_5 = tpu.matmul %get3A_1, %get3A_4, %dot_general3A {dimension_numbers = #tpu.dot_dimension_numbers<[1], [0], [0], [1], [0, 0, 1, 1], [], []>, transpose_lhs_hint = false} : vector<256x256xf32>, vector<256x256xf32>, vector<256x256xf32> -> vector<256x256xf32>
    %swap3A = arith.constant 0 : index
    %swap3A_6 = arith.constant 0 : index
    %swap3A_7 = vector.load %arg3[%swap3A, %swap3A_6] : memref<256x256xf32, #tpu.memory_space<vmem>>, vector<256x256xf32>
    tpu.vector_store %arg3[%swap3A, %swap3A_6], %dot_general3A_5 {strides = array<i32>} : memref<256x256xf32, #tpu.memory_space<vmem>>, vector<256x256xf32>,
    return
  }
  func.func @transform_0(%arg0: i32) -> (i32, i32) {
    %c0_i32 = arith.constant 0 : i32
    %c0_i32_0 = arith.constant 0 : i32
    return %arg0, %c0_i32 : i32, i32
  }
  func.func @transform_1(%arg0: i32) -> (i32, i32) {
    %c0_i32 = arith.constant 0 : i32
    %c0_i32_0 = arith.constant 0 : i32
    %c0_i32_1 = arith.constant 0 : i32
    return %c0_i32, %c0_i32_0 : i32, i32
  }
  func.func @transform_2(%arg0: i32) -> (i32, i32) {
    %c0_i32 = arith.constant 0 : i32
    %c0_i32_0 = arith.constant 0 : i32
    return %arg0, %c0_i32 : i32, i32
  }
}

module attributes {stable_mosaic.version = 14 : i64} {
  func.func @body(%arg0: i32, %arg1: memref<256x256xf32, #tpu.memory_space<vmem>>, %arg2: memref<256x256xf32, #tpu.memory_space<vmem>>, %arg3: memref<256x256xf32, #tpu.memory_space<vmem>>, %arg4: memref<256x128xf32, #tpu.memory_space<vmem>>, %arg5: memref<256x16xf32, #tpu.memory_space<vmem>>, %arg6: memref<256x16xf32, #tpu.memory_space<vmem>>, %arg7: memref<256x16xf32, #tpu.memory_space<vmem>>, %arg8: memref<256x16xf32, #tpu.memory_space<vmem>>, %arg9: memref<128x16xf32, #tpu.memory_space<vmem>>, %arg10: memref<1x16xf32, #tpu.memory_space<vmem>>, %arg11: memref<256x16xf32, #tpu.memory_space<vmem>>) attributes {dimension_semantics = [#tpu.dimension_semantics<arbitrary>], iteration_bounds = array<i64: 5>, scalar_prefetch = 0 : i64, scratch_operands = 0 : i64, tpu.core_type = #tpu.core_type<tc>, window_params = [{transform_indices = @transform_0, window_bounds = array<i64: 256, 256>}, {transform_indices = @transform_1, window_bounds = array<i64: 256, 256>}, {transform_indices = @transform_2, window_bounds = array<i64: 256, 256>}, {transform_indices = @transform_3, window_bounds = array<i64: 256, 128>}, {transform_indices = @transform_4, window_bounds = array<i64: 256, 16>}, {pipeline_mode = #tpu.pipeline_mode<synchronous>, transform_indices = @transform_5, window_bounds = array<i64: 256, 16>}, {pipeline_mode = #tpu.pipeline_mode<synchronous>, transform_indices = @transform_6, window_bounds = array<i64: 256, 16>}, {pipeline_mode = #tpu.pipeline_mode<synchronous>, transform_indices = @transform_7, window_bounds = array<i64: 256, 16>}, {pipeline_mode = #tpu.pipeline_mode<synchronous>, transform_indices = @transform_8, window_bounds = array<i64: 128, 16>}, {pipeline_mode = #tpu.pipeline_mode<synchronous>, transform_indices = @transform_9, window_bounds = array<i64: 1, 16>}, {transform_indices = @transform_10, window_bounds = array<i64: 256, 16>}]} {
    %get3A = arith.constant 0 : index
    %get3A_0 = arith.constant 0 : index
    %get3A_1 = vector.load %arg5[%get3A, %get3A_0] : memref<256x16xf32, #tpu.memory_space<vmem>>, vector<256x16xf32>
    %slice3A = vector.extract_strided_slice %get3A_1 {offsets = [0, 0], sizes = [256, 1], strides = [1, 1]} : vector<256x16xf32> to vector<256x1xf32>
    %get3A_2 = arith.constant 0 : index
    %get3A_3 = arith.constant 0 : index
    %get3A_4 = vector.load %arg1[%get3A_2, %get3A_3] : memref<256x256xf32, #tpu.memory_space<vmem>>, vector<256x256xf32>
    %mul3A = vector.broadcast %slice3A : vector<256x1xf32> to vector<256x256xf32>
    %mul3A_5 = arith.mulf %get3A_4, %mul3A : vector<256x256xf32>
    %get3A_6 = arith.constant 0 : index
    %get3A_7 = arith.constant 0 : index
    %get3A_8 = vector.load %arg6[%get3A_6, %get3A_7] : memref<256x16xf32, #tpu.memory_space<vmem>>, vector<256x16xf32>
    %dot_general3A = arith.constant dense<0.000000e+00> : vector<256x16xf32>
    %dot_general3A_9 = tpu.matmul %mul3A_5, %get3A_8, %dot_general3A {dimension_numbers = #tpu.dot_dimension_numbers<[1], [0], [0], [1], [0, 0, 1, 1], [], []>, transpose_lhs_hint = false} : vector<256x256xf32>, vector<256x16xf32>, vector<256x16xf32> -> vector<256x16xf32>
    %get3A_10 = arith.constant 0 : index
    %get3A_11 = arith.constant 0 : index
    %get3A_12 = vector.load %arg2[%get3A_10, %get3A_11] : memref<256x256xf32, #tpu.memory_space<vmem>>, vector<256x256xf32>
    %mul3A_13 = vector.broadcast %slice3A : vector<256x1xf32> to vector<256x256xf32>
    %mul3A_14 = arith.mulf %get3A_12, %mul3A_13 : vector<256x256xf32>
    %get3A_15 = arith.constant 0 : index
    %get3A_16 = arith.constant 0 : index
    %get3A_17 = vector.load %arg7[%get3A_15, %get3A_16] : memref<256x16xf32, #tpu.memory_space<vmem>>, vector<256x16xf32>
    %dot_general3A_18 = arith.constant dense<0.000000e+00> : vector<256x16xf32>
    %dot_general3A_19 = tpu.matmul %mul3A_14, %get3A_17, %dot_general3A_18 {dimension_numbers = #tpu.dot_dimension_numbers<[1], [0], [0], [1], [0, 0, 1, 1], [], []>, transpose_lhs_hint = false} : vector<256x256xf32>, vector<256x16xf32>, vector<256x16xf32> -> vector<256x16xf32>
    %add3A = arith.addf %dot_general3A_9, %dot_general3A_19 : vector<256x16xf32>
    %get3A_20 = arith.constant 0 : index
    %get3A_21 = arith.constant 0 : index
    %get3A_22 = vector.load %arg3[%get3A_20, %get3A_21] : memref<256x256xf32, #tpu.memory_space<vmem>>, vector<256x256xf32>
    %mul3A_23 = vector.broadcast %slice3A : vector<256x1xf32> to vector<256x256xf32>
    %mul3A_24 = arith.mulf %get3A_22, %mul3A_23 : vector<256x256xf32>
    %get3A_25 = arith.constant 0 : index
    %get3A_26 = arith.constant 0 : index
    %get3A_27 = vector.load %arg8[%get3A_25, %get3A_26] : memref<256x16xf32, #tpu.memory_space<vmem>>, vector<256x16xf32>
    %dot_general3A_28 = arith.constant dense<0.000000e+00> : vector<256x16xf32>
    %dot_general3A_29 = tpu.matmul %mul3A_24, %get3A_27, %dot_general3A_28 {dimension_numbers = #tpu.dot_dimension_numbers<[1], [0], [0], [1], [0, 0, 1, 1], [], []>, transpose_lhs_hint = false} : vector<256x256xf32>, vector<256x16xf32>, vector<256x16xf32> -> vector<256x16xf32>
    %add3A_30 = arith.addf %add3A, %dot_general3A_29 : vector<256x16xf32>
    %get3A_31 = arith.constant 0 : index
    %get3A_32 = arith.constant 0 : index
    %get3A_33 = vector.load %arg4[%get3A_31, %get3A_32] : memref<256x128xf32, #tpu.memory_space<vmem>>, vector<256x128xf32>
    %mul3A_34 = vector.broadcast %slice3A : vector<256x1xf32> to vector<256x128xf32>
    %mul3A_35 = arith.mulf %get3A_33, %mul3A_34 : vector<256x128xf32>
    %get3A_36 = arith.constant 0 : index
    %get3A_37 = arith.constant 0 : index
    %get3A_38 = vector.load %arg9[%get3A_36, %get3A_37] : memref<128x16xf32, #tpu.memory_space<vmem>>, vector<128x16xf32>
    %dot_general3A_39 = arith.constant dense<0.000000e+00> : vector<256x16xf32>
    %dot_general3A_40 = tpu.matmul %mul3A_35, %get3A_38, %dot_general3A_39 {dimension_numbers = #tpu.dot_dimension_numbers<[1], [0], [0], [1], [0, 0, 1, 1], [], []>, transpose_lhs_hint = false} : vector<256x128xf32>, vector<128x16xf32>, vector<256x16xf32> -> vector<256x16xf32>
    %add3A_41 = arith.addf %add3A_30, %dot_general3A_40 : vector<256x16xf32>
    %get3A_42 = arith.constant 0 : index
    %get3A_43 = arith.constant 0 : index
    %get3A_44 = vector.load %arg10[%get3A_42, %get3A_43] : memref<1x16xf32, #tpu.memory_space<vmem>>, vector<1x16xf32>
    %add3A_45 = vector.broadcast %get3A_44 : vector<1x16xf32> to vector<256x16xf32>
    %add3A_46 = arith.addf %add3A_41, %add3A_45 : vector<256x16xf32>
    %max3A = arith.constant 0.000000e+00 : f32
    %max3A_47 = vector.broadcast %max3A : f32 to vector<256x16xf32>
    %max3A_48 = arith.maximumf %add3A_46, %max3A_47 : vector<256x16xf32>
    %swap3A = arith.constant 0 : index
    %swap3A_49 = arith.constant 0 : index
    %swap3A_50 = vector.load %arg11[%swap3A, %swap3A_49] : memref<256x16xf32, #tpu.memory_space<vmem>>, vector<256x16xf32>
    tpu.vector_store %arg11[%swap3A, %swap3A_49], %max3A_48 {strides = array<i32>} : memref<256x16xf32, #tpu.memory_space<vmem>>, vector<256x16xf32>,
    return
  }
  func.func @transform_0(%arg0: i32) -> (i32, i32) {
    %c0_i32 = arith.constant 0 : i32
    %c0_i32_0 = arith.constant 0 : i32
    return %arg0, %c0_i32 : i32, i32
  }
  func.func @transform_1(%arg0: i32) -> (i32, i32) {
    %c0_i32 = arith.constant 0 : i32
    %c0_i32_0 = arith.constant 0 : i32
    return %arg0, %c0_i32 : i32, i32
  }
  func.func @transform_2(%arg0: i32) -> (i32, i32) {
    %c0_i32 = arith.constant 0 : i32
    %c0_i32_0 = arith.constant 0 : i32
    return %arg0, %c0_i32 : i32, i32
  }
  func.func @transform_3(%arg0: i32) -> (i32, i32) {
    %c0_i32 = arith.constant 0 : i32
    %c0_i32_0 = arith.constant 0 : i32
    return %arg0, %c0_i32 : i32, i32
  }
  func.func @transform_4(%arg0: i32) -> (i32, i32) {
    %c0_i32 = arith.constant 0 : i32
    %c0_i32_0 = arith.constant 0 : i32
    return %arg0, %c0_i32 : i32, i32
  }
  func.func @transform_5(%arg0: i32) -> (i32, i32) {
    %c0_i32 = arith.constant 0 : i32
    %c0_i32_0 = arith.constant 0 : i32
    %c0_i32_1 = arith.constant 0 : i32
    return %c0_i32, %c0_i32_0 : i32, i32
  }
  func.func @transform_6(%arg0: i32) -> (i32, i32) {
    %c0_i32 = arith.constant 0 : i32
    %c0_i32_0 = arith.constant 0 : i32
    %c0_i32_1 = arith.constant 0 : i32
    return %c0_i32, %c0_i32_0 : i32, i32
  }
  func.func @transform_7(%arg0: i32) -> (i32, i32) {
    %c0_i32 = arith.constant 0 : i32
    %c0_i32_0 = arith.constant 0 : i32
    %c0_i32_1 = arith.constant 0 : i32
    return %c0_i32, %c0_i32_0 : i32, i32
  }
  func.func @transform_8(%arg0: i32) -> (i32, i32) {
    %c0_i32 = arith.constant 0 : i32
    %c0_i32_0 = arith.constant 0 : i32
    %c0_i32_1 = arith.constant 0 : i32
    return %c0_i32, %c0_i32_0 : i32, i32
  }
  func.func @transform_9(%arg0: i32) -> (i32, i32) {
    %c0_i32 = arith.constant 0 : i32
    %c0_i32_0 = arith.constant 0 : i32
    %c0_i32_1 = arith.constant 0 : i32
    return %c0_i32, %c0_i32_0 : i32, i32
  }
  func.func @transform_10(%arg0: i32) -> (i32, i32) {
    %c0_i32 = arith.constant 0 : i32
    %c0_i32_0 = arith.constant 0 : i32
    return %arg0, %c0_i32 : i32, i32
  }
}

module attributes {stable_mosaic.version = 14 : i64} {
  func.func @body(%arg0: memref<128x80xf32, #tpu.memory_space<vmem>>, %arg1: memref<128x80xf32, #tpu.memory_space<vmem>>, %arg2: memref<80x32xf32, #tpu.memory_space<vmem>>, %arg3: memref<1x32xf32, #tpu.memory_space<vmem>>, %arg4: memref<32x128xf32, #tpu.memory_space<vmem>>, %arg5: memref<1x128xf32, #tpu.memory_space<vmem>>, %arg6: memref<128x8xf32, #tpu.memory_space<vmem>>, %arg7: memref<1x8xf32, #tpu.memory_space<vmem>>, %arg8: memref<128x8xf32, #tpu.memory_space<vmem>>) attributes {dimension_semantics = [], scalar_prefetch = 0 : i64, scratch_operands = 0 : i64, tpu.core_type = #tpu.core_type<tc>} {
    %get3A = arith.constant 0 : index
    %get3A_0 = arith.constant 0 : index
    %get3A_1 = vector.load %arg0[%get3A, %get3A_0] : memref<128x80xf32, #tpu.memory_space<vmem>>, vector<128x80xf32>
    %get3A_2 = arith.constant 0 : index
    %get3A_3 = arith.constant 0 : index
    %get3A_4 = vector.load %arg1[%get3A_2, %get3A_3] : memref<128x80xf32, #tpu.memory_space<vmem>>, vector<128x80xf32>
    %max3A = arith.maximumf %get3A_1, %get3A_4 : vector<128x80xf32>
    %get3A_5 = arith.constant 0 : index
    %get3A_6 = arith.constant 0 : index
    %get3A_7 = vector.load %arg2[%get3A_5, %get3A_6] : memref<80x32xf32, #tpu.memory_space<vmem>>, vector<80x32xf32>
    %dot_general3A = arith.constant dense<0.000000e+00> : vector<128x32xf32>
    %dot_general3A_8 = tpu.matmul %max3A, %get3A_7, %dot_general3A {dimension_numbers = #tpu.dot_dimension_numbers<[1], [0], [0], [1], [0, 0, 1, 1], [], []>, transpose_lhs_hint = false} : vector<128x80xf32>, vector<80x32xf32>, vector<128x32xf32> -> vector<128x32xf32>
    %get3A_9 = arith.constant 0 : index
    %get3A_10 = arith.constant 0 : index
    %get3A_11 = vector.load %arg3[%get3A_9, %get3A_10] : memref<1x32xf32, #tpu.memory_space<vmem>>, vector<1x32xf32>
    %add3A = vector.broadcast %get3A_11 : vector<1x32xf32> to vector<128x32xf32>
    %add3A_12 = arith.addf %dot_general3A_8, %add3A : vector<128x32xf32>
    %max3A_13 = arith.constant 0.000000e+00 : f32
    %max3A_14 = vector.broadcast %max3A_13 : f32 to vector<128x32xf32>
    %max3A_15 = arith.maximumf %add3A_12, %max3A_14 : vector<128x32xf32>
    %get3A_16 = arith.constant 0 : index
    %get3A_17 = arith.constant 0 : index
    %get3A_18 = vector.load %arg4[%get3A_16, %get3A_17] : memref<32x128xf32, #tpu.memory_space<vmem>>, vector<32x128xf32>
    %dot_general3A_19 = arith.constant dense<0.000000e+00> : vector<128x128xf32>
    %dot_general3A_20 = tpu.matmul %max3A_15, %get3A_18, %dot_general3A_19 {dimension_numbers = #tpu.dot_dimension_numbers<[1], [0], [0], [1], [0, 0, 1, 1], [], []>, transpose_lhs_hint = false} : vector<128x32xf32>, vector<32x128xf32>, vector<128x128xf32> -> vector<128x128xf32>
    %get3A_21 = arith.constant 0 : index
    %get3A_22 = arith.constant 0 : index
    %get3A_23 = vector.load %arg5[%get3A_21, %get3A_22] : memref<1x128xf32, #tpu.memory_space<vmem>>, vector<1x128xf32>
    %add3A_24 = vector.broadcast %get3A_23 : vector<1x128xf32> to vector<128x128xf32>
    %add3A_25 = arith.addf %dot_general3A_20, %add3A_24 : vector<128x128xf32>
    %max3A_26 = arith.constant 0.000000e+00 : f32
    %max3A_27 = vector.broadcast %max3A_26 : f32 to vector<128x128xf32>
    %max3A_28 = arith.maximumf %add3A_25, %max3A_27 : vector<128x128xf32>
    %get3A_29 = arith.constant 0 : index
    %get3A_30 = arith.constant 0 : index
    %get3A_31 = vector.load %arg6[%get3A_29, %get3A_30] : memref<128x8xf32, #tpu.memory_space<vmem>>, vector<128x8xf32>
    %dot_general3A_32 = arith.constant dense<0.000000e+00> : vector<128x8xf32>
    %dot_general3A_33 = tpu.matmul %max3A_28, %get3A_31, %dot_general3A_32 {dimension_numbers = #tpu.dot_dimension_numbers<[1], [0], [0], [1], [0, 0, 1, 1], [], []>, transpose_lhs_hint = false} : vector<128x128xf32>, vector<128x8xf32>, vector<128x8xf32> -> vector<128x8xf32>
    %get3A_34 = arith.constant 0 : index
    %get3A_35 = arith.constant 0 : index
    %get3A_36 = vector.load %arg7[%get3A_34, %get3A_35] : memref<1x8xf32, #tpu.memory_space<vmem>>, vector<1x8xf32>
    %add3A_37 = vector.broadcast %get3A_36 : vector<1x8xf32> to vector<128x8xf32>
    %add3A_38 = arith.addf %dot_general3A_33, %add3A_37 : vector<128x8xf32>
    %swap3A = arith.constant 0 : index
    %swap3A_39 = arith.constant 0 : index
    %swap3A_40 = vector.load %arg8[%swap3A, %swap3A_39] : memref<128x8xf32, #tpu.memory_space<vmem>>, vector<128x8xf32>
    tpu.vector_store %arg8[%swap3A, %swap3A_39], %add3A_38 {strides = array<i32>} : memref<128x8xf32, #tpu.memory_space<vmem>>, vector<128x8xf32>,
    return
  }
}

</mosaic_0001>

<sc_bundles>
// kernel: gather_offload_async_start
scs
__scs_entry_jumppad:
0x0: {  	(pc) =	sbr.rel $0x88, $3  }
0x1: {  	(tag) =	ssettag $0x0;
	lr =	simm.s32 $0x1  }
0x2: {  	[smem:$0x3F8A] =	sst lr;
	_ =	strace $0xD0000000  }
0x3: {  	_ = 	snop  }
0x4: {  	_ = 	snop  }
0x5: {  	_ = 	snop  }
0x6: {  	_ = 	snop  }
0x7: {  	_ = 	snop  }
__scs_overlays_trampoline_lowered:
0x8: {  	[smem:$0x3F99] =	sst s0  }
0x9: {  	[smem:$0x3F9A] =	sst s1  }
0xa: {  	[smem:$0x3F9B] =	sst s2  }
0xb: {  	[smem:$0x3F9C] =	sst s3  }
0xc: {  	[smem:$0x3F9D] =	sst s4  }
0xd: {  	[smem:$0x3F9E] =	sst s5  }
0xe: {  	[smem:$0x3F9F] =	sst s6  }
0xf: {  	[smem:$0x3FA0] =	sst s7  }
0x10: {  	[smem:$0x3FA1] =	sst s8  }
0x11: {  	[smem:$0x3FA2] =	sst s9;
	s0 =	simm.s32 @!p0 $0x0  }
0x12: {  	s1 =	sld [smem:$0x3F88];
	s0 =	simm.s32 @p0 $0x1  }
0x13: {  	[smem:$0x3FA3] =	sst s0;
	s0 =	simm.s32 @!p1 $0x0  }
0x14: {  	s2 =	sld [smem:$0x3F87];
	s0 =	simm.s32 @p1 $0x1  }
0x15: {  	[smem:$0x3FA4] =	sst s0;
	s0 =	simm.s32 @!p2 $0x0  }
0x16: {  	s3 =	sld [smem:$0x3FDB];
	s0 =	simm.s32 @p2 $0x1  }
0x17: {  	s4 =	simm.s32 $0x1BF5;
	[smem:$0x3FA6] =	sst s0  }
0x18: {  	s0 =	sld [smem:$0x3F89];
	_ =	swait.ge [sflag:s4], $0x0  }
0x19: {  	s7 =	sld [smem:$0x3F8A]  }
0x1a: {  	s8 =	sadd.s32 $0xFFFFE003, lr  }
0x1b: {  	s9 =	sadd.s32 $0xFFFFFEF7, lr;
	s5 =	simm.s32 $0xFFFFFFFF;
	p2 =	slt.u32 s8, $0xFFFFF086  }
0x1c: {  	p1 =	slt.u32 s9, $0xF7A;
	s5 =	simm.s32 @!p2 $0x0  }
0x1d: {  	s5 =	simm.s32 @p1 $0x1;
	p0 =	seq.s32 s7, s2  }
0x1e: {  	s7 =	smul.u32 @!p0 $0xF7A, s2;
	p2 =	seq.s32 @!p0 s5, $0x0  }
0x1f: {  	s9 =	smul.u32 $0xF7A, s1;
	s8 =	simm.s32 @!p0 $0x1BF5;
	p2 =	por !p2, p0  }
0x20: {  	[sflag:s8] =	ssyncset.s32 @!p0 $0xFFFFF086;
	s6 =	sadd.s32 @!p0 s3, s7;
	s7 =	simm.s32 @!p0 $0x108  }
0x21: {  	s3 =	sadd.s32 s3, s9;
	s6 =	sadd.s32 @!p0 $0x88, s6;
	s7 =	simm.s32 @p2 $0x1082  }
0x22: {  	[simem:s7], [sflag:s8] =	dma.local @!p0 [hbm:s6], $0xF7A  }
0x23: {  	s9 =	sor.u32 $0xD0000000, s2;
	s6 =	simm.s32 $0x108;
	_ =	swait.ge @!p0 [sflag:s8], $0x0  }
0x24: {  	s3 =	sadd.s32 $0x88, s3;
	s6 =	simm.s32 @!p1 $0x1082;
	[sflag:s4] =	ssyncset.s32 $0xFFFFF086  }
0x25: {  	[simem:s6], [sflag:s4] =	dma.local [hbm:s3], $0xF7A  }
0x26: {  	[smem:$0x3F8A] =	sst s1;
	(tag) =	ssettag s2;
	_ =	strace s9  }
0x27: {  	s1 =	sld [smem:$0x3F9A]  }
0x28: {  	s2 =	sld [smem:$0x3F9B]  }
0x29: {  	s4 =	sld [smem:$0x3F9D]  }
0x2a: {  	p0 =	seq.s32 s5, $0x0;
	s5 =	sld [smem:$0x3F9E]  }
0x2b: {  	s6 =	sld [smem:$0x3F9F]  }
0x2c: {  	s7 =	sld [smem:$0x3FA0]  }
0x2d: {  	s3 =	simm.s32 $0x108;
	s8 =	sld [smem:$0x3FA1]  }
0x2e: {  	s3 =	simm.s32 @!p0 $0x1082;
	s9 =	sld [smem:$0x3FA2]  }
0x2f: {  	lr =	sadd.s32 s0, s3;
	s0 =	sld [smem:$0x3F99]  }
0x30: {  	s3 =	sld [smem:$0x3F9C]  }
0x31: {  	[smem:$0x3FA5] =	sst s10  }
0x32: {  	s10 =	sld [smem:$0x3FA3];
	_ =	sdelay $0x3  }
0x33: {  	p0 =	seq.s32 s10, $0x1;
	s10 =	sld [smem:$0x3FA5];
	_ =	sdelay $0x3  }
0x34: {  	[smem:$0x3FA5] =	sst s10  }
0x35: {  	s10 =	sld [smem:$0x3FA4];
	_ =	sdelay $0x3  }
0x36: {  	p1 =	seq.s32 s10, $0x1;
	s10 =	sld [smem:$0x3FA5];
	_ =	sdelay $0x3  }
0x37: {  	[smem:$0x3FA5] =	sst s10  }
0x38: {  	s10 =	sld [smem:$0x3FA6]  }
0x39: {  	_ = 	snop;
	(pc) =	sbr.ind lr, $3  }
0x3a: {  	_ = 	snop  }
0x3b: {  	_ = 	snop  }
0x3c: {  	p2 =	seq.s32 s10, $0x1;
	s10 =	sld [smem:$0x3FA5]  }
0x3d: {  	_ =	shalt  }
0x3e: {  	_ =	shalt  }
0x3f: {  	_ =	shalt  }
0x40: {  	_ =	shalt  }
0x41: {  	_ =	shalt  }
0x42: {  	_ =	shalt  }
0x43: {  	_ =	shalt  }
0x44: {  	_ =	shalt  }
0x45: {  	_ =	shalt  }
0x46: {  	_ =	shalt  }
0x47: {  	_ =	shalt  }
0x48: {  	_ =	shalt  }
0x49: {  	_ =	shalt  }
0x4a: {  	_ =	shalt  }
0x4b: {  	_ =	shalt  }
0x4c: {  	_ =	shalt  }
0x4d: {  	_ =	shalt  }
0x4e: {  	_ =	shalt  }
0x4f: {  	_ =	shalt  }
0x50: {  	_ =	shalt  }
0x51: {  	_ =	shalt  }
0x52: {  	_ =	shalt  }
0x53: {  	_ =	shalt  }
0x54: {  	_ =	shalt  }
0x55: {  	_ =	shalt  }
0x56: {  	_ =	shalt  }
0x57: {  	_ =	shalt  }
0x58: {  	_ =	shalt  }
0x59: {  	_ =	shalt  }
0x5a: {  	_ =	shalt  }
0x5b: {  	_ =	shalt  }
0x5c: {  	_ =	shalt  }
0x5d: {  	_ =	shalt  }
0x5e: {  	_ =	shalt  }
0x5f: {  	_ =	shalt  }
0x60: {  	_ =	shalt  }
0x61: {  	_ =	shalt  }
0x62: {  	_ =	shalt  }
0x63: {  	_ =	shalt  }
0x64: {  	_ =	shalt  }
0x65: {  	_ =	shalt  }
0x66: {  	_ =	shalt  }
0x67: {  	_ =	shalt  }
0x68: {  	_ =	shalt  }
0x69: {  	_ =	shalt  }
0x6a: {  	_ =	shalt  }
0x6b: {  	_ =	shalt  }
0x6c: {  	_ =	shalt  }
0x6d: {  	_ =	shalt  }
0x6e: {  	_ =	shalt  }
0x6f: {  	_ =	shalt  }
0x70: {  	_ =	shalt  }
0x71: {  	_ =	shalt  }
0x72: {  	_ =	shalt  }
0x73: {  	_ =	shalt  }
0x74: {  	_ =	shalt  }
0x75: {  	_ =	shalt  }
0x76: {  	_ =	shalt  }
0x77: {  	_ =	shalt  }
0x78: {  	_ =	shalt  }
0x79: {  	_ =	shalt  }
0x7a: {  	_ =	shalt  }
0x7b: {  	_ =	shalt  }
0x7c: {  	_ =	shalt  }
0x7d: {  	_ =	shalt  }
0x7e: {  	_ =	shalt  }
0x7f: {  	_ =	shalt  }
0x80: {  	_ =	shalt  }
0x81: {  	_ =	shalt  }
0x82: {  	_ =	shalt  }
0x83: {  	_ =	shalt  }
0x84: {  	_ =	shalt  }
0x85: {  	_ =	shalt  }
0x86: {  	_ =	shalt  }
0x87: {  	_ =	shalt  }
.Lfunc_end0:
.L_simem_size_0:
called_computation.6_lowered:
.L_overlay_start_0:
0x88: {  	s2 =	sld [smem:$0x3FD9]  }
0x89: {  	s3 =	sld [smem:$0x3FFE];
	_ =	sdelay $0x1  }
0x8a: {  	s1 =	srdreg.scid  }
0x8b: {  	s0 =	sand.u32 $0x1, s1  }
0x8c: {  	s16 =	sshll.u32 s0, $0xA;
	s2 =	sadd.s32 s3, s2  }
0x8d: {  	s2 =	sadd.s32 s2, s16  }
0x8e: {  	[smem:$0x3FB1] =	sst s2  }
0x8f: {  	_ = 	snop  }
0x90: {  	(tm) =	ssettm $0x1  }
0x91: {  	s17 =	sld [smem:$0x3FFB];
	_ =	sdelay $0x3  }
0x92: {  	_ =	strace s17  }
0x93: {  	s2 =	sld [smem:$0x3FFC];
	_ =	sdelay $0x3  }
0x94: {  	_ =	strace s2  }
0x95: {  	s2 =	sld [smem:$0x3FFD];
	_ =	sdelay $0x3  }
0x96: {  	_ =	strace s2  }
0x97: {  	_ =	strace $0x8FFFFFFF  }
0x98: {  	s18 =	sld [smem:$0x3FDB];
	_ =	sdelay $0x1  }
0x99: {  	s19 =	simm.s32 $_scs_section_size  }
0x9a: {  	s4 =	simm.s32 $_size__tile_overlayer_lowered;
	s5 =	simm.s32 $_tile_overlayer_lowered  }
0x9b: {  	s22 =	simm.s32 $0x1BFF;
	s21 =	sshll.u32 s5, $0x1;
	s2 =	sadd.s32 s19, s18  }
0x9c: {  	s6 =	simm.s32 $0x0;
	s20 =	sshll.u32 s4, $0x1;
	s4 =	sadd.s32 s21, s2  }
0x9d: {  	[timem:s6], [sflag:s22] =	dma.local [hbm:s4], s20  }
0x9e: {  	_ =	swait.ge [sflag:s22], s20  }
0x9f: {  	s3 =	ssub.s32 $0x0, s20;
	[sflag:s22] =	ssyncset.done $0x0  }
0xa0: {  	[sflag:s22] =	ssyncadd.s32 s3;
	_ =	sdelay $0x1  }
0xa1: {  	s23 =	simm.s32 $0x1B8B  }
0xa2: {  	_ =	swait.ge [sflag:s23], $0x1  }
0xa3: {  	[sflag:s23] =	ssyncset.done $0x0  }
0xa4: {  	s25 =	simm.s32 $0x1B8E;
	s24 =	sld [smem:$0x3FFE];
	[sflag:s23] =	ssyncadd.s32 $0xFFFFFFFF  }
0xa5: {  	s26 =	simm.s32 $execute0_lowered;
	[smem:$0x3FD2] =	sst s25  }
0xa6: {  	s4 =	sshll.u32 s26, $0x1;
	_ =	strace $0x80000064;
	[dreg:$0x1] =	wrdreg $0xFFFFFFFF  }
0xa7: {  	s28 =	simm.s32 $_size_execute0_lowered;
	s2 =	sadd.s32 s2, s4;
	[dreg:$0x0] =	wrdreg $0x0  }
0xa8: {  	s4 =	sshll.u32 s28, $0x1;
	[dreg:$0x2] =	wrdreg s2  }
0xa9: {  	[dreg:$0x3] =	wrdreg s4  }
0xaa: {  	[dreg:$0x4] =	wrdreg $0xC0  }
0xab: {  	_ =	task [dreg:s6], $0x5FFFF  }
0xac: {  	[dreg:$0x1] =	wrdreg $0xFFFFFFFF  }
0xad: {  	[dreg:$0x0] =	wrdreg $0x60  }
0xae: {  	[dreg:$0x2] =	wrdreg s24  }
0xaf: {  	[dreg:$0x3] =	wrdreg $0x9  }
0xb0: {  	_ =	task.clear_ibuf [dreg:s6], $0x4FFFF;
	_ =	strace $0x90000064  }
0xb1: {  	s29 =	simm.s32 $0x9;
	_ =	strace $0x80000066  }
0xb2: {  	_ =	swait.ge [sflag:s29], $0x1  }
0xb3: {  	[sflag:s29] =	ssyncadd.s32 $0xFFFFFFFF  }
0xb4: {  	_ =	strace $0x90000066  }
0xb5: {  	_ =	sfence  }
0xb6: {  	s30 =	sld [smem:$0x0];
	_ =	sdelay $0x2  }
0xb7: {  	s31 =	sshll.u32 s1, $0xD;
	s1 =	sshrl.u32 s1, $0x2  }
0xb8: {  	s3 =	sand.u32 $0x4000, s31;
	s1 =	sadd.s32 s1, s30  }
0xb9: {  	s0 =	sor.u32 s3, s0;
	s1 =	sshll.u32 s1, $0x11  }
0xba: {  	s0 =	sor.u32 s1, s0  }
0xbb: {  	s0 =	sadd.s32 $0x8F2B, s0  }
0xbc: {  	[sflag:s0] =	ssyncadd.remote.s32 $0x1  }
0xbd: {  	_ =	sfence.sel $0xFFFF  }
0xbe: {  	[dreg:$0x0] =	wrdreg $0xFFFFFFFF;
	(pc) =	sbr.abs _section_cstart, $3  }
0xbf: {  	[dreg:$0x1] =	wrdreg $0xFFFFFFFF  }
0xc0: {  	_ =	task.clear_ibuf [dreg:s6], $0x2FFFF;
	_ =	strace $0x9FFFFFFF  }
0xc1: {  	(tm) =	ssettm $0x7FFFFFFF  }
tec
execute0_lowered:
.L_overlay_start_1:
0x0: {  	(tag) =	ssettag $0x1  }
0x1: {  	s1 =	srdreg.scid;
	s0 =	stileid.u32  }
0x2: {  	s6 =	rddreg [dreg:$0x0];
	s7 =	simm.s32 $0x1;
	s1 =	sshll.u32 s1, $0x5  }
0x3: {  	s30 =	simm.s32 $0x2;
	s2 =	sshll.u32 s0, $0x6;
	s3 =	sand.u32 $0x20, s1  }
0x4: {  	s31 =	simm.s32 $0x3;
	s11 =	simm.s32 $0x0;
	s2 =	sor.u32 s2, s3  }
0x5: {  	s9 =	simm.s32 $0x0;
	s4 =	sadd.s32 $0x5A800, s6;
	s5 =	ssub.s32 $0x500, s2  }
0x6: {  	s1 =	rddreg [dreg:$0x1];
	_ =	strace $0x80000065;
	s8 =	sand.u32 $0x3E0, s5  }
0x7: {  	s3 =	sadd.s32 $0x83C00, s6;
	[sflag:s7] =	ssyncpa.u1 $0x0;
	p0 =	sne.s32 s8, $0x0  }
0x8: {  	s6 =	sadd.s32 $0x5AA00, s6;
	s5 =	sshrl.u32 s5, $0xA;
	s7 =	simm.s32 @!p0 $0x0  }
0x9: {  	[sflag:s30] =	ssyncpa.u1 $0x0;
	s10 =	smov.u32 s2;
	s5 =	sadd.s32 s7, s5  }
0xa: {  	[sflag:s31] =	ssyncpa.u1 $0x0;
	s8 =	simm.s32 $0x0;
	s7 =	sadd.s32 $0x1, s5  }
.LBB2_1:
0xb: {  	p0 =	sge.u32 s9, s5  }
0xc: {  	s31 =	sadd.s32 $0xFFFFFFFF, s9;
	s12 =	sxor.u32 @!p0 $0xFFFFFFFF, s8;
	s13 =	sshrl.u32 @!p0 s10, $0x3  }
0xd: {  	s14 =	sand.u32 @!p0 $0x7, s10;
	s12 =	sand.u32 @!p0 $0x20, s12;
	s13 =	sadd.s32 @!p0 s4, s13  }
0xe: {  	[tilespmem:s12], [sflag:$0x2] =	stream.linear.gather @!p0 [hbm4b:s13+s14], $0x20, $0x38;
	[tilespmem:$0x80] =	vst v63  }
0xf: {  	p0 =	sge.u32 s31, s5  }
0x10: {  	s12 =	simm.s32 @!p0 $0x2  }
0x11: {  	_ =	swait.ge @!p0 [sflag:s12], $0x20  }
0x12: {  	[sflag:s12] =	ssyncset.done @!p0 $0x0  }
0x13: {  	[sflag:s12] =	ssyncadd.s32 @!p0 $0xFFFFFFE0;
	s12 =	sand.u32 @!p0 $0x20, s8  }
0x14: {  	(ifvalue) =	ssetifvalue @!p0 $0x7FFFFFFF;
	v0 =	vld.msk @!p0 [tilespmem:s12+$0x0 ss:$0x1], $0xffff;
	_ =	sdelay $0x4  }
0x15: {  	vm0 =	vgt.s32 @!p0 v0, $0x0  }
0x16: {  	v0 =	vnsel @!p0 vm0, $0x0, v0  }
0x17: {  	v0 =	vmin.u32 @!p0 v0, $0x270F;
	_ =	sdelay $0x2  }
0x18: {  	s14 =	simm.s32 @!p0 $0x0  }
0x19: {  	s13 =	sor.u32 @!p0 $0x40, s12;
	(ifvalue) =	ssetifvalue @!p0 $0x7FFFFFFF;
	s15 =	sor.u32 @!p0 $0x10, s12;
	vm0 =	vmmov @!p0 $0xffff  }
0x1a: {  	[tilespmem:s13], [sflag:$0x1] =	stream.indirect_vreg.gather @!p0 [hbm4b:s3+s14], $0x1, v0, vm0, $0x4038;
	[tilespmem:$0x80] =	vst v63  }
0x1b: {  	v0 =	vld.msk @!p0 [tilespmem:s15+$0x0 ss:$0x1], $0xffff;
	_ =	sdelay $0x4  }
0x1c: {  	vm1 =	vgt.s32 @!p0 v0, $0x0  }
0x1d: {  	v0 =	vnsel @!p0 vm1, $0x0, v0  }
0x1e: {  	v0 =	vmin.u32 @!p0 v0, $0x270F;
	_ =	sdelay $0x3  }
0x1f: {  	s12 =	sor.u32 @!p0 $0x50, s12;
	(ifvalue) =	ssetifvalue @!p0 $0x7FFFFFFF  }
0x20: {  	[tilespmem:s12], [sflag:$0x1] =	stream.indirect_vreg.gather @!p0 [hbm4b:s3+s14], $0x1, v0, vm0, $0x4038;
	[tilespmem:$0x80] =	vst v63  }
0x21: {  	s12 =	simm.s32 @!p0 $0x1  }
0x22: {  	_ =	swait.ge @!p0 [sflag:s12], $0x20  }
0x23: {  	s14 =	sshrl.u32 @!p0 s11, $0x3;
	[sflag:s12] =	ssyncset.done @!p0 $0x0  }
0x24: {  	s11 =	sand.u32 @!p0 $0x7, s11;
	[sflag:s12] =	ssyncadd.s32 @!p0 $0xFFFFFFE0;
	s12 =	sadd.s32 @!p0 s6, s14  }
0x25: {  	[hbm4b:s12+s11] =	stream.linear.scatter @!p0 [tilespmem:s13], [sflag:$0x3], $0x20, $0x38;
	[tilespmem:$0x80] =	vst v63  }
0x26: {  	s13 =	sadd.s32 $0x400, s10  }
0x27: {  	p1 =	sgt.s32 s13, $0x4FF  }
0x28: {  	s13 =	smov.u32 @p1 s2;
	p1 =	sne.s32 s9, s7  }
.Ltmp0:
0x29: {  	p0 =	slt.u32 s9, $0x2;
	(pc) =	sbr.rel @p1 .LBB2_1-.Ltmp0, $4  }
0x2a: {  	s12 =	simm.s32 @!p0 $0x3  }
0x2b: {  	_ =	swait.ge @!p0 [sflag:s12], $0x20  }
0x2c: {  	s8 =	sadd.s32 $0x20, s8;
	s11 =	smov.u32 s10;
	[sflag:s12] =	ssyncset.done @!p0 $0x0  }
0x2d: {  	s9 =	sadd.s32 $0x1, s9;
	s10 =	smov.u32 s13;
	[sflag:s12] =	ssyncadd.s32 @!p0 $0xFFFFFFE0  }
0x2e: {  	_ =	sfence.sel $0x180000  }
0x2f: {  	s2 =	simm.s32 $0x2;
	[bflag:$0x0] =	sbarrier.arrive $0xFFFF  }
0x30: {  	s30 =	simm.s32 $0x3;
	[sflag:s2] =	ssyncpa.u1 $0x1  }
0x31: {  	s31 =	simm.s32 $0x1;
	[sflag:s30] =	ssyncpa.u1 $0x1  }
0x32: {  	[sflag:s31] =	ssyncpa.u1 $0x1  }
0x33: {  	p0 =	sne.s32 s0, $0x0;
	_ =	strace $0x90000065  }
0x34: {  	s0 =	sadd.s32 @!p0 $0x100000, s1;
	[bflag:$0x2] =	sbarrier.arrive $0xFFFF  }
0x35: {  	[sflag:s0] =	ssyncadd.tile.s32 @!p0 $0x1;
	_ =	shalt  }
.Lfunc_end2:
_tile_overlayer_lowered:
.L_overlay_start_2:
0x36: {  	(tag) =	ssettag $0x2  }
0x37: {  	s0 =	rddreg [dreg:$0x0];
	s2 =	stileid.u32  }
0x38: {  	s1 =	rddreg [dreg:$0x1];
	p0 =	sne.s32 s2, $0x0  }
0x39: {  	s3 =	rddreg [dreg:$0x2];
	[bflag:$0x3] =	sbarrier.arrive $0xFFFF;
	s2 =	simm.s32 @!p0 $0x1C01  }
0x3a: {  	[timem:s3], [sflag:s2] =	dma.local @!p0 [hbm:s0], s1  }
0x3b: {  	s0 =	simm.s32 @!p0 $0x1  }
0x3c: {  	_ =	swait.ge @!p0 [sflag:s0], s1  }
0x3d: {  	s1 =	ssub.s32 @!p0 $0x0, s1;
	[sflag:s0] =	ssyncset.done @!p0 $0x0  }
0x3e: {  	[sflag:s0] =	ssyncadd.s32 @!p0 s1  }
0x3f: {  	[bflag:$0x3] =	sbarrier.arrive $0xFFFF  }
0x40: {  	_ =	shalt  }

// kernel: kernel.13.cloned.1.call-start
scs
__scs_entry_jumppad:
0x0: {  	(pc) =	sbr.rel $0x88, $3  }
0x1: {  	(tag) =	ssettag $0x0;
	lr =	simm.s32 $0x1  }
0x2: {  	[smem:$0x3F8A] =	sst lr;
	_ =	strace $0xD0000000  }
0x3: {  	_ = 	snop  }
0x4: {  	_ = 	snop  }
0x5: {  	_ = 	snop  }
0x6: {  	_ = 	snop  }
0x7: {  	_ = 	snop  }
__scs_overlays_trampoline_lowered:
0x8: {  	[smem:$0x3F99] =	sst s0  }
0x9: {  	[smem:$0x3F9A] =	sst s1  }
0xa: {  	[smem:$0x3F9B] =	sst s2  }
0xb: {  	[smem:$0x3F9C] =	sst s3  }
0xc: {  	[smem:$0x3F9D] =	sst s4  }
0xd: {  	[smem:$0x3F9E] =	sst s5  }
0xe: {  	[smem:$0x3F9F] =	sst s6  }
0xf: {  	[smem:$0x3FA0] =	sst s7  }
0x10: {  	[smem:$0x3FA1] =	sst s8  }
0x11: {  	[smem:$0x3FA2] =	sst s9;
	s0 =	simm.s32 @!p0 $0x0  }
0x12: {  	s1 =	sld [smem:$0x3F88];
	s0 =	simm.s32 @p0 $0x1  }
0x13: {  	[smem:$0x3FA3] =	sst s0;
	s0 =	simm.s32 @!p1 $0x0  }
0x14: {  	s2 =	sld [smem:$0x3F87];
	s0 =	simm.s32 @p1 $0x1  }
0x15: {  	[smem:$0x3FA4] =	sst s0;
	s0 =	simm.s32 @!p2 $0x0  }
0x16: {  	s3 =	sld [smem:$0x3FDB];
	s0 =	simm.s32 @p2 $0x1  }
0x17: {  	s4 =	simm.s32 $0x1BF5;
	[smem:$0x3FA6] =	sst s0  }
0x18: {  	s0 =	sld [smem:$0x3F89];
	_ =	swait.ge [sflag:s4], $0x0  }
0x19: {  	s7 =	sld [smem:$0x3F8A]  }
0x1a: {  	s8 =	sadd.s32 $0xFFFFE003, lr  }
0x1b: {  	s9 =	sadd.s32 $0xFFFFFEF7, lr;
	s5 =	simm.s32 $0xFFFFFFFF;
	p2 =	slt.u32 s8, $0xFFFFF086  }
0x1c: {  	p1 =	slt.u32 s9, $0xF7A;
	s5 =	simm.s32 @!p2 $0x0  }
0x1d: {  	s5 =	simm.s32 @p1 $0x1;
	p0 =	seq.s32 s7, s2  }
0x1e: {  	s7 =	smul.u32 @!p0 $0xF7A, s2;
	p2 =	seq.s32 @!p0 s5, $0x0  }
0x1f: {  	s9 =	smul.u32 $0xF7A, s1;
	s8 =	simm.s32 @!p0 $0x1BF5;
	p2 =	por !p2, p0  }
0x20: {  	[sflag:s8] =	ssyncset.s32 @!p0 $0xFFFFF086;
	s6 =	sadd.s32 @!p0 s3, s7;
	s7 =	simm.s32 @!p0 $0x108  }
0x21: {  	s3 =	sadd.s32 s3, s9;
	s6 =	sadd.s32 @!p0 $0x88, s6;
	s7 =	simm.s32 @p2 $0x1082  }
0x22: {  	[simem:s7], [sflag:s8] =	dma.local @!p0 [hbm:s6], $0xF7A  }
0x23: {  	s9 =	sor.u32 $0xD0000000, s2;
	s6 =	simm.s32 $0x108;
	_ =	swait.ge @!p0 [sflag:s8], $0x0  }
0x24: {  	s3 =	sadd.s32 $0x88, s3;
	s6 =	simm.s32 @!p1 $0x1082;
	[sflag:s4] =	ssyncset.s32 $0xFFFFF086  }
0x25: {  	[simem:s6], [sflag:s4] =	dma.local [hbm:s3], $0xF7A  }
0x26: {  	[smem:$0x3F8A] =	sst s1;
	(tag) =	ssettag s2;
	_ =	strace s9  }
0x27: {  	s1 =	sld [smem:$0x3F9A]  }
0x28: {  	s2 =	sld [smem:$0x3F9B]  }
0x29: {  	s4 =	sld [smem:$0x3F9D]  }
0x2a: {  	p0 =	seq.s32 s5, $0x0;
	s5 =	sld [smem:$0x3F9E]  }
0x2b: {  	s6 =	sld [smem:$0x3F9F]  }
0x2c: {  	s7 =	sld [smem:$0x3FA0]  }
0x2d: {  	s3 =	simm.s32 $0x108;
	s8 =	sld [smem:$0x3FA1]  }
0x2e: {  	s3 =	simm.s32 @!p0 $0x1082;
	s9 =	sld [smem:$0x3FA2]  }
0x2f: {  	lr =	sadd.s32 s0, s3;
	s0 =	sld [smem:$0x3F99]  }
0x30: {  	s3 =	sld [smem:$0x3F9C]  }
0x31: {  	[smem:$0x3FA5] =	sst s10  }
0x32: {  	s10 =	sld [smem:$0x3FA3];
	_ =	sdelay $0x3  }
0x33: {  	p0 =	seq.s32 s10, $0x1;
	s10 =	sld [smem:$0x3FA5];
	_ =	sdelay $0x3  }
0x34: {  	[smem:$0x3FA5] =	sst s10  }
0x35: {  	s10 =	sld [smem:$0x3FA4];
	_ =	sdelay $0x3  }
0x36: {  	p1 =	seq.s32 s10, $0x1;
	s10 =	sld [smem:$0x3FA5];
	_ =	sdelay $0x3  }
0x37: {  	[smem:$0x3FA5] =	sst s10  }
0x38: {  	s10 =	sld [smem:$0x3FA6]  }
0x39: {  	_ = 	snop;
	(pc) =	sbr.ind lr, $3  }
0x3a: {  	_ = 	snop  }
0x3b: {  	_ = 	snop  }
0x3c: {  	p2 =	seq.s32 s10, $0x1;
	s10 =	sld [smem:$0x3FA5]  }
0x3d: {  	_ =	shalt  }
0x3e: {  	_ =	shalt  }
0x3f: {  	_ =	shalt  }
0x40: {  	_ =	shalt  }
0x41: {  	_ =	shalt  }
0x42: {  	_ =	shalt  }
0x43: {  	_ =	shalt  }
0x44: {  	_ =	shalt  }
0x45: {  	_ =	shalt  }
0x46: {  	_ =	shalt  }
0x47: {  	_ =	shalt  }
0x48: {  	_ =	shalt  }
0x49: {  	_ =	shalt  }
0x4a: {  	_ =	shalt  }
0x4b: {  	_ =	shalt  }
0x4c: {  	_ =	shalt  }
0x4d: {  	_ =	shalt  }
0x4e: {  	_ =	shalt  }
0x4f: {  	_ =	shalt  }
0x50: {  	_ =	shalt  }
0x51: {  	_ =	shalt  }
0x52: {  	_ =	shalt  }
0x53: {  	_ =	shalt  }
0x54: {  	_ =	shalt  }
0x55: {  	_ =	shalt  }
0x56: {  	_ =	shalt  }
0x57: {  	_ =	shalt  }
0x58: {  	_ =	shalt  }
0x59: {  	_ =	shalt  }
0x5a: {  	_ =	shalt  }
0x5b: {  	_ =	shalt  }
0x5c: {  	_ =	shalt  }
0x5d: {  	_ =	shalt  }
0x5e: {  	_ =	shalt  }
0x5f: {  	_ =	shalt  }
0x60: {  	_ =	shalt  }
0x61: {  	_ =	shalt  }
0x62: {  	_ =	shalt  }
0x63: {  	_ =	shalt  }
0x64: {  	_ =	shalt  }
0x65: {  	_ =	shalt  }
0x66: {  	_ =	shalt  }
0x67: {  	_ =	shalt  }
0x68: {  	_ =	shalt  }
0x69: {  	_ =	shalt  }
0x6a: {  	_ =	shalt  }
0x6b: {  	_ =	shalt  }
0x6c: {  	_ =	shalt  }
0x6d: {  	_ =	shalt  }
0x6e: {  	_ =	shalt  }
0x6f: {  	_ =	shalt  }
0x70: {  	_ =	shalt  }
0x71: {  	_ =	shalt  }
0x72: {  	_ =	shalt  }
0x73: {  	_ =	shalt  }
0x74: {  	_ =	shalt  }
0x75: {  	_ =	shalt  }
0x76: {  	_ =	shalt  }
0x77: {  	_ =	shalt  }
0x78: {  	_ =	shalt  }
0x79: {  	_ =	shalt  }
0x7a: {  	_ =	shalt  }
0x7b: {  	_ =	shalt  }
0x7c: {  	_ =	shalt  }
0x7d: {  	_ =	shalt  }
0x7e: {  	_ =	shalt  }
0x7f: {  	_ =	shalt  }
0x80: {  	_ =	shalt  }
0x81: {  	_ =	shalt  }
0x82: {  	_ =	shalt  }
0x83: {  	_ =	shalt  }
0x84: {  	_ =	shalt  }
0x85: {  	_ =	shalt  }
0x86: {  	_ =	shalt  }
0x87: {  	_ =	shalt  }
.Lfunc_end0:
.L_simem_size_0:
called_computation.7_lowered:
.L_overlay_start_0:
0x88: {  	s2 =	sld [smem:$0x3FD9]  }
0x89: {  	s3 =	sld [smem:$0x3FFE];
	_ =	sdelay $0x1  }
0x8a: {  	s1 =	srdreg.scid  }
0x8b: {  	s0 =	sand.u32 $0x1, s1  }
0x8c: {  	s17 =	sshll.u32 s0, $0xA;
	s2 =	sadd.s32 s3, s2  }
0x8d: {  	s2 =	sadd.s32 s2, s17  }
0x8e: {  	[smem:$0x3FB1] =	sst s2  }
0x8f: {  	_ = 	snop  }
0x90: {  	s2 =	sld [smem:$0x3FC5];
	(tm) =	ssettm $0x1  }
0x91: {  	s18 =	sld [smem:$0x3FFB];
	_ =	sdelay $0x3  }
0x92: {  	_ =	strace s18  }
0x93: {  	s3 =	sld [smem:$0x3FFC];
	_ =	sdelay $0x3  }
0x94: {  	_ =	strace s3  }
0x95: {  	s3 =	sld [smem:$0x3FFD];
	_ =	sdelay $0x3  }
0x96: {  	_ =	strace s3  }
0x97: {  	_ =	strace $0x8FFFFFFF  }
0x98: {  	s19 =	sld [smem:$0x3FDB];
	_ =	sdelay $0x1  }
0x99: {  	s4 =	simm.s32 $_scs_section_size  }
0x9a: {  	s5 =	simm.s32 $_size__tile_overlayer_lowered;
	s6 =	simm.s32 $_tile_overlayer_lowered  }
0x9b: {  	s22 =	simm.s32 $0x1BFF;
	s21 =	sshll.u32 s6, $0x1;
	s3 =	sadd.s32 s4, s19  }
0x9c: {  	s7 =	simm.s32 $0x0;
	s20 =	sshll.u32 s5, $0x1;
	s5 =	sadd.s32 s21, s3  }
0x9d: {  	[timem:s7], [sflag:s22] =	dma.local [hbm:s5], s20  }
0x9e: {  	_ =	swait.ge [sflag:s22], s20  }
0x9f: {  	s4 =	ssub.s32 $0x0, s20;
	[sflag:s22] =	ssyncset.done $0x0  }
0xa0: {  	[sflag:s22] =	ssyncadd.s32 s4;
	_ =	sdelay $0x1  }
0xa1: {  	s23 =	simm.s32 $0x1B8B  }
0xa2: {  	_ =	swait.ge [sflag:s23], $0x1  }
0xa3: {  	[sflag:s23] =	ssyncset.done $0x0  }
0xa4: {  	s25 =	simm.s32 $0x1B8E;
	s24 =	sld [smem:$0x3FFE];
	[sflag:s23] =	ssyncadd.s32 $0xFFFFFFFF  }
0xa5: {  	s26 =	simm.s32 $execute0_lowered;
	[smem:$0x3FD2] =	sst s25  }
0xa6: {  	s5 =	sshll.u32 s26, $0x1;
	_ =	strace $0x80000046;
	[dreg:$0x1] =	wrdreg $0xFFFFFFFF  }
0xa7: {  	s28 =	simm.s32 $_size_execute0_lowered;
	s3 =	sadd.s32 s3, s5;
	[dreg:$0x0] =	wrdreg $0x0  }
0xa8: {  	s5 =	sshll.u32 s28, $0x1;
	[dreg:$0x2] =	wrdreg s3  }
0xa9: {  	[dreg:$0x3] =	wrdreg s5  }
0xaa: {  	[dreg:$0x4] =	wrdreg $0xC0  }
0xab: {  	_ =	task [dreg:s7], $0x5FFFF  }
0xac: {  	[dreg:$0x1] =	wrdreg $0xFFFFFFFF  }
0xad: {  	[dreg:$0x0] =	wrdreg $0x60  }
0xae: {  	[dreg:$0x2] =	wrdreg s2  }
0xaf: {  	[dreg:$0x3] =	wrdreg s24  }
0xb0: {  	[dreg:$0x4] =	wrdreg $0x9  }
0xb1: {  	_ =	task.clear_ibuf [dreg:s7], $0x5FFFF;
	_ =	strace $0x90000046  }
0xb2: {  	s29 =	simm.s32 $0x9;
	_ =	strace $0x80000048  }
0xb3: {  	_ =	swait.ge [sflag:s29], $0x1  }
0xb4: {  	[sflag:s29] =	ssyncadd.s32 $0xFFFFFFFF  }
0xb5: {  	_ =	strace $0x90000048  }
0xb6: {  	_ =	sfence  }
0xb7: {  	s30 =	sld [smem:$0x0];
	_ =	sdelay $0x2  }
0xb8: {  	s31 =	sshll.u32 s1, $0xD;
	s1 =	sshrl.u32 s1, $0x2  }
0xb9: {  	s3 =	sand.u32 $0x4000, s31;
	s1 =	sadd.s32 s1, s30  }
0xba: {  	s0 =	sor.u32 s3, s0;
	s1 =	sshll.u32 s1, $0x11  }
0xbb: {  	s0 =	sor.u32 s1, s0  }
0xbc: {  	s0 =	sadd.s32 $0x8F2B, s0  }
0xbd: {  	[sflag:s0] =	ssyncadd.remote.s32 $0x1  }
0xbe: {  	_ =	sfence.sel $0xFFFF  }
0xbf: {  	[dreg:$0x0] =	wrdreg $0xFFFFFFFF;
	(pc) =	sbr.abs _section_cstart, $3  }
0xc0: {  	[dreg:$0x1] =	wrdreg $0xFFFFFFFF  }
0xc1: {  	_ =	task.clear_ibuf [dreg:s7], $0x2FFFF;
	_ =	strace $0x9FFFFFFF  }
0xc2: {  	(tm) =	ssettm $0x7FFFFFFF  }
0xc3: {  	_ =	shalt  }
tec
execute0_lowered:
.L_overlay_start_1:
0x0: {  	(tag) =	ssettag $0x1  }
0x1: {  	s0 =	stileid.u32;
	s2 =	rddreg [dreg:$0x0]  }
0x2: {  	s1 =	srdreg.scid;
	s6 =	rddreg [dreg:$0x1]  }
0x3: {  	s3 =	simm.s32 $0x0;
	s11 =	simm.s32 $0x1880;
	s12 =	simm.s32 $0x2080  }
0x4: {  	s13 =	simm.s32 $0x2880;
	s14 =	simm.s32 $0x3080;
	s15 =	simm.s32 $0x3880  }
0x5: {  	s16 =	simm.s32 $0x1;
	s17 =	simm.s32 $0x0;
	s4 =	smul.u32 $0x5000, s0  }
0x6: {  	s5 =	sand.u32 $0x1, s1;
	s1 =	rddreg [dreg:$0x2];
	s8 =	smul.u32 $0x280, s0  }
0x7: {  	[smem:$0x7FF] =	sst s3;
	s7 =	smul.u32 $0x2800, s5;
	s9 =	ssub.s32 $0x2, s5  }
0x8: {  	s5 =	smul.u32 $0x140, s5;
	s4 =	sadd.s32 s4, s6;
	s10 =	sshrl.u32 s9, $0x1  }
0x9: {  	_ =	strace $0x80000047;
	s9 =	ssub.s32 s9, s10;
	s7 =	sadd.s32 s7, s4  }
0xa: {  	v2 =	vlaneseq.u32;
	s8 =	sadd.s32 s5, s8;
	s10 =	simm.s32 $0x1080;
	s4 =	smax.u32 s9, $0x1  }
0xb: {  	vm0 =	vmmov $0xffff;
	v1 =	vshrl.u32 v2, $0x3;
	s5 =	sadd.s32 $0x600, s7;
	s31 =	sshrl.u32 s8, $0x3;
	s7 =	simm.s32 $0x2  }
0xc: {  	v0 =	vand.u32 $0x7, v2;
	v2 =	vor.u32 $0x8, v2;
	v1 =	vmul.u32 $0x8, v1;
	s8 =	simm.s32 $0x80;
	s9 =	simm.s32 $0x880;
	s6 =	sadd.s32 s31, s6  }
.LBB2_1:
0xd: {  	s18 =	smov.u32 s5;
	s19 =	simm.s32 $0x0  }
.LBB2_2:
0xe: {  	s20 =	sadd.s32 s19, s6  }
0xf: {  	[tilespmem:s3], [sflag:$0x2] =	stream.linear.gather [hbm4b:s20+s3], $0x40, $0x38;
	[tilespmem:$0x4080] =	vst v63  }
0x10: {  	_ =	swait.ge [sflag:s7], $0x40  }
0x11: {  	[sflag:s7] =	ssyncset.done $0x0  }
0x12: {  	[sflag:s7] =	ssyncadd.s32 $0xFFFFFFC0  }
0x13: {  	v3 =	vld [tilespmem:$0x0];
	_ =	sdelay $0x4  }
0x14: {  	v4 =	vshll.u32 v3, $0x1  }
0x15: {  	v3 =	vand.u32 $0x7, v3;
	v4 =	vand.u32 $0xFFFFFFF0, v4  }
0x16: {  	v3 =	vor.u32 v3, v4  }
0x17: {  	v4 =	vperm.xlane v3, v0;
	_ =	sdelay $0x1  }
0x18: {  	v3 =	vperm.xlane v3, v2;
	v4 =	vadd.s32 v1, v4;
	_ =	sdelay $0x1  }
0x19: {  	v3 =	vadd.s32 v1, v3;
	_ =	sdelay $0x2  }
0x1a: {  	[tilespmem:s8], [sflag:$0x1] =	stream.indirect_vreg.gather [hbm4b:s2+s3], $0x80, v4, vm0, $0xb8;
	[tilespmem:$0x4080] =	vst v63  }
0x1b: {  	_ = 	snop  }
0x1c: {  	[tilespmem:s9], [sflag:$0x1] =	stream.indirect_vreg.gather [hbm4b:s2+s3], $0x80, v3, vm0, $0xb8;
	[tilespmem:$0x4080] =	vst v63  }
0x1d: {  	v3 =	vld [tilespmem:$0x10];
	_ =	sdelay $0x4  }
0x1e: {  	v61 =	vshll.u32 v3, $0x1  }
0x1f: {  	v3 =	vand.u32 $0x7, v3;
	v4 =	vand.u32 $0xFFFFFFF0, v61  }
0x20: {  	v3 =	vor.u32 v3, v4  }
0x21: {  	v4 =	vperm.xlane v3, v0;
	_ =	sdelay $0x1  }
0x22: {  	v3 =	vperm.xlane v3, v2;
	v4 =	vadd.s32 v1, v4;
	_ =	sdelay $0x1  }
0x23: {  	v3 =	vadd.s32 v1, v3;
	_ =	sdelay $0x2  }
0x24: {  	[tilespmem:s10], [sflag:$0x1] =	stream.indirect_vreg.gather [hbm4b:s2+s3], $0x80, v4, vm0, $0xb8;
	[tilespmem:$0x4080] =	vst v63  }
0x25: {  	_ = 	snop  }
0x26: {  	[tilespmem:s11], [sflag:$0x1] =	stream.indirect_vreg.gather [hbm4b:s2+s3], $0x80, v3, vm0, $0xb8;
	[tilespmem:$0x4080] =	vst v63  }
0x27: {  	v3 =	vld [tilespmem:$0x20];
	_ =	sdelay $0x4  }
0x28: {  	v62 =	vshll.u32 v3, $0x1  }
0x29: {  	v3 =	vand.u32 $0x7, v3;
	v4 =	vand.u32 $0xFFFFFFF0, v62  }
0x2a: {  	v3 =	vor.u32 v3, v4  }
0x2b: {  	v4 =	vperm.xlane v3, v0;
	_ =	sdelay $0x1  }
0x2c: {  	v3 =	vperm.xlane v3, v2;
	v4 =	vadd.s32 v1, v4;
	_ =	sdelay $0x1  }
0x2d: {  	v3 =	vadd.s32 v1, v3;
	_ =	sdelay $0x2  }
0x2e: {  	[tilespmem:s12], [sflag:$0x1] =	stream.indirect_vreg.gather [hbm4b:s2+s3], $0x80, v4, vm0, $0xb8;
	[tilespmem:$0x4080] =	vst v63  }
0x2f: {  	_ = 	snop  }
0x30: {  	[tilespmem:s13], [sflag:$0x1] =	stream.indirect_vreg.gather [hbm4b:s2+s3], $0x80, v3, vm0, $0xb8;
	[tilespmem:$0x4080] =	vst v63  }
0x31: {  	v3 =	vld [tilespmem:$0x30];
	_ =	sdelay $0x4  }
0x32: {  	v63 =	vshll.u32 v3, $0x1  }
0x33: {  	v3 =	vand.u32 $0x7, v3;
	v4 =	vand.u32 $0xFFFFFFF0, v63  }
0x34: {  	v3 =	vor.u32 v3, v4  }
0x35: {  	v4 =	vperm.xlane v3, v0;
	_ =	sdelay $0x1  }
0x36: {  	v3 =	vperm.xlane v3, v2;
	v4 =	vadd.s32 v1, v4;
	_ =	sdelay $0x1  }
0x37: {  	v3 =	vadd.s32 v1, v3;
	_ =	sdelay $0x2  }
0x38: {  	[tilespmem:s14], [sflag:$0x1] =	stream.indirect_vreg.gather [hbm4b:s2+s3], $0x80, v4, vm0, $0xb8;
	[tilespmem:$0x4080] =	vst v63  }
0x39: {  	_ = 	snop  }
0x3a: {  	[tilespmem:s15], [sflag:$0x1] =	stream.indirect_vreg.gather [hbm4b:s2+s3], $0x80, v3, vm0, $0xb8;
	[tilespmem:$0x4080] =	vst v63  }
0x3b: {  	_ =	swait.ge [sflag:s16], $0x4000  }
0x3c: {  	p0 =	sne.s32 s19, $0x20;
	[sflag:s16] =	ssyncset.done $0x0  }
.Ltmp0:
0x3d: {  	[sflag:s16] =	ssyncadd.s32 $0xFFFFC000;
	(pc) =	sbr.rel @p0 .LBB2_2-.Ltmp0, $4  }
0x3e: {  	[hbm4b:s18+s3] =	stream.linear.scatter [tilespmem:s8], [sflag:$0x2], $0x4000, $0x38;
	[tilespmem:$0x4080] =	vst v63  }
0x3f: {  	_ =	swait.ge [sflag:s7], $0x4000  }
0x40: {  	[sflag:s7] =	ssyncset.done $0x0  }
0x41: {  	s19 =	sadd.s32 $0x8, s19;
	s18 =	sadd.s32 $0x800, s18;
	[sflag:s7] =	ssyncadd.s32 $0xFFFFC000  }
0x42: {  	s17 =	sadd.s32 $0x1, s17  }
0x43: {  	p0 =	sne.s32 s17, s4  }
.Ltmp1:
0x44: {  	_ = 	snop;
	(pc) =	sbr.rel @p0 .LBB2_1-.Ltmp1, $1  }
0x45: {  	_ =	sdelay $0x3  }
0x46: {  	_ =	sfence.sel $0x180000  }
0x47: {  	[bflag:$0x0] =	sbarrier.arrive $0xFFFF  }
0x48: {  	p0 =	sne.s32 s0, $0x0;
	_ =	strace $0x90000047  }
0x49: {  	s0 =	sadd.s32 @!p0 $0x100000, s1;
	[bflag:$0x2] =	sbarrier.arrive $0xFFFF  }
0x4a: {  	[sflag:s0] =	ssyncadd.tile.s32 @!p0 $0x1;
	_ =	shalt  }
.Lfunc_end2:
_tile_overlayer_lowered:
.L_overlay_start_2:
0x4b: {  	(tag) =	ssettag $0x2  }
0x4c: {  	s0 =	rddreg [dreg:$0x0];
	s2 =	stileid.u32  }
0x4d: {  	s1 =	rddreg [dreg:$0x1];
	p0 =	sne.s32 s2, $0x0  }
0x4e: {  	s3 =	rddreg [dreg:$0x2];
	[bflag:$0x3] =	sbarrier.arrive $0xFFFF;
	s2 =	simm.s32 @!p0 $0x1C02  }
0x4f: {  	[timem:s3], [sflag:s2] =	dma.local @!p0 [hbm:s0], s1  }
0x50: {  	s0 =	simm.s32 @!p0 $0x2  }
0x51: {  	_ =	swait.ge @!p0 [sflag:s0], s1  }
0x52: {  	s1 =	ssub.s32 @!p0 $0x0, s1;
	[sflag:s0] =	ssyncset.done @!p0 $0x0  }
0x53: {  	[sflag:s0] =	ssyncadd.s32 @!p0 s1  }
0x54: {  	[bflag:$0x3] =	sbarrier.arrive $0xFFFF  }
0x55: {  	_ =	shalt  }

// kernel: kernel.16.cloned.1.call-start
scs
__scs_entry_jumppad:
0x0: {  	(pc) =	sbr.rel $0x88, $3  }
0x1: {  	(tag) =	ssettag $0x0;
	lr =	simm.s32 $0x1  }
0x2: {  	[smem:$0x3F8A] =	sst lr;
	_ =	strace $0xD0000000  }
0x3: {  	_ = 	snop  }
0x4: {  	_ = 	snop  }
0x5: {  	_ = 	snop  }
0x6: {  	_ = 	snop  }
0x7: {  	_ = 	snop  }
__scs_overlays_trampoline_lowered:
0x8: {  	[smem:$0x3F99] =	sst s0  }
0x9: {  	[smem:$0x3F9A] =	sst s1  }
0xa: {  	[smem:$0x3F9B] =	sst s2  }
0xb: {  	[smem:$0x3F9C] =	sst s3  }
0xc: {  	[smem:$0x3F9D] =	sst s4  }
0xd: {  	[smem:$0x3F9E] =	sst s5  }
0xe: {  	[smem:$0x3F9F] =	sst s6  }
0xf: {  	[smem:$0x3FA0] =	sst s7  }
0x10: {  	[smem:$0x3FA1] =	sst s8  }
0x11: {  	[smem:$0x3FA2] =	sst s9;
	s0 =	simm.s32 @!p0 $0x0  }
0x12: {  	s1 =	sld [smem:$0x3F88];
	s0 =	simm.s32 @p0 $0x1  }
0x13: {  	[smem:$0x3FA3] =	sst s0;
	s0 =	simm.s32 @!p1 $0x0  }
0x14: {  	s2 =	sld [smem:$0x3F87];
	s0 =	simm.s32 @p1 $0x1  }
0x15: {  	[smem:$0x3FA4] =	sst s0;
	s0 =	simm.s32 @!p2 $0x0  }
0x16: {  	s3 =	sld [smem:$0x3FDB];
	s0 =	simm.s32 @p2 $0x1  }
0x17: {  	s4 =	simm.s32 $0x1BF5;
	[smem:$0x3FA6] =	sst s0  }
0x18: {  	s0 =	sld [smem:$0x3F89];
	_ =	swait.ge [sflag:s4], $0x0  }
0x19: {  	s7 =	sld [smem:$0x3F8A]  }
0x1a: {  	s8 =	sadd.s32 $0xFFFFE003, lr  }
0x1b: {  	s9 =	sadd.s32 $0xFFFFFEF7, lr;
	s5 =	simm.s32 $0xFFFFFFFF;
	p2 =	slt.u32 s8, $0xFFFFF086  }
0x1c: {  	p1 =	slt.u32 s9, $0xF7A;
	s5 =	simm.s32 @!p2 $0x0  }
0x1d: {  	s5 =	simm.s32 @p1 $0x1;
	p0 =	seq.s32 s7, s2  }
0x1e: {  	s7 =	smul.u32 @!p0 $0xF7A, s2;
	p2 =	seq.s32 @!p0 s5, $0x0  }
0x1f: {  	s9 =	smul.u32 $0xF7A, s1;
	s8 =	simm.s32 @!p0 $0x1BF5;
	p2 =	por !p2, p0  }
0x20: {  	[sflag:s8] =	ssyncset.s32 @!p0 $0xFFFFF086;
	s6 =	sadd.s32 @!p0 s3, s7;
	s7 =	simm.s32 @!p0 $0x108  }
0x21: {  	s3 =	sadd.s32 s3, s9;
	s6 =	sadd.s32 @!p0 $0x88, s6;
	s7 =	simm.s32 @p2 $0x1082  }
0x22: {  	[simem:s7], [sflag:s8] =	dma.local @!p0 [hbm:s6], $0xF7A  }
0x23: {  	s9 =	sor.u32 $0xD0000000, s2;
	s6 =	simm.s32 $0x108;
	_ =	swait.ge @!p0 [sflag:s8], $0x0  }
0x24: {  	s3 =	sadd.s32 $0x88, s3;
	s6 =	simm.s32 @!p1 $0x1082;
	[sflag:s4] =	ssyncset.s32 $0xFFFFF086  }
0x25: {  	[simem:s6], [sflag:s4] =	dma.local [hbm:s3], $0xF7A  }
0x26: {  	[smem:$0x3F8A] =	sst s1;
	(tag) =	ssettag s2;
	_ =	strace s9  }
0x27: {  	s1 =	sld [smem:$0x3F9A]  }
0x28: {  	s2 =	sld [smem:$0x3F9B]  }
0x29: {  	s4 =	sld [smem:$0x3F9D]  }
0x2a: {  	p0 =	seq.s32 s5, $0x0;
	s5 =	sld [smem:$0x3F9E]  }
0x2b: {  	s6 =	sld [smem:$0x3F9F]  }
0x2c: {  	s7 =	sld [smem:$0x3FA0]  }
0x2d: {  	s3 =	simm.s32 $0x108;
	s8 =	sld [smem:$0x3FA1]  }
0x2e: {  	s3 =	simm.s32 @!p0 $0x1082;
	s9 =	sld [smem:$0x3FA2]  }
0x2f: {  	lr =	sadd.s32 s0, s3;
	s0 =	sld [smem:$0x3F99]  }
0x30: {  	s3 =	sld [smem:$0x3F9C]  }
0x31: {  	[smem:$0x3FA5] =	sst s10  }
0x32: {  	s10 =	sld [smem:$0x3FA3];
	_ =	sdelay $0x3  }
0x33: {  	p0 =	seq.s32 s10, $0x1;
	s10 =	sld [smem:$0x3FA5];
	_ =	sdelay $0x3  }
0x34: {  	[smem:$0x3FA5] =	sst s10  }
0x35: {  	s10 =	sld [smem:$0x3FA4];
	_ =	sdelay $0x3  }
0x36: {  	p1 =	seq.s32 s10, $0x1;
	s10 =	sld [smem:$0x3FA5];
	_ =	sdelay $0x3  }
0x37: {  	[smem:$0x3FA5] =	sst s10  }
0x38: {  	s10 =	sld [smem:$0x3FA6]  }
0x39: {  	_ = 	snop;
	(pc) =	sbr.ind lr, $3  }
0x3a: {  	_ = 	snop  }
0x3b: {  	_ = 	snop  }
0x3c: {  	p2 =	seq.s32 s10, $0x1;
	s10 =	sld [smem:$0x3FA5]  }
0x3d: {  	_ =	shalt  }
0x3e: {  	_ =	shalt  }
0x3f: {  	_ =	shalt  }
0x40: {  	_ =	shalt  }
0x41: {  	_ =	shalt  }
0x42: {  	_ =	shalt  }
0x43: {  	_ =	shalt  }
0x44: {  	_ =	shalt  }
0x45: {  	_ =	shalt  }
0x46: {  	_ =	shalt  }
0x47: {  	_ =	shalt  }
0x48: {  	_ =	shalt  }
0x49: {  	_ =	shalt  }
0x4a: {  	_ =	shalt  }
0x4b: {  	_ =	shalt  }
0x4c: {  	_ =	shalt  }
0x4d: {  	_ =	shalt  }
0x4e: {  	_ =	shalt  }
0x4f: {  	_ =	shalt  }
0x50: {  	_ =	shalt  }
0x51: {  	_ =	shalt  }
0x52: {  	_ =	shalt  }
0x53: {  	_ =	shalt  }
0x54: {  	_ =	shalt  }
0x55: {  	_ =	shalt  }
0x56: {  	_ =	shalt  }
0x57: {  	_ =	shalt  }
0x58: {  	_ =	shalt  }
0x59: {  	_ =	shalt  }
0x5a: {  	_ =	shalt  }
0x5b: {  	_ =	shalt  }
0x5c: {  	_ =	shalt  }
0x5d: {  	_ =	shalt  }
0x5e: {  	_ =	shalt  }
0x5f: {  	_ =	shalt  }
0x60: {  	_ =	shalt  }
0x61: {  	_ =	shalt  }
0x62: {  	_ =	shalt  }
0x63: {  	_ =	shalt  }
0x64: {  	_ =	shalt  }
0x65: {  	_ =	shalt  }
0x66: {  	_ =	shalt  }
0x67: {  	_ =	shalt  }
0x68: {  	_ =	shalt  }
0x69: {  	_ =	shalt  }
0x6a: {  	_ =	shalt  }
0x6b: {  	_ =	shalt  }
0x6c: {  	_ =	shalt  }
0x6d: {  	_ =	shalt  }
0x6e: {  	_ =	shalt  }
0x6f: {  	_ =	shalt  }
0x70: {  	_ =	shalt  }
0x71: {  	_ =	shalt  }
0x72: {  	_ =	shalt  }
0x73: {  	_ =	shalt  }
0x74: {  	_ =	shalt  }
0x75: {  	_ =	shalt  }
0x76: {  	_ =	shalt  }
0x77: {  	_ =	shalt  }
0x78: {  	_ =	shalt  }
0x79: {  	_ =	shalt  }
0x7a: {  	_ =	shalt  }
0x7b: {  	_ =	shalt  }
0x7c: {  	_ =	shalt  }
0x7d: {  	_ =	shalt  }
0x7e: {  	_ =	shalt  }
0x7f: {  	_ =	shalt  }
0x80: {  	_ =	shalt  }
0x81: {  	_ =	shalt  }
0x82: {  	_ =	shalt  }
0x83: {  	_ =	shalt  }
0x84: {  	_ =	shalt  }
0x85: {  	_ =	shalt  }
0x86: {  	_ =	shalt  }
0x87: {  	_ =	shalt  }
.Lfunc_end0:
.L_simem_size_0:
called_computation.8_lowered:
.L_overlay_start_0:
0x88: {  	s2 =	sld [smem:$0x3FD9]  }
0x89: {  	s3 =	sld [smem:$0x3FFE];
	_ =	sdelay $0x1  }
0x8a: {  	s1 =	srdreg.scid  }
0x8b: {  	s0 =	sand.u32 $0x1, s1  }
0x8c: {  	s17 =	sshll.u32 s0, $0xA;
	s2 =	sadd.s32 s3, s2  }
0x8d: {  	s2 =	sadd.s32 s2, s17  }
0x8e: {  	[smem:$0x3FB1] =	sst s2  }
0x8f: {  	_ = 	snop  }
0x90: {  	(tm) =	ssettm $0x1  }
0x91: {  	s18 =	sld [smem:$0x3FFB];
	_ =	sdelay $0x3  }
0x92: {  	_ =	strace s18  }
0x93: {  	s2 =	sld [smem:$0x3FFC];
	_ =	sdelay $0x3  }
0x94: {  	_ =	strace s2  }
0x95: {  	s2 =	sld [smem:$0x3FFD];
	_ =	sdelay $0x3  }
0x96: {  	_ =	strace s2  }
0x97: {  	_ =	strace $0x8FFFFFFF  }
0x98: {  	s19 =	sld [smem:$0x3FDB];
	_ =	sdelay $0x1  }
0x99: {  	s20 =	simm.s32 $_scs_section_size  }
0x9a: {  	s4 =	simm.s32 $_size__tile_overlayer_lowered;
	s5 =	simm.s32 $_tile_overlayer_lowered  }
0x9b: {  	s6 =	simm.s32 $0x1BFF;
	s21 =	sshll.u32 s5, $0x1;
	s3 =	sadd.s32 s20, s19  }
0x9c: {  	s22 =	simm.s32 $0x0;
	s4 =	sshll.u32 s4, $0x1;
	s5 =	sadd.s32 s21, s3  }
0x9d: {  	[timem:s22], [sflag:s6] =	dma.local [hbm:s5], s4  }
0x9e: {  	_ =	swait.ge [sflag:s6], s4  }
0x9f: {  	s4 =	ssub.s32 $0x0, s4;
	[sflag:s6] =	ssyncset.done $0x0  }
0xa0: {  	[sflag:s6] =	ssyncadd.s32 s4;
	_ =	sdelay $0x1  }
0xa1: {  	s23 =	simm.s32 $0x1B8B  }
0xa2: {  	_ =	swait.ge [sflag:s23], $0x1  }
0xa3: {  	[sflag:s23] =	ssyncset.done $0x0  }
0xa4: {  	[sflag:s23] =	ssyncadd.s32 $0xFFFFFFFF  }
0xa5: {  	s4 =	sld [smem:$0x0]  }
0xa6: {  	s5 =	sand.u32 $0xFFFFFFFE, s1  }
0xa7: {  	p0 =	sne.s32 s1, s5  }
0xa8: {  	s5 =	sshll.u32 @p0 s5, $0xE  }
0xa9: {  	s5 =	sadd.s32 @p0 $0x11B8D, s5;
	s6 =	sshll.u32 @p0 s4, $0x11  }
0xaa: {  	s5 =	sor.u32 @p0 s6, s5  }
0xab: {  	[sflag:s5] =	ssyncadd.remote.s32 @p0 $0x1;
	_ =	sdelay $0x1  }
0xac: {  	s5 =	simm.s32 @p0 $0x1B8D  }
0xad: {  	_ =	swait.eq @p0 [sflag:s5], $0x1  }
0xae: {  	[sflag:s5] =	ssyncadd.s32 @p0 $0xFFFFFFFF  }
0xaf: {  	s6 =	sshll.u32 @!p0 s1, $0xE  }
0xb0: {  	s6 =	sor.u32 @!p0 $0x4000, s6;
	s5 =	simm.s32 @!p0 $0x1B8D  }
0xb1: {  	s4 =	sshll.u32 @!p0 s4, $0x11;
	s6 =	sadd.s32 @!p0 $0x11B8D, s6;
	_ =	swait.eq @!p0 [sflag:s5], $0x1  }
0xb2: {  	s4 =	sor.u32 @!p0 s4, s6;
	[sflag:s5] =	ssyncadd.s32 @!p0 $0xFFFFFFFF  }
0xb3: {  	s25 =	simm.s32 $0x1B8E;
	s24 =	sld [smem:$0x3FFE];
	[sflag:s4] =	ssyncadd.remote.s32 @!p0 $0x1  }
0xb4: {  	s26 =	simm.s32 $execute0_lowered;
	[smem:$0x3FD2] =	sst s25  }
0xb5: {  	s5 =	sshll.u32 s26, $0x1;
	_ =	strace $0x8000004C;
	[dreg:$0x1] =	wrdreg $0xFFFFFFFF  }
0xb6: {  	s28 =	simm.s32 $_size_execute0_lowered;
	s3 =	sadd.s32 s3, s5;
	[dreg:$0x0] =	wrdreg $0x0  }
0xb7: {  	s5 =	sshll.u32 s28, $0x1;
	[dreg:$0x2] =	wrdreg s3  }
0xb8: {  	[dreg:$0x3] =	wrdreg s5  }
0xb9: {  	[dreg:$0x4] =	wrdreg $0xC0  }
0xba: {  	_ =	task [dreg:s22], $0x5FFFF  }
0xbb: {  	[dreg:$0x1] =	wrdreg $0xFFFFFFFF  }
0xbc: {  	[dreg:$0x0] =	wrdreg $0x60  }
0xbd: {  	[dreg:$0x2] =	wrdreg s24  }
0xbe: {  	[dreg:$0x3] =	wrdreg $0xA  }
0xbf: {  	_ =	task.clear_ibuf [dreg:s22], $0x4FFFF;
	_ =	strace $0x9000004C  }
0xc0: {  	s29 =	simm.s32 $0xA;
	_ =	strace $0x8000004E  }
0xc1: {  	_ =	swait.ge [sflag:s29], $0x1  }
0xc2: {  	[sflag:s29] =	ssyncadd.s32 $0xFFFFFFFF  }
0xc3: {  	_ =	strace $0x9000004E  }
0xc4: {  	_ =	sfence  }
0xc5: {  	s30 =	sld [smem:$0x0];
	_ =	sdelay $0x2  }
0xc6: {  	s31 =	sshll.u32 s1, $0xD;
	s1 =	sshrl.u32 s1, $0x2  }
0xc7: {  	s4 =	sand.u32 $0x4000, s31;
	s1 =	sadd.s32 s1, s30  }
0xc8: {  	s0 =	sor.u32 s4, s0;
	s1 =	sshll.u32 s1, $0x11  }
0xc9: {  	s0 =	sor.u32 s1, s0  }
0xca: {  	s0 =	sadd.s32 $0x8F2B, s0  }
0xcb: {  	[sflag:s0] =	ssyncadd.remote.s32 $0x1  }
0xcc: {  	_ =	sfence.sel $0xFFFF  }
0xcd: {  	[dreg:$0x0] =	wrdreg $0xFFFFFFFF;
	(pc) =	sbr.abs _section_cstart, $3  }
0xce: {  	[dreg:$0x1] =	wrdreg $0xFFFFFFFF  }
0xcf: {  	_ =	task.clear_ibuf [dreg:s22], $0x2FFFF;
	_ =	strace $0x9FFFFFFF  }
0xd0: {  	(tm) =	ssettm $0x7FFFFFFF  }
0xd1: {  	_ =	shalt  }
tec
execute0_lowered:
.L_overlay_start_1:
0x0: {  	(tag) =	ssettag $0x1  }
0x1: {  	s4 =	rddreg [dreg:$0x0]  }
0x2: {  	s0 =	rddreg [dreg:$0x1];
	s2 =	simm.s32 $0x0;
	s3 =	srdreg.scid  }
0x3: {  	s1 =	stileid.u32;
	s10 =	simm.s32 $0x1080;
	s11 =	simm.s32 $0x1880  }
0x4: {  	s12 =	simm.s32 $0x2080;
	s13 =	simm.s32 $0x2880;
	s14 =	simm.s32 $0x3080  }
0x5: {  	s15 =	simm.s32 $0x3880;
	s16 =	simm.s32 $0x4080;
	s17 =	simm.s32 $0x4880  }
0x6: {  	s18 =	simm.s32 $0x1;
	s19 =	simm.s32 $0x0;
	s6 =	smul.u32 $0x50A0, s1  }
0x7: {  	[smem:$0x7FF] =	sst s2;
	s5 =	sand.u32 $0x1, s3;
	s8 =	smul.u32 $0xA1400, s1  }
0x8: {  	s3 =	sadd.s32 $0x600, s4;
	s7 =	smul.u32 $0x2850, s5;
	s9 =	ssub.s32 $0x2, s5  }
0x9: {  	_ =	strace $0x8000004D;
	s5 =	smul.u32 $0x50A00, s5;
	s31 =	sshrl.u32 s9, $0x1  }
0xa: {  	s8 =	sadd.s32 s8, s4;
	s6 =	sadd.s32 s7, s6;
	s7 =	ssub.s32 s9, s31  }
0xb: {  	v2 =	vlaneseq.u32;
	s5 =	sadd.s32 s5, s8;
	s8 =	simm.s32 $0x80;
	s6 =	sshrl.u32 s6, $0x3  }
0xc: {  	vm0 =	vmmov $0xffff;
	v1 =	vshrl.u32 v2, $0x3;
	s9 =	simm.s32 $0x880;
	s5 =	sadd.s32 $0x8CA00, s5;
	s6 =	sadd.s32 s6, s4  }
0xd: {  	v0 =	vand.u32 $0x7, v2;
	v2 =	vor.u32 $0x8, v2;
	v1 =	vmul.u32 $0x8, v1;
	s4 =	smax.u32 s7, $0x1;
	s7 =	simm.s32 $0x2;
	s6 =	sadd.s32 $0x82800, s6  }
.LBB2_1:
0xe: {  	s20 =	smov.u32 s5;
	s21 =	simm.s32 $0x0  }
.LBB2_2:
0xf: {  	s22 =	sadd.s32 s21, s6  }
0x10: {  	[tilespmem:s2], [sflag:$0x2] =	stream.linear.gather [hbm4b:s22+s2], $0x50, $0x38;
	[tilespmem:$0x5080] =	vst v63  }
0x11: {  	_ =	swait.ge [sflag:s7], $0x50  }
0x12: {  	[sflag:s7] =	ssyncset.done $0x0  }
0x13: {  	[sflag:s7] =	ssyncadd.s32 $0xFFFFFFB0  }
0x14: {  	v3 =	vld [tilespmem:$0x0];
	_ =	sdelay $0x4  }
0x15: {  	v4 =	vshll.u32 v3, $0x1  }
0x16: {  	v3 =	vand.u32 $0x7, v3;
	v4 =	vand.u32 $0xFFFFFFF0, v4  }
0x17: {  	v3 =	vor.u32 v3, v4  }
0x18: {  	v4 =	vperm.xlane v3, v0;
	_ =	sdelay $0x1  }
0x19: {  	v3 =	vperm.xlane v3, v2;
	v4 =	vadd.s32 v1, v4;
	_ =	sdelay $0x1  }
0x1a: {  	v3 =	vadd.s32 v1, v3;
	_ =	sdelay $0x2  }
0x1b: {  	[tilespmem:s8], [sflag:$0x1] =	stream.indirect_vreg.gather [hbm4b:s3+s2], $0x80, v4, vm0, $0xb8;
	[tilespmem:$0x5080] =	vst v63  }
0x1c: {  	_ = 	snop  }
0x1d: {  	[tilespmem:s9], [sflag:$0x1] =	stream.indirect_vreg.gather [hbm4b:s3+s2], $0x80, v3, vm0, $0xb8;
	[tilespmem:$0x5080] =	vst v63  }
0x1e: {  	v3 =	vld [tilespmem:$0x10];
	_ =	sdelay $0x4  }
0x1f: {  	v60 =	vshll.u32 v3, $0x1  }
0x20: {  	v3 =	vand.u32 $0x7, v3;
	v4 =	vand.u32 $0xFFFFFFF0, v60  }
0x21: {  	v3 =	vor.u32 v3, v4  }
0x22: {  	v4 =	vperm.xlane v3, v0;
	_ =	sdelay $0x1  }
0x23: {  	v3 =	vperm.xlane v3, v2;
	v4 =	vadd.s32 v1, v4;
	_ =	sdelay $0x1  }
0x24: {  	v3 =	vadd.s32 v1, v3;
	_ =	sdelay $0x2  }
0x25: {  	[tilespmem:s10], [sflag:$0x1] =	stream.indirect_vreg.gather [hbm4b:s3+s2], $0x80, v4, vm0, $0xb8;
	[tilespmem:$0x5080] =	vst v63  }
0x26: {  	_ = 	snop  }
0x27: {  	[tilespmem:s11], [sflag:$0x1] =	stream.indirect_vreg.gather [hbm4b:s3+s2], $0x80, v3, vm0, $0xb8;
	[tilespmem:$0x5080] =	vst v63  }
0x28: {  	v3 =	vld [tilespmem:$0x20];
	_ =	sdelay $0x4  }
0x29: {  	v61 =	vshll.u32 v3, $0x1  }
0x2a: {  	v3 =	vand.u32 $0x7, v3;
	v4 =	vand.u32 $0xFFFFFFF0, v61  }
0x2b: {  	v3 =	vor.u32 v3, v4  }
0x2c: {  	v4 =	vperm.xlane v3, v0;
	_ =	sdelay $0x1  }
0x2d: {  	v3 =	vperm.xlane v3, v2;
	v4 =	vadd.s32 v1, v4;
	_ =	sdelay $0x1  }
0x2e: {  	v3 =	vadd.s32 v1, v3;
	_ =	sdelay $0x2  }
0x2f: {  	[tilespmem:s12], [sflag:$0x1] =	stream.indirect_vreg.gather [hbm4b:s3+s2], $0x80, v4, vm0, $0xb8;
	[tilespmem:$0x5080] =	vst v63  }
0x30: {  	_ = 	snop  }
0x31: {  	[tilespmem:s13], [sflag:$0x1] =	stream.indirect_vreg.gather [hbm4b:s3+s2], $0x80, v3, vm0, $0xb8;
	[tilespmem:$0x5080] =	vst v63  }
0x32: {  	v3 =	vld [tilespmem:$0x30];
	_ =	sdelay $0x4  }
0x33: {  	v62 =	vshll.u32 v3, $0x1  }
0x34: {  	v3 =	vand.u32 $0x7, v3;
	v4 =	vand.u32 $0xFFFFFFF0, v62  }
0x35: {  	v3 =	vor.u32 v3, v4  }
0x36: {  	v4 =	vperm.xlane v3, v0;
	_ =	sdelay $0x1  }
0x37: {  	v3 =	vperm.xlane v3, v2;
	v4 =	vadd.s32 v1, v4;
	_ =	sdelay $0x1  }
0x38: {  	v3 =	vadd.s32 v1, v3;
	_ =	sdelay $0x2  }
0x39: {  	[tilespmem:s14], [sflag:$0x1] =	stream.indirect_vreg.gather [hbm4b:s3+s2], $0x80, v4, vm0, $0xb8;
	[tilespmem:$0x5080] =	vst v63  }
0x3a: {  	_ = 	snop  }
0x3b: {  	[tilespmem:s15], [sflag:$0x1] =	stream.indirect_vreg.gather [hbm4b:s3+s2], $0x80, v3, vm0, $0xb8;
	[tilespmem:$0x5080] =	vst v63  }
0x3c: {  	v3 =	vld [tilespmem:$0x40];
	_ =	sdelay $0x4  }
0x3d: {  	v63 =	vshll.u32 v3, $0x1  }
0x3e: {  	v3 =	vand.u32 $0x7, v3;
	v4 =	vand.u32 $0xFFFFFFF0, v63  }
0x3f: {  	v3 =	vor.u32 v3, v4  }
0x40: {  	v4 =	vperm.xlane v3, v0;
	_ =	sdelay $0x1  }
0x41: {  	v3 =	vperm.xlane v3, v2;
	v4 =	vadd.s32 v1, v4;
	_ =	sdelay $0x1  }
0x42: {  	v3 =	vadd.s32 v1, v3;
	_ =	sdelay $0x2  }
0x43: {  	[tilespmem:s16], [sflag:$0x1] =	stream.indirect_vreg.gather [hbm4b:s3+s2], $0x80, v4, vm0, $0xb8;
	[tilespmem:$0x5080] =	vst v63  }
0x44: {  	_ = 	snop  }
0x45: {  	[tilespmem:s17], [sflag:$0x1] =	stream.indirect_vreg.gather [hbm4b:s3+s2], $0x80, v3, vm0, $0xb8;
	[tilespmem:$0x5080] =	vst v63  }
0x46: {  	_ =	swait.ge [sflag:s18], $0x5000  }
0x47: {  	p0 =	sne.s32 s21, $0x500;
	[sflag:s18] =	ssyncset.done $0x0  }
.Ltmp0:
0x48: {  	[sflag:s18] =	ssyncadd.s32 $0xFFFFB000;
	(pc) =	sbr.rel @p0 .LBB2_2-.Ltmp0, $4  }
0x49: {  	[hbm4b:s20+s2] =	stream.linear.scatter [tilespmem:s8], [sflag:$0x2], $0x5000, $0x38;
	[tilespmem:$0x5080] =	vst v63  }
0x4a: {  	_ =	swait.ge [sflag:s7], $0x5000  }
0x4b: {  	[sflag:s7] =	ssyncset.done $0x0  }
0x4c: {  	s21 =	sadd.s32 $0xA, s21;
	s20 =	sadd.s32 $0xA00, s20;
	[sflag:s7] =	ssyncadd.s32 $0xFFFFB000  }
0x4d: {  	s19 =	sadd.s32 $0x1, s19  }
0x4e: {  	p0 =	sne.s32 s19, s4  }
.Ltmp1:
0x4f: {  	_ = 	snop;
	(pc) =	sbr.rel @p0 .LBB2_1-.Ltmp1, $1  }
0x50: {  	_ =	sdelay $0x3  }
0x51: {  	_ =	sfence.sel $0x180000  }
0x52: {  	[bflag:$0x0] =	sbarrier.arrive $0xFFFF  }
0x53: {  	p0 =	sne.s32 s1, $0x0;
	_ =	strace $0x9000004D  }
0x54: {  	s0 =	sadd.s32 @!p0 $0x100000, s0;
	[bflag:$0x2] =	sbarrier.arrive $0xFFFF  }
0x55: {  	[sflag:s0] =	ssyncadd.tile.s32 @!p0 $0x1;
	_ =	shalt  }
.Lfunc_end2:
_tile_overlayer_lowered:
.L_overlay_start_2:
0x56: {  	(tag) =	ssettag $0x2  }
0x57: {  	s0 =	rddreg [dreg:$0x0];
	s2 =	stileid.u32  }
0x58: {  	s1 =	rddreg [dreg:$0x1];
	p0 =	sne.s32 s2, $0x0  }
0x59: {  	s3 =	rddreg [dreg:$0x2];
	[bflag:$0x3] =	sbarrier.arrive $0xFFFF;
	s2 =	simm.s32 @!p0 $0x1C02  }
0x5a: {  	[timem:s3], [sflag:s2] =	dma.local @!p0 [hbm:s0], s1  }
0x5b: {  	s0 =	simm.s32 @!p0 $0x2  }
0x5c: {  	_ =	swait.ge @!p0 [sflag:s0], s1  }
0x5d: {  	s1 =	ssub.s32 @!p0 $0x0, s1;
	[sflag:s0] =	ssyncset.done @!p0 $0x0  }
0x5e: {  	[sflag:s0] =	ssyncadd.s32 @!p0 s1  }
0x5f: {  	[bflag:$0x3] =	sbarrier.arrive $0xFFFF  }
0x60: {  	_ =	shalt  }

// kernel: kernel.19.cloned.1.call-start
scs
__scs_entry_jumppad:
0x0: {  	(pc) =	sbr.rel $0x88, $3  }
0x1: {  	(tag) =	ssettag $0x0;
	lr =	simm.s32 $0x1  }
0x2: {  	[smem:$0x3F8A] =	sst lr;
	_ =	strace $0xD0000000  }
0x3: {  	_ = 	snop  }
0x4: {  	_ = 	snop  }
0x5: {  	_ = 	snop  }
0x6: {  	_ = 	snop  }
0x7: {  	_ = 	snop  }
__scs_overlays_trampoline_lowered:
0x8: {  	[smem:$0x3F99] =	sst s0  }
0x9: {  	[smem:$0x3F9A] =	sst s1  }
0xa: {  	[smem:$0x3F9B] =	sst s2  }
0xb: {  	[smem:$0x3F9C] =	sst s3  }
0xc: {  	[smem:$0x3F9D] =	sst s4  }
0xd: {  	[smem:$0x3F9E] =	sst s5  }
0xe: {  	[smem:$0x3F9F] =	sst s6  }
0xf: {  	[smem:$0x3FA0] =	sst s7  }
0x10: {  	[smem:$0x3FA1] =	sst s8  }
0x11: {  	[smem:$0x3FA2] =	sst s9;
	s0 =	simm.s32 @!p0 $0x0  }
0x12: {  	s1 =	sld [smem:$0x3F88];
	s0 =	simm.s32 @p0 $0x1  }
0x13: {  	[smem:$0x3FA3] =	sst s0;
	s0 =	simm.s32 @!p1 $0x0  }
0x14: {  	s2 =	sld [smem:$0x3F87];
	s0 =	simm.s32 @p1 $0x1  }
0x15: {  	[smem:$0x3FA4] =	sst s0;
	s0 =	simm.s32 @!p2 $0x0  }
0x16: {  	s3 =	sld [smem:$0x3FDB];
	s0 =	simm.s32 @p2 $0x1  }
0x17: {  	s4 =	simm.s32 $0x1BF5;
	[smem:$0x3FA6] =	sst s0  }
0x18: {  	s0 =	sld [smem:$0x3F89];
	_ =	swait.ge [sflag:s4], $0x0  }
0x19: {  	s7 =	sld [smem:$0x3F8A]  }
0x1a: {  	s8 =	sadd.s32 $0xFFFFE003, lr  }
0x1b: {  	s9 =	sadd.s32 $0xFFFFFEF7, lr;
	s5 =	simm.s32 $0xFFFFFFFF;
	p2 =	slt.u32 s8, $0xFFFFF086  }
0x1c: {  	p1 =	slt.u32 s9, $0xF7A;
	s5 =	simm.s32 @!p2 $0x0  }
0x1d: {  	s5 =	simm.s32 @p1 $0x1;
	p0 =	seq.s32 s7, s2  }
0x1e: {  	s7 =	smul.u32 @!p0 $0xF7A, s2;
	p2 =	seq.s32 @!p0 s5, $0x0  }
0x1f: {  	s9 =	smul.u32 $0xF7A, s1;
	s8 =	simm.s32 @!p0 $0x1BF5;
	p2 =	por !p2, p0  }
0x20: {  	[sflag:s8] =	ssyncset.s32 @!p0 $0xFFFFF086;
	s6 =	sadd.s32 @!p0 s3, s7;
	s7 =	simm.s32 @!p0 $0x108  }
0x21: {  	s3 =	sadd.s32 s3, s9;
	s6 =	sadd.s32 @!p0 $0x88, s6;
	s7 =	simm.s32 @p2 $0x1082  }
0x22: {  	[simem:s7], [sflag:s8] =	dma.local @!p0 [hbm:s6], $0xF7A  }
0x23: {  	s9 =	sor.u32 $0xD0000000, s2;
	s6 =	simm.s32 $0x108;
	_ =	swait.ge @!p0 [sflag:s8], $0x0  }
0x24: {  	s3 =	sadd.s32 $0x88, s3;
	s6 =	simm.s32 @!p1 $0x1082;
	[sflag:s4] =	ssyncset.s32 $0xFFFFF086  }
0x25: {  	[simem:s6], [sflag:s4] =	dma.local [hbm:s3], $0xF7A  }
0x26: {  	[smem:$0x3F8A] =	sst s1;
	(tag) =	ssettag s2;
	_ =	strace s9  }
0x27: {  	s1 =	sld [smem:$0x3F9A]  }
0x28: {  	s2 =	sld [smem:$0x3F9B]  }
0x29: {  	s4 =	sld [smem:$0x3F9D]  }
0x2a: {  	p0 =	seq.s32 s5, $0x0;
	s5 =	sld [smem:$0x3F9E]  }
0x2b: {  	s6 =	sld [smem:$0x3F9F]  }
0x2c: {  	s7 =	sld [smem:$0x3FA0]  }
0x2d: {  	s3 =	simm.s32 $0x108;
	s8 =	sld [smem:$0x3FA1]  }
0x2e: {  	s3 =	simm.s32 @!p0 $0x1082;
	s9 =	sld [smem:$0x3FA2]  }
0x2f: {  	lr =	sadd.s32 s0, s3;
	s0 =	sld [smem:$0x3F99]  }
0x30: {  	s3 =	sld [smem:$0x3F9C]  }
0x31: {  	[smem:$0x3FA5] =	sst s10  }
0x32: {  	s10 =	sld [smem:$0x3FA3];
	_ =	sdelay $0x3  }
0x33: {  	p0 =	seq.s32 s10, $0x1;
	s10 =	sld [smem:$0x3FA5];
	_ =	sdelay $0x3  }
0x34: {  	[smem:$0x3FA5] =	sst s10  }
0x35: {  	s10 =	sld [smem:$0x3FA4];
	_ =	sdelay $0x3  }
0x36: {  	p1 =	seq.s32 s10, $0x1;
	s10 =	sld [smem:$0x3FA5];
	_ =	sdelay $0x3  }
0x37: {  	[smem:$0x3FA5] =	sst s10  }
0x38: {  	s10 =	sld [smem:$0x3FA6]  }
0x39: {  	_ = 	snop;
	(pc) =	sbr.ind lr, $3  }
0x3a: {  	_ = 	snop  }
0x3b: {  	_ = 	snop  }
0x3c: {  	p2 =	seq.s32 s10, $0x1;
	s10 =	sld [smem:$0x3FA5]  }
0x3d: {  	_ =	shalt  }
0x3e: {  	_ =	shalt  }
0x3f: {  	_ =	shalt  }
0x40: {  	_ =	shalt  }
0x41: {  	_ =	shalt  }
0x42: {  	_ =	shalt  }
0x43: {  	_ =	shalt  }
0x44: {  	_ =	shalt  }
0x45: {  	_ =	shalt  }
0x46: {  	_ =	shalt  }
0x47: {  	_ =	shalt  }
0x48: {  	_ =	shalt  }
0x49: {  	_ =	shalt  }
0x4a: {  	_ =	shalt  }
0x4b: {  	_ =	shalt  }
0x4c: {  	_ =	shalt  }
0x4d: {  	_ =	shalt  }
0x4e: {  	_ =	shalt  }
0x4f: {  	_ =	shalt  }
0x50: {  	_ =	shalt  }
0x51: {  	_ =	shalt  }
0x52: {  	_ =	shalt  }
0x53: {  	_ =	shalt  }
0x54: {  	_ =	shalt  }
0x55: {  	_ =	shalt  }
0x56: {  	_ =	shalt  }
0x57: {  	_ =	shalt  }
0x58: {  	_ =	shalt  }
0x59: {  	_ =	shalt  }
0x5a: {  	_ =	shalt  }
0x5b: {  	_ =	shalt  }
0x5c: {  	_ =	shalt  }
0x5d: {  	_ =	shalt  }
0x5e: {  	_ =	shalt  }
0x5f: {  	_ =	shalt  }
0x60: {  	_ =	shalt  }
0x61: {  	_ =	shalt  }
0x62: {  	_ =	shalt  }
0x63: {  	_ =	shalt  }
0x64: {  	_ =	shalt  }
0x65: {  	_ =	shalt  }
0x66: {  	_ =	shalt  }
0x67: {  	_ =	shalt  }
0x68: {  	_ =	shalt  }
0x69: {  	_ =	shalt  }
0x6a: {  	_ =	shalt  }
0x6b: {  	_ =	shalt  }
0x6c: {  	_ =	shalt  }
0x6d: {  	_ =	shalt  }
0x6e: {  	_ =	shalt  }
0x6f: {  	_ =	shalt  }
0x70: {  	_ =	shalt  }
0x71: {  	_ =	shalt  }
0x72: {  	_ =	shalt  }
0x73: {  	_ =	shalt  }
0x74: {  	_ =	shalt  }
0x75: {  	_ =	shalt  }
0x76: {  	_ =	shalt  }
0x77: {  	_ =	shalt  }
0x78: {  	_ =	shalt  }
0x79: {  	_ =	shalt  }
0x7a: {  	_ =	shalt  }
0x7b: {  	_ =	shalt  }
0x7c: {  	_ =	shalt  }
0x7d: {  	_ =	shalt  }
0x7e: {  	_ =	shalt  }
0x7f: {  	_ =	shalt  }
0x80: {  	_ =	shalt  }
0x81: {  	_ =	shalt  }
0x82: {  	_ =	shalt  }
0x83: {  	_ =	shalt  }
0x84: {  	_ =	shalt  }
0x85: {  	_ =	shalt  }
0x86: {  	_ =	shalt  }
0x87: {  	_ =	shalt  }
.Lfunc_end0:
.L_simem_size_0:
called_computation.9_lowered:
.L_overlay_start_0:
0x88: {  	s2 =	sld [smem:$0x3FD9]  }
0x89: {  	s3 =	sld [smem:$0x3FFE];
	_ =	sdelay $0x1  }
0x8a: {  	s1 =	srdreg.scid  }
0x8b: {  	s0 =	sand.u32 $0x1, s1  }
0x8c: {  	s16 =	sshll.u32 s0, $0xA;
	s2 =	sadd.s32 s3, s2  }
0x8d: {  	s2 =	sadd.s32 s2, s16  }
0x8e: {  	[smem:$0x3FB1] =	sst s2  }
0x8f: {  	_ = 	snop  }
0x90: {  	(tm) =	ssettm $0x1  }
0x91: {  	s17 =	sld [smem:$0x3FFB];
	_ =	sdelay $0x3  }
0x92: {  	_ =	strace s17  }
0x93: {  	s2 =	sld [smem:$0x3FFC];
	_ =	sdelay $0x3  }
0x94: {  	_ =	strace s2  }
0x95: {  	s2 =	sld [smem:$0x3FFD];
	_ =	sdelay $0x3  }
0x96: {  	_ =	strace s2  }
0x97: {  	_ =	strace $0x8FFFFFFF  }
0x98: {  	s18 =	sld [smem:$0x3FDB];
	_ =	sdelay $0x1  }
0x99: {  	s19 =	simm.s32 $_scs_section_size  }
0x9a: {  	s4 =	simm.s32 $_size__tile_overlayer_lowered;
	s5 =	simm.s32 $_tile_overlayer_lowered  }
0x9b: {  	s22 =	simm.s32 $0x1BFF;
	s21 =	sshll.u32 s5, $0x1;
	s2 =	sadd.s32 s19, s18  }
0x9c: {  	s6 =	simm.s32 $0x0;
	s20 =	sshll.u32 s4, $0x1;
	s4 =	sadd.s32 s21, s2  }
0x9d: {  	[timem:s6], [sflag:s22] =	dma.local [hbm:s4], s20  }
0x9e: {  	_ =	swait.ge [sflag:s22], s20  }
0x9f: {  	s3 =	ssub.s32 $0x0, s20;
	[sflag:s22] =	ssyncset.done $0x0  }
0xa0: {  	[sflag:s22] =	ssyncadd.s32 s3;
	_ =	sdelay $0x1  }
0xa1: {  	s23 =	simm.s32 $0x1B8B  }
0xa2: {  	_ =	swait.ge [sflag:s23], $0x1  }
0xa3: {  	[sflag:s23] =	ssyncset.done $0x0  }
0xa4: {  	s25 =	simm.s32 $0x1B8E;
	s24 =	sld [smem:$0x3FFE];
	[sflag:s23] =	ssyncadd.s32 $0xFFFFFFFF  }
0xa5: {  	s26 =	simm.s32 $execute0_lowered;
	[smem:$0x3FD2] =	sst s25  }
0xa6: {  	s4 =	sshll.u32 s26, $0x1;
	_ =	strace $0x80000052;
	[dreg:$0x1] =	wrdreg $0xFFFFFFFF  }
0xa7: {  	s28 =	simm.s32 $_size_execute0_lowered;
	s2 =	sadd.s32 s2, s4;
	[dreg:$0x0] =	wrdreg $0x0  }
0xa8: {  	s4 =	sshll.u32 s28, $0x1;
	[dreg:$0x2] =	wrdreg s2  }
0xa9: {  	[dreg:$0x3] =	wrdreg s4  }
0xaa: {  	[dreg:$0x4] =	wrdreg $0xC0  }
0xab: {  	_ =	task [dreg:s6], $0x5FFFF  }
0xac: {  	[dreg:$0x1] =	wrdreg $0xFFFFFFFF  }
0xad: {  	[dreg:$0x0] =	wrdreg $0x60  }
0xae: {  	[dreg:$0x2] =	wrdreg s24  }
0xaf: {  	[dreg:$0x3] =	wrdreg $0x9  }
0xb0: {  	_ =	task.clear_ibuf [dreg:s6], $0x4FFFF;
	_ =	strace $0x90000052  }
0xb1: {  	s29 =	simm.s32 $0x9;
	_ =	strace $0x80000054  }
0xb2: {  	_ =	swait.ge [sflag:s29], $0x1  }
0xb3: {  	[sflag:s29] =	ssyncadd.s32 $0xFFFFFFFF  }
0xb4: {  	_ =	strace $0x90000054  }
0xb5: {  	_ =	sfence  }
0xb6: {  	s30 =	sld [smem:$0x0];
	_ =	sdelay $0x2  }
0xb7: {  	s31 =	sshll.u32 s1, $0xD;
	s1 =	sshrl.u32 s1, $0x2  }
0xb8: {  	s3 =	sand.u32 $0x4000, s31;
	s1 =	sadd.s32 s1, s30  }
0xb9: {  	s0 =	sor.u32 s3, s0;
	s1 =	sshll.u32 s1, $0x11  }
0xba: {  	s0 =	sor.u32 s1, s0  }
0xbb: {  	s0 =	sadd.s32 $0x8F2B, s0  }
0xbc: {  	[sflag:s0] =	ssyncadd.remote.s32 $0x1  }
0xbd: {  	_ =	sfence.sel $0xFFFF  }
0xbe: {  	[dreg:$0x0] =	wrdreg $0xFFFFFFFF;
	(pc) =	sbr.abs _section_cstart, $3  }
0xbf: {  	[dreg:$0x1] =	wrdreg $0xFFFFFFFF  }
0xc0: {  	_ =	task.clear_ibuf [dreg:s6], $0x2FFFF;
	_ =	strace $0x9FFFFFFF  }
0xc1: {  	(tm) =	ssettm $0x7FFFFFFF  }
tec
execute0_lowered:
.L_overlay_start_1:
0x0: {  	(tag) =	ssettag $0x1  }
0x1: {  	s4 =	rddreg [dreg:$0x0]  }
0x2: {  	s0 =	rddreg [dreg:$0x1];
	s2 =	simm.s32 $0x0;
	s3 =	srdreg.scid  }
0x3: {  	s1 =	stileid.u32;
	s10 =	simm.s32 $0x1080;
	s11 =	simm.s32 $0x1880  }
0x4: {  	s12 =	simm.s32 $0x2080;
	s13 =	simm.s32 $0x2880;
	s14 =	simm.s32 $0x3080  }
0x5: {  	s15 =	simm.s32 $0x3880;
	s16 =	simm.s32 $0x4080;
	s17 =	simm.s32 $0x4880  }
0x6: {  	s18 =	simm.s32 $0x1;
	s19 =	simm.s32 $0x0;
	s6 =	smul.u32 $0x50A0, s1  }
0x7: {  	[smem:$0x7FF] =	sst s2;
	s5 =	sand.u32 $0x1, s3;
	s8 =	smul.u32 $0xA1400, s1  }
0x8: {  	s3 =	sadd.s32 $0x8CA00, s4;
	s7 =	smul.u32 $0x2850, s5;
	s9 =	ssub.s32 $0x2, s5  }
0x9: {  	_ =	strace $0x80000053;
	s5 =	smul.u32 $0x50A00, s5;
	s31 =	sshrl.u32 s9, $0x1  }
0xa: {  	s8 =	sadd.s32 s8, s4;
	s6 =	sadd.s32 s7, s6;
	s7 =	ssub.s32 s9, s31  }
0xb: {  	v2 =	vlaneseq.u32;
	s5 =	sadd.s32 s5, s8;
	s8 =	simm.s32 $0x80;
	s6 =	sshrl.u32 s6, $0x3  }
0xc: {  	vm0 =	vmmov $0xffff;
	v1 =	vshrl.u32 v2, $0x3;
	s9 =	simm.s32 $0x880;
	s5 =	sadd.s32 $0xABF000, s5;
	s6 =	sadd.s32 s6, s4  }
0xd: {  	v0 =	vand.u32 $0x7, v2;
	v2 =	vor.u32 $0x8, v2;
	v1 =	vmul.u32 $0x8, v1;
	s4 =	smax.u32 s7, $0x1;
	s7 =	simm.s32 $0x2;
	s6 =	sadd.s32 $0x82800, s6  }
.LBB2_1:
0xe: {  	s20 =	smov.u32 s5;
	s21 =	simm.s32 $0x0  }
.LBB2_2:
0xf: {  	s22 =	sadd.s32 s21, s6  }
0x10: {  	[tilespmem:s2], [sflag:$0x2] =	stream.linear.gather [hbm4b:s22+s2], $0x50, $0x38;
	[tilespmem:$0x5080] =	vst v63  }
0x11: {  	_ =	swait.ge [sflag:s7], $0x50  }
0x12: {  	[sflag:s7] =	ssyncset.done $0x0  }
0x13: {  	[sflag:s7] =	ssyncadd.s32 $0xFFFFFFB0  }
0x14: {  	v3 =	vld [tilespmem:$0x0];
	_ =	sdelay $0x4  }
0x15: {  	v4 =	vshll.u32 v3, $0x1  }
0x16: {  	v3 =	vand.u32 $0x7, v3;
	v4 =	vand.u32 $0xFFFFFFF0, v4  }
0x17: {  	v3 =	vor.u32 v3, v4  }
0x18: {  	v4 =	vperm.xlane v3, v0;
	_ =	sdelay $0x1  }
0x19: {  	v3 =	vperm.xlane v3, v2;
	v4 =	vadd.s32 v1, v4;
	_ =	sdelay $0x1  }
0x1a: {  	v3 =	vadd.s32 v1, v3;
	_ =	sdelay $0x2  }
0x1b: {  	[tilespmem:s8], [sflag:$0x1] =	stream.indirect_vreg.gather [hbm4b:s3+s2], $0x80, v4, vm0, $0xb8;
	[tilespmem:$0x5080] =	vst v63  }
0x1c: {  	_ = 	snop  }
0x1d: {  	[tilespmem:s9], [sflag:$0x1] =	stream.indirect_vreg.gather [hbm4b:s3+s2], $0x80, v3, vm0, $0xb8;
	[tilespmem:$0x5080] =	vst v63  }
0x1e: {  	v3 =	vld [tilespmem:$0x10];
	_ =	sdelay $0x4  }
0x1f: {  	v60 =	vshll.u32 v3, $0x1  }
0x20: {  	v3 =	vand.u32 $0x7, v3;
	v4 =	vand.u32 $0xFFFFFFF0, v60  }
0x21: {  	v3 =	vor.u32 v3, v4  }
0x22: {  	v4 =	vperm.xlane v3, v0;
	_ =	sdelay $0x1  }
0x23: {  	v3 =	vperm.xlane v3, v2;
	v4 =	vadd.s32 v1, v4;
	_ =	sdelay $0x1  }
0x24: {  	v3 =	vadd.s32 v1, v3;
	_ =	sdelay $0x2  }
0x25: {  	[tilespmem:s10], [sflag:$0x1] =	stream.indirect_vreg.gather [hbm4b:s3+s2], $0x80, v4, vm0, $0xb8;
	[tilespmem:$0x5080] =	vst v63  }
0x26: {  	_ = 	snop  }
0x27: {  	[tilespmem:s11], [sflag:$0x1] =	stream.indirect_vreg.gather [hbm4b:s3+s2], $0x80, v3, vm0, $0xb8;
	[tilespmem:$0x5080] =	vst v63  }
0x28: {  	v3 =	vld [tilespmem:$0x20];
	_ =	sdelay $0x4  }
0x29: {  	v61 =	vshll.u32 v3, $0x1  }
0x2a: {  	v3 =	vand.u32 $0x7, v3;
	v4 =	vand.u32 $0xFFFFFFF0, v61  }
0x2b: {  	v3 =	vor.u32 v3, v4  }
0x2c: {  	v4 =	vperm.xlane v3, v0;
	_ =	sdelay $0x1  }
0x2d: {  	v3 =	vperm.xlane v3, v2;
	v4 =	vadd.s32 v1, v4;
	_ =	sdelay $0x1  }
0x2e: {  	v3 =	vadd.s32 v1, v3;
	_ =	sdelay $0x2  }
0x2f: {  	[tilespmem:s12], [sflag:$0x1] =	stream.indirect_vreg.gather [hbm4b:s3+s2], $0x80, v4, vm0, $0xb8;
	[tilespmem:$0x5080] =	vst v63  }
0x30: {  	_ = 	snop  }
0x31: {  	[tilespmem:s13], [sflag:$0x1] =	stream.indirect_vreg.gather [hbm4b:s3+s2], $0x80, v3, vm0, $0xb8;
	[tilespmem:$0x5080] =	vst v63  }
0x32: {  	v3 =	vld [tilespmem:$0x30];
	_ =	sdelay $0x4  }
0x33: {  	v62 =	vshll.u32 v3, $0x1  }
0x34: {  	v3 =	vand.u32 $0x7, v3;
	v4 =	vand.u32 $0xFFFFFFF0, v62  }
0x35: {  	v3 =	vor.u32 v3, v4  }
0x36: {  	v4 =	vperm.xlane v3, v0;
	_ =	sdelay $0x1  }
0x37: {  	v3 =	vperm.xlane v3, v2;
	v4 =	vadd.s32 v1, v4;
	_ =	sdelay $0x1  }
0x38: {  	v3 =	vadd.s32 v1, v3;
	_ =	sdelay $0x2  }
0x39: {  	[tilespmem:s14], [sflag:$0x1] =	stream.indirect_vreg.gather [hbm4b:s3+s2], $0x80, v4, vm0, $0xb8;
	[tilespmem:$0x5080] =	vst v63  }
0x3a: {  	_ = 	snop  }
0x3b: {  	[tilespmem:s15], [sflag:$0x1] =	stream.indirect_vreg.gather [hbm4b:s3+s2], $0x80, v3, vm0, $0xb8;
	[tilespmem:$0x5080] =	vst v63  }
0x3c: {  	v3 =	vld [tilespmem:$0x40];
	_ =	sdelay $0x4  }
0x3d: {  	v63 =	vshll.u32 v3, $0x1  }
0x3e: {  	v3 =	vand.u32 $0x7, v3;
	v4 =	vand.u32 $0xFFFFFFF0, v63  }
0x3f: {  	v3 =	vor.u32 v3, v4  }
0x40: {  	v4 =	vperm.xlane v3, v0;
	_ =	sdelay $0x1  }
0x41: {  	v3 =	vperm.xlane v3, v2;
	v4 =	vadd.s32 v1, v4;
	_ =	sdelay $0x1  }
0x42: {  	v3 =	vadd.s32 v1, v3;
	_ =	sdelay $0x2  }
0x43: {  	[tilespmem:s16], [sflag:$0x1] =	stream.indirect_vreg.gather [hbm4b:s3+s2], $0x80, v4, vm0, $0xb8;
	[tilespmem:$0x5080] =	vst v63  }
0x44: {  	_ = 	snop  }
0x45: {  	[tilespmem:s17], [sflag:$0x1] =	stream.indirect_vreg.gather [hbm4b:s3+s2], $0x80, v3, vm0, $0xb8;
	[tilespmem:$0x5080] =	vst v63  }
0x46: {  	_ =	swait.ge [sflag:s18], $0x5000  }
0x47: {  	p0 =	sne.s32 s21, $0x500;
	[sflag:s18] =	ssyncset.done $0x0  }
.Ltmp0:
0x48: {  	[sflag:s18] =	ssyncadd.s32 $0xFFFFB000;
	(pc) =	sbr.rel @p0 .LBB2_2-.Ltmp0, $4  }
0x49: {  	[hbm4b:s20+s2] =	stream.linear.scatter [tilespmem:s8], [sflag:$0x2], $0x5000, $0x38;
	[tilespmem:$0x5080] =	vst v63  }
0x4a: {  	_ =	swait.ge [sflag:s7], $0x5000  }
0x4b: {  	[sflag:s7] =	ssyncset.done $0x0  }
0x4c: {  	s21 =	sadd.s32 $0xA, s21;
	s20 =	sadd.s32 $0xA00, s20;
	[sflag:s7] =	ssyncadd.s32 $0xFFFFB000  }
0x4d: {  	s19 =	sadd.s32 $0x1, s19  }
0x4e: {  	p0 =	sne.s32 s19, s4  }
.Ltmp1:
0x4f: {  	_ = 	snop;
	(pc) =	sbr.rel @p0 .LBB2_1-.Ltmp1, $1  }
0x50: {  	_ =	sdelay $0x3  }
0x51: {  	_ =	sfence.sel $0x180000  }
0x52: {  	[bflag:$0x0] =	sbarrier.arrive $0xFFFF  }
0x53: {  	p0 =	sne.s32 s1, $0x0;
	_ =	strace $0x90000053  }
0x54: {  	s0 =	sadd.s32 @!p0 $0x100000, s0;
	[bflag:$0x2] =	sbarrier.arrive $0xFFFF  }
0x55: {  	[sflag:s0] =	ssyncadd.tile.s32 @!p0 $0x1;
	_ =	shalt  }
.Lfunc_end2:
_tile_overlayer_lowered:
.L_overlay_start_2:
0x56: {  	(tag) =	ssettag $0x2  }
0x57: {  	s0 =	rddreg [dreg:$0x0];
	s2 =	stileid.u32  }
0x58: {  	s1 =	rddreg [dreg:$0x1];
	p0 =	sne.s32 s2, $0x0  }
0x59: {  	s3 =	rddreg [dreg:$0x2];
	[bflag:$0x3] =	sbarrier.arrive $0xFFFF;
	s2 =	simm.s32 @!p0 $0x1C02  }
0x5a: {  	[timem:s3], [sflag:s2] =	dma.local @!p0 [hbm:s0], s1  }
0x5b: {  	s0 =	simm.s32 @!p0 $0x2  }
0x5c: {  	_ =	swait.ge @!p0 [sflag:s0], s1  }
0x5d: {  	s1 =	ssub.s32 @!p0 $0x0, s1;
	[sflag:s0] =	ssyncset.done @!p0 $0x0  }
0x5e: {  	[sflag:s0] =	ssyncadd.s32 @!p0 s1  }
0x5f: {  	[bflag:$0x3] =	sbarrier.arrive $0xFFFF  }
0x60: {  	_ =	shalt  }

// kernel: kernel.22.cloned.1.call-start
scs
__scs_entry_jumppad:
0x0: {  	(pc) =	sbr.rel $0x88, $3  }
0x1: {  	(tag) =	ssettag $0x0;
	lr =	simm.s32 $0x1  }
0x2: {  	[smem:$0x3F8A] =	sst lr;
	_ =	strace $0xD0000000  }
0x3: {  	_ = 	snop  }
0x4: {  	_ = 	snop  }
0x5: {  	_ = 	snop  }
0x6: {  	_ = 	snop  }
0x7: {  	_ = 	snop  }
__scs_overlays_trampoline_lowered:
0x8: {  	[smem:$0x3F99] =	sst s0  }
0x9: {  	[smem:$0x3F9A] =	sst s1  }
0xa: {  	[smem:$0x3F9B] =	sst s2  }
0xb: {  	[smem:$0x3F9C] =	sst s3  }
0xc: {  	[smem:$0x3F9D] =	sst s4  }
0xd: {  	[smem:$0x3F9E] =	sst s5  }
0xe: {  	[smem:$0x3F9F] =	sst s6  }
0xf: {  	[smem:$0x3FA0] =	sst s7  }
0x10: {  	[smem:$0x3FA1] =	sst s8  }
0x11: {  	[smem:$0x3FA2] =	sst s9;
	s0 =	simm.s32 @!p0 $0x0  }
0x12: {  	s1 =	sld [smem:$0x3F88];
	s0 =	simm.s32 @p0 $0x1  }
0x13: {  	[smem:$0x3FA3] =	sst s0;
	s0 =	simm.s32 @!p1 $0x0  }
0x14: {  	s2 =	sld [smem:$0x3F87];
	s0 =	simm.s32 @p1 $0x1  }
0x15: {  	[smem:$0x3FA4] =	sst s0;
	s0 =	simm.s32 @!p2 $0x0  }
0x16: {  	s3 =	sld [smem:$0x3FDB];
	s0 =	simm.s32 @p2 $0x1  }
0x17: {  	s4 =	simm.s32 $0x1BF5;
	[smem:$0x3FA6] =	sst s0  }
0x18: {  	s0 =	sld [smem:$0x3F89];
	_ =	swait.ge [sflag:s4], $0x0  }
0x19: {  	s7 =	sld [smem:$0x3F8A]  }
0x1a: {  	s8 =	sadd.s32 $0xFFFFE003, lr  }
0x1b: {  	s9 =	sadd.s32 $0xFFFFFEF7, lr;
	s5 =	simm.s32 $0xFFFFFFFF;
	p2 =	slt.u32 s8, $0xFFFFF086  }
0x1c: {  	p1 =	slt.u32 s9, $0xF7A;
	s5 =	simm.s32 @!p2 $0x0  }
0x1d: {  	s5 =	simm.s32 @p1 $0x1;
	p0 =	seq.s32 s7, s2  }
0x1e: {  	s7 =	smul.u32 @!p0 $0xF7A, s2;
	p2 =	seq.s32 @!p0 s5, $0x0  }
0x1f: {  	s9 =	smul.u32 $0xF7A, s1;
	s8 =	simm.s32 @!p0 $0x1BF5;
	p2 =	por !p2, p0  }
0x20: {  	[sflag:s8] =	ssyncset.s32 @!p0 $0xFFFFF086;
	s6 =	sadd.s32 @!p0 s3, s7;
	s7 =	simm.s32 @!p0 $0x108  }
0x21: {  	s3 =	sadd.s32 s3, s9;
	s6 =	sadd.s32 @!p0 $0x88, s6;
	s7 =	simm.s32 @p2 $0x1082  }
0x22: {  	[simem:s7], [sflag:s8] =	dma.local @!p0 [hbm:s6], $0xF7A  }
0x23: {  	s9 =	sor.u32 $0xD0000000, s2;
	s6 =	simm.s32 $0x108;
	_ =	swait.ge @!p0 [sflag:s8], $0x0  }
0x24: {  	s3 =	sadd.s32 $0x88, s3;
	s6 =	simm.s32 @!p1 $0x1082;
	[sflag:s4] =	ssyncset.s32 $0xFFFFF086  }
0x25: {  	[simem:s6], [sflag:s4] =	dma.local [hbm:s3], $0xF7A  }
0x26: {  	[smem:$0x3F8A] =	sst s1;
	(tag) =	ssettag s2;
	_ =	strace s9  }
0x27: {  	s1 =	sld [smem:$0x3F9A]  }
0x28: {  	s2 =	sld [smem:$0x3F9B]  }
0x29: {  	s4 =	sld [smem:$0x3F9D]  }
0x2a: {  	p0 =	seq.s32 s5, $0x0;
	s5 =	sld [smem:$0x3F9E]  }
0x2b: {  	s6 =	sld [smem:$0x3F9F]  }
0x2c: {  	s7 =	sld [smem:$0x3FA0]  }
0x2d: {  	s3 =	simm.s32 $0x108;
	s8 =	sld [smem:$0x3FA1]  }
0x2e: {  	s3 =	simm.s32 @!p0 $0x1082;
	s9 =	sld [smem:$0x3FA2]  }
0x2f: {  	lr =	sadd.s32 s0, s3;
	s0 =	sld [smem:$0x3F99]  }
0x30: {  	s3 =	sld [smem:$0x3F9C]  }
0x31: {  	[smem:$0x3FA5] =	sst s10  }
0x32: {  	s10 =	sld [smem:$0x3FA3];
	_ =	sdelay $0x3  }
0x33: {  	p0 =	seq.s32 s10, $0x1;
	s10 =	sld [smem:$0x3FA5];
	_ =	sdelay $0x3  }
0x34: {  	[smem:$0x3FA5] =	sst s10  }
0x35: {  	s10 =	sld [smem:$0x3FA4];
	_ =	sdelay $0x3  }
0x36: {  	p1 =	seq.s32 s10, $0x1;
	s10 =	sld [smem:$0x3FA5];
	_ =	sdelay $0x3  }
0x37: {  	[smem:$0x3FA5] =	sst s10  }
0x38: {  	s10 =	sld [smem:$0x3FA6]  }
0x39: {  	_ = 	snop;
	(pc) =	sbr.ind lr, $3  }
0x3a: {  	_ = 	snop  }
0x3b: {  	_ = 	snop  }
0x3c: {  	p2 =	seq.s32 s10, $0x1;
	s10 =	sld [smem:$0x3FA5]  }
0x3d: {  	_ =	shalt  }
0x3e: {  	_ =	shalt  }
0x3f: {  	_ =	shalt  }
0x40: {  	_ =	shalt  }
0x41: {  	_ =	shalt  }
0x42: {  	_ =	shalt  }
0x43: {  	_ =	shalt  }
0x44: {  	_ =	shalt  }
0x45: {  	_ =	shalt  }
0x46: {  	_ =	shalt  }
0x47: {  	_ =	shalt  }
0x48: {  	_ =	shalt  }
0x49: {  	_ =	shalt  }
0x4a: {  	_ =	shalt  }
0x4b: {  	_ =	shalt  }
0x4c: {  	_ =	shalt  }
0x4d: {  	_ =	shalt  }
0x4e: {  	_ =	shalt  }
0x4f: {  	_ =	shalt  }
0x50: {  	_ =	shalt  }
0x51: {  	_ =	shalt  }
0x52: {  	_ =	shalt  }
0x53: {  	_ =	shalt  }
0x54: {  	_ =	shalt  }
0x55: {  	_ =	shalt  }
0x56: {  	_ =	shalt  }
0x57: {  	_ =	shalt  }
0x58: {  	_ =	shalt  }
0x59: {  	_ =	shalt  }
0x5a: {  	_ =	shalt  }
0x5b: {  	_ =	shalt  }
0x5c: {  	_ =	shalt  }
0x5d: {  	_ =	shalt  }
0x5e: {  	_ =	shalt  }
0x5f: {  	_ =	shalt  }
0x60: {  	_ =	shalt  }
0x61: {  	_ =	shalt  }
0x62: {  	_ =	shalt  }
0x63: {  	_ =	shalt  }
0x64: {  	_ =	shalt  }
0x65: {  	_ =	shalt  }
0x66: {  	_ =	shalt  }
0x67: {  	_ =	shalt  }
0x68: {  	_ =	shalt  }
0x69: {  	_ =	shalt  }
0x6a: {  	_ =	shalt  }
0x6b: {  	_ =	shalt  }
0x6c: {  	_ =	shalt  }
0x6d: {  	_ =	shalt  }
0x6e: {  	_ =	shalt  }
0x6f: {  	_ =	shalt  }
0x70: {  	_ =	shalt  }
0x71: {  	_ =	shalt  }
0x72: {  	_ =	shalt  }
0x73: {  	_ =	shalt  }
0x74: {  	_ =	shalt  }
0x75: {  	_ =	shalt  }
0x76: {  	_ =	shalt  }
0x77: {  	_ =	shalt  }
0x78: {  	_ =	shalt  }
0x79: {  	_ =	shalt  }
0x7a: {  	_ =	shalt  }
0x7b: {  	_ =	shalt  }
0x7c: {  	_ =	shalt  }
0x7d: {  	_ =	shalt  }
0x7e: {  	_ =	shalt  }
0x7f: {  	_ =	shalt  }
0x80: {  	_ =	shalt  }
0x81: {  	_ =	shalt  }
0x82: {  	_ =	shalt  }
0x83: {  	_ =	shalt  }
0x84: {  	_ =	shalt  }
0x85: {  	_ =	shalt  }
0x86: {  	_ =	shalt  }
0x87: {  	_ =	shalt  }
.Lfunc_end0:
.L_simem_size_0:
called_computation.10_lowered:
.L_overlay_start_0:
0x88: {  	s2 =	sld [smem:$0x3FD9]  }
0x89: {  	s3 =	sld [smem:$0x3FFE];
	_ =	sdelay $0x1  }
0x8a: {  	s1 =	srdreg.scid  }
0x8b: {  	s0 =	sand.u32 $0x1, s1  }
0x8c: {  	s16 =	sshll.u32 s0, $0xA;
	s2 =	sadd.s32 s3, s2  }
0x8d: {  	s2 =	sadd.s32 s2, s16  }
0x8e: {  	[smem:$0x3FB1] =	sst s2  }
0x8f: {  	_ = 	snop  }
0x90: {  	(tm) =	ssettm $0x1  }
0x91: {  	s17 =	sld [smem:$0x3FFB];
	_ =	sdelay $0x3  }
0x92: {  	_ =	strace s17  }
0x93: {  	s2 =	sld [smem:$0x3FFC];
	_ =	sdelay $0x3  }
0x94: {  	_ =	strace s2  }
0x95: {  	s2 =	sld [smem:$0x3FFD];
	_ =	sdelay $0x3  }
0x96: {  	_ =	strace s2  }
0x97: {  	_ =	strace $0x8FFFFFFF  }
0x98: {  	s18 =	sld [smem:$0x3FDB];
	_ =	sdelay $0x1  }
0x99: {  	s19 =	simm.s32 $_scs_section_size  }
0x9a: {  	s4 =	simm.s32 $_size__tile_overlayer_lowered;
	s5 =	simm.s32 $_tile_overlayer_lowered  }
0x9b: {  	s22 =	simm.s32 $0x1BFF;
	s21 =	sshll.u32 s5, $0x1;
	s2 =	sadd.s32 s19, s18  }
0x9c: {  	s6 =	simm.s32 $0x0;
	s20 =	sshll.u32 s4, $0x1;
	s4 =	sadd.s32 s21, s2  }
0x9d: {  	[timem:s6], [sflag:s22] =	dma.local [hbm:s4], s20  }
0x9e: {  	_ =	swait.ge [sflag:s22], s20  }
0x9f: {  	s3 =	ssub.s32 $0x0, s20;
	[sflag:s22] =	ssyncset.done $0x0  }
0xa0: {  	[sflag:s22] =	ssyncadd.s32 s3;
	_ =	sdelay $0x1  }
0xa1: {  	s23 =	simm.s32 $0x1B8B  }
0xa2: {  	_ =	swait.ge [sflag:s23], $0x1  }
0xa3: {  	[sflag:s23] =	ssyncset.done $0x0  }
0xa4: {  	s25 =	simm.s32 $0x1B8E;
	s24 =	sld [smem:$0x3FFE];
	[sflag:s23] =	ssyncadd.s32 $0xFFFFFFFF  }
0xa5: {  	s26 =	simm.s32 $execute0_lowered;
	[smem:$0x3FD2] =	sst s25  }
0xa6: {  	s4 =	sshll.u32 s26, $0x1;
	_ =	strace $0x80000058;
	[dreg:$0x1] =	wrdreg $0xFFFFFFFF  }
0xa7: {  	s28 =	simm.s32 $_size_execute0_lowered;
	s2 =	sadd.s32 s2, s4;
	[dreg:$0x0] =	wrdreg $0x0  }
0xa8: {  	s4 =	sshll.u32 s28, $0x1;
	[dreg:$0x2] =	wrdreg s2  }
0xa9: {  	[dreg:$0x3] =	wrdreg s4  }
0xaa: {  	[dreg:$0x4] =	wrdreg $0xC0  }
0xab: {  	_ =	task [dreg:s6], $0x5FFFF  }
0xac: {  	[dreg:$0x1] =	wrdreg $0xFFFFFFFF  }
0xad: {  	[dreg:$0x0] =	wrdreg $0x60  }
0xae: {  	[dreg:$0x2] =	wrdreg s24  }
0xaf: {  	[dreg:$0x3] =	wrdreg $0x9  }
0xb0: {  	_ =	task.clear_ibuf [dreg:s6], $0x4FFFF;
	_ =	strace $0x90000058  }
0xb1: {  	s29 =	simm.s32 $0x9;
	_ =	strace $0x8000005A  }
0xb2: {  	_ =	swait.ge [sflag:s29], $0x1  }
0xb3: {  	[sflag:s29] =	ssyncadd.s32 $0xFFFFFFFF  }
0xb4: {  	_ =	strace $0x9000005A  }
0xb5: {  	_ =	sfence  }
0xb6: {  	s30 =	sld [smem:$0x0];
	_ =	sdelay $0x2  }
0xb7: {  	s31 =	sshll.u32 s1, $0xD;
	s1 =	sshrl.u32 s1, $0x2  }
0xb8: {  	s3 =	sand.u32 $0x4000, s31;
	s1 =	sadd.s32 s1, s30  }
0xb9: {  	s0 =	sor.u32 s3, s0;
	s1 =	sshll.u32 s1, $0x11  }
0xba: {  	s0 =	sor.u32 s1, s0  }
0xbb: {  	s0 =	sadd.s32 $0x8F2B, s0  }
0xbc: {  	[sflag:s0] =	ssyncadd.remote.s32 $0x1  }
0xbd: {  	_ =	sfence.sel $0xFFFF  }
0xbe: {  	[dreg:$0x0] =	wrdreg $0xFFFFFFFF;
	(pc) =	sbr.abs _section_cstart, $3  }
0xbf: {  	[dreg:$0x1] =	wrdreg $0xFFFFFFFF  }
0xc0: {  	_ =	task.clear_ibuf [dreg:s6], $0x2FFFF;
	_ =	strace $0x9FFFFFFF  }
0xc1: {  	(tm) =	ssettm $0x7FFFFFFF  }
tec
execute0_lowered:
.L_overlay_start_1:
0x0: {  	(tag) =	ssettag $0x1  }
0x1: {  	s4 =	rddreg [dreg:$0x0]  }
0x2: {  	s0 =	rddreg [dreg:$0x1];
	s2 =	simm.s32 $0x0;
	s3 =	srdreg.scid  }
0x3: {  	s1 =	stileid.u32;
	s10 =	simm.s32 $0x1080;
	s11 =	simm.s32 $0x1880  }
0x4: {  	s12 =	simm.s32 $0x2080;
	s13 =	simm.s32 $0x2880;
	s14 =	simm.s32 $0x3080  }
0x5: {  	s15 =	simm.s32 $0x3880;
	s16 =	simm.s32 $0x4080;
	s17 =	simm.s32 $0x4880  }
0x6: {  	s18 =	simm.s32 $0x1;
	s19 =	simm.s32 $0x0;
	s6 =	smul.u32 $0x50A0, s1  }
0x7: {  	[smem:$0x7FF] =	sst s2;
	s5 =	sand.u32 $0x1, s3;
	s8 =	smul.u32 $0xA1400, s1  }
0x8: {  	s3 =	sadd.s32 $0xDCA00, s4;
	s7 =	smul.u32 $0x2850, s5;
	s9 =	ssub.s32 $0x2, s5  }
0x9: {  	_ =	strace $0x80000059;
	s5 =	smul.u32 $0x50A00, s5;
	s31 =	sshrl.u32 s9, $0x1  }
0xa: {  	s8 =	sadd.s32 s8, s4;
	s6 =	sadd.s32 s7, s6;
	s7 =	ssub.s32 s9, s31  }
0xb: {  	v2 =	vlaneseq.u32;
	s5 =	sadd.s32 s5, s8;
	s8 =	simm.s32 $0x80;
	s6 =	sshrl.u32 s6, $0x3  }
0xc: {  	vm0 =	vmmov $0xffff;
	v1 =	vshrl.u32 v2, $0x3;
	s9 =	simm.s32 $0x880;
	s5 =	sadd.s32 $0xABF000, s5;
	s6 =	sadd.s32 s6, s4  }
0xd: {  	v0 =	vand.u32 $0x7, v2;
	v2 =	vor.u32 $0x8, v2;
	v1 =	vmul.u32 $0x8, v1;
	s4 =	smax.u32 s7, $0x1;
	s7 =	simm.s32 $0x2;
	s6 =	sadd.s32 $0x82800, s6  }
.LBB2_1:
0xe: {  	s20 =	smov.u32 s5;
	s21 =	simm.s32 $0x0  }
.LBB2_2:
0xf: {  	s22 =	sadd.s32 s21, s6  }
0x10: {  	[tilespmem:s2], [sflag:$0x2] =	stream.linear.gather [hbm4b:s22+s2], $0x50, $0x38;
	[tilespmem:$0x5080] =	vst v63  }
0x11: {  	_ =	swait.ge [sflag:s7], $0x50  }
0x12: {  	[sflag:s7] =	ssyncset.done $0x0  }
0x13: {  	[sflag:s7] =	ssyncadd.s32 $0xFFFFFFB0  }
0x14: {  	v3 =	vld [tilespmem:$0x0];
	_ =	sdelay $0x4  }
0x15: {  	v4 =	vshll.u32 v3, $0x1  }
0x16: {  	v3 =	vand.u32 $0x7, v3;
	v4 =	vand.u32 $0xFFFFFFF0, v4  }
0x17: {  	v3 =	vor.u32 v3, v4  }
0x18: {  	v4 =	vperm.xlane v3, v0;
	_ =	sdelay $0x1  }
0x19: {  	v3 =	vperm.xlane v3, v2;
	v4 =	vadd.s32 v1, v4;
	_ =	sdelay $0x1  }
0x1a: {  	v3 =	vadd.s32 v1, v3;
	_ =	sdelay $0x2  }
0x1b: {  	[tilespmem:s8], [sflag:$0x1] =	stream.indirect_vreg.gather [hbm4b:s3+s2], $0x80, v4, vm0, $0xb8;
	[tilespmem:$0x5080] =	vst v63  }
0x1c: {  	_ = 	snop  }
0x1d: {  	[tilespmem:s9], [sflag:$0x1] =	stream.indirect_vreg.gather [hbm4b:s3+s2], $0x80, v3, vm0, $0xb8;
	[tilespmem:$0x5080] =	vst v63  }
0x1e: {  	v3 =	vld [tilespmem:$0x10];
	_ =	sdelay $0x4  }
0x1f: {  	v60 =	vshll.u32 v3, $0x1  }
0x20: {  	v3 =	vand.u32 $0x7, v3;
	v4 =	vand.u32 $0xFFFFFFF0, v60  }
0x21: {  	v3 =	vor.u32 v3, v4  }
0x22: {  	v4 =	vperm.xlane v3, v0;
	_ =	sdelay $0x1  }
0x23: {  	v3 =	vperm.xlane v3, v2;
	v4 =	vadd.s32 v1, v4;
	_ =	sdelay $0x1  }
0x24: {  	v3 =	vadd.s32 v1, v3;
	_ =	sdelay $0x2  }
0x25: {  	[tilespmem:s10], [sflag:$0x1] =	stream.indirect_vreg.gather [hbm4b:s3+s2], $0x80, v4, vm0, $0xb8;
	[tilespmem:$0x5080] =	vst v63  }
0x26: {  	_ = 	snop  }
0x27: {  	[tilespmem:s11], [sflag:$0x1] =	stream.indirect_vreg.gather [hbm4b:s3+s2], $0x80, v3, vm0, $0xb8;
	[tilespmem:$0x5080] =	vst v63  }
0x28: {  	v3 =	vld [tilespmem:$0x20];
	_ =	sdelay $0x4  }
0x29: {  	v61 =	vshll.u32 v3, $0x1  }
0x2a: {  	v3 =	vand.u32 $0x7, v3;
	v4 =	vand.u32 $0xFFFFFFF0, v61  }
0x2b: {  	v3 =	vor.u32 v3, v4  }
0x2c: {  	v4 =	vperm.xlane v3, v0;
	_ =	sdelay $0x1  }
0x2d: {  	v3 =	vperm.xlane v3, v2;
	v4 =	vadd.s32 v1, v4;
	_ =	sdelay $0x1  }
0x2e: {  	v3 =	vadd.s32 v1, v3;
	_ =	sdelay $0x2  }
0x2f: {  	[tilespmem:s12], [sflag:$0x1] =	stream.indirect_vreg.gather [hbm4b:s3+s2], $0x80, v4, vm0, $0xb8;
	[tilespmem:$0x5080] =	vst v63  }
0x30: {  	_ = 	snop  }
0x31: {  	[tilespmem:s13], [sflag:$0x1] =	stream.indirect_vreg.gather [hbm4b:s3+s2], $0x80, v3, vm0, $0xb8;
	[tilespmem:$0x5080] =	vst v63  }
0x32: {  	v3 =	vld [tilespmem:$0x30];
	_ =	sdelay $0x4  }
0x33: {  	v62 =	vshll.u32 v3, $0x1  }
0x34: {  	v3 =	vand.u32 $0x7, v3;
	v4 =	vand.u32 $0xFFFFFFF0, v62  }
0x35: {  	v3 =	vor.u32 v3, v4  }
0x36: {  	v4 =	vperm.xlane v3, v0;
	_ =	sdelay $0x1  }
0x37: {  	v3 =	vperm.xlane v3, v2;
	v4 =	vadd.s32 v1, v4;
	_ =	sdelay $0x1  }
0x38: {  	v3 =	vadd.s32 v1, v3;
	_ =	sdelay $0x2  }
0x39: {  	[tilespmem:s14], [sflag:$0x1] =	stream.indirect_vreg.gather [hbm4b:s3+s2], $0x80, v4, vm0, $0xb8;
	[tilespmem:$0x5080] =	vst v63  }
0x3a: {  	_ = 	snop  }
0x3b: {  	[tilespmem:s15], [sflag:$0x1] =	stream.indirect_vreg.gather [hbm4b:s3+s2], $0x80, v3, vm0, $0xb8;
	[tilespmem:$0x5080] =	vst v63  }
0x3c: {  	v3 =	vld [tilespmem:$0x40];
	_ =	sdelay $0x4  }
0x3d: {  	v63 =	vshll.u32 v3, $0x1  }
0x3e: {  	v3 =	vand.u32 $0x7, v3;
	v4 =	vand.u32 $0xFFFFFFF0, v63  }
0x3f: {  	v3 =	vor.u32 v3, v4  }
0x40: {  	v4 =	vperm.xlane v3, v0;
	_ =	sdelay $0x1  }
0x41: {  	v3 =	vperm.xlane v3, v2;
	v4 =	vadd.s32 v1, v4;
	_ =	sdelay $0x1  }
0x42: {  	v3 =	vadd.s32 v1, v3;
	_ =	sdelay $0x2  }
0x43: {  	[tilespmem:s16], [sflag:$0x1] =	stream.indirect_vreg.gather [hbm4b:s3+s2], $0x80, v4, vm0, $0xb8;
	[tilespmem:$0x5080] =	vst v63  }
0x44: {  	_ = 	snop  }
0x45: {  	[tilespmem:s17], [sflag:$0x1] =	stream.indirect_vreg.gather [hbm4b:s3+s2], $0x80, v3, vm0, $0xb8;
	[tilespmem:$0x5080] =	vst v63  }
0x46: {  	_ =	swait.ge [sflag:s18], $0x5000  }
0x47: {  	p0 =	sne.s32 s21, $0x500;
	[sflag:s18] =	ssyncset.done $0x0  }
.Ltmp0:
0x48: {  	[sflag:s18] =	ssyncadd.s32 $0xFFFFB000;
	(pc) =	sbr.rel @p0 .LBB2_2-.Ltmp0, $4  }
0x49: {  	[hbm4b:s20+s2] =	stream.linear.scatter [tilespmem:s8], [sflag:$0x2], $0x5000, $0x38;
	[tilespmem:$0x5080] =	vst v63  }
0x4a: {  	_ =	swait.ge [sflag:s7], $0x5000  }
0x4b: {  	[sflag:s7] =	ssyncset.done $0x0  }
0x4c: {  	s21 =	sadd.s32 $0xA, s21;
	s20 =	sadd.s32 $0xA00, s20;
	[sflag:s7] =	ssyncadd.s32 $0xFFFFB000  }
0x4d: {  	s19 =	sadd.s32 $0x1, s19  }
0x4e: {  	p0 =	sne.s32 s19, s4  }
.Ltmp1:
0x4f: {  	_ = 	snop;
	(pc) =	sbr.rel @p0 .LBB2_1-.Ltmp1, $1  }
0x50: {  	_ =	sdelay $0x3  }
0x51: {  	_ =	sfence.sel $0x180000  }
0x52: {  	[bflag:$0x0] =	sbarrier.arrive $0xFFFF  }
0x53: {  	p0 =	sne.s32 s1, $0x0;
	_ =	strace $0x90000059  }
0x54: {  	s0 =	sadd.s32 @!p0 $0x100000, s0;
	[bflag:$0x2] =	sbarrier.arrive $0xFFFF  }
0x55: {  	[sflag:s0] =	ssyncadd.tile.s32 @!p0 $0x1;
	_ =	shalt  }
.Lfunc_end2:
_tile_overlayer_lowered:
.L_overlay_start_2:
0x56: {  	(tag) =	ssettag $0x2  }
0x57: {  	s0 =	rddreg [dreg:$0x0];
	s2 =	stileid.u32  }
0x58: {  	s1 =	rddreg [dreg:$0x1];
	p0 =	sne.s32 s2, $0x0  }
0x59: {  	s3 =	rddreg [dreg:$0x2];
	[bflag:$0x3] =	sbarrier.arrive $0xFFFF;
	s2 =	simm.s32 @!p0 $0x1C02  }
0x5a: {  	[timem:s3], [sflag:s2] =	dma.local @!p0 [hbm:s0], s1  }
0x5b: {  	s0 =	simm.s32 @!p0 $0x2  }
0x5c: {  	_ =	swait.ge @!p0 [sflag:s0], s1  }
0x5d: {  	s1 =	ssub.s32 @!p0 $0x0, s1;
	[sflag:s0] =	ssyncset.done @!p0 $0x0  }
0x5e: {  	[sflag:s0] =	ssyncadd.s32 @!p0 s1  }
0x5f: {  	[bflag:$0x3] =	sbarrier.arrive $0xFFFF  }
0x60: {  	_ =	shalt  }

// kernel: kernel.25.cloned.1.call-start
scs
__scs_entry_jumppad:
0x0: {  	(pc) =	sbr.rel $0x88, $3  }
0x1: {  	(tag) =	ssettag $0x0;
	lr =	simm.s32 $0x1  }
0x2: {  	[smem:$0x3F8A] =	sst lr;
	_ =	strace $0xD0000000  }
0x3: {  	_ = 	snop  }
0x4: {  	_ = 	snop  }
0x5: {  	_ = 	snop  }
0x6: {  	_ = 	snop  }
0x7: {  	_ = 	snop  }
__scs_overlays_trampoline_lowered:
0x8: {  	[smem:$0x3F99] =	sst s0  }
0x9: {  	[smem:$0x3F9A] =	sst s1  }
0xa: {  	[smem:$0x3F9B] =	sst s2  }
0xb: {  	[smem:$0x3F9C] =	sst s3  }
0xc: {  	[smem:$0x3F9D] =	sst s4  }
0xd: {  	[smem:$0x3F9E] =	sst s5  }
0xe: {  	[smem:$0x3F9F] =	sst s6  }
0xf: {  	[smem:$0x3FA0] =	sst s7  }
0x10: {  	[smem:$0x3FA1] =	sst s8  }
0x11: {  	[smem:$0x3FA2] =	sst s9;
	s0 =	simm.s32 @!p0 $0x0  }
0x12: {  	s1 =	sld [smem:$0x3F88];
	s0 =	simm.s32 @p0 $0x1  }
0x13: {  	[smem:$0x3FA3] =	sst s0;
	s0 =	simm.s32 @!p1 $0x0  }
0x14: {  	s2 =	sld [smem:$0x3F87];
	s0 =	simm.s32 @p1 $0x1  }
0x15: {  	[smem:$0x3FA4] =	sst s0;
	s0 =	simm.s32 @!p2 $0x0  }
0x16: {  	s3 =	sld [smem:$0x3FDB];
	s0 =	simm.s32 @p2 $0x1  }
0x17: {  	s4 =	simm.s32 $0x1BF5;
	[smem:$0x3FA6] =	sst s0  }
0x18: {  	s0 =	sld [smem:$0x3F89];
	_ =	swait.ge [sflag:s4], $0x0  }
0x19: {  	s7 =	sld [smem:$0x3F8A]  }
0x1a: {  	s8 =	sadd.s32 $0xFFFFE003, lr  }
0x1b: {  	s9 =	sadd.s32 $0xFFFFFEF7, lr;
	s5 =	simm.s32 $0xFFFFFFFF;
	p2 =	slt.u32 s8, $0xFFFFF086  }
0x1c: {  	p1 =	slt.u32 s9, $0xF7A;
	s5 =	simm.s32 @!p2 $0x0  }
0x1d: {  	s5 =	simm.s32 @p1 $0x1;
	p0 =	seq.s32 s7, s2  }
0x1e: {  	s7 =	smul.u32 @!p0 $0xF7A, s2;
	p2 =	seq.s32 @!p0 s5, $0x0  }
0x1f: {  	s9 =	smul.u32 $0xF7A, s1;
	s8 =	simm.s32 @!p0 $0x1BF5;
	p2 =	por !p2, p0  }
0x20: {  	[sflag:s8] =	ssyncset.s32 @!p0 $0xFFFFF086;
	s6 =	sadd.s32 @!p0 s3, s7;
	s7 =	simm.s32 @!p0 $0x108  }
0x21: {  	s3 =	sadd.s32 s3, s9;
	s6 =	sadd.s32 @!p0 $0x88, s6;
	s7 =	simm.s32 @p2 $0x1082  }
0x22: {  	[simem:s7], [sflag:s8] =	dma.local @!p0 [hbm:s6], $0xF7A  }
0x23: {  	s9 =	sor.u32 $0xD0000000, s2;
	s6 =	simm.s32 $0x108;
	_ =	swait.ge @!p0 [sflag:s8], $0x0  }
0x24: {  	s3 =	sadd.s32 $0x88, s3;
	s6 =	simm.s32 @!p1 $0x1082;
	[sflag:s4] =	ssyncset.s32 $0xFFFFF086  }
0x25: {  	[simem:s6], [sflag:s4] =	dma.local [hbm:s3], $0xF7A  }
0x26: {  	[smem:$0x3F8A] =	sst s1;
	(tag) =	ssettag s2;
	_ =	strace s9  }
0x27: {  	s1 =	sld [smem:$0x3F9A]  }
0x28: {  	s2 =	sld [smem:$0x3F9B]  }
0x29: {  	s4 =	sld [smem:$0x3F9D]  }
0x2a: {  	p0 =	seq.s32 s5, $0x0;
	s5 =	sld [smem:$0x3F9E]  }
0x2b: {  	s6 =	sld [smem:$0x3F9F]  }
0x2c: {  	s7 =	sld [smem:$0x3FA0]  }
0x2d: {  	s3 =	simm.s32 $0x108;
	s8 =	sld [smem:$0x3FA1]  }
0x2e: {  	s3 =	simm.s32 @!p0 $0x1082;
	s9 =	sld [smem:$0x3FA2]  }
0x2f: {  	lr =	sadd.s32 s0, s3;
	s0 =	sld [smem:$0x3F99]  }
0x30: {  	s3 =	sld [smem:$0x3F9C]  }
0x31: {  	[smem:$0x3FA5] =	sst s10  }
0x32: {  	s10 =	sld [smem:$0x3FA3];
	_ =	sdelay $0x3  }
0x33: {  	p0 =	seq.s32 s10, $0x1;
	s10 =	sld [smem:$0x3FA5];
	_ =	sdelay $0x3  }
0x34: {  	[smem:$0x3FA5] =	sst s10  }
0x35: {  	s10 =	sld [smem:$0x3FA4];
	_ =	sdelay $0x3  }
0x36: {  	p1 =	seq.s32 s10, $0x1;
	s10 =	sld [smem:$0x3FA5];
	_ =	sdelay $0x3  }
0x37: {  	[smem:$0x3FA5] =	sst s10  }
0x38: {  	s10 =	sld [smem:$0x3FA6]  }
0x39: {  	_ = 	snop;
	(pc) =	sbr.ind lr, $3  }
0x3a: {  	_ = 	snop  }
0x3b: {  	_ = 	snop  }
0x3c: {  	p2 =	seq.s32 s10, $0x1;
	s10 =	sld [smem:$0x3FA5]  }
0x3d: {  	_ =	shalt  }
0x3e: {  	_ =	shalt  }
0x3f: {  	_ =	shalt  }
0x40: {  	_ =	shalt  }
0x41: {  	_ =	shalt  }
0x42: {  	_ =	shalt  }
0x43: {  	_ =	shalt  }
0x44: {  	_ =	shalt  }
0x45: {  	_ =	shalt  }
0x46: {  	_ =	shalt  }
0x47: {  	_ =	shalt  }
0x48: {  	_ =	shalt  }
0x49: {  	_ =	shalt  }
0x4a: {  	_ =	shalt  }
0x4b: {  	_ =	shalt  }
0x4c: {  	_ =	shalt  }
0x4d: {  	_ =	shalt  }
0x4e: {  	_ =	shalt  }
0x4f: {  	_ =	shalt  }
0x50: {  	_ =	shalt  }
0x51: {  	_ =	shalt  }
0x52: {  	_ =	shalt  }
0x53: {  	_ =	shalt  }
0x54: {  	_ =	shalt  }
0x55: {  	_ =	shalt  }
0x56: {  	_ =	shalt  }
0x57: {  	_ =	shalt  }
0x58: {  	_ =	shalt  }
0x59: {  	_ =	shalt  }
0x5a: {  	_ =	shalt  }
0x5b: {  	_ =	shalt  }
0x5c: {  	_ =	shalt  }
0x5d: {  	_ =	shalt  }
0x5e: {  	_ =	shalt  }
0x5f: {  	_ =	shalt  }
0x60: {  	_ =	shalt  }
0x61: {  	_ =	shalt  }
0x62: {  	_ =	shalt  }
0x63: {  	_ =	shalt  }
0x64: {  	_ =	shalt  }
0x65: {  	_ =	shalt  }
0x66: {  	_ =	shalt  }
0x67: {  	_ =	shalt  }
0x68: {  	_ =	shalt  }
0x69: {  	_ =	shalt  }
0x6a: {  	_ =	shalt  }
0x6b: {  	_ =	shalt  }
0x6c: {  	_ =	shalt  }
0x6d: {  	_ =	shalt  }
0x6e: {  	_ =	shalt  }
0x6f: {  	_ =	shalt  }
0x70: {  	_ =	shalt  }
0x71: {  	_ =	shalt  }
0x72: {  	_ =	shalt  }
0x73: {  	_ =	shalt  }
0x74: {  	_ =	shalt  }
0x75: {  	_ =	shalt  }
0x76: {  	_ =	shalt  }
0x77: {  	_ =	shalt  }
0x78: {  	_ =	shalt  }
0x79: {  	_ =	shalt  }
0x7a: {  	_ =	shalt  }
0x7b: {  	_ =	shalt  }
0x7c: {  	_ =	shalt  }
0x7d: {  	_ =	shalt  }
0x7e: {  	_ =	shalt  }
0x7f: {  	_ =	shalt  }
0x80: {  	_ =	shalt  }
0x81: {  	_ =	shalt  }
0x82: {  	_ =	shalt  }
0x83: {  	_ =	shalt  }
0x84: {  	_ =	shalt  }
0x85: {  	_ =	shalt  }
0x86: {  	_ =	shalt  }
0x87: {  	_ =	shalt  }
.Lfunc_end0:
.L_simem_size_0:
called_computation.11_lowered:
.L_overlay_start_0:
0x88: {  	s2 =	sld [smem:$0x3FD9]  }
0x89: {  	s3 =	sld [smem:$0x3FFE];
	_ =	sdelay $0x1  }
0x8a: {  	s1 =	srdreg.scid  }
0x8b: {  	s0 =	sand.u32 $0x1, s1  }
0x8c: {  	s16 =	sshll.u32 s0, $0xA;
	s2 =	sadd.s32 s3, s2  }
0x8d: {  	s2 =	sadd.s32 s2, s16  }
0x8e: {  	[smem:$0x3FB1] =	sst s2  }
0x8f: {  	_ = 	snop  }
0x90: {  	(tm) =	ssettm $0x1  }
0x91: {  	s17 =	sld [smem:$0x3FFB];
	_ =	sdelay $0x3  }
0x92: {  	_ =	strace s17  }
0x93: {  	s2 =	sld [smem:$0x3FFC];
	_ =	sdelay $0x3  }
0x94: {  	_ =	strace s2  }
0x95: {  	s2 =	sld [smem:$0x3FFD];
	_ =	sdelay $0x3  }
0x96: {  	_ =	strace s2  }
0x97: {  	_ =	strace $0x8FFFFFFF  }
0x98: {  	s18 =	sld [smem:$0x3FDB];
	_ =	sdelay $0x1  }
0x99: {  	s19 =	simm.s32 $_scs_section_size  }
0x9a: {  	s4 =	simm.s32 $_size__tile_overlayer_lowered;
	s5 =	simm.s32 $_tile_overlayer_lowered  }
0x9b: {  	s22 =	simm.s32 $0x1BFF;
	s21 =	sshll.u32 s5, $0x1;
	s2 =	sadd.s32 s19, s18  }
0x9c: {  	s6 =	simm.s32 $0x0;
	s20 =	sshll.u32 s4, $0x1;
	s4 =	sadd.s32 s21, s2  }
0x9d: {  	[timem:s6], [sflag:s22] =	dma.local [hbm:s4], s20  }
0x9e: {  	_ =	swait.ge [sflag:s22], s20  }
0x9f: {  	s3 =	ssub.s32 $0x0, s20;
	[sflag:s22] =	ssyncset.done $0x0  }
0xa0: {  	[sflag:s22] =	ssyncadd.s32 s3;
	_ =	sdelay $0x1  }
0xa1: {  	s23 =	simm.s32 $0x1B8B  }
0xa2: {  	_ =	swait.ge [sflag:s23], $0x1  }
0xa3: {  	[sflag:s23] =	ssyncset.done $0x0  }
0xa4: {  	s25 =	simm.s32 $0x1B8E;
	s24 =	sld [smem:$0x3FFE];
	[sflag:s23] =	ssyncadd.s32 $0xFFFFFFFF  }
0xa5: {  	s26 =	simm.s32 $execute0_lowered;
	[smem:$0x3FD2] =	sst s25  }
0xa6: {  	s4 =	sshll.u32 s26, $0x1;
	_ =	strace $0x80000067;
	[dreg:$0x1] =	wrdreg $0xFFFFFFFF  }
0xa7: {  	s28 =	simm.s32 $_size_execute0_lowered;
	s2 =	sadd.s32 s2, s4;
	[dreg:$0x0] =	wrdreg $0x0  }
0xa8: {  	s4 =	sshll.u32 s28, $0x1;
	[dreg:$0x2] =	wrdreg s2  }
0xa9: {  	[dreg:$0x3] =	wrdreg s4  }
0xaa: {  	[dreg:$0x4] =	wrdreg $0xC0  }
0xab: {  	_ =	task [dreg:s6], $0x5FFFF  }
0xac: {  	[dreg:$0x1] =	wrdreg $0xFFFFFFFF  }
0xad: {  	[dreg:$0x0] =	wrdreg $0x60  }
0xae: {  	[dreg:$0x2] =	wrdreg s24  }
0xaf: {  	[dreg:$0x3] =	wrdreg $0x9  }
0xb0: {  	_ =	task.clear_ibuf [dreg:s6], $0x4FFFF;
	_ =	strace $0x90000067  }
0xb1: {  	s29 =	simm.s32 $0x9;
	_ =	strace $0x80000069  }
0xb2: {  	_ =	swait.ge [sflag:s29], $0x1  }
0xb3: {  	[sflag:s29] =	ssyncadd.s32 $0xFFFFFFFF  }
0xb4: {  	_ =	strace $0x90000069  }
0xb5: {  	_ =	sfence  }
0xb6: {  	s30 =	sld [smem:$0x0];
	_ =	sdelay $0x2  }
0xb7: {  	s31 =	sshll.u32 s1, $0xD;
	s1 =	sshrl.u32 s1, $0x2  }
0xb8: {  	s3 =	sand.u32 $0x4000, s31;
	s1 =	sadd.s32 s1, s30  }
0xb9: {  	s0 =	sor.u32 s3, s0;
	s1 =	sshll.u32 s1, $0x11  }
0xba: {  	s0 =	sor.u32 s1, s0  }
0xbb: {  	s0 =	sadd.s32 $0x8F2B, s0  }
0xbc: {  	[sflag:s0] =	ssyncadd.remote.s32 $0x1  }
0xbd: {  	_ =	sfence.sel $0xFFFF  }
0xbe: {  	[dreg:$0x0] =	wrdreg $0xFFFFFFFF;
	(pc) =	sbr.abs _section_cstart, $3  }
0xbf: {  	[dreg:$0x1] =	wrdreg $0xFFFFFFFF  }
0xc0: {  	_ =	task.clear_ibuf [dreg:s6], $0x2FFFF;
	_ =	strace $0x9FFFFFFF  }
0xc1: {  	(tm) =	ssettm $0x7FFFFFFF  }
tec
execute0_lowered:
.L_overlay_start_1:
0x0: {  	(tag) =	ssettag $0x1  }
0x1: {  	s1 =	srdreg.scid  }
0x2: {  	s0 =	stileid.u32;
	s2 =	rddreg [dreg:$0x0];
	s3 =	simm.s32 $0x0  }
0x3: {  	s15 =	simm.s32 $0x880;
	s16 =	simm.s32 $0x1080;
	s17 =	simm.s32 $0x1880  }
0x4: {  	s18 =	simm.s32 $0x2080;
	s19 =	simm.s32 $0x1;
	s20 =	simm.s32 $0x28  }
0x5: {  	s6 =	sand.u32 $0x1, s1;
	s4 =	sshll.u32 s0, $0x1;
	s1 =	rddreg [dreg:$0x1]  }
0x6: {  	s21 =	simm.s32 $0x2880;
	[smem:$0x7FF] =	sst s3;
	s7 =	sor.u32 s6, s4  }
0x7: {  	s5 =	sadd.s32 $0xDCA00, s2;
	_ =	strace $0x80000068;
	s8 =	smul.u32 $0x5, s7  }
0x8: {  	s4 =	sadd.s32 $0x8CA00, s2;
	s10 =	ssub.s32 $0x2, s6;
	s9 =	smul.u32 $0x500, s7  }
0x9: {  	s6 =	sadd.s32 $0x5B000, s2;
	s7 =	smul.u32 $0x280, s7;
	s11 =	sshrl.u32 s10, $0x1  }
0xa: {  	s14 =	ssub.s32 s10, s11;
	s8 =	sadd.s32 s8, s2;
	s12 =	sadd.s32 s9, s2  }
0xb: {  	v2 =	vlaneseq.u32;
	s13 =	sadd.s32 s7, s2;
	s7 =	sadd.s32 $0x83000, s8;
	s9 =	sadd.s32 $0x12CA00, s12  }
0xc: {  	vm0 =	vmmov $0xffff;
	v1 =	vshrl.u32 v2, $0x3;
	s8 =	sadd.s32 $0x50000, s12;
	s10 =	sadd.s32 $0x136A00, s12;
	s11 =	sadd.s32 $0x83200, s13  }
0xd: {  	v0 =	vand.u32 $0x7, v2;
	v2 =	vor.u32 $0x8, v2;
	v1 =	vmul.u32 $0x8, v1;
	s12 =	smax.u32 s14, $0x1;
	s13 =	simm.s32 $0x2;
	s14 =	simm.s32 $0x80  }
.LBB2_1:
0xe: {  	[tilespmem:s3], [sflag:$0x2] =	stream.linear.gather [hbm4b:s7+s3], $0x28, $0x38;
	[tilespmem:$0x3C80] =	vst v63  }
0xf: {  	_ =	swait.ge [sflag:s13], $0x28  }
0x10: {  	[sflag:s13] =	ssyncset.done $0x0  }
0x11: {  	[sflag:s13] =	ssyncadd.s32 $0xFFFFFFD8  }
0x12: {  	v3 =	vld [tilespmem:$0x0];
	_ =	sdelay $0x4  }
0x13: {  	v4 =	vshll.u32 v3, $0x1  }
0x14: {  	v3 =	vand.u32 $0x7, v3;
	v4 =	vand.u32 $0xFFFFFFF0, v4  }
0x15: {  	v3 =	vor.u32 v3, v4  }
0x16: {  	v4 =	vperm.xlane v3, v0;
	_ =	sdelay $0x1  }
0x17: {  	v3 =	vperm.xlane v3, v2;
	v4 =	vadd.s32 v1, v4;
	_ =	sdelay $0x1  }
0x18: {  	v3 =	vadd.s32 v1, v3;
	_ =	sdelay $0x2  }
0x19: {  	[tilespmem:s14], [sflag:$0x1] =	stream.indirect_vreg.gather [hbm4b:s2+s3], $0x80, v4, vm0, $0xb8;
	[tilespmem:$0x3C80] =	vst v63  }
0x1a: {  	_ = 	snop  }
0x1b: {  	[tilespmem:s15], [sflag:$0x1] =	stream.indirect_vreg.gather [hbm4b:s2+s3], $0x80, v3, vm0, $0xb8;
	[tilespmem:$0x3C80] =	vst v63  }
0x1c: {  	v3 =	vld [tilespmem:$0x10];
	_ =	sdelay $0x4  }
0x1d: {  	v56 =	vshll.u32 v3, $0x1  }
0x1e: {  	v3 =	vand.u32 $0x7, v3;
	v4 =	vand.u32 $0xFFFFFFF0, v56  }
0x1f: {  	v3 =	vor.u32 v3, v4  }
0x20: {  	v4 =	vperm.xlane v3, v0;
	_ =	sdelay $0x1  }
0x21: {  	v3 =	vperm.xlane v3, v2;
	v4 =	vadd.s32 v1, v4;
	_ =	sdelay $0x1  }
0x22: {  	v3 =	vadd.s32 v1, v3;
	_ =	sdelay $0x2  }
0x23: {  	[tilespmem:s16], [sflag:$0x1] =	stream.indirect_vreg.gather [hbm4b:s2+s3], $0x80, v4, vm0, $0xb8;
	[tilespmem:$0x3C80] =	vst v63  }
0x24: {  	_ = 	snop  }
0x25: {  	[tilespmem:s17], [sflag:$0x1] =	stream.indirect_vreg.gather [hbm4b:s2+s3], $0x80, v3, vm0, $0xb8;
	[tilespmem:$0x3C80] =	vst v63  }
0x26: {  	v3 =	vld.msk [tilespmem:$0x20], $0xff;
	_ =	sdelay $0x4  }
0x27: {  	v57 =	vshll.u32 v3, $0x1  }
0x28: {  	v3 =	vand.u32 $0x7, v3;
	v4 =	vand.u32 $0xFFFFFFF0, v57  }
0x29: {  	v3 =	vor.u32 v3, v4  }
0x2a: {  	v3 =	vperm.xlane v3, v0;
	_ =	sdelay $0x1  }
0x2b: {  	v3 =	vadd.s32 v1, v3;
	_ =	sdelay $0x4  }
0x2c: {  	[tilespmem:s18], [sflag:$0x1] =	stream.indirect_vreg.gather [hbm4b:s2+s3], $0x80, v3, vm0, $0xb8;
	[tilespmem:$0x3C80] =	vst v63  }
0x2d: {  	_ =	swait.ge [sflag:s19], $0x2800  }
0x2e: {  	[sflag:s19] =	ssyncset.done $0x0  }
0x2f: {  	[sflag:s19] =	ssyncadd.s32 $0xFFFFD800  }
0x30: {  	[hbm4b:s8+s3] =	stream.linear.scatter [tilespmem:s14], [sflag:$0x2], $0x2800, $0x38;
	[tilespmem:$0x3C80] =	vst v63  }
0x31: {  	_ =	swait.ge [sflag:s13], $0x2800  }
0x32: {  	[sflag:s13] =	ssyncset.done $0x0  }
0x33: {  	[sflag:s13] =	ssyncadd.s32 $0xFFFFD800  }
0x34: {  	v3 =	vld [tilespmem:$0x0];
	_ =	sdelay $0x4  }
0x35: {  	v58 =	vshll.u32 v3, $0x1  }
0x36: {  	v3 =	vand.u32 $0x7, v3;
	v4 =	vand.u32 $0xFFFFFFF0, v58  }
0x37: {  	v3 =	vor.u32 v3, v4  }
0x38: {  	v4 =	vperm.xlane v3, v0;
	_ =	sdelay $0x1  }
0x39: {  	v3 =	vperm.xlane v3, v2;
	v4 =	vadd.s32 v1, v4;
	_ =	sdelay $0x1  }
0x3a: {  	v3 =	vadd.s32 v1, v3;
	_ =	sdelay $0x2  }
0x3b: {  	[tilespmem:s14], [sflag:$0x1] =	stream.indirect_vreg.gather [hbm4b:s4+s3], $0x80, v4, vm0, $0xb8;
	[tilespmem:$0x3C80] =	vst v63  }
0x3c: {  	_ = 	snop  }
0x3d: {  	[tilespmem:s15], [sflag:$0x1] =	stream.indirect_vreg.gather [hbm4b:s4+s3], $0x80, v3, vm0, $0xb8;
	[tilespmem:$0x3C80] =	vst v63  }
0x3e: {  	v3 =	vld [tilespmem:$0x10];
	_ =	sdelay $0x4  }
0x3f: {  	v59 =	vshll.u32 v3, $0x1  }
0x40: {  	v3 =	vand.u32 $0x7, v3;
	v4 =	vand.u32 $0xFFFFFFF0, v59  }
0x41: {  	v3 =	vor.u32 v3, v4  }
0x42: {  	v4 =	vperm.xlane v3, v0;
	_ =	sdelay $0x1  }
0x43: {  	v3 =	vperm.xlane v3, v2;
	v4 =	vadd.s32 v1, v4;
	_ =	sdelay $0x1  }
0x44: {  	v3 =	vadd.s32 v1, v3;
	_ =	sdelay $0x2  }
0x45: {  	[tilespmem:s16], [sflag:$0x1] =	stream.indirect_vreg.gather [hbm4b:s4+s3], $0x80, v4, vm0, $0xb8;
	[tilespmem:$0x3C80] =	vst v63  }
0x46: {  	_ = 	snop  }
0x47: {  	[tilespmem:s17], [sflag:$0x1] =	stream.indirect_vreg.gather [hbm4b:s4+s3], $0x80, v3, vm0, $0xb8;
	[tilespmem:$0x3C80] =	vst v63  }
0x48: {  	v3 =	vld.msk [tilespmem:$0x20], $0xff;
	_ =	sdelay $0x4  }
0x49: {  	v60 =	vshll.u32 v3, $0x1  }
0x4a: {  	v3 =	vand.u32 $0x7, v3;
	v4 =	vand.u32 $0xFFFFFFF0, v60  }
0x4b: {  	v3 =	vor.u32 v3, v4  }
0x4c: {  	v3 =	vperm.xlane v3, v0;
	_ =	sdelay $0x1  }
0x4d: {  	v3 =	vadd.s32 v1, v3;
	_ =	sdelay $0x4  }
0x4e: {  	[tilespmem:s18], [sflag:$0x1] =	stream.indirect_vreg.gather [hbm4b:s4+s3], $0x80, v3, vm0, $0xb8;
	[tilespmem:$0x3C80] =	vst v63  }
0x4f: {  	_ =	swait.ge [sflag:s19], $0x2800  }
0x50: {  	[sflag:s19] =	ssyncset.done $0x0  }
0x51: {  	[sflag:s19] =	ssyncadd.s32 $0xFFFFD800  }
0x52: {  	[hbm4b:s9+s3] =	stream.linear.scatter [tilespmem:s14], [sflag:$0x2], $0x2800, $0x38;
	[tilespmem:$0x3C80] =	vst v63  }
0x53: {  	_ =	swait.ge [sflag:s13], $0x2800  }
0x54: {  	[sflag:s13] =	ssyncset.done $0x0  }
0x55: {  	[sflag:s13] =	ssyncadd.s32 $0xFFFFD800  }
0x56: {  	v3 =	vld [tilespmem:$0x0];
	_ =	sdelay $0x4  }
0x57: {  	v61 =	vshll.u32 v3, $0x1  }
0x58: {  	v3 =	vand.u32 $0x7, v3;
	v4 =	vand.u32 $0xFFFFFFF0, v61  }
0x59: {  	v3 =	vor.u32 v3, v4  }
0x5a: {  	v4 =	vperm.xlane v3, v0;
	_ =	sdelay $0x1  }
0x5b: {  	v3 =	vperm.xlane v3, v2;
	v4 =	vadd.s32 v1, v4;
	_ =	sdelay $0x1  }
0x5c: {  	v3 =	vadd.s32 v1, v3;
	_ =	sdelay $0x2  }
0x5d: {  	[tilespmem:s14], [sflag:$0x1] =	stream.indirect_vreg.gather [hbm4b:s5+s3], $0x80, v4, vm0, $0xb8;
	[tilespmem:$0x3C80] =	vst v63  }
0x5e: {  	_ = 	snop  }
0x5f: {  	[tilespmem:s15], [sflag:$0x1] =	stream.indirect_vreg.gather [hbm4b:s5+s3], $0x80, v3, vm0, $0xb8;
	[tilespmem:$0x3C80] =	vst v63  }
0x60: {  	v3 =	vld [tilespmem:$0x10];
	_ =	sdelay $0x4  }
0x61: {  	v62 =	vshll.u32 v3, $0x1  }
0x62: {  	v3 =	vand.u32 $0x7, v3;
	v4 =	vand.u32 $0xFFFFFFF0, v62  }
0x63: {  	v3 =	vor.u32 v3, v4  }
0x64: {  	v4 =	vperm.xlane v3, v0;
	_ =	sdelay $0x1  }
0x65: {  	v3 =	vperm.xlane v3, v2;
	v4 =	vadd.s32 v1, v4;
	_ =	sdelay $0x1  }
0x66: {  	v3 =	vadd.s32 v1, v3;
	_ =	sdelay $0x2  }
0x67: {  	[tilespmem:s16], [sflag:$0x1] =	stream.indirect_vreg.gather [hbm4b:s5+s3], $0x80, v4, vm0, $0xb8;
	[tilespmem:$0x3C80] =	vst v63  }
0x68: {  	_ = 	snop  }
0x69: {  	[tilespmem:s17], [sflag:$0x1] =	stream.indirect_vreg.gather [hbm4b:s5+s3], $0x80, v3, vm0, $0xb8;
	[tilespmem:$0x3C80] =	vst v63  }
0x6a: {  	v3 =	vld.msk [tilespmem:$0x20], $0xff;
	_ =	sdelay $0x4  }
0x6b: {  	v63 =	vshll.u32 v3, $0x1  }
0x6c: {  	v3 =	vand.u32 $0x7, v3;
	v4 =	vand.u32 $0xFFFFFFF0, v63  }
0x6d: {  	v3 =	vor.u32 v3, v4  }
0x6e: {  	v3 =	vperm.xlane v3, v0;
	_ =	sdelay $0x1  }
0x6f: {  	v3 =	vadd.s32 v1, v3;
	_ =	sdelay $0x4  }
0x70: {  	[tilespmem:s18], [sflag:$0x1] =	stream.indirect_vreg.gather [hbm4b:s5+s3], $0x80, v3, vm0, $0xb8;
	[tilespmem:$0x3C80] =	vst v63  }
0x71: {  	_ =	swait.ge [sflag:s19], $0x2800  }
0x72: {  	[sflag:s19] =	ssyncset.done $0x0  }
0x73: {  	[sflag:s19] =	ssyncadd.s32 $0xFFFFD800  }
0x74: {  	[hbm4b:s10+s3] =	stream.linear.scatter [tilespmem:s14], [sflag:$0x2], $0x2800, $0x38;
	[tilespmem:$0x3C80] =	vst v63  }
0x75: {  	_ =	swait.ge [sflag:s13], $0x2800  }
0x76: {  	[sflag:s13] =	ssyncset.done $0x0  }
0x77: {  	[sflag:s13] =	ssyncadd.s32 $0xFFFFD800  }
0x78: {  	[tilespmem:s21], [sflag:$0x1] =	stream.indirect.gather [hbm4b:s6+s20], $0x80, s3, s20, $0xb8;
	[tilespmem:$0x3C80] =	vst v63  }
0x79: {  	_ =	swait.ge [sflag:s19], $0x1400  }
0x7a: {  	p0 =	sne.s32 s12, $0x1;
	[sflag:s19] =	ssyncset.done $0x0  }
.Ltmp0:
0x7b: {  	[sflag:s19] =	ssyncadd.s32 $0xFFFFEC00;
	(pc) =	sbr.rel @p0 .LBB2_1-.Ltmp0, $4  }
0x7c: {  	[hbm4b:s11+s3] =	stream.linear.scatter [tilespmem:s21], [sflag:$0x2], $0x1400, $0x38;
	[tilespmem:$0x3C80] =	vst v63  }
0x7d: {  	_ =	swait.ge [sflag:s13], $0x1400  }
0x7e: {  	[sflag:s13] =	ssyncset.done $0x0  }
0x7f: {  	s12 =	sadd.s32 $0xFFFFFFFF, s12;
	[sflag:s13] =	ssyncadd.s32 $0xFFFFEC00  }
0x80: {  	_ =	sfence.sel $0x180000  }
0x81: {  	[bflag:$0x0] =	sbarrier.arrive $0xFFFF  }
0x82: {  	p0 =	sne.s32 s0, $0x0;
	_ =	strace $0x90000068  }
0x83: {  	s0 =	sadd.s32 @!p0 $0x100000, s1;
	[bflag:$0x2] =	sbarrier.arrive $0xFFFF  }
0x84: {  	[sflag:s0] =	ssyncadd.tile.s32 @!p0 $0x1;
	_ =	shalt  }
.Lfunc_end2:
_tile_overlayer_lowered:
.L_overlay_start_2:
0x85: {  	(tag) =	ssettag $0x2  }
0x86: {  	s0 =	rddreg [dreg:$0x0];
	s2 =	stileid.u32  }
0x87: {  	s1 =	rddreg [dreg:$0x1];
	p0 =	sne.s32 s2, $0x0  }
0x88: {  	s3 =	rddreg [dreg:$0x2];
	[bflag:$0x3] =	sbarrier.arrive $0xFFFF;
	s2 =	simm.s32 @!p0 $0x1C02  }
0x89: {  	[timem:s3], [sflag:s2] =	dma.local @!p0 [hbm:s0], s1  }
0x8a: {  	s0 =	simm.s32 @!p0 $0x2  }
0x8b: {  	_ =	swait.ge @!p0 [sflag:s0], s1  }
0x8c: {  	s1 =	ssub.s32 @!p0 $0x0, s1;
	[sflag:s0] =	ssyncset.done @!p0 $0x0  }
0x8d: {  	[sflag:s0] =	ssyncadd.s32 @!p0 s1  }
0x8e: {  	[bflag:$0x3] =	sbarrier.arrive $0xFFFF  }
0x8f: {  	_ =	shalt  }

// kernel: scatter_offload_async_start.1
scs
__scs_entry_jumppad:
0x0: {  	(pc) =	sbr.rel $0x88, $3  }
0x1: {  	(tag) =	ssettag $0x0;
	lr =	simm.s32 $0x1  }
0x2: {  	[smem:$0x3F8A] =	sst lr;
	_ =	strace $0xD0000000  }
0x3: {  	_ = 	snop  }
0x4: {  	_ = 	snop  }
0x5: {  	_ = 	snop  }
0x6: {  	_ = 	snop  }
0x7: {  	_ = 	snop  }
__scs_overlays_trampoline_lowered:
0x8: {  	[smem:$0x3F99] =	sst s0  }
0x9: {  	[smem:$0x3F9A] =	sst s1  }
0xa: {  	[smem:$0x3F9B] =	sst s2  }
0xb: {  	[smem:$0x3F9C] =	sst s3  }
0xc: {  	[smem:$0x3F9D] =	sst s4  }
0xd: {  	[smem:$0x3F9E] =	sst s5  }
0xe: {  	[smem:$0x3F9F] =	sst s6  }
0xf: {  	[smem:$0x3FA0] =	sst s7  }
0x10: {  	[smem:$0x3FA1] =	sst s8  }
0x11: {  	[smem:$0x3FA2] =	sst s9;
	s0 =	simm.s32 @!p0 $0x0  }
0x12: {  	s1 =	sld [smem:$0x3F88];
	s0 =	simm.s32 @p0 $0x1  }
0x13: {  	[smem:$0x3FA3] =	sst s0;
	s0 =	simm.s32 @!p1 $0x0  }
0x14: {  	s2 =	sld [smem:$0x3F87];
	s0 =	simm.s32 @p1 $0x1  }
0x15: {  	[smem:$0x3FA4] =	sst s0;
	s0 =	simm.s32 @!p2 $0x0  }
0x16: {  	s3 =	sld [smem:$0x3FDB];
	s0 =	simm.s32 @p2 $0x1  }
0x17: {  	s4 =	simm.s32 $0x1BF5;
	[smem:$0x3FA6] =	sst s0  }
0x18: {  	s0 =	sld [smem:$0x3F89];
	_ =	swait.ge [sflag:s4], $0x0  }
0x19: {  	s7 =	sld [smem:$0x3F8A]  }
0x1a: {  	s8 =	sadd.s32 $0xFFFFE003, lr  }
0x1b: {  	s9 =	sadd.s32 $0xFFFFFEF7, lr;
	s5 =	simm.s32 $0xFFFFFFFF;
	p2 =	slt.u32 s8, $0xFFFFF086  }
0x1c: {  	p1 =	slt.u32 s9, $0xF7A;
	s5 =	simm.s32 @!p2 $0x0  }
0x1d: {  	s5 =	simm.s32 @p1 $0x1;
	p0 =	seq.s32 s7, s2  }
0x1e: {  	s7 =	smul.u32 @!p0 $0xF7A, s2;
	p2 =	seq.s32 @!p0 s5, $0x0  }
0x1f: {  	s9 =	smul.u32 $0xF7A, s1;
	s8 =	simm.s32 @!p0 $0x1BF5;
	p2 =	por !p2, p0  }
0x20: {  	[sflag:s8] =	ssyncset.s32 @!p0 $0xFFFFF086;
	s6 =	sadd.s32 @!p0 s3, s7;
	s7 =	simm.s32 @!p0 $0x108  }
0x21: {  	s3 =	sadd.s32 s3, s9;
	s6 =	sadd.s32 @!p0 $0x88, s6;
	s7 =	simm.s32 @p2 $0x1082  }
0x22: {  	[simem:s7], [sflag:s8] =	dma.local @!p0 [hbm:s6], $0xF7A  }
0x23: {  	s9 =	sor.u32 $0xD0000000, s2;
	s6 =	simm.s32 $0x108;
	_ =	swait.ge @!p0 [sflag:s8], $0x0  }
0x24: {  	s3 =	sadd.s32 $0x88, s3;
	s6 =	simm.s32 @!p1 $0x1082;
	[sflag:s4] =	ssyncset.s32 $0xFFFFF086  }
0x25: {  	[simem:s6], [sflag:s4] =	dma.local [hbm:s3], $0xF7A  }
0x26: {  	[smem:$0x3F8A] =	sst s1;
	(tag) =	ssettag s2;
	_ =	strace s9  }
0x27: {  	s1 =	sld [smem:$0x3F9A]  }
0x28: {  	s2 =	sld [smem:$0x3F9B]  }
0x29: {  	s4 =	sld [smem:$0x3F9D]  }
0x2a: {  	p0 =	seq.s32 s5, $0x0;
	s5 =	sld [smem:$0x3F9E]  }
0x2b: {  	s6 =	sld [smem:$0x3F9F]  }
0x2c: {  	s7 =	sld [smem:$0x3FA0]  }
0x2d: {  	s3 =	simm.s32 $0x108;
	s8 =	sld [smem:$0x3FA1]  }
0x2e: {  	s3 =	simm.s32 @!p0 $0x1082;
	s9 =	sld [smem:$0x3FA2]  }
0x2f: {  	lr =	sadd.s32 s0, s3;
	s0 =	sld [smem:$0x3F99]  }
0x30: {  	s3 =	sld [smem:$0x3F9C]  }
0x31: {  	[smem:$0x3FA5] =	sst s10  }
0x32: {  	s10 =	sld [smem:$0x3FA3];
	_ =	sdelay $0x3  }
0x33: {  	p0 =	seq.s32 s10, $0x1;
	s10 =	sld [smem:$0x3FA5];
	_ =	sdelay $0x3  }
0x34: {  	[smem:$0x3FA5] =	sst s10  }
0x35: {  	s10 =	sld [smem:$0x3FA4];
	_ =	sdelay $0x3  }
0x36: {  	p1 =	seq.s32 s10, $0x1;
	s10 =	sld [smem:$0x3FA5];
	_ =	sdelay $0x3  }
0x37: {  	[smem:$0x3FA5] =	sst s10  }
0x38: {  	s10 =	sld [smem:$0x3FA6]  }
0x39: {  	_ = 	snop;
	(pc) =	sbr.ind lr, $3  }
0x3a: {  	_ = 	snop  }
0x3b: {  	_ = 	snop  }
0x3c: {  	p2 =	seq.s32 s10, $0x1;
	s10 =	sld [smem:$0x3FA5]  }
0x3d: {  	_ =	shalt  }
0x3e: {  	_ =	shalt  }
0x3f: {  	_ =	shalt  }
0x40: {  	_ =	shalt  }
0x41: {  	_ =	shalt  }
0x42: {  	_ =	shalt  }
0x43: {  	_ =	shalt  }
0x44: {  	_ =	shalt  }
0x45: {  	_ =	shalt  }
0x46: {  	_ =	shalt  }
0x47: {  	_ =	shalt  }
0x48: {  	_ =	shalt  }
0x49: {  	_ =	shalt  }
0x4a: {  	_ =	shalt  }
0x4b: {  	_ =	shalt  }
0x4c: {  	_ =	shalt  }
0x4d: {  	_ =	shalt  }
0x4e: {  	_ =	shalt  }
0x4f: {  	_ =	shalt  }
0x50: {  	_ =	shalt  }
0x51: {  	_ =	shalt  }
0x52: {  	_ =	shalt  }
0x53: {  	_ =	shalt  }
0x54: {  	_ =	shalt  }
0x55: {  	_ =	shalt  }
0x56: {  	_ =	shalt  }
0x57: {  	_ =	shalt  }
0x58: {  	_ =	shalt  }
0x59: {  	_ =	shalt  }
0x5a: {  	_ =	shalt  }
0x5b: {  	_ =	shalt  }
0x5c: {  	_ =	shalt  }
0x5d: {  	_ =	shalt  }
0x5e: {  	_ =	shalt  }
0x5f: {  	_ =	shalt  }
0x60: {  	_ =	shalt  }
0x61: {  	_ =	shalt  }
0x62: {  	_ =	shalt  }
0x63: {  	_ =	shalt  }
0x64: {  	_ =	shalt  }
0x65: {  	_ =	shalt  }
0x66: {  	_ =	shalt  }
0x67: {  	_ =	shalt  }
0x68: {  	_ =	shalt  }
0x69: {  	_ =	shalt  }
0x6a: {  	_ =	shalt  }
0x6b: {  	_ =	shalt  }
0x6c: {  	_ =	shalt  }
0x6d: {  	_ =	shalt  }
0x6e: {  	_ =	shalt  }
0x6f: {  	_ =	shalt  }
0x70: {  	_ =	shalt  }
0x71: {  	_ =	shalt  }
0x72: {  	_ =	shalt  }
0x73: {  	_ =	shalt  }
0x74: {  	_ =	shalt  }
0x75: {  	_ =	shalt  }
0x76: {  	_ =	shalt  }
0x77: {  	_ =	shalt  }
0x78: {  	_ =	shalt  }
0x79: {  	_ =	shalt  }
0x7a: {  	_ =	shalt  }
0x7b: {  	_ =	shalt  }
0x7c: {  	_ =	shalt  }
0x7d: {  	_ =	shalt  }
0x7e: {  	_ =	shalt  }
0x7f: {  	_ =	shalt  }
0x80: {  	_ =	shalt  }
0x81: {  	_ =	shalt  }
0x82: {  	_ =	shalt  }
0x83: {  	_ =	shalt  }
0x84: {  	_ =	shalt  }
0x85: {  	_ =	shalt  }
0x86: {  	_ =	shalt  }
0x87: {  	_ =	shalt  }
.Lfunc_end0:
.L_simem_size_0:
called_computation.1_lowered:
.L_overlay_start_0:
0x88: {  	s0 =	sld [smem:$0x3FD9]  }
0x89: {  	s1 =	sld [smem:$0x3FFE];
	_ =	sdelay $0x3  }
0x8a: {  	s0 =	sadd.s32 s1, s0  }
0x8b: {  	[smem:$0x3FB1] =	sst s0  }
0x8c: {  	_ = 	snop  }
0x8d: {  	(tm) =	ssettm $0x1  }
0x8e: {  	s15 =	sld [smem:$0x3FFB];
	_ =	sdelay $0x3  }
0x8f: {  	_ =	strace s15  }
0x90: {  	s0 =	sld [smem:$0x3FFC];
	_ =	sdelay $0x3  }
0x91: {  	_ =	strace s0  }
0x92: {  	s0 =	sld [smem:$0x3FFD];
	_ =	sdelay $0x3  }
0x93: {  	_ =	strace s0  }
0x94: {  	_ =	strace $0x8FFFFFFF  }
0x95: {  	s16 =	sld [smem:$0x3FDB];
	_ =	sdelay $0x1  }
0x96: {  	s17 =	simm.s32 $_scs_section_size  }
0x97: {  	s2 =	simm.s32 $_size__tile_overlayer_lowered;
	s3 =	simm.s32 $_tile_overlayer_lowered  }
0x98: {  	s20 =	simm.s32 $0x1BFF;
	s19 =	sshll.u32 s3, $0x1;
	s0 =	sadd.s32 s17, s16  }
0x99: {  	s4 =	simm.s32 $0x0;
	s18 =	sshll.u32 s2, $0x1;
	s2 =	sadd.s32 s19, s0  }
0x9a: {  	[timem:s4], [sflag:s20] =	dma.local [hbm:s2], s18  }
0x9b: {  	_ =	swait.ge [sflag:s20], s18  }
0x9c: {  	s1 =	ssub.s32 $0x0, s18;
	[sflag:s20] =	ssyncset.done $0x0  }
0x9d: {  	[sflag:s20] =	ssyncadd.s32 s1;
	_ =	sdelay $0x1  }
0x9e: {  	s21 =	simm.s32 $0x1B8B  }
0x9f: {  	_ =	swait.ge [sflag:s21], $0x1  }
0xa0: {  	[sflag:s21] =	ssyncset.done $0x0  }
0xa1: {  	s23 =	simm.s32 $0x1B8E;
	s22 =	sld [smem:$0x3FFE];
	[sflag:s21] =	ssyncadd.s32 $0xFFFFFFFF  }
0xa2: {  	s24 =	simm.s32 $execute0_lowered;
	[smem:$0x3FD2] =	sst s23  }
0xa3: {  	s2 =	sshll.u32 s24, $0x1;
	_ =	strace $0x8000004F;
	[dreg:$0x1] =	wrdreg $0xFFFFFFFF  }
0xa4: {  	s25 =	simm.s32 $_size_execute0_lowered;
	s0 =	sadd.s32 s0, s2;
	[dreg:$0x0] =	wrdreg $0x0  }
0xa5: {  	s2 =	sshll.u32 s25, $0x1;
	[dreg:$0x2] =	wrdreg s0  }
0xa6: {  	[dreg:$0x3] =	wrdreg s2  }
0xa7: {  	[dreg:$0x4] =	wrdreg $0xC0  }
0xa8: {  	_ =	task [dreg:s4], $0x5FFFF  }
0xa9: {  	[dreg:$0x1] =	wrdreg $0xFFFFFFFF  }
0xaa: {  	[dreg:$0x0] =	wrdreg $0x60  }
0xab: {  	[dreg:$0x2] =	wrdreg s22  }
0xac: {  	[dreg:$0x3] =	wrdreg $0x9  }
0xad: {  	_ =	task.clear_ibuf [dreg:s4], $0x4FFFF;
	_ =	strace $0x9000004F  }
0xae: {  	s26 =	simm.s32 $0x9;
	_ =	strace $0x80000051  }
0xaf: {  	_ =	swait.ge [sflag:s26], $0x1  }
0xb0: {  	[sflag:s26] =	ssyncadd.s32 $0xFFFFFFFF  }
0xb1: {  	_ =	strace $0x90000051  }
0xb2: {  	_ =	sfence  }
0xb3: {  	s28 =	sld [smem:$0x0];
	_ =	sdelay $0x1  }
0xb4: {  	s29 =	srdreg.scid  }
0xb5: {  	s30 =	sshll.u32 s29, $0xD;
	s31 =	sshrl.u32 s29, $0x2  }
0xb6: {  	s1 =	sand.u32 $0x1, s29;
	s2 =	sand.u32 $0x4000, s30;
	s0 =	sadd.s32 s31, s28  }
0xb7: {  	s1 =	sor.u32 s2, s1;
	s0 =	sshll.u32 s0, $0x11  }
0xb8: {  	s0 =	sor.u32 s0, s1  }
0xb9: {  	s0 =	sadd.s32 $0x8F2B, s0  }
0xba: {  	[sflag:s0] =	ssyncadd.remote.s32 $0x1  }
0xbb: {  	_ =	sfence.sel $0xFFFF  }
0xbc: {  	[dreg:$0x0] =	wrdreg $0xFFFFFFFF;
	(pc) =	sbr.abs _section_cstart, $3  }
0xbd: {  	[dreg:$0x1] =	wrdreg $0xFFFFFFFF  }
0xbe: {  	_ =	task.clear_ibuf [dreg:s4], $0x2FFFF;
	_ =	strace $0x9FFFFFFF  }
0xbf: {  	(tm) =	ssettm $0x7FFFFFFF  }
tec
execute0_lowered:
.L_overlay_start_1:
0x0: {  	(tag) =	ssettag $0x1  }
0x1: {  	s1 =	rddreg [dreg:$0x0];
	_ =	strace $0x80000050;
	s0 =	simm.s32 $0x1  }
0x2: {  	s8 =	simm.s32 $0x208;
	v0 =	vimm.s32 $0x0;
	[sflag:s0] =	ssyncpa.u1 $0x0  }
0x3: {  	[tilespmem:s8+$0x70] =	vst v0  }
0x4: {  	[tilespmem:s8+$0x60] =	vst v0  }
0x5: {  	[tilespmem:s8+$0x50] =	vst v0  }
0x6: {  	[tilespmem:s8+$0x40] =	vst v0  }
0x7: {  	[tilespmem:s8+$0x30] =	vst v0  }
0x8: {  	s10 =	sadd.s32 $0xAA0A00, s1;
	[tilespmem:s8+$0x20] =	vst v0  }
0x9: {  	s4 =	sadd.s32 $0xABF000, s1;
	s5 =	sadd.s32 $0xAAAC00, s1;
	s0 =	simm.s32 $0x40;
	[tilespmem:s8+$0x10] =	vst v0  }
.LBB2_1:
0xa: {  	s0 =	sadd.s32 $0x40, s0;
	[tilespmem:s8+$0x0] =	vst v0;
	s8 =	sadd.s32 $0x80, s8  }
0xb: {  	p0 =	slt.u32 s0, $0x3880;
	[tilespmem:s8+$0x70] =	vst v0  }
0xc: {  	[tilespmem:s8+$0x60] =	vst v0  }
.Ltmp0:
0xd: {  	[tilespmem:s8+$0x50] =	vst v0;
	(pc) =	sbr.rel @p0 .LBB2_1-.Ltmp0, $4  }
0xe: {  	[tilespmem:s8+$0x40] =	vst v0  }
0xf: {  	[tilespmem:s8+$0x30] =	vst v0  }
0x10: {  	[tilespmem:s8+$0x20] =	vst v0  }
0x11: {  	[tilespmem:s8+$0x10] =	vst v0  }
0x12: {  	s3 =	stileid.u32  }
0x13: {  	s0 =	smul.u32 $0xB8, s3  }
0x14: {  	s2 =	smin.u32 s3, $0x3  }
0x15: {  	s0 =	sor.u32 s2, s0  }
0x16: {  	p0 =	slt.u32 s3, $0x3;
	s6 =	smul.u32 $0x70, s0;
	s0 =	simm.s32 $0x50F0  }
0x17: {  	s0 =	simm.s32 @!p0 $0x5080  }
0x18: {  	s0 =	sadd.s32 s0, s6  }
0x19: {  	s7 =	smin.u32 s0, $0x50910  }
0x1a: {  	s0 =	ssub.s32 s7, s6  }
0x1b: {  	p0 =	sgt.s32 s0, $0x0  }
0x1c: {  	s26 =	simm.s32 $0x2;
	s0 =	simm.s32 @!p0 $0x0  }
0x1d: {  	s29 =	simm.s32 $0x7;
	s30 =	simm.s32 $0x8;
	s28 =	smulhi.u32 $0x92492493, s0  }
0x1e: {  	s31 =	simm.s32 $0x9;
	s11 =	simm.s32 $0x1;
	s21 =	simm.s32 $0x0  }
0x1f: {  	p1 =	por $0x0, $0x0;
	s15 =	simm.s32 $0x80;
	s2 =	sshrl.u32 s28, $0x6  }
0x20: {  	s16 =	simm.s32 $0x400;
	s17 =	simm.s32 $0xA;
	s9 =	smul.u32 $0x70, s2  }
.Ltmp1:
0x21: {  	[tilespmem:s8+$0x0] =	vst v0;
	v0 =	vimm.s32 $0xFFFFFFFF;
	s18 =	simm.s32 $0x0;
	[sflag:s26] =	ssyncpa.u1 $0x0;
	(pc) =	sbr.rel .LBB2_3-.Ltmp1, $4  }
0x22: {  	[tilespmem:$0xE408] =	vst v0;
	[sflag:s29] =	ssyncpa.u1 $0x0;
	p0 =	sne.s32 s0, s9;
	s0 =	simm.s32 $0x1  }
0x23: {  	s20 =	simm.s32 $0x0;
	[sflag:s30] =	ssyncpa.u1 $0x0;
	s0 =	simm.s32 @!p0 $0x0  }
0x24: {  	s13 =	sshll.u32 s3, $0x9;
	[sflag:s31] =	ssyncpa.u1 $0x0;
	s12 =	sadd.s32 s0, s2  }
0x25: {  	v0 =	vlaneseq.u32;
	s19 =	smov.u32 s6;
	p0 =	por $0x1, $0x1;
	s14 =	sadd.s32 $0x1, s12  }
.LBB2_24:
0x26: {  	s0 =	sshrl.u32 s30, $0x2  }
.LBB2_26:
0x27: {  	_ =	swait.ge [sflag:s17], s0  }
0x28: {  	s31 =	ssub.s32 $0x0, s0;
	v1 =	vmov s23;
	vm0 =	veq.s32 v0, $0x0;
	[sflag:s17] =	ssyncset.done $0x0  }
0x29: {  	vm15 =	veq.s32 v0, $0x2;
	v1 =	vsel vm0, s29, v1;
	[sflag:s17] =	ssyncadd.s32 s31  }
0x2a: {  	v1 =	vsel vm15, s21, v1;
	[sflag:s17] =	ssyncpa.u1 $0x1  }
0x2b: {  	[tilespmem:$0xE408] =	vst v1  }
.LBB2_27:
0x2c: {  	s0 =	sadd.s32 $0x70, s19  }
0x2d: {  	s2 =	smov.u32 s6;
	p2 =	slt.s32 s0, s7  }
0x2e: {  	s2 =	smov.u32 @p2 s0;
	p2 =	sne.s32 s20, s14  }
.Ltmp2:
0x2f: {  	_ = 	snop;
	(pc) =	sbr.rel @!p2 .LBB2_28-.Ltmp2, $4  }
0x30: {  	_ = 	snop  }
0x31: {  	s21 =	smov.u32 s18  }
0x32: {  	s31 =	sadd.s32 $0x1, s20;
	s18 =	smov.u32 s19;
	p0 =	por !p0, !p0  }
0x33: {  	p1 =	por !p1, !p1;
	s20 =	smov.u32 s31;
	s19 =	smov.u32 s2  }
.LBB2_3:
0x34: {  	p2 =	sge.u32 s20, s12  }
0x35: {  	s0 =	smulhi.u32 @!p2 $0xAAAAAAAB, s20  }
0x36: {  	s2 =	smov.u32 s19;
	p3 =	sgt.s32 @!p2 s19, $0x508A0  }
0x37: {  	s8 =	sshra.s32 @!p2 s19, $0x1F;
	p3 =	por !p3, p2;
	s0 =	sshrl.u32 @!p2 s0, $0x1  }
0x38: {  	s8 =	sand.u32 @!p2 s8, s19;
	s2 =	simm.s32 @p3 $0x508A0;
	s0 =	smul.u32 @!p2 $0x3, s0  }
0x39: {  	s2 =	ssub.s32 @!p2 s2, s8  }
0x3a: {  	s2 =	sadd.s32 @!p2 $0xFFFAF760, s2;
	s0 =	ssub.s32 @!p2 s20, s0  }
0x3b: {  	s8 =	sshll.u32 @!p2 s2, $0x2;
	p3 =	sgt.s32 @!p2 s2, $0x6F;
	s0 =	smul.u32 @!p2 $0x1C0, s0  }
0x3c: {  	s9 =	sand.u32 @!p2 $0x7, s19;
	s2 =	ssub.s32 @!p2 $0x1C0, s8;
	p3 =	por !p3, p2  }
0x3d: {  	s8 =	sshrl.u32 @!p2 s19, $0x3;
	s2 =	sshrl.u32 @!p2 s2, $0x2;
	s0 =	sshrl.u32 @!p2 s0, $0x2  }
0x3e: {  	s8 =	sadd.s32 @!p2 s5, s8;
	s2 =	simm.s32 @!p3 $0x0;
	s0 =	sadd.s32 @!p2 $0x10438, s0  }
0x3f: {  	[tilespmem:s0], [sflag:$0x8] =	stream.linear.gather @!p2 [hbm4b:s8+s9], s2, $0x38;
	[tilespmem:$0x1E668] =	vst v63  }
0x40: {  	s0 =	sadd.s32 $0xFFFFFFFF, s20  }
0x41: {  	p2 =	sge.u32 s0, s12  }
0x42: {  	p3 =	sgt.s32 @!p2 s18, $0x508A0  }
0x43: {  	s2 =	smov.u32 s18;
	s8 =	sshra.s32 @!p2 s18, $0x1F;
	p3 =	por !p3, p2  }
0x44: {  	s8 =	sand.u32 @!p2 s8, s18;
	s2 =	simm.s32 @p3 $0x508A0  }
0x45: {  	s2 =	ssub.s32 @!p2 s2, s8  }
0x46: {  	s2 =	sadd.s32 @!p2 $0xFFFAF760, s2  }
0x47: {  	s8 =	sshll.u32 @!p2 s2, $0x2  }
0x48: {  	p3 =	sgt.s32 @!p2 s2, $0x6F;
	s2 =	ssub.s32 @!p2 $0x1C0, s8  }
0x49: {  	p3 =	por !p3, p2;
	s2 =	sshrl.u32 @!p2 s2, $0x2  }
0x4a: {  	s9 =	simm.s32 @!p2 $0x8;
	s8 =	sand.u32 @!p2 $0x1, s0;
	s2 =	simm.s32 @!p3 $0x0  }
0x4b: {  	s8 =	smul.u32 @!p2 $0x1C0, s8;
	_ =	swait.ge @!p2 [sflag:s9], s2  }
0x4c: {  	s22 =	ssub.s32 @!p2 $0x0, s2;
	[sflag:s9] =	ssyncset.done @!p2 $0x0  }
0x4d: {  	s8 =	sshrl.u32 @!p2 s8, $0x2;
	[sflag:s9] =	ssyncadd.s32 @!p2 s22;
	s9 =	sshrl.u32 @!p2 s18, $0x3  }
0x4e: {  	s8 =	sor.u32 @!p2 $0x10588, s8;
	s22 =	sand.u32 @!p2 $0x7, s18;
	s9 =	sadd.s32 @!p2 s10, s9  }
0x4f: {  	[tilespmem:s8], [sflag:$0x9] =	stream.linear.gather @!p2 [hbm4b:s9+s22], s2, $0x38;
	[tilespmem:$0x1E668] =	vst v63  }
0x50: {  	s22 =	ssub.s32 @!p2 $0x50910, s18  }
0x51: {  	p3 =	slt.s32 @!p2 s22, $0x1  }
0x52: {  	p3 =	por p2, p3  }
.Ltmp3:
0x53: {  	_ = 	snop;
	(pc) =	sbr.rel @p3 .LBB2_9-.Ltmp3, $1  }
0x54: {  	_ =	sdelay $0x3  }
0x55: {  	s2 =	smulhi.u32 $0xAAAAAAAB, s0;
	_ =	sdelay $0x1  }
0x56: {  	s2 =	sshrl.u32 s2, $0x1  }
0x57: {  	s2 =	smul.u32 $0x3, s2;
	_ =	sdelay $0x1  }
0x58: {  	s29 =	ssub.s32 s0, s2  }
0x59: {  	s8 =	simm.s32 $0x1;
	s0 =	smul.u32 $0x1C0, s29  }
.Ltmp4:
0x5a: {  	s8 =	simm.s32 @!p0 $0x0;
	(pc) =	sbr.rel .LBB2_6-.Ltmp4, $4  }
0x5b: {  	s30 =	smul.u32 $0x1C000, s8  }
0x5c: {  	p3 =	slt.s32 @!p2 s22, $0x70;
	s0 =	sshrl.u32 s0, $0x2  }
0x5d: {  	p2 =	por !p3, p2;
	s2 =	sshrl.u32 s30, $0x2;
	s31 =	sadd.s32 $0x10438, s0  }
0x5e: {  	s22 =	simm.s32 @p2 $0x70;
	s23 =	sor.u32 $0x10668, s2;
	s0 =	simm.s32 $0x0;
	v1 =	vmov s31  }
.LBB2_5:
0x5f: {  	p2 =	sge.s32 s0, s22  }
.Ltmp5:
0x60: {  	_ = 	snop;
	(pc) =	sbr.rel @p2 .LBB2_9-.Ltmp5, $2  }
0x61: {  	_ =	sdelay $0x2  }
0x62: {  	s23 =	sadd.s32 $0x1000, s23  }
.LBB2_6:
0x63: {  	p2 =	sle.s32 s22, s0  }
.Ltmp6:
0x64: {  	_ = 	snop;
	(pc) =	sbr.rel @p2 .LBB2_5-.Ltmp6, $2  }
0x65: {  	_ =	sdelay $0x2  }
0x66: {  	s24 =	smov.u32 s0;
	s0 =	sadd.s32 $0x10, s0  }
0x67: {  	s2 =	ssub.s32 s22, s24  }
0x68: {  	p2 =	slt.s32 s2, $0x10  }
0x69: {  	s2 =	simm.s32 @!p2 $0x10  }
0x6a: {  	v2 =	vmov s2  }
0x6b: {  	vm0 =	vgt.s32 v2, v0;
	_ =	sdelay $0x5  }
0x6c: {  	v2 =	vld.idx.msk [tilespmem:v1+s24+$0x0 ss:$0x1], vm0;
	_ =	sdelay $0x2  }
0x6d: {  	p2 =	slt.s32 s0, s22;
	s2 =	smov.u32 s22  }
0x6e: {  	s8 =	smov.u32 s23;
	s25 =	simm.s32 $0x0;
	s2 =	smov.u32 @p2 s0  }
.LBB2_8:
0x6f: {  	(v2sf) =	vpush v2, s25;
	_ =	sdelay $0xe  }
0x70: {  	s25 =	sadd.s32 $0x1, s25;
	s9 =	spop (v2sf)  }
0x71: {  	s31 =	sadd.s32 s25, s24;
	s26 =	sshll.u32 s9, $0x8;
	s9 =	sshll.u32 s9, $0x7  }
0x72: {  	p2 =	slt.s32 s31, s2;
	s26 =	sand.u32 $0xFFFFF800, s26;
	s9 =	sand.u32 $0x380, s9  }
.Ltmp7:
0x73: {  	s9 =	sor.u32 s9, s26;
	(pc) =	sbr.rel @p2 .LBB2_8-.Ltmp7, $4  }
0x74: {  	s9 =	sshrl.u32 s9, $0x3  }
0x75: {  	s9 =	sadd.s32 s4, s9  }
0x76: {  	[tilespmem:s8], [sflag:$0x7] =	stream.strided.gather [hbm4b:s9+s15], $0x100, s16, s15, $0x38;
	[tilespmem:$0x1E668] =	vst v63  }
0x77: {  	s8 =	sadd.s32 $0x100, s8  }
.Ltmp8:
0x78: {  	_ = 	snop;
	(pc) =	sbr.rel .LBB2_5-.Ltmp8, $1  }
0x79: {  	_ =	sdelay $0x3  }
.LBB2_9:
0x7a: {  	p2 =	slt.u32 s20, $0x2  }
.Ltmp9:
0x7b: {  	_ = 	snop;
	(pc) =	sbr.rel @p2 .LBB2_27-.Ltmp9, $1  }
0x7c: {  	_ =	sdelay $0x3  }
0x7d: {  	p2 =	sgt.s32 s21, $0x508A0;
	s0 =	smov.u32 s21  }
0x7e: {  	s2 =	sshra.s32 s21, $0x1F;
	s8 =	ssub.s32 $0x50910, s21;
	s0 =	simm.s32 @!p2 $0x508A0  }
0x7f: {  	s2 =	sand.u32 s2, s21;
	p2 =	slt.s32 s8, $0x70;
	s9 =	smov.u32 s8  }
0x80: {  	s0 =	ssub.s32 s0, s2;
	s9 =	simm.s32 @!p2 $0x70  }
0x81: {  	s0 =	sadd.s32 $0xFFFAF760, s0;
	s25 =	sshll.u32 s9, $0x8  }
0x82: {  	s3 =	simm.s32 $0x7;
	s26 =	sshll.u32 s0, $0x2;
	s2 =	sand.u32 $0x3FFFFF00, s25  }
0x83: {  	p2 =	sgt.s32 s0, $0x6F;
	s28 =	ssub.s32 $0x1C0, s26;
	_ =	swait.ge [sflag:s3], s2  }
0x84: {  	s2 =	ssub.s32 $0x0, s2;
	[sflag:s3] =	ssyncset.done $0x0;
	s0 =	sshrl.u32 s28, $0x2  }
0x85: {  	s30 =	simm.s32 $0x9;
	[sflag:s3] =	ssyncadd.s32 s2;
	s0 =	simm.s32 @p2 $0x0  }
0x86: {  	_ =	swait.ge [sflag:s30], s0  }
0x87: {  	s0 =	ssub.s32 $0x0, s0;
	[sflag:s30] =	ssyncset.done $0x0  }
0x88: {  	[sflag:s30] =	ssyncadd.s32 s0  }
0x89: {  	v1 =	vld [tilespmem:$0xE408];
	_ =	sdelay $0x4  }
0x8a: {  	(v2sf) =	vpush v1, $0x0  }
0x8b: {  	(v2sf) =	vpush v1, $0x1  }
0x8c: {  	(v2sf) =	vpush v1, $0x2;
	_ =	sdelay $0x3  }
0x8d: {  	s0 =	sadd.s32 $0x70, s21  }
0x8e: {  	p2 =	slt.s32 s7, s0  }
0x8f: {  	s0 =	smov.u32 @p2 s7;
	p2 =	sgt.s32 s8, $0x0  }
0x90: {  	s25 =	ssub.s32 s0, s21;
	s8 =	simm.s32 @!p2 $0x0  }
0x91: {  	p2 =	slt.s32 s8, s25  }
0x92: {  	s25 =	smov.u32 @p2 s8  }
0x93: {  	s24 =	simm.s32 $0x1;
	p2 =	slt.s32 s25, $0x1  }
.Ltmp10:
0x94: {  	s24 =	simm.s32 @!p1 $0x0;
	(pc) =	sbr.rel @p2 .LBB2_14-.Ltmp10, $4  }
0x95: {  	s31 =	smul.u32 $0x1C0, s24  }
0x96: {  	s26 =	spop (v2sf)  }
0x97: {  	s0 =	sshrl.u32 s31, $0x2;
	s29 =	spop (v2sf)  }
0x98: {  	s22 =	sor.u32 $0x10588, s0;
	s21 =	spop (v2sf)  }
0x99: {  	s0 =	smin.u32 s25, $0x10  }
0x9a: {  	v1 =	vmov s0  }
0x9b: {  	vm1 =	vgt.u32 v1, v0  }
0x9c: {  	p3 =	sgt.s32 s25, $0x10  }
.Ltmp11:
0x9d: {  	_ = 	snop;
	(pc) =	sbr.rel @!p3 .LBB2_13-.Ltmp11, $2  }
0x9e: {  	_ =	sdelay $0x2  }
0x9f: {  	s23 =	simm.s32 $0x10;
	s28 =	sadd.s32 $0xFFFFFFF0, s25;
	s0 =	smov.u32 s22;
	vm0 =	vmmov vm1;
	v1 =	vld.msk [tilespmem:s22+$0x0 ss:$0x1], vm1  }
.LBB2_12:
0xa0: {  	s2 =	smin.u32 s28, $0x10;
	s23 =	sadd.s32 $0x10, s23  }
0xa1: {  	v2 =	vmov s2;
	p3 =	slt.s32 s23, s25  }
0xa2: {  	vm1 =	vgt.u32 v2, v0;
	_ =	sdelay $0x1  }
0xa3: {  	v2 =	vshll.u32 v1, $0x5;
	v1 =	vshll.u32 v1, $0x4  }
.Ltmp12:
0xa4: {  	v2 =	vand.u32 $0xFFFFFF00, v2;
	v1 =	vand.u32 $0x70, v1;
	(pc) =	sbr.rel @p3 .LBB2_12-.Ltmp12, $4  }
0xa5: {  	v1 =	vor.u32 v1, v2  }
0xa6: {  	[tilespmem:s0+$0x0] =	vst.msk vm0, v1;
	s0 =	sadd.s32 $0x10, s0;
	vm0 =	vmmov vm1  }
0xa7: {  	v1 =	vld.msk [tilespmem:s0+$0x0 ss:$0x1], vm1  }
0xa8: {  	s28 =	sadd.s32 $0xFFFFFFF0, s28  }
.LBB2_13:
0xa9: {  	_ =	sdelay $0x3  }
0xaa: {  	v2 =	vshll.u32 v1, $0x5;
	v1 =	vshll.u32 v1, $0x4  }
0xab: {  	v2 =	vand.u32 $0xFFFFFF00, v2;
	v1 =	vand.u32 $0x70, v1  }
0xac: {  	v1 =	vor.u32 v1, v2  }
0xad: {  	[tilespmem:s0+$0x0] =	vst.msk vm0, v1  }
.LBB2_14:
0xae: {  	s0 =	sand.u32 $0x1, s20  }
0xaf: {  	s0 =	smul.u32 $0x70, s0  }
0xb0: {  	p3 =	sne.s32 s29, $0xFFFFFFFF  }
0xb1: {  	v1 =	vld.msk @!p3 [tilespmem:s0+$0x10588], $0x1;
	_ =	sdelay $0x4  }
0xb2: {  	(v2sf) =	vpush @!p3 v1, $0x0;
	_ =	sdelay $0xc  }
.Ltmp13:
0xb3: {  	_ = 	snop;
	(pc) =	sbr.rel @p2 .LBB2_25-.Ltmp13, $4  }
0xb4: {  	_ = 	snop  }
0xb5: {  	s28 =	spop @!p3 (v2sf)  }
0xb6: {  	s21 =	simm.s32 @!p3 $0x0;
	s23 =	smov.u32 s28  }
0xb7: {  	[sflag:s17] =	ssyncpa.u1 $0x0;
	s28 =	smov.u32 @p3 s26;
	s23 =	smov.u32 @p3 s29  }
0xb8: {  	v1 =	vld.msk [tilespmem:s22+$0x0], $0x1;
	_ =	sdelay $0x4  }
0xb9: {  	(v2sf) =	vpush v1, $0x0;
	_ =	sdelay $0xd  }
0xba: {  	s17 =	smov.u32 s6  }
0xbb: {  	s6 =	smov.u32 s14;
	s14 =	smov.u32 s5;
	s30 =	spop (v2sf)  }
0xbc: {  	s5 =	smov.u32 s10;
	s0 =	smul.u32 $0x1C000, s24;
	p2 =	seq.s32 s28, s30  }
0xbd: {  	s2 =	smov.u32 s28;
	s25 =	ssub.s32 $0x0, s25;
	p3 =	sgt.s32 @!p2 s28, $0x0  }
0xbe: {  	s26 =	simm.s32 $0x0;
	s0 =	sshrl.u32 s0, $0x2;
	p3 =	por !p3, p2  }
0xbf: {  	s29 =	sadd.s32 $0x1, s25;
	s24 =	sor.u32 $0x106E8, s0;
	s2 =	simm.s32 @p3 $0x0  }
0xc0: {  	s0 =	simm.s32 @!p2 $0x1;
	p3 =	seq.s32 s29, $0x0;
	s2 =	smin.u32 @!p2 s2, $0x4E170  }
.Ltmp14:
0xc1: {  	s9 =	simm.s32 @!p2 $0x7308;
	s8 =	sand.u32 @!p2 $0x7FFF8, s2;
	(pc) =	sbr.rel @p3 .LBB2_17-.Ltmp14, $4  }
0xc2: {  	s31 =	sadd.s32 @!p2 $0x80, s2;
	s10 =	sadd.s32 @!p2 s1, s8;
	s8 =	sand.u32 @!p2 $0x7, s2  }
0xc3: {  	[tilespmem:s9], [sflag:$0x2] =	stream.linear.gather @!p2 [hbm4b:s10+s8], $0x80, $0x38;
	[tilespmem:$0x1E668] =	vst v63  }
0xc4: {  	s0 =	smov.u32 @p2 s26;
	s9 =	sand.u32 @!p2 $0xFFFF8, s31  }
0xc5: {  	s2 =	simm.s32 @!p2 $0x7388;
	s31 =	sadd.s32 $0x1, s22;
	s9 =	sadd.s32 @!p2 s1, s9  }
.LBB2_16:
0xc6: {  	s10 =	smov.u32 s0  }
0xc7: {  	[tilespmem:s2], [sflag:$0x2] =	stream.linear.gather @!p2 [hbm4b:s9+s8], $0x80, $0x38;
	[tilespmem:$0x1E668] =	vst v63  }
0xc8: {  	s29 =	sadd.s32 $0x1, s29;
	s8 =	smov.u32 s30;
	v1 =	vld.msk [tilespmem:s31+$0x0], $0x1  }
0xc9: {  	p3 =	seq.s32 s29, $0x0;
	_ =	sdelay $0x3  }
0xca: {  	(v2sf) =	vpush v1, $0x0;
	_ =	sdelay $0xe  }
0xcb: {  	s30 =	spop (v2sf)  }
0xcc: {  	p2 =	seq.s32 s8, s30  }
0xcd: {  	p4 =	sgt.s32 @!p2 s8, $0x0;
	s2 =	sshll.u32 @!p2 s0, $0xA;
	s0 =	sadd.s32 @!p2 $0x1, s0  }
0xce: {  	p4 =	por !p4, p2;
	s2 =	sshra.s32 @!p2 s2, $0x2;
	s0 =	smov.u32 @p2 s10  }
0xcf: {  	s8 =	simm.s32 @p4 $0x0;
	s9 =	sadd.s32 @!p2 $0x7308, s2;
	s2 =	sadd.s32 @!p2 $0x7388, s2  }
.Ltmp15:
0xd0: {  	s8 =	smin.u32 @!p2 s8, $0x4E170;
	(pc) =	sbr.rel @!p3 .LBB2_16-.Ltmp15, $4  }
0xd1: {  	s10 =	sand.u32 @!p2 $0x7FFF8, s8;
	s3 =	sadd.s32 @!p2 $0x80, s8  }
0xd2: {  	s8 =	sand.u32 @!p2 $0x7, s8;
	s10 =	sadd.s32 @!p2 s1, s10;
	s3 =	sand.u32 @!p2 $0xFFFF8, s3  }
0xd3: {  	[tilespmem:s9], [sflag:$0x2] =	stream.linear.gather @!p2 [hbm4b:s10+s8], $0x80, $0x38;
	[tilespmem:$0x1E668] =	vst v63  }
0xd4: {  	s31 =	sadd.s32 $0x1, s31;
	s9 =	sadd.s32 @!p2 s1, s3  }
.LBB2_17:
0xd5: {  	[tilespmem:s2], [sflag:$0x2] =	stream.linear.gather @!p2 [hbm4b:s9+s8], $0x80, $0x38;
	[tilespmem:$0x1E668] =	vst v63  }
.Ltmp16:
0xd6: {  	s0 =	sshll.u32 s0, $0x8;
	(pc) =	sbr.rel .LBB2_18-.Ltmp16, $4  }
0xd7: {  	s31 =	simm.s32 $0x2;
	s30 =	simm.s32 $0x0;
	s0 =	sand.u32 $0x3FFFFF00, s0  }
0xd8: {  	s10 =	smov.u32 s5;
	s5 =	smov.u32 s14;
	_ =	swait.ge [sflag:s31], s0  }
0xd9: {  	s14 =	smov.u32 s6;
	s0 =	ssub.s32 $0x0, s0;
	[sflag:s31] =	ssyncset.done $0x0  }
0xda: {  	s6 =	smov.u32 s17;
	s17 =	simm.s32 $0xA;
	[sflag:s31] =	ssyncadd.s32 s0  }
.LBB2_19:
0xdb: {  	v1 =	vld [tilespmem:s24+$0xFFFFFF80];
	_ =	sdelay $0x4  }
0xdc: {  	[tilespmem:s31+$0x208] =	vst.add.f32.msk $0xffff, v1  }
0xdd: {  	v1 =	vld [tilespmem:s24+$0xFFFFFF90];
	_ =	sdelay $0x4  }
0xde: {  	[tilespmem:s31+$0x218] =	vst.add.f32.msk $0xffff, v1  }
0xdf: {  	v1 =	vld [tilespmem:s24+$0xFFFFFFA0];
	_ =	sdelay $0x4  }
0xe0: {  	[tilespmem:s31+$0x228] =	vst.add.f32.msk $0xffff, v1  }
0xe1: {  	v1 =	vld [tilespmem:s24+$0xFFFFFFB0];
	_ =	sdelay $0x4  }
0xe2: {  	[tilespmem:s31+$0x238] =	vst.add.f32.msk $0xffff, v1  }
0xe3: {  	v1 =	vld [tilespmem:s24+$0xFFFFFFC0];
	_ =	sdelay $0x4  }
0xe4: {  	[tilespmem:s31+$0x248] =	vst.add.f32.msk $0xffff, v1  }
0xe5: {  	v1 =	vld [tilespmem:s24+$0xFFFFFFD0];
	_ =	sdelay $0x4  }
0xe6: {  	[tilespmem:s31+$0x258] =	vst.add.f32.msk $0xffff, v1  }
0xe7: {  	v1 =	vld [tilespmem:s24+$0xFFFFFFE0];
	_ =	sdelay $0x4  }
0xe8: {  	[tilespmem:s31+$0x268] =	vst.add.f32.msk $0xffff, v1  }
0xe9: {  	v1 =	vld [tilespmem:s24+$0xFFFFFFF0];
	_ =	sdelay $0x4  }
0xea: {  	[tilespmem:s31+$0x278] =	vst.add.f32.msk $0xffff, v1  }
0xeb: {  	v1 =	vld [tilespmem:s24+$0x0];
	_ =	sdelay $0x4  }
0xec: {  	[tilespmem:s31+$0x288] =	vst.add.f32.msk $0xffff, v1  }
0xed: {  	v1 =	vld [tilespmem:s24+$0x10];
	_ =	sdelay $0x4  }
0xee: {  	[tilespmem:s31+$0x298] =	vst.add.f32.msk $0xffff, v1  }
0xef: {  	v1 =	vld [tilespmem:s24+$0x20];
	_ =	sdelay $0x4  }
0xf0: {  	[tilespmem:s31+$0x2A8] =	vst.add.f32.msk $0xffff, v1  }
0xf1: {  	v1 =	vld [tilespmem:s24+$0x30];
	_ =	sdelay $0x4  }
0xf2: {  	[tilespmem:s31+$0x2B8] =	vst.add.f32.msk $0xffff, v1  }
0xf3: {  	v1 =	vld [tilespmem:s24+$0x40];
	_ =	sdelay $0x4  }
0xf4: {  	[tilespmem:s31+$0x2C8] =	vst.add.f32.msk $0xffff, v1  }
0xf5: {  	v1 =	vld [tilespmem:s24+$0x50];
	_ =	sdelay $0x4  }
0xf6: {  	[tilespmem:s31+$0x2D8] =	vst.add.f32.msk $0xffff, v1  }
0xf7: {  	v1 =	vld [tilespmem:s24+$0x60];
	_ =	sdelay $0x4  }
0xf8: {  	[tilespmem:s31+$0x2E8] =	vst.add.f32.msk $0xffff, v1  }
0xf9: {  	v1 =	vld [tilespmem:s24+$0x70];
	_ =	sdelay $0x4  }
0xfa: {  	[tilespmem:s31+$0x2F8] =	vst.add.f32.msk $0xffff, v1  }
.LBB2_23:
0xfb: {  	s25 =	sadd.s32 $0x1, s25  }
0xfc: {  	p2 =	seq.s32 s25, $0x0  }
.Ltmp17:
0xfd: {  	_ = 	snop;
	(pc) =	sbr.rel @p2 .LBB2_24-.Ltmp17, $2  }
0xfe: {  	_ =	sdelay $0x2  }
0xff: {  	s22 =	sadd.s32 $0x1, s22;
	s24 =	sadd.s32 $0x100, s24;
	s28 =	smov.u32 s29  }
.LBB2_18:
0x100: {  	v1 =	vld.msk [tilespmem:s22+$0x0], $0x1;
	_ =	sdelay $0x4  }
0x101: {  	(v2sf) =	vpush v1, $0x0;
	_ =	sdelay $0xe  }
0x102: {  	s29 =	spop (v2sf)  }
0x103: {  	p2 =	sne.s32 s28, s29  }
.Ltmp18:
0x104: {  	_ = 	snop;
	(pc) =	sbr.rel @!p2 .LBB2_19-.Ltmp18, $3  }
0x105: {  	_ =	sdelay $0x1  }
0x106: {  	s0 =	sshll.u32 s21, $0xA  }
0x107: {  	s31 =	sshra.s32 s0, $0x2  }
0x108: {  	p2 =	seq.s32 s28, s23  }
.Ltmp19:
0x109: {  	_ = 	snop;
	(pc) =	sbr.rel @!p2 .LBB2_21-.Ltmp19, $1  }
0x10a: {  	_ =	sdelay $0x3  }
.Ltmp20:
0x10b: {  	s0 =	sadd.s32 $0x208, s31;
	(pc) =	sbr.rel .LBB2_22-.Ltmp20, $4  }
0x10c: {  	[spmem:s13] =	stream.linear.scatter [tilespmem:s0], [sflag:$0x1], $0x100, $0x38;
	[tilespmem:$0x1E668] =	vst v63  }
0x10d: {  	_ =	swait.ge [sflag:s11], $0x100  }
0x10e: {  	[sflag:s11] =	ssyncset.done $0x0  }
0x10f: {  	[sflag:s11] =	ssyncadd.s32 $0xFFFFFF00  }
.LBB2_21:
0x110: {  	s0 =	sshll.u32 s26, $0xA  }
0x111: {  	s0 =	sshra.s32 s0, $0x2  }
0x112: {  	v1 =	vld [tilespmem:s0+$0x7308];
	_ =	sdelay $0x4  }
0x113: {  	[tilespmem:s31+$0x208] =	vst.add.f32.msk $0xffff, v1  }
0x114: {  	v1 =	vld [tilespmem:s0+$0x7318];
	_ =	sdelay $0x4  }
0x115: {  	[tilespmem:s31+$0x218] =	vst.add.f32.msk $0xffff, v1  }
0x116: {  	v1 =	vld [tilespmem:s0+$0x7328];
	_ =	sdelay $0x4  }
0x117: {  	[tilespmem:s31+$0x228] =	vst.add.f32.msk $0xffff, v1  }
0x118: {  	v1 =	vld [tilespmem:s0+$0x7338];
	_ =	sdelay $0x4  }
0x119: {  	[tilespmem:s31+$0x238] =	vst.add.f32.msk $0xffff, v1  }
0x11a: {  	v1 =	vld [tilespmem:s0+$0x7348];
	_ =	sdelay $0x4  }
0x11b: {  	[tilespmem:s31+$0x248] =	vst.add.f32.msk $0xffff, v1  }
0x11c: {  	v1 =	vld [tilespmem:s0+$0x7358];
	_ =	sdelay $0x4  }
0x11d: {  	[tilespmem:s31+$0x258] =	vst.add.f32.msk $0xffff, v1  }
0x11e: {  	v1 =	vld [tilespmem:s0+$0x7368];
	_ =	sdelay $0x4  }
0x11f: {  	[tilespmem:s31+$0x268] =	vst.add.f32.msk $0xffff, v1  }
0x120: {  	v1 =	vld [tilespmem:s0+$0x7378];
	_ =	sdelay $0x4  }
0x121: {  	[tilespmem:s31+$0x278] =	vst.add.f32.msk $0xffff, v1  }
0x122: {  	v1 =	vld [tilespmem:s0+$0x7388];
	_ =	sdelay $0x4  }
0x123: {  	[tilespmem:s31+$0x288] =	vst.add.f32.msk $0xffff, v1  }
0x124: {  	v1 =	vld [tilespmem:s0+$0x7398];
	_ =	sdelay $0x4  }
0x125: {  	[tilespmem:s31+$0x298] =	vst.add.f32.msk $0xffff, v1  }
0x126: {  	v1 =	vld [tilespmem:s0+$0x73A8];
	_ =	sdelay $0x4  }
0x127: {  	[tilespmem:s31+$0x2A8] =	vst.add.f32.msk $0xffff, v1  }
0x128: {  	v1 =	vld [tilespmem:s0+$0x73B8];
	_ =	sdelay $0x4  }
0x129: {  	[tilespmem:s31+$0x2B8] =	vst.add.f32.msk $0xffff, v1  }
0x12a: {  	v1 =	vld [tilespmem:s0+$0x73C8];
	_ =	sdelay $0x4  }
0x12b: {  	[tilespmem:s31+$0x2C8] =	vst.add.f32.msk $0xffff, v1  }
0x12c: {  	v1 =	vld [tilespmem:s0+$0x73D8];
	_ =	sdelay $0x4  }
0x12d: {  	[tilespmem:s31+$0x2D8] =	vst.add.f32.msk $0xffff, v1  }
0x12e: {  	v1 =	vld [tilespmem:s0+$0x73E8];
	_ =	sdelay $0x4  }
0x12f: {  	[tilespmem:s31+$0x2E8] =	vst.add.f32.msk $0xffff, v1  }
0x130: {  	v1 =	vld [tilespmem:s0+$0x73F8];
	_ =	sdelay $0x2  }
0x131: {  	p2 =	sgt.u32 s28, $0x4E170  }
0x132: {  	s0 =	sand.u32 @!p2 $0x7FFF8, s28  }
0x133: {  	s2 =	sadd.s32 $0x208, s31;
	s3 =	sand.u32 @!p2 $0x7, s28;
	s0 =	sadd.s32 @!p2 s1, s0;
	[tilespmem:s31+$0x2F8] =	vst.add.f32.msk $0xffff, v1  }
0x134: {  	[hbm4b:s0+s3] =	stream.linear.scatter @!p2 [tilespmem:s2], [sflag:$0xA], $0x80, $0x38;
	[tilespmem:$0x1E668] =	vst v63  }
0x135: {  	s0 =	sadd.s32 @!p2 $0x80, s28  }
0x136: {  	s0 =	sand.u32 @!p2 $0xFFFF8, s0  }
0x137: {  	s2 =	sadd.s32 $0x288, s31;
	s0 =	sadd.s32 @!p2 s1, s0  }
0x138: {  	[hbm4b:s0+s3] =	stream.linear.scatter @!p2 [tilespmem:s2], [sflag:$0xA], $0x80, $0x38;
	[tilespmem:$0x1E668] =	vst v63  }
0x139: {  	s0 =	simm.s32 $0x0  }
0x13a: {  	s0 =	simm.s32 @!p2 $0x400  }
0x13b: {  	s30 =	sadd.s32 s0, s30  }
.LBB2_22:
0x13c: {  	s0 =	sadd.s32 $0x1, s21  }
0x13d: {  	s2 =	sshrl.u32 s0, $0x4  }
0x13e: {  	s2 =	smulhi.u32 $0x24924925, s2  }
0x13f: {  	v1 =	vld [tilespmem:s24+$0xFFFFFF80]  }
0x140: {  	s2 =	smul.u32 $0x70, s2;
	_ =	sdelay $0x1  }
0x141: {  	s21 =	ssub.s32 s0, s2  }
0x142: {  	s0 =	sshll.u32 s21, $0x8  }
0x143: {  	[tilespmem:s0+$0x208] =	vst v1  }
0x144: {  	v1 =	vld [tilespmem:s24+$0xFFFFFF90];
	_ =	sdelay $0x4  }
0x145: {  	[tilespmem:s0+$0x218] =	vst v1  }
0x146: {  	v1 =	vld [tilespmem:s24+$0xFFFFFFA0];
	_ =	sdelay $0x4  }
0x147: {  	[tilespmem:s0+$0x228] =	vst v1  }
0x148: {  	v1 =	vld [tilespmem:s24+$0xFFFFFFB0];
	_ =	sdelay $0x4  }
0x149: {  	[tilespmem:s0+$0x238] =	vst v1  }
0x14a: {  	v1 =	vld [tilespmem:s24+$0xFFFFFFC0];
	_ =	sdelay $0x4  }
0x14b: {  	[tilespmem:s0+$0x248] =	vst v1  }
0x14c: {  	v1 =	vld [tilespmem:s24+$0xFFFFFFD0];
	_ =	sdelay $0x4  }
0x14d: {  	[tilespmem:s0+$0x258] =	vst v1  }
0x14e: {  	v1 =	vld [tilespmem:s24+$0xFFFFFFE0];
	_ =	sdelay $0x4  }
0x14f: {  	[tilespmem:s0+$0x268] =	vst v1  }
0x150: {  	v1 =	vld [tilespmem:s24+$0xFFFFFFF0];
	_ =	sdelay $0x4  }
0x151: {  	[tilespmem:s0+$0x278] =	vst v1  }
0x152: {  	v1 =	vld [tilespmem:s24+$0x0];
	_ =	sdelay $0x4  }
0x153: {  	[tilespmem:s0+$0x288] =	vst v1  }
0x154: {  	v1 =	vld [tilespmem:s24+$0x10];
	_ =	sdelay $0x4  }
0x155: {  	[tilespmem:s0+$0x298] =	vst v1  }
0x156: {  	v1 =	vld [tilespmem:s24+$0x20];
	_ =	sdelay $0x4  }
0x157: {  	[tilespmem:s0+$0x2A8] =	vst v1  }
0x158: {  	v1 =	vld [tilespmem:s24+$0x30];
	_ =	sdelay $0x4  }
0x159: {  	[tilespmem:s0+$0x2B8] =	vst v1  }
0x15a: {  	v1 =	vld [tilespmem:s24+$0x40];
	_ =	sdelay $0x4  }
0x15b: {  	[tilespmem:s0+$0x2C8] =	vst v1  }
0x15c: {  	v1 =	vld [tilespmem:s24+$0x50];
	_ =	sdelay $0x4  }
0x15d: {  	[tilespmem:s0+$0x2D8] =	vst v1  }
0x15e: {  	v1 =	vld [tilespmem:s24+$0x60];
	_ =	sdelay $0x4  }
0x15f: {  	[tilespmem:s0+$0x2E8] =	vst v1  }
0x160: {  	v1 =	vld [tilespmem:s24+$0x70]  }
.Ltmp21:
0x161: {  	_ = 	snop;
	(pc) =	sbr.rel .LBB2_23-.Ltmp21, $2  }
0x162: {  	_ =	sdelay $0x2  }
0x163: {  	s26 =	sadd.s32 $0x1, s26;
	[tilespmem:s0+$0x2F8] =	vst v1  }
.LBB2_25:
.Ltmp22:
0x164: {  	(pc) =	sbr.rel .LBB2_26-.Ltmp22, $4  }
0x165: {  	_ = 	snop  }
0x166: {  	s0 =	simm.s32 $0x2  }
0x167: {  	_ =	swait.ge [sflag:s0], $0x0  }
0x168: {  	s29 =	smov.u32 s28;
	[sflag:s0] =	ssyncset.done $0x0;
	s0 =	simm.s32 $0x0  }
.LBB2_28:
0x169: {  	_ =	sfence.sel $0x180000  }
0x16a: {  	s0 =	simm.s32 $0x7;
	[bflag:$0x0] =	sbarrier.arrive $0xFFFF  }
0x16b: {  	s25 =	simm.s32 $0x8;
	[sflag:s0] =	ssyncpa.u1 $0x1  }
0x16c: {  	s26 =	simm.s32 $0x9;
	[sflag:s25] =	ssyncpa.u1 $0x1  }
0x16d: {  	s28 =	simm.s32 $0x2;
	[sflag:s26] =	ssyncpa.u1 $0x1  }
0x16e: {  	[sflag:s28] =	ssyncpa.u1 $0x1  }
0x16f: {  	v0 =	vld [tilespmem:$0xE408];
	_ =	sdelay $0x4  }
0x170: {  	(v2sf) =	vpush v0, $0x0  }
0x171: {  	(v2sf) =	vpush v0, $0x1;
	_ =	sdelay $0x1  }
0x172: {  	(v2sf) =	vpush v0, $0x2;
	_ =	sdelay $0xb  }
0x173: {  	s0 =	spop (v2sf)  }
0x174: {  	s2 =	spop (v2sf)  }
0x175: {  	s3 =	smov.u32 s0;
	p0 =	sne.s32 s0, s2  }
0x176: {  	s4 =	spop (v2sf);
	s3 =	simm.s32 @!p0 $0xFFFFFFFF  }
0x177: {  	v2 =	vimm.s32 $0x1;
	v3 =	vlaneseq.u32;
	p0 =	seq.s32 s4, $0xFFFFFFFF;
	v1 =	vmov s3  }
0x178: {  	s7 =	stileid.u32;
	v0 =	vperm.xlane v0, v2;
	p1 =	sne.s32 @!p0 s0, s2;
	v1 =	vperm.xlane v1, v3  }
0x179: {  	vm0 =	vcmask $0x3F04;
	s6 =	simm.s32 $0xE408;
	s0 =	simm.s32 @!p0 $0x1;
	p1 =	por !p1, p0  }
0x17a: {  	s3 =	sshll.u32 s7, $0x1;
	s2 =	sshll.u32 @!p0 s4, $0xA;
	s0 =	simm.s32 @p1 $0x0;
	v0 =	vsel vm0, v1, v0  }
0x17b: {  	s5 =	sor.u32 $0x2000, s3;
	s2 =	sshra.s32 @!p0 s2, $0x2;
	s0 =	sor.u32 @!p0 s0, s3;
	[tilespmem:$0xE408] =	vst v0  }
0x17c: {  	[spmem:s5] =	stream.linear.scatter [tilespmem:s6], [sflag:$0x1], $0x2, $0x38;
	[tilespmem:$0x1E668] =	vst v63  }
0x17d: {  	s2 =	sadd.s32 @!p0 $0x208, s2;
	s0 =	sshll.u32 @!p0 s0, $0x8  }
0x17e: {  	[spmem:s0] =	stream.linear.scatter @!p0 [tilespmem:s2], [sflag:$0x1], $0x100, $0x38;
	[tilespmem:$0x1E668] =	vst v63  }
0x17f: {  	s2 =	simm.s32 @!p0 $0x102  }
0x180: {  	s0 =	simm.s32 $0x1;
	s2 =	simm.s32 @p0 $0x2  }
0x181: {  	_ =	swait.ge [sflag:s0], s2  }
0x182: {  	s2 =	ssub.s32 $0x0, s2;
	[sflag:s0] =	ssyncset.done $0x0  }
0x183: {  	[sflag:s0] =	ssyncadd.s32 s2  }
0x184: {  	_ =	sfence.stream.spmem  }
0x185: {  	s29 =	simm.s32 $0x3;
	[bflag:$0x0] =	sbarrier.arrive $0xFFFF  }
0x186: {  	s30 =	simm.s32 $0x4;
	[sflag:s29] =	ssyncpa.u1 $0x1  }
0x187: {  	s31 =	simm.s32 $0x3C;
	[sflag:s30] =	ssyncpa.u1 $0x1  }
0x188: {  	p0 =	sne.s32 s7, $0x0;
	[sflag:s31] =	ssyncpa.u1 $0x1  }
0x189: {  	_ =	sfence @p0  }
0x18a: {  	[sflag:s0] =	ssyncpa.u1 @p0 $0x1  }
0x18b: {  	_ =	strace @p0 $0x90000050  }
0x18c: {  	[bflag:$0x2] =	sbarrier.arrive @p0 $0xFFFF  }
0x18d: {  	_ =	shalt @p0  }
.LBB2_29:
0x18e: {  	_ =	sfence.stream.spmem;
	s0 =	simm.s32 $0x5  }
0x18f: {  	s2 =	simm.s32 $0x2000;
	s3 =	simm.s32 $0xE418;
	[sflag:s0] =	ssyncpa.u1 $0x0  }
0x190: {  	[tilespmem:s3], [sflag:$0x5] =	stream.linear.gather [spmem:s2], $0x20, $0x38;
	[tilespmem:$0x1E668] =	vst v63  }
0x191: {  	s30 =	simm.s32 $0xE438;
	s2 =	simm.s32 $0x0  }
0x192: {  	[tilespmem:s30], [sflag:$0x5] =	stream.linear.gather [spmem:s2], $0x2000, $0x38;
	[tilespmem:$0x1E668] =	vst v63  }
.Ltmp23:
0x193: {  	_ = 	snop;
	(pc) =	sbr.rel .LBB2_30-.Ltmp23, $4  }
0x194: {  	_ =	swait.ge [sflag:s0], $0x2020  }
0x195: {  	[sflag:s0] =	ssyncset.done $0x0  }
0x196: {  	s31 =	simm.s32 $0x6;
	[sflag:s0] =	ssyncadd.s32 $0xFFFFDFE0  }
0x197: {  	s3 =	simm.s32 $0x0;
	[sflag:s31] =	ssyncpa.u1 $0x0  }
.LBB2_36:
0x198: {  	p0 =	slt.u32 s4, $0x4E171  }
0x199: {  	s0 =	sand.u32 @p0 $0x7FFF8, s4  }
0x19a: {  	s5 =	sand.u32 @p0 $0x7, s4;
	s6 =	simm.s32 @p0 $0xE308;
	s0 =	sadd.s32 @p0 s1, s0  }
0x19b: {  	[tilespmem:s6], [sflag:$0x6] =	stream.linear.gather @p0 [hbm4b:s0+s5], $0x80, $0x38;
	[tilespmem:$0x1E668] =	vst v63  }
0x19c: {  	s0 =	sadd.s32 @p0 $0x80, s4  }
0x19d: {  	s0 =	sand.u32 @p0 $0xFFFF8, s0  }
0x19e: {  	s4 =	simm.s32 @p0 $0xE388;
	s0 =	sadd.s32 @p0 s1, s0  }
0x19f: {  	[tilespmem:s4], [sflag:$0x6] =	stream.linear.gather @p0 [hbm4b:s0+s5], $0x80, $0x38;
	[tilespmem:$0x1E668] =	vst v63  }
0x1a0: {  	s0 =	simm.s32 @p0 $0x6  }
0x1a1: {  	_ =	swait.ge @p0 [sflag:s0], $0x100  }
0x1a2: {  	[sflag:s0] =	ssyncset.done @p0 $0x0  }
0x1a3: {  	[sflag:s0] =	ssyncadd.s32 @p0 $0xFFFFFF00  }
0x1a4: {  	v1 =	vld @p0 [tilespmem:$0xE308];
	_ =	sdelay $0x2  }
0x1a5: {  	s0 =	sshll.u32 @p0 s3, $0xA  }
0x1a6: {  	s4 =	sshrl.u32 @p0 s0, $0x2  }
0x1a7: {  	[tilespmem:s4+$0xE438] =	vst.add.f32.msk @p0 $0xffff, v1  }
0x1a8: {  	v1 =	vld @p0 [tilespmem:$0xE318];
	_ =	sdelay $0x4  }
0x1a9: {  	[tilespmem:s4+$0xE448] =	vst.add.f32.msk @p0 $0xffff, v1  }
0x1aa: {  	v1 =	vld @p0 [tilespmem:$0xE328];
	_ =	sdelay $0x4  }
0x1ab: {  	[tilespmem:s4+$0xE458] =	vst.add.f32.msk @p0 $0xffff, v1  }
0x1ac: {  	v1 =	vld @p0 [tilespmem:$0xE338];
	_ =	sdelay $0x4  }
0x1ad: {  	[tilespmem:s4+$0xE468] =	vst.add.f32.msk @p0 $0xffff, v1  }
0x1ae: {  	v1 =	vld @p0 [tilespmem:$0xE348];
	_ =	sdelay $0x4  }
0x1af: {  	[tilespmem:s4+$0xE478] =	vst.add.f32.msk @p0 $0xffff, v1  }
0x1b0: {  	v1 =	vld @p0 [tilespmem:$0xE358];
	_ =	sdelay $0x4  }
0x1b1: {  	[tilespmem:s4+$0xE488] =	vst.add.f32.msk @p0 $0xffff, v1  }
0x1b2: {  	v1 =	vld @p0 [tilespmem:$0xE368];
	_ =	sdelay $0x4  }
0x1b3: {  	[tilespmem:s4+$0xE498] =	vst.add.f32.msk @p0 $0xffff, v1  }
0x1b4: {  	v1 =	vld @p0 [tilespmem:$0xE378];
	_ =	sdelay $0x4  }
0x1b5: {  	[tilespmem:s4+$0xE4A8] =	vst.add.f32.msk @p0 $0xffff, v1  }
0x1b6: {  	v1 =	vld @p0 [tilespmem:$0xE388];
	_ =	sdelay $0x4  }
0x1b7: {  	[tilespmem:s4+$0xE4B8] =	vst.add.f32.msk @p0 $0xffff, v1  }
0x1b8: {  	v1 =	vld @p0 [tilespmem:$0xE398];
	_ =	sdelay $0x4  }
0x1b9: {  	[tilespmem:s4+$0xE4C8] =	vst.add.f32.msk @p0 $0xffff, v1  }
0x1ba: {  	v1 =	vld @p0 [tilespmem:$0xE3A8];
	_ =	sdelay $0x4  }
0x1bb: {  	[tilespmem:s4+$0xE4D8] =	vst.add.f32.msk @p0 $0xffff, v1  }
0x1bc: {  	v1 =	vld @p0 [tilespmem:$0xE3B8];
	_ =	sdelay $0x4  }
0x1bd: {  	[tilespmem:s4+$0xE4E8] =	vst.add.f32.msk @p0 $0xffff, v1  }
0x1be: {  	v1 =	vld @p0 [tilespmem:$0xE3C8];
	_ =	sdelay $0x4  }
0x1bf: {  	[tilespmem:s4+$0xE4F8] =	vst.add.f32.msk @p0 $0xffff, v1  }
0x1c0: {  	v1 =	vld @p0 [tilespmem:$0xE3D8];
	_ =	sdelay $0x4  }
0x1c1: {  	[tilespmem:s4+$0xE508] =	vst.add.f32.msk @p0 $0xffff, v1  }
0x1c2: {  	v1 =	vld @p0 [tilespmem:$0xE3E8];
	_ =	sdelay $0x4  }
0x1c3: {  	[tilespmem:s4+$0xE518] =	vst.add.f32.msk @p0 $0xffff, v1  }
0x1c4: {  	v1 =	vld @p0 [tilespmem:$0xE3F8];
	_ =	sdelay $0x3  }
0x1c5: {  	s5 =	sshll.u32 @!p0 s3, $0xA  }
0x1c6: {  	s5 =	smov.u32 @p0 s0;
	[tilespmem:s4+$0xE528] =	vst.add.f32.msk @p0 $0xffff, v1  }
0x1c7: {  	s0 =	sshrl.u32 s5, $0x2;
	[tilespmem:s2+$0xE418] =	vst.msk $0x1, v0  }
0x1c8: {  	v0 =	vld [tilespmem:s0+$0xE438];
	_ =	sdelay $0x2  }
0x1c9: {  	s31 =	sshll.u32 s2, $0xA  }
0x1ca: {  	s4 =	sshra.s32 s31, $0x2  }
0x1cb: {  	[tilespmem:s4+$0xE438] =	vst v0  }
0x1cc: {  	v0 =	vld [tilespmem:s0+$0xE448];
	_ =	sdelay $0x4  }
0x1cd: {  	[tilespmem:s4+$0xE448] =	vst v0  }
0x1ce: {  	v0 =	vld [tilespmem:s0+$0xE458];
	_ =	sdelay $0x4  }
0x1cf: {  	[tilespmem:s4+$0xE458] =	vst v0  }
0x1d0: {  	v0 =	vld [tilespmem:s0+$0xE468];
	_ =	sdelay $0x4  }
0x1d1: {  	[tilespmem:s4+$0xE468] =	vst v0  }
0x1d2: {  	v0 =	vld [tilespmem:s0+$0xE478];
	_ =	sdelay $0x4  }
0x1d3: {  	[tilespmem:s4+$0xE478] =	vst v0  }
0x1d4: {  	v0 =	vld [tilespmem:s0+$0xE488];
	_ =	sdelay $0x4  }
0x1d5: {  	[tilespmem:s4+$0xE488] =	vst v0  }
0x1d6: {  	v0 =	vld [tilespmem:s0+$0xE498];
	_ =	sdelay $0x4  }
0x1d7: {  	[tilespmem:s4+$0xE498] =	vst v0  }
0x1d8: {  	v0 =	vld [tilespmem:s0+$0xE4A8];
	_ =	sdelay $0x4  }
0x1d9: {  	[tilespmem:s4+$0xE4A8] =	vst v0  }
0x1da: {  	v0 =	vld [tilespmem:s0+$0xE4B8];
	_ =	sdelay $0x4  }
0x1db: {  	[tilespmem:s4+$0xE4B8] =	vst v0  }
0x1dc: {  	v0 =	vld [tilespmem:s0+$0xE4C8];
	_ =	sdelay $0x4  }
0x1dd: {  	[tilespmem:s4+$0xE4C8] =	vst v0  }
0x1de: {  	v0 =	vld [tilespmem:s0+$0xE4D8];
	_ =	sdelay $0x4  }
0x1df: {  	[tilespmem:s4+$0xE4D8] =	vst v0  }
0x1e0: {  	v0 =	vld [tilespmem:s0+$0xE4E8];
	_ =	sdelay $0x4  }
0x1e1: {  	[tilespmem:s4+$0xE4E8] =	vst v0  }
0x1e2: {  	v0 =	vld [tilespmem:s0+$0xE4F8];
	_ =	sdelay $0x4  }
0x1e3: {  	[tilespmem:s4+$0xE4F8] =	vst v0  }
0x1e4: {  	v0 =	vld [tilespmem:s0+$0xE508];
	_ =	sdelay $0x4  }
0x1e5: {  	[tilespmem:s4+$0xE508] =	vst v0  }
0x1e6: {  	v0 =	vld [tilespmem:s0+$0xE518];
	_ =	sdelay $0x4  }
0x1e7: {  	[tilespmem:s4+$0xE518] =	vst v0  }
0x1e8: {  	v0 =	vld [tilespmem:s0+$0xE528];
	_ =	sdelay $0x4  }
0x1e9: {  	s2 =	sadd.s32 $0x1, s2;
	[tilespmem:s4+$0xE528] =	vst v0  }
.LBB2_37:
0x1ea: {  	s3 =	sadd.s32 $0x1, s3  }
0x1eb: {  	p0 =	sne.s32 s3, $0x20  }
.Ltmp24:
0x1ec: {  	_ = 	snop;
	(pc) =	sbr.rel @!p0 .LBB2_38-.Ltmp24, $1  }
0x1ed: {  	_ =	sdelay $0x3  }
.LBB2_30:
0x1ee: {  	v0 =	vld.msk [tilespmem:s3+$0xE418], $0x1;
	_ =	sdelay $0x4  }
0x1ef: {  	(v2sf) =	vpush v0, $0x0;
	_ =	sdelay $0xe  }
0x1f0: {  	s4 =	spop (v2sf)  }
0x1f1: {  	p0 =	seq.s32 s4, $0xFFFFFFFF  }
.Ltmp25:
0x1f2: {  	_ = 	snop;
	(pc) =	sbr.rel @p0 .LBB2_37-.Ltmp25, $1  }
0x1f3: {  	_ =	sdelay $0x3  }
0x1f4: {  	p0 =	slt.s32 s2, $0x1  }
.Ltmp26:
0x1f5: {  	_ = 	snop;
	(pc) =	sbr.rel @p0 .LBB2_36-.Ltmp26, $1  }
0x1f6: {  	_ =	sdelay $0x3  }
0x1f7: {  	s5 =	simm.s32 $0xE418;
	p0 =	por $0x0, $0x0  }
0x1f8: {  	v1 =	vld.msk @!p0 [tilespmem:s5+$0x0], $0x1;
	_ =	sdelay $0x4  }
0x1f9: {  	(v2sf) =	vpush @!p0 v1, $0x0;
	_ =	sdelay $0xd  }
0x1fa: {  	p2 =	sne.s32 s2, $0x1  }
.Ltmp27:
0x1fb: {  	s0 =	spop @!p0 (v2sf);
	(pc) =	sbr.rel @!p2 .LBB2_34-.Ltmp27, $4  }
0x1fc: {  	p1 =	seq.s32 @!p0 s4, s0  }
0x1fd: {  	s6 =	simm.s32 $0x0;
	p1 =	por !p1, p0  }
0x1fe: {  	s0 =	simm.s32 $0xFFFFFFFF;
	s6 =	simm.s32 @p1 $0xFFFFFFFF  }
0x1ff: {  	s7 =	simm.s32 $0x1;
	s6 =	smov.u32 @p0 s0  }
.LBB2_33:
0x200: {  	s0 =	smov.u32 s6;
	p0 =	sne.s32 s6, $0xFFFFFFFF  }
0x201: {  	s5 =	sadd.s32 $0x1, s5;
	s6 =	smov.u32 s7;
	s7 =	sadd.s32 $0x1, s7  }
0x202: {  	p1 =	sne.s32 s2, s7;
	v1 =	vld.msk @!p0 [tilespmem:s5+$0x0], $0x1;
	_ =	sdelay $0x4  }
0x203: {  	(v2sf) =	vpush @!p0 v1, $0x0;
	_ =	sdelay $0xe  }
.Ltmp28:
0x204: {  	s8 =	spop @!p0 (v2sf);
	(pc) =	sbr.rel @p1 .LBB2_33-.Ltmp28, $4  }
0x205: {  	p2 =	seq.s32 @!p0 s4, s8  }
0x206: {  	p2 =	por !p2, p0  }
0x207: {  	s6 =	simm.s32 @p2 $0xFFFFFFFF  }
0x208: {  	s6 =	smov.u32 @p0 s0  }
.LBB2_34:
0x209: {  	p0 =	seq.s32 s6, $0xFFFFFFFF  }
.Ltmp29:
0x20a: {  	_ = 	snop;
	(pc) =	sbr.rel @p0 .LBB2_36-.Ltmp29, $1  }
0x20b: {  	_ =	sdelay $0x3  }
0x20c: {  	s0 =	sshll.u32 s3, $0x8  }
0x20d: {  	s0 =	sand.u32 $0x3FFFFF00, s0  }
0x20e: {  	v0 =	vld [tilespmem:s0+$0xE438];
	_ =	sdelay $0x2  }
0x20f: {  	s4 =	sshll.u32 s6, $0xA  }
0x210: {  	s4 =	sshra.s32 s4, $0x2  }
0x211: {  	[tilespmem:s4+$0xE438] =	vst.add.f32.msk $0xffff, v0  }
0x212: {  	v0 =	vld [tilespmem:s0+$0xE448];
	_ =	sdelay $0x4  }
0x213: {  	[tilespmem:s4+$0xE448] =	vst.add.f32.msk $0xffff, v0  }
0x214: {  	v0 =	vld [tilespmem:s0+$0xE458];
	_ =	sdelay $0x4  }
0x215: {  	[tilespmem:s4+$0xE458] =	vst.add.f32.msk $0xffff, v0  }
0x216: {  	v0 =	vld [tilespmem:s0+$0xE468];
	_ =	sdelay $0x4  }
0x217: {  	[tilespmem:s4+$0xE468] =	vst.add.f32.msk $0xffff, v0  }
0x218: {  	v0 =	vld [tilespmem:s0+$0xE478];
	_ =	sdelay $0x4  }
0x219: {  	[tilespmem:s4+$0xE478] =	vst.add.f32.msk $0xffff, v0  }
0x21a: {  	v0 =	vld [tilespmem:s0+$0xE488];
	_ =	sdelay $0x4  }
0x21b: {  	[tilespmem:s4+$0xE488] =	vst.add.f32.msk $0xffff, v0  }
0x21c: {  	v0 =	vld [tilespmem:s0+$0xE498];
	_ =	sdelay $0x4  }
0x21d: {  	[tilespmem:s4+$0xE498] =	vst.add.f32.msk $0xffff, v0  }
0x21e: {  	v0 =	vld [tilespmem:s0+$0xE4A8];
	_ =	sdelay $0x4  }
0x21f: {  	[tilespmem:s4+$0xE4A8] =	vst.add.f32.msk $0xffff, v0  }
0x220: {  	v0 =	vld [tilespmem:s0+$0xE4B8];
	_ =	sdelay $0x4  }
0x221: {  	[tilespmem:s4+$0xE4B8] =	vst.add.f32.msk $0xffff, v0  }
0x222: {  	v0 =	vld [tilespmem:s0+$0xE4C8];
	_ =	sdelay $0x4  }
0x223: {  	[tilespmem:s4+$0xE4C8] =	vst.add.f32.msk $0xffff, v0  }
0x224: {  	v0 =	vld [tilespmem:s0+$0xE4D8];
	_ =	sdelay $0x4  }
0x225: {  	[tilespmem:s4+$0xE4D8] =	vst.add.f32.msk $0xffff, v0  }
0x226: {  	v0 =	vld [tilespmem:s0+$0xE4E8];
	_ =	sdelay $0x4  }
0x227: {  	[tilespmem:s4+$0xE4E8] =	vst.add.f32.msk $0xffff, v0  }
0x228: {  	v0 =	vld [tilespmem:s0+$0xE4F8];
	_ =	sdelay $0x4  }
0x229: {  	[tilespmem:s4+$0xE4F8] =	vst.add.f32.msk $0xffff, v0  }
0x22a: {  	v0 =	vld [tilespmem:s0+$0xE508];
	_ =	sdelay $0x4  }
0x22b: {  	[tilespmem:s4+$0xE508] =	vst.add.f32.msk $0xffff, v0  }
0x22c: {  	v0 =	vld [tilespmem:s0+$0xE518];
	_ =	sdelay $0x4  }
0x22d: {  	[tilespmem:s4+$0xE518] =	vst.add.f32.msk $0xffff, v0  }
0x22e: {  	v0 =	vld [tilespmem:s0+$0xE528]  }
.Ltmp30:
0x22f: {  	_ = 	snop;
	(pc) =	sbr.rel .LBB2_37-.Ltmp30, $2  }
0x230: {  	_ =	sdelay $0x2  }
0x231: {  	[tilespmem:s4+$0xE528] =	vst.add.f32.msk $0xffff, v0  }
.LBB2_38:
0x232: {  	p0 =	slt.s32 s2, $0x1  }
.Ltmp31:
0x233: {  	_ = 	snop;
	(pc) =	sbr.rel @p0 .LBB2_42-.Ltmp31, $3  }
0x234: {  	_ =	sdelay $0x1  }
0x235: {  	s0 =	simm.s32 $0x6  }
0x236: {  	[sflag:s0] =	ssyncpa.u1 $0x1;
	s0 =	simm.s32 $0x0  }
0x237: {  	s3 =	simm.s32 $0xE418  }
0x238: {  	v0 =	vld.msk [tilespmem:s3+$0x0], $0x1;
	_ =	sdelay $0x4  }
0x239: {  	(v2sf) =	vpush v0, $0x0;
	_ =	sdelay $0xe  }
0x23a: {  	s2 =	sadd.s32 $0xFFFFFFFF, s2;
	s4 =	spop (v2sf)  }
0x23b: {  	s5 =	simm.s32 $0xE438;
	p0 =	sne.s32 s2, $0x0;
	p1 =	sgt.u32 s4, $0x4E170  }
.Ltmp32:
0x23c: {  	s3 =	simm.s32 $0xE538;
	s6 =	sand.u32 @!p1 $0x7FFF8, s4;
	(pc) =	sbr.rel @!p0 .LBB2_41-.Ltmp32, $4  }
0x23d: {  	s7 =	sadd.s32 @!p1 $0x80, s4;
	s8 =	sadd.s32 @!p1 s1, s6;
	s6 =	sand.u32 @!p1 $0x7, s4  }
0x23e: {  	[hbm4b:s8+s6] =	stream.linear.scatter @!p1 [tilespmem:s5], [sflag:$0x5], $0x80, $0x38;
	[tilespmem:$0x1E668] =	vst v63  }
0x23f: {  	s0 =	simm.s32 @!p1 $0x400;
	s4 =	simm.s32 $0xE419;
	s5 =	sand.u32 @!p1 $0xFFFF8, s7  }
0x240: {  	s7 =	simm.s32 @!p1 $0xE4B8;
	s8 =	sadd.s32 @!p1 s1, s5;
	s5 =	sadd.s32 $0x0, s0  }
.LBB2_40:
0x241: {  	[hbm4b:s8+s6] =	stream.linear.scatter @!p1 [tilespmem:s7], [sflag:$0x5], $0x80, $0x38;
	[tilespmem:$0x1E668] =	vst v63  }
0x242: {  	s2 =	sadd.s32 $0xFFFFFFFF, s2;
	s0 =	smov.u32 s3;
	v0 =	vld.msk [tilespmem:s4+$0x0], $0x1  }
0x243: {  	p0 =	sne.s32 s2, $0x0;
	_ =	sdelay $0x3  }
0x244: {  	(v2sf) =	vpush v0, $0x0;
	_ =	sdelay $0xe  }
0x245: {  	s3 =	sadd.s32 $0x100, s3;
	s9 =	simm.s32 $0x0;
	s6 =	spop (v2sf)  }
.Ltmp33:
0x246: {  	s4 =	sadd.s32 $0x1, s4;
	p1 =	sgt.u32 s6, $0x4E170;
	(pc) =	sbr.rel @p0 .LBB2_40-.Ltmp33, $4  }
0x247: {  	s9 =	simm.s32 @!p1 $0x400;
	s7 =	sand.u32 @!p1 $0x7FFF8, s6;
	s8 =	sadd.s32 @!p1 $0x80, s6  }
0x248: {  	s6 =	sand.u32 @!p1 $0x7, s6;
	s7 =	sadd.s32 @!p1 s1, s7;
	s8 =	sand.u32 @!p1 $0xFFFF8, s8  }
0x249: {  	[hbm4b:s7+s6] =	stream.linear.scatter @!p1 [tilespmem:s0], [sflag:$0x5], $0x80, $0x38;
	[tilespmem:$0x1E668] =	vst v63  }
0x24a: {  	s5 =	sadd.s32 s5, s9;
	s7 =	sadd.s32 @!p1 $0x80, s0;
	s8 =	sadd.s32 @!p1 s1, s8  }
.LBB2_41:
0x24b: {  	[hbm4b:s8+s6] =	stream.linear.scatter @!p1 [tilespmem:s7], [sflag:$0x5], $0x80, $0x38;
	[tilespmem:$0x1E668] =	vst v63  }
0x24c: {  	s0 =	sshrl.u32 s5, $0x2  }
.LBB2_42:
0x24d: {  	s1 =	simm.s32 $0x5  }
0x24e: {  	_ =	swait.ge [sflag:s1], s0  }
0x24f: {  	s29 =	ssub.s32 $0x0, s0;
	[sflag:s1] =	ssyncset.done $0x0  }
0x250: {  	[sflag:s1] =	ssyncadd.s32 s29  }
0x251: {  	[sflag:s1] =	ssyncpa.u1 $0x1  }
0x252: {  	s30 =	simm.s32 $0x1;
	_ =	sfence  }
0x253: {  	[sflag:s30] =	ssyncpa.u1 $0x1  }
0x254: {  	_ =	strace $0x90000050  }
0x255: {  	[bflag:$0x2] =	sbarrier.arrive $0xFFFF  }
0x256: {  	s31 =	rddreg [dreg:$0x1]  }
0x257: {  	s0 =	sadd.s32 $0x100000, s31  }
0x258: {  	[sflag:s0] =	ssyncadd.tile.s32 $0x1;
	_ =	shalt  }
.Lfunc_end2:
_tile_overlayer_lowered:
.L_overlay_start_2:
0x259: {  	(tag) =	ssettag $0x2  }
0x25a: {  	s0 =	rddreg [dreg:$0x0];
	s2 =	stileid.u32  }
0x25b: {  	s1 =	rddreg [dreg:$0x1];
	p0 =	sne.s32 s2, $0x0  }
0x25c: {  	s3 =	rddreg [dreg:$0x2];
	[bflag:$0x3] =	sbarrier.arrive $0xFFFF;
	s2 =	simm.s32 @!p0 $0x1C01  }
0x25d: {  	[timem:s3], [sflag:s2] =	dma.local @!p0 [hbm:s0], s1  }
0x25e: {  	s0 =	simm.s32 @!p0 $0x1  }
0x25f: {  	_ =	swait.ge @!p0 [sflag:s0], s1  }
0x260: {  	s1 =	ssub.s32 @!p0 $0x0, s1;
	[sflag:s0] =	ssyncset.done @!p0 $0x0  }
0x261: {  	[sflag:s0] =	ssyncadd.s32 @!p0 s1  }
0x262: {  	[bflag:$0x3] =	sbarrier.arrive $0xFFFF  }
0x263: {  	_ =	shalt  }

// kernel: scatter_offload_async_start.2
scs
__scs_entry_jumppad:
0x0: {  	(pc) =	sbr.rel $0x88, $3  }
0x1: {  	(tag) =	ssettag $0x0;
	lr =	simm.s32 $0x1  }
0x2: {  	[smem:$0x3F8A] =	sst lr;
	_ =	strace $0xD0000000  }
0x3: {  	_ = 	snop  }
0x4: {  	_ = 	snop  }
0x5: {  	_ = 	snop  }
0x6: {  	_ = 	snop  }
0x7: {  	_ = 	snop  }
__scs_overlays_trampoline_lowered:
0x8: {  	[smem:$0x3F99] =	sst s0  }
0x9: {  	[smem:$0x3F9A] =	sst s1  }
0xa: {  	[smem:$0x3F9B] =	sst s2  }
0xb: {  	[smem:$0x3F9C] =	sst s3  }
0xc: {  	[smem:$0x3F9D] =	sst s4  }
0xd: {  	[smem:$0x3F9E] =	sst s5  }
0xe: {  	[smem:$0x3F9F] =	sst s6  }
0xf: {  	[smem:$0x3FA0] =	sst s7  }
0x10: {  	[smem:$0x3FA1] =	sst s8  }
0x11: {  	[smem:$0x3FA2] =	sst s9;
	s0 =	simm.s32 @!p0 $0x0  }
0x12: {  	s1 =	sld [smem:$0x3F88];
	s0 =	simm.s32 @p0 $0x1  }
0x13: {  	[smem:$0x3FA3] =	sst s0;
	s0 =	simm.s32 @!p1 $0x0  }
0x14: {  	s2 =	sld [smem:$0x3F87];
	s0 =	simm.s32 @p1 $0x1  }
0x15: {  	[smem:$0x3FA4] =	sst s0;
	s0 =	simm.s32 @!p2 $0x0  }
0x16: {  	s3 =	sld [smem:$0x3FDB];
	s0 =	simm.s32 @p2 $0x1  }
0x17: {  	s4 =	simm.s32 $0x1BF5;
	[smem:$0x3FA6] =	sst s0  }
0x18: {  	s0 =	sld [smem:$0x3F89];
	_ =	swait.ge [sflag:s4], $0x0  }
0x19: {  	s7 =	sld [smem:$0x3F8A]  }
0x1a: {  	s8 =	sadd.s32 $0xFFFFE003, lr  }
0x1b: {  	s9 =	sadd.s32 $0xFFFFFEF7, lr;
	s5 =	simm.s32 $0xFFFFFFFF;
	p2 =	slt.u32 s8, $0xFFFFF086  }
0x1c: {  	p1 =	slt.u32 s9, $0xF7A;
	s5 =	simm.s32 @!p2 $0x0  }
0x1d: {  	s5 =	simm.s32 @p1 $0x1;
	p0 =	seq.s32 s7, s2  }
0x1e: {  	s7 =	smul.u32 @!p0 $0xF7A, s2;
	p2 =	seq.s32 @!p0 s5, $0x0  }
0x1f: {  	s9 =	smul.u32 $0xF7A, s1;
	s8 =	simm.s32 @!p0 $0x1BF5;
	p2 =	por !p2, p0  }
0x20: {  	[sflag:s8] =	ssyncset.s32 @!p0 $0xFFFFF086;
	s6 =	sadd.s32 @!p0 s3, s7;
	s7 =	simm.s32 @!p0 $0x108  }
0x21: {  	s3 =	sadd.s32 s3, s9;
	s6 =	sadd.s32 @!p0 $0x88, s6;
	s7 =	simm.s32 @p2 $0x1082  }
0x22: {  	[simem:s7], [sflag:s8] =	dma.local @!p0 [hbm:s6], $0xF7A  }
0x23: {  	s9 =	sor.u32 $0xD0000000, s2;
	s6 =	simm.s32 $0x108;
	_ =	swait.ge @!p0 [sflag:s8], $0x0  }
0x24: {  	s3 =	sadd.s32 $0x88, s3;
	s6 =	simm.s32 @!p1 $0x1082;
	[sflag:s4] =	ssyncset.s32 $0xFFFFF086  }
0x25: {  	[simem:s6], [sflag:s4] =	dma.local [hbm:s3], $0xF7A  }
0x26: {  	[smem:$0x3F8A] =	sst s1;
	(tag) =	ssettag s2;
	_ =	strace s9  }
0x27: {  	s1 =	sld [smem:$0x3F9A]  }
0x28: {  	s2 =	sld [smem:$0x3F9B]  }
0x29: {  	s4 =	sld [smem:$0x3F9D]  }
0x2a: {  	p0 =	seq.s32 s5, $0x0;
	s5 =	sld [smem:$0x3F9E]  }
0x2b: {  	s6 =	sld [smem:$0x3F9F]  }
0x2c: {  	s7 =	sld [smem:$0x3FA0]  }
0x2d: {  	s3 =	simm.s32 $0x108;
	s8 =	sld [smem:$0x3FA1]  }
0x2e: {  	s3 =	simm.s32 @!p0 $0x1082;
	s9 =	sld [smem:$0x3FA2]  }
0x2f: {  	lr =	sadd.s32 s0, s3;
	s0 =	sld [smem:$0x3F99]  }
0x30: {  	s3 =	sld [smem:$0x3F9C]  }
0x31: {  	[smem:$0x3FA5] =	sst s10  }
0x32: {  	s10 =	sld [smem:$0x3FA3];
	_ =	sdelay $0x3  }
0x33: {  	p0 =	seq.s32 s10, $0x1;
	s10 =	sld [smem:$0x3FA5];
	_ =	sdelay $0x3  }
0x34: {  	[smem:$0x3FA5] =	sst s10  }
0x35: {  	s10 =	sld [smem:$0x3FA4];
	_ =	sdelay $0x3  }
0x36: {  	p1 =	seq.s32 s10, $0x1;
	s10 =	sld [smem:$0x3FA5];
	_ =	sdelay $0x3  }
0x37: {  	[smem:$0x3FA5] =	sst s10  }
0x38: {  	s10 =	sld [smem:$0x3FA6]  }
0x39: {  	_ = 	snop;
	(pc) =	sbr.ind lr, $3  }
0x3a: {  	_ = 	snop  }
0x3b: {  	_ = 	snop  }
0x3c: {  	p2 =	seq.s32 s10, $0x1;
	s10 =	sld [smem:$0x3FA5]  }
0x3d: {  	_ =	shalt  }
0x3e: {  	_ =	shalt  }
0x3f: {  	_ =	shalt  }
0x40: {  	_ =	shalt  }
0x41: {  	_ =	shalt  }
0x42: {  	_ =	shalt  }
0x43: {  	_ =	shalt  }
0x44: {  	_ =	shalt  }
0x45: {  	_ =	shalt  }
0x46: {  	_ =	shalt  }
0x47: {  	_ =	shalt  }
0x48: {  	_ =	shalt  }
0x49: {  	_ =	shalt  }
0x4a: {  	_ =	shalt  }
0x4b: {  	_ =	shalt  }
0x4c: {  	_ =	shalt  }
0x4d: {  	_ =	shalt  }
0x4e: {  	_ =	shalt  }
0x4f: {  	_ =	shalt  }
0x50: {  	_ =	shalt  }
0x51: {  	_ =	shalt  }
0x52: {  	_ =	shalt  }
0x53: {  	_ =	shalt  }
0x54: {  	_ =	shalt  }
0x55: {  	_ =	shalt  }
0x56: {  	_ =	shalt  }
0x57: {  	_ =	shalt  }
0x58: {  	_ =	shalt  }
0x59: {  	_ =	shalt  }
0x5a: {  	_ =	shalt  }
0x5b: {  	_ =	shalt  }
0x5c: {  	_ =	shalt  }
0x5d: {  	_ =	shalt  }
0x5e: {  	_ =	shalt  }
0x5f: {  	_ =	shalt  }
0x60: {  	_ =	shalt  }
0x61: {  	_ =	shalt  }
0x62: {  	_ =	shalt  }
0x63: {  	_ =	shalt  }
0x64: {  	_ =	shalt  }
0x65: {  	_ =	shalt  }
0x66: {  	_ =	shalt  }
0x67: {  	_ =	shalt  }
0x68: {  	_ =	shalt  }
0x69: {  	_ =	shalt  }
0x6a: {  	_ =	shalt  }
0x6b: {  	_ =	shalt  }
0x6c: {  	_ =	shalt  }
0x6d: {  	_ =	shalt  }
0x6e: {  	_ =	shalt  }
0x6f: {  	_ =	shalt  }
0x70: {  	_ =	shalt  }
0x71: {  	_ =	shalt  }
0x72: {  	_ =	shalt  }
0x73: {  	_ =	shalt  }
0x74: {  	_ =	shalt  }
0x75: {  	_ =	shalt  }
0x76: {  	_ =	shalt  }
0x77: {  	_ =	shalt  }
0x78: {  	_ =	shalt  }
0x79: {  	_ =	shalt  }
0x7a: {  	_ =	shalt  }
0x7b: {  	_ =	shalt  }
0x7c: {  	_ =	shalt  }
0x7d: {  	_ =	shalt  }
0x7e: {  	_ =	shalt  }
0x7f: {  	_ =	shalt  }
0x80: {  	_ =	shalt  }
0x81: {  	_ =	shalt  }
0x82: {  	_ =	shalt  }
0x83: {  	_ =	shalt  }
0x84: {  	_ =	shalt  }
0x85: {  	_ =	shalt  }
0x86: {  	_ =	shalt  }
0x87: {  	_ =	shalt  }
.Lfunc_end0:
.L_simem_size_0:
called_computation.2_lowered:
.L_overlay_start_0:
0x88: {  	s0 =	sld [smem:$0x3FD9]  }
0x89: {  	s1 =	sld [smem:$0x3FFE];
	_ =	sdelay $0x3  }
0x8a: {  	s0 =	sadd.s32 s1, s0  }
0x8b: {  	[smem:$0x3FB1] =	sst s0  }
0x8c: {  	_ = 	snop  }
0x8d: {  	(tm) =	ssettm $0x1  }
0x8e: {  	s15 =	sld [smem:$0x3FFB];
	_ =	sdelay $0x3  }
0x8f: {  	_ =	strace s15  }
0x90: {  	s0 =	sld [smem:$0x3FFC];
	_ =	sdelay $0x3  }
0x91: {  	_ =	strace s0  }
0x92: {  	s0 =	sld [smem:$0x3FFD];
	_ =	sdelay $0x3  }
0x93: {  	_ =	strace s0  }
0x94: {  	_ =	strace $0x8FFFFFFF  }
0x95: {  	s16 =	sld [smem:$0x3FDB];
	_ =	sdelay $0x1  }
0x96: {  	s17 =	simm.s32 $_scs_section_size  }
0x97: {  	s2 =	simm.s32 $_size__tile_overlayer_lowered;
	s3 =	simm.s32 $_tile_overlayer_lowered  }
0x98: {  	s20 =	simm.s32 $0x1BFF;
	s19 =	sshll.u32 s3, $0x1;
	s0 =	sadd.s32 s17, s16  }
0x99: {  	s4 =	simm.s32 $0x0;
	s18 =	sshll.u32 s2, $0x1;
	s2 =	sadd.s32 s19, s0  }
0x9a: {  	[timem:s4], [sflag:s20] =	dma.local [hbm:s2], s18  }
0x9b: {  	_ =	swait.ge [sflag:s20], s18  }
0x9c: {  	s1 =	ssub.s32 $0x0, s18;
	[sflag:s20] =	ssyncset.done $0x0  }
0x9d: {  	[sflag:s20] =	ssyncadd.s32 s1;
	_ =	sdelay $0x1  }
0x9e: {  	s21 =	simm.s32 $0x1B8B  }
0x9f: {  	_ =	swait.ge [sflag:s21], $0x1  }
0xa0: {  	[sflag:s21] =	ssyncset.done $0x0  }
0xa1: {  	s23 =	simm.s32 $0x1B8E;
	s22 =	sld [smem:$0x3FFE];
	[sflag:s21] =	ssyncadd.s32 $0xFFFFFFFF  }
0xa2: {  	s24 =	simm.s32 $execute0_lowered;
	[smem:$0x3FD2] =	sst s23  }
0xa3: {  	s2 =	sshll.u32 s24, $0x1;
	_ =	strace $0x80000055;
	[dreg:$0x1] =	wrdreg $0xFFFFFFFF  }
0xa4: {  	s25 =	simm.s32 $_size_execute0_lowered;
	s0 =	sadd.s32 s0, s2;
	[dreg:$0x0] =	wrdreg $0x0  }
0xa5: {  	s2 =	sshll.u32 s25, $0x1;
	[dreg:$0x2] =	wrdreg s0  }
0xa6: {  	[dreg:$0x3] =	wrdreg s2  }
0xa7: {  	[dreg:$0x4] =	wrdreg $0xC0  }
0xa8: {  	_ =	task [dreg:s4], $0x5FFFF  }
0xa9: {  	[dreg:$0x1] =	wrdreg $0xFFFFFFFF  }
0xaa: {  	[dreg:$0x0] =	wrdreg $0x60  }
0xab: {  	[dreg:$0x2] =	wrdreg s22  }
0xac: {  	[dreg:$0x3] =	wrdreg $0x9  }
0xad: {  	_ =	task.clear_ibuf [dreg:s4], $0x4FFFF;
	_ =	strace $0x90000055  }
0xae: {  	s26 =	simm.s32 $0x9;
	_ =	strace $0x80000057  }
0xaf: {  	_ =	swait.ge [sflag:s26], $0x1  }
0xb0: {  	[sflag:s26] =	ssyncadd.s32 $0xFFFFFFFF  }
0xb1: {  	_ =	strace $0x90000057  }
0xb2: {  	_ =	sfence  }
0xb3: {  	s28 =	sld [smem:$0x0];
	_ =	sdelay $0x1  }
0xb4: {  	s29 =	srdreg.scid  }
0xb5: {  	s30 =	sshll.u32 s29, $0xD;
	s31 =	sshrl.u32 s29, $0x2  }
0xb6: {  	s1 =	sand.u32 $0x1, s29;
	s2 =	sand.u32 $0x4000, s30;
	s0 =	sadd.s32 s31, s28  }
0xb7: {  	s1 =	sor.u32 s2, s1;
	s0 =	sshll.u32 s0, $0x11  }
0xb8: {  	s0 =	sor.u32 s0, s1  }
0xb9: {  	s0 =	sadd.s32 $0x8F2B, s0  }
0xba: {  	[sflag:s0] =	ssyncadd.remote.s32 $0x1  }
0xbb: {  	_ =	sfence.sel $0xFFFF  }
0xbc: {  	[dreg:$0x0] =	wrdreg $0xFFFFFFFF;
	(pc) =	sbr.abs _section_cstart, $3  }
0xbd: {  	[dreg:$0x1] =	wrdreg $0xFFFFFFFF  }
0xbe: {  	_ =	task.clear_ibuf [dreg:s4], $0x2FFFF;
	_ =	strace $0x9FFFFFFF  }
0xbf: {  	(tm) =	ssettm $0x7FFFFFFF  }
tec
execute0_lowered:
.L_overlay_start_1:
0x0: {  	(tag) =	ssettag $0x1  }
0x1: {  	s0 =	rddreg [dreg:$0x0];
	_ =	strace $0x80000056;
	s1 =	simm.s32 $0x1  }
0x2: {  	s8 =	simm.s32 $0x208;
	v0 =	vimm.s32 $0x0;
	[sflag:s1] =	ssyncpa.u1 $0x0  }
0x3: {  	[tilespmem:s8+$0x70] =	vst v0  }
0x4: {  	[tilespmem:s8+$0x60] =	vst v0  }
0x5: {  	[tilespmem:s8+$0x50] =	vst v0  }
0x6: {  	[tilespmem:s8+$0x40] =	vst v0  }
0x7: {  	[tilespmem:s8+$0x30] =	vst v0  }
0x8: {  	s1 =	sadd.s32 $0xABF000, s0;
	s10 =	sadd.s32 $0xAA0A00, s0;
	[tilespmem:s8+$0x20] =	vst v0  }
0x9: {  	s4 =	sadd.s32 $0x8CA00, s0;
	s5 =	sadd.s32 $0xAAAC00, s0;
	s0 =	simm.s32 $0x40;
	[tilespmem:s8+$0x10] =	vst v0  }
.LBB2_1:
0xa: {  	s0 =	sadd.s32 $0x40, s0;
	[tilespmem:s8+$0x0] =	vst v0;
	s8 =	sadd.s32 $0x80, s8  }
0xb: {  	p0 =	slt.u32 s0, $0x3880;
	[tilespmem:s8+$0x70] =	vst v0  }
0xc: {  	[tilespmem:s8+$0x60] =	vst v0  }
.Ltmp0:
0xd: {  	[tilespmem:s8+$0x50] =	vst v0;
	(pc) =	sbr.rel @p0 .LBB2_1-.Ltmp0, $4  }
0xe: {  	[tilespmem:s8+$0x40] =	vst v0  }
0xf: {  	[tilespmem:s8+$0x30] =	vst v0  }
0x10: {  	[tilespmem:s8+$0x20] =	vst v0  }
0x11: {  	[tilespmem:s8+$0x10] =	vst v0  }
0x12: {  	s3 =	stileid.u32  }
0x13: {  	s0 =	smul.u32 $0xB8, s3  }
0x14: {  	s2 =	smin.u32 s3, $0x3  }
0x15: {  	s0 =	sor.u32 s2, s0  }
0x16: {  	p0 =	slt.u32 s3, $0x3;
	s6 =	smul.u32 $0x70, s0;
	s0 =	simm.s32 $0x50F0  }
0x17: {  	s0 =	simm.s32 @!p0 $0x5080  }
0x18: {  	s0 =	sadd.s32 s0, s6  }
0x19: {  	s7 =	smin.u32 s0, $0x50910  }
0x1a: {  	s0 =	ssub.s32 s7, s6  }
0x1b: {  	p0 =	sgt.s32 s0, $0x0  }
0x1c: {  	s26 =	simm.s32 $0x2;
	s0 =	simm.s32 @!p0 $0x0  }
0x1d: {  	s29 =	simm.s32 $0x7;
	s30 =	simm.s32 $0x8;
	s28 =	smulhi.u32 $0x92492493, s0  }
0x1e: {  	s31 =	simm.s32 $0x9;
	s11 =	simm.s32 $0x1;
	s21 =	simm.s32 $0x0  }
0x1f: {  	p1 =	por $0x0, $0x0;
	s15 =	simm.s32 $0x80;
	s2 =	sshrl.u32 s28, $0x6  }
0x20: {  	s16 =	simm.s32 $0x400;
	s17 =	simm.s32 $0xA;
	s9 =	smul.u32 $0x70, s2  }
.Ltmp1:
0x21: {  	[tilespmem:s8+$0x0] =	vst v0;
	v0 =	vimm.s32 $0xFFFFFFFF;
	s18 =	simm.s32 $0x0;
	[sflag:s26] =	ssyncpa.u1 $0x0;
	(pc) =	sbr.rel .LBB2_3-.Ltmp1, $4  }
0x22: {  	[tilespmem:$0xE408] =	vst v0;
	[sflag:s29] =	ssyncpa.u1 $0x0;
	p0 =	sne.s32 s0, s9;
	s0 =	simm.s32 $0x1  }
0x23: {  	s20 =	simm.s32 $0x0;
	[sflag:s30] =	ssyncpa.u1 $0x0;
	s0 =	simm.s32 @!p0 $0x0  }
0x24: {  	s13 =	sshll.u32 s3, $0x9;
	[sflag:s31] =	ssyncpa.u1 $0x0;
	s12 =	sadd.s32 s0, s2  }
0x25: {  	v0 =	vlaneseq.u32;
	s19 =	smov.u32 s6;
	p0 =	por $0x1, $0x1;
	s14 =	sadd.s32 $0x1, s12  }
.LBB2_24:
0x26: {  	s0 =	sshrl.u32 s30, $0x2  }
.LBB2_26:
0x27: {  	_ =	swait.ge [sflag:s17], s0  }
0x28: {  	s31 =	ssub.s32 $0x0, s0;
	v1 =	vmov s23;
	vm0 =	veq.s32 v0, $0x0;
	[sflag:s17] =	ssyncset.done $0x0  }
0x29: {  	vm15 =	veq.s32 v0, $0x2;
	v1 =	vsel vm0, s29, v1;
	[sflag:s17] =	ssyncadd.s32 s31  }
0x2a: {  	v1 =	vsel vm15, s21, v1;
	[sflag:s17] =	ssyncpa.u1 $0x1  }
0x2b: {  	[tilespmem:$0xE408] =	vst v1  }
.LBB2_27:
0x2c: {  	s0 =	sadd.s32 $0x70, s19  }
0x2d: {  	s2 =	smov.u32 s6;
	p2 =	slt.s32 s0, s7  }
0x2e: {  	s2 =	smov.u32 @p2 s0;
	p2 =	sne.s32 s20, s14  }
.Ltmp2:
0x2f: {  	_ = 	snop;
	(pc) =	sbr.rel @!p2 .LBB2_28-.Ltmp2, $4  }
0x30: {  	_ = 	snop  }
0x31: {  	s21 =	smov.u32 s18  }
0x32: {  	s31 =	sadd.s32 $0x1, s20;
	s18 =	smov.u32 s19;
	p0 =	por !p0, !p0  }
0x33: {  	p1 =	por !p1, !p1;
	s20 =	smov.u32 s31;
	s19 =	smov.u32 s2  }
.LBB2_3:
0x34: {  	p2 =	sge.u32 s20, s12  }
0x35: {  	s0 =	smulhi.u32 @!p2 $0xAAAAAAAB, s20  }
0x36: {  	s2 =	smov.u32 s19;
	p3 =	sgt.s32 @!p2 s19, $0x508A0  }
0x37: {  	s8 =	sshra.s32 @!p2 s19, $0x1F;
	p3 =	por !p3, p2;
	s0 =	sshrl.u32 @!p2 s0, $0x1  }
0x38: {  	s8 =	sand.u32 @!p2 s8, s19;
	s2 =	simm.s32 @p3 $0x508A0;
	s0 =	smul.u32 @!p2 $0x3, s0  }
0x39: {  	s2 =	ssub.s32 @!p2 s2, s8  }
0x3a: {  	s2 =	sadd.s32 @!p2 $0xFFFAF760, s2;
	s0 =	ssub.s32 @!p2 s20, s0  }
0x3b: {  	s8 =	sshll.u32 @!p2 s2, $0x2;
	p3 =	sgt.s32 @!p2 s2, $0x6F;
	s0 =	smul.u32 @!p2 $0x1C0, s0  }
0x3c: {  	s9 =	sand.u32 @!p2 $0x7, s19;
	s2 =	ssub.s32 @!p2 $0x1C0, s8;
	p3 =	por !p3, p2  }
0x3d: {  	s8 =	sshrl.u32 @!p2 s19, $0x3;
	s2 =	sshrl.u32 @!p2 s2, $0x2;
	s0 =	sshrl.u32 @!p2 s0, $0x2  }
0x3e: {  	s8 =	sadd.s32 @!p2 s5, s8;
	s2 =	simm.s32 @!p3 $0x0;
	s0 =	sadd.s32 @!p2 $0x10438, s0  }
0x3f: {  	[tilespmem:s0], [sflag:$0x8] =	stream.linear.gather @!p2 [hbm4b:s8+s9], s2, $0x38;
	[tilespmem:$0x1E668] =	vst v63  }
0x40: {  	s0 =	sadd.s32 $0xFFFFFFFF, s20  }
0x41: {  	p2 =	sge.u32 s0, s12  }
0x42: {  	p3 =	sgt.s32 @!p2 s18, $0x508A0  }
0x43: {  	s2 =	smov.u32 s18;
	s8 =	sshra.s32 @!p2 s18, $0x1F;
	p3 =	por !p3, p2  }
0x44: {  	s8 =	sand.u32 @!p2 s8, s18;
	s2 =	simm.s32 @p3 $0x508A0  }
0x45: {  	s2 =	ssub.s32 @!p2 s2, s8  }
0x46: {  	s2 =	sadd.s32 @!p2 $0xFFFAF760, s2  }
0x47: {  	s8 =	sshll.u32 @!p2 s2, $0x2  }
0x48: {  	p3 =	sgt.s32 @!p2 s2, $0x6F;
	s2 =	ssub.s32 @!p2 $0x1C0, s8  }
0x49: {  	p3 =	por !p3, p2;
	s2 =	sshrl.u32 @!p2 s2, $0x2  }
0x4a: {  	s9 =	simm.s32 @!p2 $0x8;
	s8 =	sand.u32 @!p2 $0x1, s0;
	s2 =	simm.s32 @!p3 $0x0  }
0x4b: {  	s8 =	smul.u32 @!p2 $0x1C0, s8;
	_ =	swait.ge @!p2 [sflag:s9], s2  }
0x4c: {  	s22 =	ssub.s32 @!p2 $0x0, s2;
	[sflag:s9] =	ssyncset.done @!p2 $0x0  }
0x4d: {  	s8 =	sshrl.u32 @!p2 s8, $0x2;
	[sflag:s9] =	ssyncadd.s32 @!p2 s22;
	s9 =	sshrl.u32 @!p2 s18, $0x3  }
0x4e: {  	s8 =	sor.u32 @!p2 $0x10588, s8;
	s22 =	sand.u32 @!p2 $0x7, s18;
	s9 =	sadd.s32 @!p2 s10, s9  }
0x4f: {  	[tilespmem:s8], [sflag:$0x9] =	stream.linear.gather @!p2 [hbm4b:s9+s22], s2, $0x38;
	[tilespmem:$0x1E668] =	vst v63  }
0x50: {  	s22 =	ssub.s32 @!p2 $0x50910, s18  }
0x51: {  	p3 =	slt.s32 @!p2 s22, $0x1  }
0x52: {  	p3 =	por p2, p3  }
.Ltmp3:
0x53: {  	_ = 	snop;
	(pc) =	sbr.rel @p3 .LBB2_9-.Ltmp3, $1  }
0x54: {  	_ =	sdelay $0x3  }
0x55: {  	s2 =	smulhi.u32 $0xAAAAAAAB, s0;
	_ =	sdelay $0x1  }
0x56: {  	s2 =	sshrl.u32 s2, $0x1  }
0x57: {  	s2 =	smul.u32 $0x3, s2;
	_ =	sdelay $0x1  }
0x58: {  	s29 =	ssub.s32 s0, s2  }
0x59: {  	s8 =	simm.s32 $0x1;
	s0 =	smul.u32 $0x1C0, s29  }
.Ltmp4:
0x5a: {  	s8 =	simm.s32 @!p0 $0x0;
	(pc) =	sbr.rel .LBB2_6-.Ltmp4, $4  }
0x5b: {  	s30 =	smul.u32 $0x1C000, s8  }
0x5c: {  	p3 =	slt.s32 @!p2 s22, $0x70;
	s0 =	sshrl.u32 s0, $0x2  }
0x5d: {  	p2 =	por !p3, p2;
	s2 =	sshrl.u32 s30, $0x2;
	s31 =	sadd.s32 $0x10438, s0  }
0x5e: {  	s22 =	simm.s32 @p2 $0x70;
	s23 =	sor.u32 $0x10668, s2;
	s0 =	simm.s32 $0x0;
	v1 =	vmov s31  }
.LBB2_5:
0x5f: {  	p2 =	sge.s32 s0, s22  }
.Ltmp5:
0x60: {  	_ = 	snop;
	(pc) =	sbr.rel @p2 .LBB2_9-.Ltmp5, $2  }
0x61: {  	_ =	sdelay $0x2  }
0x62: {  	s23 =	sadd.s32 $0x1000, s23  }
.LBB2_6:
0x63: {  	p2 =	sle.s32 s22, s0  }
.Ltmp6:
0x64: {  	_ = 	snop;
	(pc) =	sbr.rel @p2 .LBB2_5-.Ltmp6, $2  }
0x65: {  	_ =	sdelay $0x2  }
0x66: {  	s24 =	smov.u32 s0;
	s0 =	sadd.s32 $0x10, s0  }
0x67: {  	s2 =	ssub.s32 s22, s24  }
0x68: {  	p2 =	slt.s32 s2, $0x10  }
0x69: {  	s2 =	simm.s32 @!p2 $0x10  }
0x6a: {  	v2 =	vmov s2  }
0x6b: {  	vm0 =	vgt.s32 v2, v0;
	_ =	sdelay $0x5  }
0x6c: {  	v2 =	vld.idx.msk [tilespmem:v1+s24+$0x0 ss:$0x1], vm0;
	_ =	sdelay $0x2  }
0x6d: {  	p2 =	slt.s32 s0, s22;
	s2 =	smov.u32 s22  }
0x6e: {  	s8 =	smov.u32 s23;
	s25 =	simm.s32 $0x0;
	s2 =	smov.u32 @p2 s0  }
.LBB2_8:
0x6f: {  	(v2sf) =	vpush v2, s25;
	_ =	sdelay $0xe  }
0x70: {  	s25 =	sadd.s32 $0x1, s25;
	s9 =	spop (v2sf)  }
0x71: {  	s31 =	sadd.s32 s25, s24;
	s26 =	sshll.u32 s9, $0x8;
	s9 =	sshll.u32 s9, $0x7  }
0x72: {  	p2 =	slt.s32 s31, s2;
	s26 =	sand.u32 $0xFFFFF800, s26;
	s9 =	sand.u32 $0x380, s9  }
.Ltmp7:
0x73: {  	s9 =	sor.u32 s9, s26;
	(pc) =	sbr.rel @p2 .LBB2_8-.Ltmp7, $4  }
0x74: {  	s9 =	sshrl.u32 s9, $0x3  }
0x75: {  	s9 =	sadd.s32 s4, s9  }
0x76: {  	[tilespmem:s8], [sflag:$0x7] =	stream.strided.gather [hbm4b:s9+s15], $0x100, s16, s15, $0x38;
	[tilespmem:$0x1E668] =	vst v63  }
0x77: {  	s8 =	sadd.s32 $0x100, s8  }
.Ltmp8:
0x78: {  	_ = 	snop;
	(pc) =	sbr.rel .LBB2_5-.Ltmp8, $1  }
0x79: {  	_ =	sdelay $0x3  }
.LBB2_9:
0x7a: {  	p2 =	slt.u32 s20, $0x2  }
.Ltmp9:
0x7b: {  	_ = 	snop;
	(pc) =	sbr.rel @p2 .LBB2_27-.Ltmp9, $1  }
0x7c: {  	_ =	sdelay $0x3  }
0x7d: {  	p2 =	sgt.s32 s21, $0x508A0;
	s0 =	smov.u32 s21  }
0x7e: {  	s2 =	sshra.s32 s21, $0x1F;
	s8 =	ssub.s32 $0x50910, s21;
	s0 =	simm.s32 @!p2 $0x508A0  }
0x7f: {  	s2 =	sand.u32 s2, s21;
	p2 =	slt.s32 s8, $0x70;
	s9 =	smov.u32 s8  }
0x80: {  	s0 =	ssub.s32 s0, s2;
	s9 =	simm.s32 @!p2 $0x70  }
0x81: {  	s0 =	sadd.s32 $0xFFFAF760, s0;
	s25 =	sshll.u32 s9, $0x8  }
0x82: {  	s3 =	simm.s32 $0x7;
	s26 =	sshll.u32 s0, $0x2;
	s2 =	sand.u32 $0x3FFFFF00, s25  }
0x83: {  	p2 =	sgt.s32 s0, $0x6F;
	s28 =	ssub.s32 $0x1C0, s26;
	_ =	swait.ge [sflag:s3], s2  }
0x84: {  	s2 =	ssub.s32 $0x0, s2;
	[sflag:s3] =	ssyncset.done $0x0;
	s0 =	sshrl.u32 s28, $0x2  }
0x85: {  	s30 =	simm.s32 $0x9;
	[sflag:s3] =	ssyncadd.s32 s2;
	s0 =	simm.s32 @p2 $0x0  }
0x86: {  	_ =	swait.ge [sflag:s30], s0  }
0x87: {  	s0 =	ssub.s32 $0x0, s0;
	[sflag:s30] =	ssyncset.done $0x0  }
0x88: {  	[sflag:s30] =	ssyncadd.s32 s0  }
0x89: {  	v1 =	vld [tilespmem:$0xE408];
	_ =	sdelay $0x4  }
0x8a: {  	(v2sf) =	vpush v1, $0x0  }
0x8b: {  	(v2sf) =	vpush v1, $0x1  }
0x8c: {  	(v2sf) =	vpush v1, $0x2;
	_ =	sdelay $0x3  }
0x8d: {  	s0 =	sadd.s32 $0x70, s21  }
0x8e: {  	p2 =	slt.s32 s7, s0  }
0x8f: {  	s0 =	smov.u32 @p2 s7;
	p2 =	sgt.s32 s8, $0x0  }
0x90: {  	s25 =	ssub.s32 s0, s21;
	s8 =	simm.s32 @!p2 $0x0  }
0x91: {  	p2 =	slt.s32 s8, s25  }
0x92: {  	s25 =	smov.u32 @p2 s8  }
0x93: {  	s24 =	simm.s32 $0x1;
	p2 =	slt.s32 s25, $0x1  }
.Ltmp10:
0x94: {  	s24 =	simm.s32 @!p1 $0x0;
	(pc) =	sbr.rel @p2 .LBB2_14-.Ltmp10, $4  }
0x95: {  	s31 =	smul.u32 $0x1C0, s24  }
0x96: {  	s26 =	spop (v2sf)  }
0x97: {  	s0 =	sshrl.u32 s31, $0x2;
	s29 =	spop (v2sf)  }
0x98: {  	s22 =	sor.u32 $0x10588, s0;
	s21 =	spop (v2sf)  }
0x99: {  	s0 =	smin.u32 s25, $0x10  }
0x9a: {  	v1 =	vmov s0  }
0x9b: {  	vm1 =	vgt.u32 v1, v0  }
0x9c: {  	p3 =	sgt.s32 s25, $0x10  }
.Ltmp11:
0x9d: {  	_ = 	snop;
	(pc) =	sbr.rel @!p3 .LBB2_13-.Ltmp11, $2  }
0x9e: {  	_ =	sdelay $0x2  }
0x9f: {  	s23 =	simm.s32 $0x10;
	s28 =	sadd.s32 $0xFFFFFFF0, s25;
	s0 =	smov.u32 s22;
	vm0 =	vmmov vm1;
	v1 =	vld.msk [tilespmem:s22+$0x0 ss:$0x1], vm1  }
.LBB2_12:
0xa0: {  	s2 =	smin.u32 s28, $0x10;
	s23 =	sadd.s32 $0x10, s23  }
0xa1: {  	v2 =	vmov s2;
	p3 =	slt.s32 s23, s25  }
0xa2: {  	vm1 =	vgt.u32 v2, v0;
	_ =	sdelay $0x1  }
0xa3: {  	v2 =	vshll.u32 v1, $0x5;
	v1 =	vshll.u32 v1, $0x4  }
.Ltmp12:
0xa4: {  	v2 =	vand.u32 $0xFFFFFF00, v2;
	v1 =	vand.u32 $0x70, v1;
	(pc) =	sbr.rel @p3 .LBB2_12-.Ltmp12, $4  }
0xa5: {  	v1 =	vor.u32 v1, v2  }
0xa6: {  	[tilespmem:s0+$0x0] =	vst.msk vm0, v1;
	s0 =	sadd.s32 $0x10, s0;
	vm0 =	vmmov vm1  }
0xa7: {  	v1 =	vld.msk [tilespmem:s0+$0x0 ss:$0x1], vm1  }
0xa8: {  	s28 =	sadd.s32 $0xFFFFFFF0, s28  }
.LBB2_13:
0xa9: {  	_ =	sdelay $0x3  }
0xaa: {  	v2 =	vshll.u32 v1, $0x5;
	v1 =	vshll.u32 v1, $0x4  }
0xab: {  	v2 =	vand.u32 $0xFFFFFF00, v2;
	v1 =	vand.u32 $0x70, v1  }
0xac: {  	v1 =	vor.u32 v1, v2  }
0xad: {  	[tilespmem:s0+$0x0] =	vst.msk vm0, v1  }
.LBB2_14:
0xae: {  	s0 =	sand.u32 $0x1, s20  }
0xaf: {  	s0 =	smul.u32 $0x70, s0  }
0xb0: {  	p3 =	sne.s32 s29, $0xFFFFFFFF  }
0xb1: {  	v1 =	vld.msk @!p3 [tilespmem:s0+$0x10588], $0x1;
	_ =	sdelay $0x4  }
0xb2: {  	(v2sf) =	vpush @!p3 v1, $0x0;
	_ =	sdelay $0xc  }
.Ltmp13:
0xb3: {  	_ = 	snop;
	(pc) =	sbr.rel @p2 .LBB2_25-.Ltmp13, $4  }
0xb4: {  	_ = 	snop  }
0xb5: {  	s28 =	spop @!p3 (v2sf)  }
0xb6: {  	s21 =	simm.s32 @!p3 $0x0;
	s23 =	smov.u32 s28  }
0xb7: {  	[sflag:s17] =	ssyncpa.u1 $0x0;
	s28 =	smov.u32 @p3 s26;
	s23 =	smov.u32 @p3 s29  }
0xb8: {  	v1 =	vld.msk [tilespmem:s22+$0x0], $0x1;
	_ =	sdelay $0x4  }
0xb9: {  	(v2sf) =	vpush v1, $0x0;
	_ =	sdelay $0xd  }
0xba: {  	s17 =	smov.u32 s6  }
0xbb: {  	s6 =	smov.u32 s14;
	s14 =	smov.u32 s5;
	s30 =	spop (v2sf)  }
0xbc: {  	s5 =	smov.u32 s10;
	s0 =	smul.u32 $0x1C000, s24;
	p2 =	seq.s32 s28, s30  }
0xbd: {  	s2 =	smov.u32 s28;
	s25 =	ssub.s32 $0x0, s25;
	p3 =	sgt.s32 @!p2 s28, $0x0  }
0xbe: {  	s26 =	simm.s32 $0x0;
	s0 =	sshrl.u32 s0, $0x2;
	p3 =	por !p3, p2  }
0xbf: {  	s29 =	sadd.s32 $0x1, s25;
	s24 =	sor.u32 $0x106E8, s0;
	s2 =	simm.s32 @p3 $0x0  }
0xc0: {  	s0 =	simm.s32 @!p2 $0x1;
	p3 =	seq.s32 s29, $0x0;
	s2 =	smin.u32 @!p2 s2, $0x4E170  }
.Ltmp14:
0xc1: {  	s9 =	simm.s32 @!p2 $0x7308;
	s8 =	sand.u32 @!p2 $0x7FFF8, s2;
	(pc) =	sbr.rel @p3 .LBB2_17-.Ltmp14, $4  }
0xc2: {  	s31 =	sadd.s32 @!p2 $0x80, s2;
	s10 =	sadd.s32 @!p2 s1, s8;
	s8 =	sand.u32 @!p2 $0x7, s2  }
0xc3: {  	[tilespmem:s9], [sflag:$0x2] =	stream.linear.gather @!p2 [hbm4b:s10+s8], $0x80, $0x38;
	[tilespmem:$0x1E668] =	vst v63  }
0xc4: {  	s0 =	smov.u32 @p2 s26;
	s9 =	sand.u32 @!p2 $0xFFFF8, s31  }
0xc5: {  	s2 =	simm.s32 @!p2 $0x7388;
	s31 =	sadd.s32 $0x1, s22;
	s9 =	sadd.s32 @!p2 s1, s9  }
.LBB2_16:
0xc6: {  	s10 =	smov.u32 s0  }
0xc7: {  	[tilespmem:s2], [sflag:$0x2] =	stream.linear.gather @!p2 [hbm4b:s9+s8], $0x80, $0x38;
	[tilespmem:$0x1E668] =	vst v63  }
0xc8: {  	s29 =	sadd.s32 $0x1, s29;
	s8 =	smov.u32 s30;
	v1 =	vld.msk [tilespmem:s31+$0x0], $0x1  }
0xc9: {  	p3 =	seq.s32 s29, $0x0;
	_ =	sdelay $0x3  }
0xca: {  	(v2sf) =	vpush v1, $0x0;
	_ =	sdelay $0xe  }
0xcb: {  	s30 =	spop (v2sf)  }
0xcc: {  	p2 =	seq.s32 s8, s30  }
0xcd: {  	p4 =	sgt.s32 @!p2 s8, $0x0;
	s2 =	sshll.u32 @!p2 s0, $0xA;
	s0 =	sadd.s32 @!p2 $0x1, s0  }
0xce: {  	p4 =	por !p4, p2;
	s2 =	sshra.s32 @!p2 s2, $0x2;
	s0 =	smov.u32 @p2 s10  }
0xcf: {  	s8 =	simm.s32 @p4 $0x0;
	s9 =	sadd.s32 @!p2 $0x7308, s2;
	s2 =	sadd.s32 @!p2 $0x7388, s2  }
.Ltmp15:
0xd0: {  	s8 =	smin.u32 @!p2 s8, $0x4E170;
	(pc) =	sbr.rel @!p3 .LBB2_16-.Ltmp15, $4  }
0xd1: {  	s10 =	sand.u32 @!p2 $0x7FFF8, s8;
	s3 =	sadd.s32 @!p2 $0x80, s8  }
0xd2: {  	s8 =	sand.u32 @!p2 $0x7, s8;
	s10 =	sadd.s32 @!p2 s1, s10;
	s3 =	sand.u32 @!p2 $0xFFFF8, s3  }
0xd3: {  	[tilespmem:s9], [sflag:$0x2] =	stream.linear.gather @!p2 [hbm4b:s10+s8], $0x80, $0x38;
	[tilespmem:$0x1E668] =	vst v63  }
0xd4: {  	s31 =	sadd.s32 $0x1, s31;
	s9 =	sadd.s32 @!p2 s1, s3  }
.LBB2_17:
0xd5: {  	[tilespmem:s2], [sflag:$0x2] =	stream.linear.gather @!p2 [hbm4b:s9+s8], $0x80, $0x38;
	[tilespmem:$0x1E668] =	vst v63  }
.Ltmp16:
0xd6: {  	s0 =	sshll.u32 s0, $0x8;
	(pc) =	sbr.rel .LBB2_18-.Ltmp16, $4  }
0xd7: {  	s31 =	simm.s32 $0x2;
	s30 =	simm.s32 $0x0;
	s0 =	sand.u32 $0x3FFFFF00, s0  }
0xd8: {  	s10 =	smov.u32 s5;
	s5 =	smov.u32 s14;
	_ =	swait.ge [sflag:s31], s0  }
0xd9: {  	s14 =	smov.u32 s6;
	s0 =	ssub.s32 $0x0, s0;
	[sflag:s31] =	ssyncset.done $0x0  }
0xda: {  	s6 =	smov.u32 s17;
	s17 =	simm.s32 $0xA;
	[sflag:s31] =	ssyncadd.s32 s0  }
.LBB2_19:
0xdb: {  	v1 =	vld [tilespmem:s24+$0xFFFFFF80];
	_ =	sdelay $0x4  }
0xdc: {  	[tilespmem:s31+$0x208] =	vst.add.f32.msk $0xffff, v1  }
0xdd: {  	v1 =	vld [tilespmem:s24+$0xFFFFFF90];
	_ =	sdelay $0x4  }
0xde: {  	[tilespmem:s31+$0x218] =	vst.add.f32.msk $0xffff, v1  }
0xdf: {  	v1 =	vld [tilespmem:s24+$0xFFFFFFA0];
	_ =	sdelay $0x4  }
0xe0: {  	[tilespmem:s31+$0x228] =	vst.add.f32.msk $0xffff, v1  }
0xe1: {  	v1 =	vld [tilespmem:s24+$0xFFFFFFB0];
	_ =	sdelay $0x4  }
0xe2: {  	[tilespmem:s31+$0x238] =	vst.add.f32.msk $0xffff, v1  }
0xe3: {  	v1 =	vld [tilespmem:s24+$0xFFFFFFC0];
	_ =	sdelay $0x4  }
0xe4: {  	[tilespmem:s31+$0x248] =	vst.add.f32.msk $0xffff, v1  }
0xe5: {  	v1 =	vld [tilespmem:s24+$0xFFFFFFD0];
	_ =	sdelay $0x4  }
0xe6: {  	[tilespmem:s31+$0x258] =	vst.add.f32.msk $0xffff, v1  }
0xe7: {  	v1 =	vld [tilespmem:s24+$0xFFFFFFE0];
	_ =	sdelay $0x4  }
0xe8: {  	[tilespmem:s31+$0x268] =	vst.add.f32.msk $0xffff, v1  }
0xe9: {  	v1 =	vld [tilespmem:s24+$0xFFFFFFF0];
	_ =	sdelay $0x4  }
0xea: {  	[tilespmem:s31+$0x278] =	vst.add.f32.msk $0xffff, v1  }
0xeb: {  	v1 =	vld [tilespmem:s24+$0x0];
	_ =	sdelay $0x4  }
0xec: {  	[tilespmem:s31+$0x288] =	vst.add.f32.msk $0xffff, v1  }
0xed: {  	v1 =	vld [tilespmem:s24+$0x10];
	_ =	sdelay $0x4  }
0xee: {  	[tilespmem:s31+$0x298] =	vst.add.f32.msk $0xffff, v1  }
0xef: {  	v1 =	vld [tilespmem:s24+$0x20];
	_ =	sdelay $0x4  }
0xf0: {  	[tilespmem:s31+$0x2A8] =	vst.add.f32.msk $0xffff, v1  }
0xf1: {  	v1 =	vld [tilespmem:s24+$0x30];
	_ =	sdelay $0x4  }
0xf2: {  	[tilespmem:s31+$0x2B8] =	vst.add.f32.msk $0xffff, v1  }
0xf3: {  	v1 =	vld [tilespmem:s24+$0x40];
	_ =	sdelay $0x4  }
0xf4: {  	[tilespmem:s31+$0x2C8] =	vst.add.f32.msk $0xffff, v1  }
0xf5: {  	v1 =	vld [tilespmem:s24+$0x50];
	_ =	sdelay $0x4  }
0xf6: {  	[tilespmem:s31+$0x2D8] =	vst.add.f32.msk $0xffff, v1  }
0xf7: {  	v1 =	vld [tilespmem:s24+$0x60];
	_ =	sdelay $0x4  }
0xf8: {  	[tilespmem:s31+$0x2E8] =	vst.add.f32.msk $0xffff, v1  }
0xf9: {  	v1 =	vld [tilespmem:s24+$0x70];
	_ =	sdelay $0x4  }
0xfa: {  	[tilespmem:s31+$0x2F8] =	vst.add.f32.msk $0xffff, v1  }
.LBB2_23:
0xfb: {  	s25 =	sadd.s32 $0x1, s25  }
0xfc: {  	p2 =	seq.s32 s25, $0x0  }
.Ltmp17:
0xfd: {  	_ = 	snop;
	(pc) =	sbr.rel @p2 .LBB2_24-.Ltmp17, $2  }
0xfe: {  	_ =	sdelay $0x2  }
0xff: {  	s22 =	sadd.s32 $0x1, s22;
	s24 =	sadd.s32 $0x100, s24;
	s28 =	smov.u32 s29  }
.LBB2_18:
0x100: {  	v1 =	vld.msk [tilespmem:s22+$0x0], $0x1;
	_ =	sdelay $0x4  }
0x101: {  	(v2sf) =	vpush v1, $0x0;
	_ =	sdelay $0xe  }
0x102: {  	s29 =	spop (v2sf)  }
0x103: {  	p2 =	sne.s32 s28, s29  }
.Ltmp18:
0x104: {  	_ = 	snop;
	(pc) =	sbr.rel @!p2 .LBB2_19-.Ltmp18, $3  }
0x105: {  	_ =	sdelay $0x1  }
0x106: {  	s0 =	sshll.u32 s21, $0xA  }
0x107: {  	s31 =	sshra.s32 s0, $0x2  }
0x108: {  	p2 =	seq.s32 s28, s23  }
.Ltmp19:
0x109: {  	_ = 	snop;
	(pc) =	sbr.rel @!p2 .LBB2_21-.Ltmp19, $1  }
0x10a: {  	_ =	sdelay $0x3  }
.Ltmp20:
0x10b: {  	s0 =	sadd.s32 $0x208, s31;
	(pc) =	sbr.rel .LBB2_22-.Ltmp20, $4  }
0x10c: {  	[spmem:s13] =	stream.linear.scatter [tilespmem:s0], [sflag:$0x1], $0x100, $0x38;
	[tilespmem:$0x1E668] =	vst v63  }
0x10d: {  	_ =	swait.ge [sflag:s11], $0x100  }
0x10e: {  	[sflag:s11] =	ssyncset.done $0x0  }
0x10f: {  	[sflag:s11] =	ssyncadd.s32 $0xFFFFFF00  }
.LBB2_21:
0x110: {  	s0 =	sshll.u32 s26, $0xA  }
0x111: {  	s0 =	sshra.s32 s0, $0x2  }
0x112: {  	v1 =	vld [tilespmem:s0+$0x7308];
	_ =	sdelay $0x4  }
0x113: {  	[tilespmem:s31+$0x208] =	vst.add.f32.msk $0xffff, v1  }
0x114: {  	v1 =	vld [tilespmem:s0+$0x7318];
	_ =	sdelay $0x4  }
0x115: {  	[tilespmem:s31+$0x218] =	vst.add.f32.msk $0xffff, v1  }
0x116: {  	v1 =	vld [tilespmem:s0+$0x7328];
	_ =	sdelay $0x4  }
0x117: {  	[tilespmem:s31+$0x228] =	vst.add.f32.msk $0xffff, v1  }
0x118: {  	v1 =	vld [tilespmem:s0+$0x7338];
	_ =	sdelay $0x4  }
0x119: {  	[tilespmem:s31+$0x238] =	vst.add.f32.msk $0xffff, v1  }
0x11a: {  	v1 =	vld [tilespmem:s0+$0x7348];
	_ =	sdelay $0x4  }
0x11b: {  	[tilespmem:s31+$0x248] =	vst.add.f32.msk $0xffff, v1  }
0x11c: {  	v1 =	vld [tilespmem:s0+$0x7358];
	_ =	sdelay $0x4  }
0x11d: {  	[tilespmem:s31+$0x258] =	vst.add.f32.msk $0xffff, v1  }
0x11e: {  	v1 =	vld [tilespmem:s0+$0x7368];
	_ =	sdelay $0x4  }
0x11f: {  	[tilespmem:s31+$0x268] =	vst.add.f32.msk $0xffff, v1  }
0x120: {  	v1 =	vld [tilespmem:s0+$0x7378];
	_ =	sdelay $0x4  }
0x121: {  	[tilespmem:s31+$0x278] =	vst.add.f32.msk $0xffff, v1  }
0x122: {  	v1 =	vld [tilespmem:s0+$0x7388];
	_ =	sdelay $0x4  }
0x123: {  	[tilespmem:s31+$0x288] =	vst.add.f32.msk $0xffff, v1  }
0x124: {  	v1 =	vld [tilespmem:s0+$0x7398];
	_ =	sdelay $0x4  }
0x125: {  	[tilespmem:s31+$0x298] =	vst.add.f32.msk $0xffff, v1  }
0x126: {  	v1 =	vld [tilespmem:s0+$0x73A8];
	_ =	sdelay $0x4  }
0x127: {  	[tilespmem:s31+$0x2A8] =	vst.add.f32.msk $0xffff, v1  }
0x128: {  	v1 =	vld [tilespmem:s0+$0x73B8];
	_ =	sdelay $0x4  }
0x129: {  	[tilespmem:s31+$0x2B8] =	vst.add.f32.msk $0xffff, v1  }
0x12a: {  	v1 =	vld [tilespmem:s0+$0x73C8];
	_ =	sdelay $0x4  }
0x12b: {  	[tilespmem:s31+$0x2C8] =	vst.add.f32.msk $0xffff, v1  }
0x12c: {  	v1 =	vld [tilespmem:s0+$0x73D8];
	_ =	sdelay $0x4  }
0x12d: {  	[tilespmem:s31+$0x2D8] =	vst.add.f32.msk $0xffff, v1  }
0x12e: {  	v1 =	vld [tilespmem:s0+$0x73E8];
	_ =	sdelay $0x4  }
0x12f: {  	[tilespmem:s31+$0x2E8] =	vst.add.f32.msk $0xffff, v1  }
0x130: {  	v1 =	vld [tilespmem:s0+$0x73F8];
	_ =	sdelay $0x2  }
0x131: {  	p2 =	sgt.u32 s28, $0x4E170  }
0x132: {  	s0 =	sand.u32 @!p2 $0x7FFF8, s28  }
0x133: {  	s2 =	sadd.s32 $0x208, s31;
	s3 =	sand.u32 @!p2 $0x7, s28;
	s0 =	sadd.s32 @!p2 s1, s0;
	[tilespmem:s31+$0x2F8] =	vst.add.f32.msk $0xffff, v1  }
0x134: {  	[hbm4b:s0+s3] =	stream.linear.scatter @!p2 [tilespmem:s2], [sflag:$0xA], $0x80, $0x38;
	[tilespmem:$0x1E668] =	vst v63  }
0x135: {  	s0 =	sadd.s32 @!p2 $0x80, s28  }
0x136: {  	s0 =	sand.u32 @!p2 $0xFFFF8, s0  }
0x137: {  	s2 =	sadd.s32 $0x288, s31;
	s0 =	sadd.s32 @!p2 s1, s0  }
0x138: {  	[hbm4b:s0+s3] =	stream.linear.scatter @!p2 [tilespmem:s2], [sflag:$0xA], $0x80, $0x38;
	[tilespmem:$0x1E668] =	vst v63  }
0x139: {  	s0 =	simm.s32 $0x0  }
0x13a: {  	s0 =	simm.s32 @!p2 $0x400  }
0x13b: {  	s30 =	sadd.s32 s0, s30  }
.LBB2_22:
0x13c: {  	s0 =	sadd.s32 $0x1, s21  }
0x13d: {  	s2 =	sshrl.u32 s0, $0x4  }
0x13e: {  	s2 =	smulhi.u32 $0x24924925, s2  }
0x13f: {  	v1 =	vld [tilespmem:s24+$0xFFFFFF80]  }
0x140: {  	s2 =	smul.u32 $0x70, s2;
	_ =	sdelay $0x1  }
0x141: {  	s21 =	ssub.s32 s0, s2  }
0x142: {  	s0 =	sshll.u32 s21, $0x8  }
0x143: {  	[tilespmem:s0+$0x208] =	vst v1  }
0x144: {  	v1 =	vld [tilespmem:s24+$0xFFFFFF90];
	_ =	sdelay $0x4  }
0x145: {  	[tilespmem:s0+$0x218] =	vst v1  }
0x146: {  	v1 =	vld [tilespmem:s24+$0xFFFFFFA0];
	_ =	sdelay $0x4  }
0x147: {  	[tilespmem:s0+$0x228] =	vst v1  }
0x148: {  	v1 =	vld [tilespmem:s24+$0xFFFFFFB0];
	_ =	sdelay $0x4  }
0x149: {  	[tilespmem:s0+$0x238] =	vst v1  }
0x14a: {  	v1 =	vld [tilespmem:s24+$0xFFFFFFC0];
	_ =	sdelay $0x4  }
0x14b: {  	[tilespmem:s0+$0x248] =	vst v1  }
0x14c: {  	v1 =	vld [tilespmem:s24+$0xFFFFFFD0];
	_ =	sdelay $0x4  }
0x14d: {  	[tilespmem:s0+$0x258] =	vst v1  }
0x14e: {  	v1 =	vld [tilespmem:s24+$0xFFFFFFE0];
	_ =	sdelay $0x4  }
0x14f: {  	[tilespmem:s0+$0x268] =	vst v1  }
0x150: {  	v1 =	vld [tilespmem:s24+$0xFFFFFFF0];
	_ =	sdelay $0x4  }
0x151: {  	[tilespmem:s0+$0x278] =	vst v1  }
0x152: {  	v1 =	vld [tilespmem:s24+$0x0];
	_ =	sdelay $0x4  }
0x153: {  	[tilespmem:s0+$0x288] =	vst v1  }
0x154: {  	v1 =	vld [tilespmem:s24+$0x10];
	_ =	sdelay $0x4  }
0x155: {  	[tilespmem:s0+$0x298] =	vst v1  }
0x156: {  	v1 =	vld [tilespmem:s24+$0x20];
	_ =	sdelay $0x4  }
0x157: {  	[tilespmem:s0+$0x2A8] =	vst v1  }
0x158: {  	v1 =	vld [tilespmem:s24+$0x30];
	_ =	sdelay $0x4  }
0x159: {  	[tilespmem:s0+$0x2B8] =	vst v1  }
0x15a: {  	v1 =	vld [tilespmem:s24+$0x40];
	_ =	sdelay $0x4  }
0x15b: {  	[tilespmem:s0+$0x2C8] =	vst v1  }
0x15c: {  	v1 =	vld [tilespmem:s24+$0x50];
	_ =	sdelay $0x4  }
0x15d: {  	[tilespmem:s0+$0x2D8] =	vst v1  }
0x15e: {  	v1 =	vld [tilespmem:s24+$0x60];
	_ =	sdelay $0x4  }
0x15f: {  	[tilespmem:s0+$0x2E8] =	vst v1  }
0x160: {  	v1 =	vld [tilespmem:s24+$0x70]  }
.Ltmp21:
0x161: {  	_ = 	snop;
	(pc) =	sbr.rel .LBB2_23-.Ltmp21, $2  }
0x162: {  	_ =	sdelay $0x2  }
0x163: {  	s26 =	sadd.s32 $0x1, s26;
	[tilespmem:s0+$0x2F8] =	vst v1  }
.LBB2_25:
.Ltmp22:
0x164: {  	(pc) =	sbr.rel .LBB2_26-.Ltmp22, $4  }
0x165: {  	_ = 	snop  }
0x166: {  	s0 =	simm.s32 $0x2  }
0x167: {  	_ =	swait.ge [sflag:s0], $0x0  }
0x168: {  	s29 =	smov.u32 s28;
	[sflag:s0] =	ssyncset.done $0x0;
	s0 =	simm.s32 $0x0  }
.LBB2_28:
0x169: {  	_ =	sfence.sel $0x180000  }
0x16a: {  	s0 =	simm.s32 $0x7;
	[bflag:$0x0] =	sbarrier.arrive $0xFFFF  }
0x16b: {  	s25 =	simm.s32 $0x8;
	[sflag:s0] =	ssyncpa.u1 $0x1  }
0x16c: {  	s26 =	simm.s32 $0x9;
	[sflag:s25] =	ssyncpa.u1 $0x1  }
0x16d: {  	s28 =	simm.s32 $0x2;
	[sflag:s26] =	ssyncpa.u1 $0x1  }
0x16e: {  	[sflag:s28] =	ssyncpa.u1 $0x1  }
0x16f: {  	v0 =	vld [tilespmem:$0xE408];
	_ =	sdelay $0x4  }
0x170: {  	(v2sf) =	vpush v0, $0x0  }
0x171: {  	(v2sf) =	vpush v0, $0x1;
	_ =	sdelay $0x1  }
0x172: {  	(v2sf) =	vpush v0, $0x2;
	_ =	sdelay $0xb  }
0x173: {  	s0 =	spop (v2sf)  }
0x174: {  	s2 =	spop (v2sf)  }
0x175: {  	s3 =	smov.u32 s0;
	p0 =	sne.s32 s0, s2  }
0x176: {  	s4 =	spop (v2sf);
	s3 =	simm.s32 @!p0 $0xFFFFFFFF  }
0x177: {  	v2 =	vimm.s32 $0x1;
	v3 =	vlaneseq.u32;
	p0 =	seq.s32 s4, $0xFFFFFFFF;
	v1 =	vmov s3  }
0x178: {  	s7 =	stileid.u32;
	v0 =	vperm.xlane v0, v2;
	p1 =	sne.s32 @!p0 s0, s2;
	v1 =	vperm.xlane v1, v3  }
0x179: {  	vm0 =	vcmask $0x3F04;
	s6 =	simm.s32 $0xE408;
	s0 =	simm.s32 @!p0 $0x1;
	p1 =	por !p1, p0  }
0x17a: {  	s3 =	sshll.u32 s7, $0x1;
	s2 =	sshll.u32 @!p0 s4, $0xA;
	s0 =	simm.s32 @p1 $0x0;
	v0 =	vsel vm0, v1, v0  }
0x17b: {  	s5 =	sor.u32 $0x2000, s3;
	s2 =	sshra.s32 @!p0 s2, $0x2;
	s0 =	sor.u32 @!p0 s0, s3;
	[tilespmem:$0xE408] =	vst v0  }
0x17c: {  	[spmem:s5] =	stream.linear.scatter [tilespmem:s6], [sflag:$0x1], $0x2, $0x38;
	[tilespmem:$0x1E668] =	vst v63  }
0x17d: {  	s2 =	sadd.s32 @!p0 $0x208, s2;
	s0 =	sshll.u32 @!p0 s0, $0x8  }
0x17e: {  	[spmem:s0] =	stream.linear.scatter @!p0 [tilespmem:s2], [sflag:$0x1], $0x100, $0x38;
	[tilespmem:$0x1E668] =	vst v63  }
0x17f: {  	s2 =	simm.s32 @!p0 $0x102  }
0x180: {  	s0 =	simm.s32 $0x1;
	s2 =	simm.s32 @p0 $0x2  }
0x181: {  	_ =	swait.ge [sflag:s0], s2  }
0x182: {  	s2 =	ssub.s32 $0x0, s2;
	[sflag:s0] =	ssyncset.done $0x0  }
0x183: {  	[sflag:s0] =	ssyncadd.s32 s2  }
0x184: {  	_ =	sfence.stream.spmem  }
0x185: {  	s29 =	simm.s32 $0x3;
	[bflag:$0x0] =	sbarrier.arrive $0xFFFF  }
0x186: {  	s30 =	simm.s32 $0x4;
	[sflag:s29] =	ssyncpa.u1 $0x1  }
0x187: {  	s31 =	simm.s32 $0x3C;
	[sflag:s30] =	ssyncpa.u1 $0x1  }
0x188: {  	p0 =	sne.s32 s7, $0x0;
	[sflag:s31] =	ssyncpa.u1 $0x1  }
0x189: {  	_ =	sfence @p0  }
0x18a: {  	[sflag:s0] =	ssyncpa.u1 @p0 $0x1  }
0x18b: {  	_ =	strace @p0 $0x90000056  }
0x18c: {  	[bflag:$0x2] =	sbarrier.arrive @p0 $0xFFFF  }
0x18d: {  	_ =	shalt @p0  }
.LBB2_29:
0x18e: {  	_ =	sfence.stream.spmem;
	s0 =	simm.s32 $0x5  }
0x18f: {  	s2 =	simm.s32 $0x2000;
	s3 =	simm.s32 $0xE418;
	[sflag:s0] =	ssyncpa.u1 $0x0  }
0x190: {  	[tilespmem:s3], [sflag:$0x5] =	stream.linear.gather [spmem:s2], $0x20, $0x38;
	[tilespmem:$0x1E668] =	vst v63  }
0x191: {  	s30 =	simm.s32 $0xE438;
	s2 =	simm.s32 $0x0  }
0x192: {  	[tilespmem:s30], [sflag:$0x5] =	stream.linear.gather [spmem:s2], $0x2000, $0x38;
	[tilespmem:$0x1E668] =	vst v63  }
.Ltmp23:
0x193: {  	_ = 	snop;
	(pc) =	sbr.rel .LBB2_30-.Ltmp23, $4  }
0x194: {  	_ =	swait.ge [sflag:s0], $0x2020  }
0x195: {  	[sflag:s0] =	ssyncset.done $0x0  }
0x196: {  	s31 =	simm.s32 $0x6;
	[sflag:s0] =	ssyncadd.s32 $0xFFFFDFE0  }
0x197: {  	s3 =	simm.s32 $0x0;
	[sflag:s31] =	ssyncpa.u1 $0x0  }
.LBB2_36:
0x198: {  	p0 =	slt.u32 s4, $0x4E171  }
0x199: {  	s0 =	sand.u32 @p0 $0x7FFF8, s4  }
0x19a: {  	s5 =	sand.u32 @p0 $0x7, s4;
	s6 =	simm.s32 @p0 $0xE308;
	s0 =	sadd.s32 @p0 s1, s0  }
0x19b: {  	[tilespmem:s6], [sflag:$0x6] =	stream.linear.gather @p0 [hbm4b:s0+s5], $0x80, $0x38;
	[tilespmem:$0x1E668] =	vst v63  }
0x19c: {  	s0 =	sadd.s32 @p0 $0x80, s4  }
0x19d: {  	s0 =	sand.u32 @p0 $0xFFFF8, s0  }
0x19e: {  	s4 =	simm.s32 @p0 $0xE388;
	s0 =	sadd.s32 @p0 s1, s0  }
0x19f: {  	[tilespmem:s4], [sflag:$0x6] =	stream.linear.gather @p0 [hbm4b:s0+s5], $0x80, $0x38;
	[tilespmem:$0x1E668] =	vst v63  }
0x1a0: {  	s0 =	simm.s32 @p0 $0x6  }
0x1a1: {  	_ =	swait.ge @p0 [sflag:s0], $0x100  }
0x1a2: {  	[sflag:s0] =	ssyncset.done @p0 $0x0  }
0x1a3: {  	[sflag:s0] =	ssyncadd.s32 @p0 $0xFFFFFF00  }
0x1a4: {  	v1 =	vld @p0 [tilespmem:$0xE308];
	_ =	sdelay $0x2  }
0x1a5: {  	s0 =	sshll.u32 @p0 s3, $0xA  }
0x1a6: {  	s4 =	sshrl.u32 @p0 s0, $0x2  }
0x1a7: {  	[tilespmem:s4+$0xE438] =	vst.add.f32.msk @p0 $0xffff, v1  }
0x1a8: {  	v1 =	vld @p0 [tilespmem:$0xE318];
	_ =	sdelay $0x4  }
0x1a9: {  	[tilespmem:s4+$0xE448] =	vst.add.f32.msk @p0 $0xffff, v1  }
0x1aa: {  	v1 =	vld @p0 [tilespmem:$0xE328];
	_ =	sdelay $0x4  }
0x1ab: {  	[tilespmem:s4+$0xE458] =	vst.add.f32.msk @p0 $0xffff, v1  }
0x1ac: {  	v1 =	vld @p0 [tilespmem:$0xE338];
	_ =	sdelay $0x4  }
0x1ad: {  	[tilespmem:s4+$0xE468] =	vst.add.f32.msk @p0 $0xffff, v1  }
0x1ae: {  	v1 =	vld @p0 [tilespmem:$0xE348];
	_ =	sdelay $0x4  }
0x1af: {  	[tilespmem:s4+$0xE478] =	vst.add.f32.msk @p0 $0xffff, v1  }
0x1b0: {  	v1 =	vld @p0 [tilespmem:$0xE358];
	_ =	sdelay $0x4  }
0x1b1: {  	[tilespmem:s4+$0xE488] =	vst.add.f32.msk @p0 $0xffff, v1  }
0x1b2: {  	v1 =	vld @p0 [tilespmem:$0xE368];
	_ =	sdelay $0x4  }
0x1b3: {  	[tilespmem:s4+$0xE498] =	vst.add.f32.msk @p0 $0xffff, v1  }
0x1b4: {  	v1 =	vld @p0 [tilespmem:$0xE378];
	_ =	sdelay $0x4  }
0x1b5: {  	[tilespmem:s4+$0xE4A8] =	vst.add.f32.msk @p0 $0xffff, v1  }
0x1b6: {  	v1 =	vld @p0 [tilespmem:$0xE388];
	_ =	sdelay $0x4  }
0x1b7: {  	[tilespmem:s4+$0xE4B8] =	vst.add.f32.msk @p0 $0xffff, v1  }
0x1b8: {  	v1 =	vld @p0 [tilespmem:$0xE398];
	_ =	sdelay $0x4  }
0x1b9: {  	[tilespmem:s4+$0xE4C8] =	vst.add.f32.msk @p0 $0xffff, v1  }
0x1ba: {  	v1 =	vld @p0 [tilespmem:$0xE3A8];
	_ =	sdelay $0x4  }
0x1bb: {  	[tilespmem:s4+$0xE4D8] =	vst.add.f32.msk @p0 $0xffff, v1  }
0x1bc: {  	v1 =	vld @p0 [tilespmem:$0xE3B8];
	_ =	sdelay $0x4  }
0x1bd: {  	[tilespmem:s4+$0xE4E8] =	vst.add.f32.msk @p0 $0xffff, v1  }
0x1be: {  	v1 =	vld @p0 [tilespmem:$0xE3C8];
	_ =	sdelay $0x4  }
0x1bf: {  	[tilespmem:s4+$0xE4F8] =	vst.add.f32.msk @p0 $0xffff, v1  }
0x1c0: {  	v1 =	vld @p0 [tilespmem:$0xE3D8];
	_ =	sdelay $0x4  }
0x1c1: {  	[tilespmem:s4+$0xE508] =	vst.add.f32.msk @p0 $0xffff, v1  }
0x1c2: {  	v1 =	vld @p0 [tilespmem:$0xE3E8];
	_ =	sdelay $0x4  }
0x1c3: {  	[tilespmem:s4+$0xE518] =	vst.add.f32.msk @p0 $0xffff, v1  }
0x1c4: {  	v1 =	vld @p0 [tilespmem:$0xE3F8];
	_ =	sdelay $0x3  }
0x1c5: {  	s5 =	sshll.u32 @!p0 s3, $0xA  }
0x1c6: {  	s5 =	smov.u32 @p0 s0;
	[tilespmem:s4+$0xE528] =	vst.add.f32.msk @p0 $0xffff, v1  }
0x1c7: {  	s0 =	sshrl.u32 s5, $0x2;
	[tilespmem:s2+$0xE418] =	vst.msk $0x1, v0  }
0x1c8: {  	v0 =	vld [tilespmem:s0+$0xE438];
	_ =	sdelay $0x2  }
0x1c9: {  	s31 =	sshll.u32 s2, $0xA  }
0x1ca: {  	s4 =	sshra.s32 s31, $0x2  }
0x1cb: {  	[tilespmem:s4+$0xE438] =	vst v0  }
0x1cc: {  	v0 =	vld [tilespmem:s0+$0xE448];
	_ =	sdelay $0x4  }
0x1cd: {  	[tilespmem:s4+$0xE448] =	vst v0  }
0x1ce: {  	v0 =	vld [tilespmem:s0+$0xE458];
	_ =	sdelay $0x4  }
0x1cf: {  	[tilespmem:s4+$0xE458] =	vst v0  }
0x1d0: {  	v0 =	vld [tilespmem:s0+$0xE468];
	_ =	sdelay $0x4  }
0x1d1: {  	[tilespmem:s4+$0xE468] =	vst v0  }
0x1d2: {  	v0 =	vld [tilespmem:s0+$0xE478];
	_ =	sdelay $0x4  }
0x1d3: {  	[tilespmem:s4+$0xE478] =	vst v0  }
0x1d4: {  	v0 =	vld [tilespmem:s0+$0xE488];
	_ =	sdelay $0x4  }
0x1d5: {  	[tilespmem:s4+$0xE488] =	vst v0  }
0x1d6: {  	v0 =	vld [tilespmem:s0+$0xE498];
	_ =	sdelay $0x4  }
0x1d7: {  	[tilespmem:s4+$0xE498] =	vst v0  }
0x1d8: {  	v0 =	vld [tilespmem:s0+$0xE4A8];
	_ =	sdelay $0x4  }
0x1d9: {  	[tilespmem:s4+$0xE4A8] =	vst v0  }
0x1da: {  	v0 =	vld [tilespmem:s0+$0xE4B8];
	_ =	sdelay $0x4  }
0x1db: {  	[tilespmem:s4+$0xE4B8] =	vst v0  }
0x1dc: {  	v0 =	vld [tilespmem:s0+$0xE4C8];
	_ =	sdelay $0x4  }
0x1dd: {  	[tilespmem:s4+$0xE4C8] =	vst v0  }
0x1de: {  	v0 =	vld [tilespmem:s0+$0xE4D8];
	_ =	sdelay $0x4  }
0x1df: {  	[tilespmem:s4+$0xE4D8] =	vst v0  }
0x1e0: {  	v0 =	vld [tilespmem:s0+$0xE4E8];
	_ =	sdelay $0x4  }
0x1e1: {  	[tilespmem:s4+$0xE4E8] =	vst v0  }
0x1e2: {  	v0 =	vld [tilespmem:s0+$0xE4F8];
	_ =	sdelay $0x4  }
0x1e3: {  	[tilespmem:s4+$0xE4F8] =	vst v0  }
0x1e4: {  	v0 =	vld [tilespmem:s0+$0xE508];
	_ =	sdelay $0x4  }
0x1e5: {  	[tilespmem:s4+$0xE508] =	vst v0  }
0x1e6: {  	v0 =	vld [tilespmem:s0+$0xE518];
	_ =	sdelay $0x4  }
0x1e7: {  	[tilespmem:s4+$0xE518] =	vst v0  }
0x1e8: {  	v0 =	vld [tilespmem:s0+$0xE528];
	_ =	sdelay $0x4  }
0x1e9: {  	s2 =	sadd.s32 $0x1, s2;
	[tilespmem:s4+$0xE528] =	vst v0  }
.LBB2_37:
0x1ea: {  	s3 =	sadd.s32 $0x1, s3  }
0x1eb: {  	p0 =	sne.s32 s3, $0x20  }
.Ltmp24:
0x1ec: {  	_ = 	snop;
	(pc) =	sbr.rel @!p0 .LBB2_38-.Ltmp24, $1  }
0x1ed: {  	_ =	sdelay $0x3  }
.LBB2_30:
0x1ee: {  	v0 =	vld.msk [tilespmem:s3+$0xE418], $0x1;
	_ =	sdelay $0x4  }
0x1ef: {  	(v2sf) =	vpush v0, $0x0;
	_ =	sdelay $0xe  }
0x1f0: {  	s4 =	spop (v2sf)  }
0x1f1: {  	p0 =	seq.s32 s4, $0xFFFFFFFF  }
.Ltmp25:
0x1f2: {  	_ = 	snop;
	(pc) =	sbr.rel @p0 .LBB2_37-.Ltmp25, $1  }
0x1f3: {  	_ =	sdelay $0x3  }
0x1f4: {  	p0 =	slt.s32 s2, $0x1  }
.Ltmp26:
0x1f5: {  	_ = 	snop;
	(pc) =	sbr.rel @p0 .LBB2_36-.Ltmp26, $1  }
0x1f6: {  	_ =	sdelay $0x3  }
0x1f7: {  	s5 =	simm.s32 $0xE418;
	p0 =	por $0x0, $0x0  }
0x1f8: {  	v1 =	vld.msk @!p0 [tilespmem:s5+$0x0], $0x1;
	_ =	sdelay $0x4  }
0x1f9: {  	(v2sf) =	vpush @!p0 v1, $0x0;
	_ =	sdelay $0xd  }
0x1fa: {  	p2 =	sne.s32 s2, $0x1  }
.Ltmp27:
0x1fb: {  	s0 =	spop @!p0 (v2sf);
	(pc) =	sbr.rel @!p2 .LBB2_34-.Ltmp27, $4  }
0x1fc: {  	p1 =	seq.s32 @!p0 s4, s0  }
0x1fd: {  	s6 =	simm.s32 $0x0;
	p1 =	por !p1, p0  }
0x1fe: {  	s0 =	simm.s32 $0xFFFFFFFF;
	s6 =	simm.s32 @p1 $0xFFFFFFFF  }
0x1ff: {  	s7 =	simm.s32 $0x1;
	s6 =	smov.u32 @p0 s0  }
.LBB2_33:
0x200: {  	s0 =	smov.u32 s6;
	p0 =	sne.s32 s6, $0xFFFFFFFF  }
0x201: {  	s5 =	sadd.s32 $0x1, s5;
	s6 =	smov.u32 s7;
	s7 =	sadd.s32 $0x1, s7  }
0x202: {  	p1 =	sne.s32 s2, s7;
	v1 =	vld.msk @!p0 [tilespmem:s5+$0x0], $0x1;
	_ =	sdelay $0x4  }
0x203: {  	(v2sf) =	vpush @!p0 v1, $0x0;
	_ =	sdelay $0xe  }
.Ltmp28:
0x204: {  	s8 =	spop @!p0 (v2sf);
	(pc) =	sbr.rel @p1 .LBB2_33-.Ltmp28, $4  }
0x205: {  	p2 =	seq.s32 @!p0 s4, s8  }
0x206: {  	p2 =	por !p2, p0  }
0x207: {  	s6 =	simm.s32 @p2 $0xFFFFFFFF  }
0x208: {  	s6 =	smov.u32 @p0 s0  }
.LBB2_34:
0x209: {  	p0 =	seq.s32 s6, $0xFFFFFFFF  }
.Ltmp29:
0x20a: {  	_ = 	snop;
	(pc) =	sbr.rel @p0 .LBB2_36-.Ltmp29, $1  }
0x20b: {  	_ =	sdelay $0x3  }
0x20c: {  	s0 =	sshll.u32 s3, $0x8  }
0x20d: {  	s0 =	sand.u32 $0x3FFFFF00, s0  }
0x20e: {  	v0 =	vld [tilespmem:s0+$0xE438];
	_ =	sdelay $0x2  }
0x20f: {  	s4 =	sshll.u32 s6, $0xA  }
0x210: {  	s4 =	sshra.s32 s4, $0x2  }
0x211: {  	[tilespmem:s4+$0xE438] =	vst.add.f32.msk $0xffff, v0  }
0x212: {  	v0 =	vld [tilespmem:s0+$0xE448];
	_ =	sdelay $0x4  }
0x213: {  	[tilespmem:s4+$0xE448] =	vst.add.f32.msk $0xffff, v0  }
0x214: {  	v0 =	vld [tilespmem:s0+$0xE458];
	_ =	sdelay $0x4  }
0x215: {  	[tilespmem:s4+$0xE458] =	vst.add.f32.msk $0xffff, v0  }
0x216: {  	v0 =	vld [tilespmem:s0+$0xE468];
	_ =	sdelay $0x4  }
0x217: {  	[tilespmem:s4+$0xE468] =	vst.add.f32.msk $0xffff, v0  }
0x218: {  	v0 =	vld [tilespmem:s0+$0xE478];
	_ =	sdelay $0x4  }
0x219: {  	[tilespmem:s4+$0xE478] =	vst.add.f32.msk $0xffff, v0  }
0x21a: {  	v0 =	vld [tilespmem:s0+$0xE488];
	_ =	sdelay $0x4  }
0x21b: {  	[tilespmem:s4+$0xE488] =	vst.add.f32.msk $0xffff, v0  }
0x21c: {  	v0 =	vld [tilespmem:s0+$0xE498];
	_ =	sdelay $0x4  }
0x21d: {  	[tilespmem:s4+$0xE498] =	vst.add.f32.msk $0xffff, v0  }
0x21e: {  	v0 =	vld [tilespmem:s0+$0xE4A8];
	_ =	sdelay $0x4  }
0x21f: {  	[tilespmem:s4+$0xE4A8] =	vst.add.f32.msk $0xffff, v0  }
0x220: {  	v0 =	vld [tilespmem:s0+$0xE4B8];
	_ =	sdelay $0x4  }
0x221: {  	[tilespmem:s4+$0xE4B8] =	vst.add.f32.msk $0xffff, v0  }
0x222: {  	v0 =	vld [tilespmem:s0+$0xE4C8];
	_ =	sdelay $0x4  }
0x223: {  	[tilespmem:s4+$0xE4C8] =	vst.add.f32.msk $0xffff, v0  }
0x224: {  	v0 =	vld [tilespmem:s0+$0xE4D8];
	_ =	sdelay $0x4  }
0x225: {  	[tilespmem:s4+$0xE4D8] =	vst.add.f32.msk $0xffff, v0  }
0x226: {  	v0 =	vld [tilespmem:s0+$0xE4E8];
	_ =	sdelay $0x4  }
0x227: {  	[tilespmem:s4+$0xE4E8] =	vst.add.f32.msk $0xffff, v0  }
0x228: {  	v0 =	vld [tilespmem:s0+$0xE4F8];
	_ =	sdelay $0x4  }
0x229: {  	[tilespmem:s4+$0xE4F8] =	vst.add.f32.msk $0xffff, v0  }
0x22a: {  	v0 =	vld [tilespmem:s0+$0xE508];
	_ =	sdelay $0x4  }
0x22b: {  	[tilespmem:s4+$0xE508] =	vst.add.f32.msk $0xffff, v0  }
0x22c: {  	v0 =	vld [tilespmem:s0+$0xE518];
	_ =	sdelay $0x4  }
0x22d: {  	[tilespmem:s4+$0xE518] =	vst.add.f32.msk $0xffff, v0  }
0x22e: {  	v0 =	vld [tilespmem:s0+$0xE528]  }
.Ltmp30:
0x22f: {  	_ = 	snop;
	(pc) =	sbr.rel .LBB2_37-.Ltmp30, $2  }
0x230: {  	_ =	sdelay $0x2  }
0x231: {  	[tilespmem:s4+$0xE528] =	vst.add.f32.msk $0xffff, v0  }
.LBB2_38:
0x232: {  	p0 =	slt.s32 s2, $0x1  }
.Ltmp31:
0x233: {  	_ = 	snop;
	(pc) =	sbr.rel @p0 .LBB2_42-.Ltmp31, $3  }
0x234: {  	_ =	sdelay $0x1  }
0x235: {  	s0 =	simm.s32 $0x6  }
0x236: {  	[sflag:s0] =	ssyncpa.u1 $0x1;
	s0 =	simm.s32 $0x0  }
0x237: {  	s3 =	simm.s32 $0xE418  }
0x238: {  	v0 =	vld.msk [tilespmem:s3+$0x0], $0x1;
	_ =	sdelay $0x4  }
0x239: {  	(v2sf) =	vpush v0, $0x0;
	_ =	sdelay $0xe  }
0x23a: {  	s2 =	sadd.s32 $0xFFFFFFFF, s2;
	s4 =	spop (v2sf)  }
0x23b: {  	s5 =	simm.s32 $0xE438;
	p0 =	sne.s32 s2, $0x0;
	p1 =	sgt.u32 s4, $0x4E170  }
.Ltmp32:
0x23c: {  	s3 =	simm.s32 $0xE538;
	s6 =	sand.u32 @!p1 $0x7FFF8, s4;
	(pc) =	sbr.rel @!p0 .LBB2_41-.Ltmp32, $4  }
0x23d: {  	s7 =	sadd.s32 @!p1 $0x80, s4;
	s8 =	sadd.s32 @!p1 s1, s6;
	s6 =	sand.u32 @!p1 $0x7, s4  }
0x23e: {  	[hbm4b:s8+s6] =	stream.linear.scatter @!p1 [tilespmem:s5], [sflag:$0x5], $0x80, $0x38;
	[tilespmem:$0x1E668] =	vst v63  }
0x23f: {  	s0 =	simm.s32 @!p1 $0x400;
	s4 =	simm.s32 $0xE419;
	s5 =	sand.u32 @!p1 $0xFFFF8, s7  }
0x240: {  	s7 =	simm.s32 @!p1 $0xE4B8;
	s8 =	sadd.s32 @!p1 s1, s5;
	s5 =	sadd.s32 $0x0, s0  }
.LBB2_40:
0x241: {  	[hbm4b:s8+s6] =	stream.linear.scatter @!p1 [tilespmem:s7], [sflag:$0x5], $0x80, $0x38;
	[tilespmem:$0x1E668] =	vst v63  }
0x242: {  	s2 =	sadd.s32 $0xFFFFFFFF, s2;
	s0 =	smov.u32 s3;
	v0 =	vld.msk [tilespmem:s4+$0x0], $0x1  }
0x243: {  	p0 =	sne.s32 s2, $0x0;
	_ =	sdelay $0x3  }
0x244: {  	(v2sf) =	vpush v0, $0x0;
	_ =	sdelay $0xe  }
0x245: {  	s3 =	sadd.s32 $0x100, s3;
	s9 =	simm.s32 $0x0;
	s6 =	spop (v2sf)  }
.Ltmp33:
0x246: {  	s4 =	sadd.s32 $0x1, s4;
	p1 =	sgt.u32 s6, $0x4E170;
	(pc) =	sbr.rel @p0 .LBB2_40-.Ltmp33, $4  }
0x247: {  	s9 =	simm.s32 @!p1 $0x400;
	s7 =	sand.u32 @!p1 $0x7FFF8, s6;
	s8 =	sadd.s32 @!p1 $0x80, s6  }
0x248: {  	s6 =	sand.u32 @!p1 $0x7, s6;
	s7 =	sadd.s32 @!p1 s1, s7;
	s8 =	sand.u32 @!p1 $0xFFFF8, s8  }
0x249: {  	[hbm4b:s7+s6] =	stream.linear.scatter @!p1 [tilespmem:s0], [sflag:$0x5], $0x80, $0x38;
	[tilespmem:$0x1E668] =	vst v63  }
0x24a: {  	s5 =	sadd.s32 s5, s9;
	s7 =	sadd.s32 @!p1 $0x80, s0;
	s8 =	sadd.s32 @!p1 s1, s8  }
.LBB2_41:
0x24b: {  	[hbm4b:s8+s6] =	stream.linear.scatter @!p1 [tilespmem:s7], [sflag:$0x5], $0x80, $0x38;
	[tilespmem:$0x1E668] =	vst v63  }
0x24c: {  	s0 =	sshrl.u32 s5, $0x2  }
.LBB2_42:
0x24d: {  	s1 =	simm.s32 $0x5  }
0x24e: {  	_ =	swait.ge [sflag:s1], s0  }
0x24f: {  	s29 =	ssub.s32 $0x0, s0;
	[sflag:s1] =	ssyncset.done $0x0  }
0x250: {  	[sflag:s1] =	ssyncadd.s32 s29  }
0x251: {  	[sflag:s1] =	ssyncpa.u1 $0x1  }
0x252: {  	s30 =	simm.s32 $0x1;
	_ =	sfence  }
0x253: {  	[sflag:s30] =	ssyncpa.u1 $0x1  }
0x254: {  	_ =	strace $0x90000056  }
0x255: {  	[bflag:$0x2] =	sbarrier.arrive $0xFFFF  }
0x256: {  	s31 =	rddreg [dreg:$0x1]  }
0x257: {  	s0 =	sadd.s32 $0x100000, s31  }
0x258: {  	[sflag:s0] =	ssyncadd.tile.s32 $0x1;
	_ =	shalt  }
.Lfunc_end2:
_tile_overlayer_lowered:
.L_overlay_start_2:
0x259: {  	(tag) =	ssettag $0x2  }
0x25a: {  	s0 =	rddreg [dreg:$0x0];
	s2 =	stileid.u32  }
0x25b: {  	s1 =	rddreg [dreg:$0x1];
	p0 =	sne.s32 s2, $0x0  }
0x25c: {  	s3 =	rddreg [dreg:$0x2];
	[bflag:$0x3] =	sbarrier.arrive $0xFFFF;
	s2 =	simm.s32 @!p0 $0x1C01  }
0x25d: {  	[timem:s3], [sflag:s2] =	dma.local @!p0 [hbm:s0], s1  }
0x25e: {  	s0 =	simm.s32 @!p0 $0x1  }
0x25f: {  	_ =	swait.ge @!p0 [sflag:s0], s1  }
0x260: {  	s1 =	ssub.s32 @!p0 $0x0, s1;
	[sflag:s0] =	ssyncset.done @!p0 $0x0  }
0x261: {  	[sflag:s0] =	ssyncadd.s32 @!p0 s1  }
0x262: {  	[bflag:$0x3] =	sbarrier.arrive $0xFFFF  }
0x263: {  	_ =	shalt  }

// kernel: scatter_offload_async_start.3
scs
__scs_entry_jumppad:
0x0: {  	(pc) =	sbr.rel $0x88, $3  }
0x1: {  	(tag) =	ssettag $0x0;
	lr =	simm.s32 $0x1  }
0x2: {  	[smem:$0x3F8A] =	sst lr;
	_ =	strace $0xD0000000  }
0x3: {  	_ = 	snop  }
0x4: {  	_ = 	snop  }
0x5: {  	_ = 	snop  }
0x6: {  	_ = 	snop  }
0x7: {  	_ = 	snop  }
__scs_overlays_trampoline_lowered:
0x8: {  	[smem:$0x3F99] =	sst s0  }
0x9: {  	[smem:$0x3F9A] =	sst s1  }
0xa: {  	[smem:$0x3F9B] =	sst s2  }
0xb: {  	[smem:$0x3F9C] =	sst s3  }
0xc: {  	[smem:$0x3F9D] =	sst s4  }
0xd: {  	[smem:$0x3F9E] =	sst s5  }
0xe: {  	[smem:$0x3F9F] =	sst s6  }
0xf: {  	[smem:$0x3FA0] =	sst s7  }
0x10: {  	[smem:$0x3FA1] =	sst s8  }
0x11: {  	[smem:$0x3FA2] =	sst s9;
	s0 =	simm.s32 @!p0 $0x0  }
0x12: {  	s1 =	sld [smem:$0x3F88];
	s0 =	simm.s32 @p0 $0x1  }
0x13: {  	[smem:$0x3FA3] =	sst s0;
	s0 =	simm.s32 @!p1 $0x0  }
0x14: {  	s2 =	sld [smem:$0x3F87];
	s0 =	simm.s32 @p1 $0x1  }
0x15: {  	[smem:$0x3FA4] =	sst s0;
	s0 =	simm.s32 @!p2 $0x0  }
0x16: {  	s3 =	sld [smem:$0x3FDB];
	s0 =	simm.s32 @p2 $0x1  }
0x17: {  	s4 =	simm.s32 $0x1BF5;
	[smem:$0x3FA6] =	sst s0  }
0x18: {  	s0 =	sld [smem:$0x3F89];
	_ =	swait.ge [sflag:s4], $0x0  }
0x19: {  	s7 =	sld [smem:$0x3F8A]  }
0x1a: {  	s8 =	sadd.s32 $0xFFFFE003, lr  }
0x1b: {  	s9 =	sadd.s32 $0xFFFFFEF7, lr;
	s5 =	simm.s32 $0xFFFFFFFF;
	p2 =	slt.u32 s8, $0xFFFFF086  }
0x1c: {  	p1 =	slt.u32 s9, $0xF7A;
	s5 =	simm.s32 @!p2 $0x0  }
0x1d: {  	s5 =	simm.s32 @p1 $0x1;
	p0 =	seq.s32 s7, s2  }
0x1e: {  	s7 =	smul.u32 @!p0 $0xF7A, s2;
	p2 =	seq.s32 @!p0 s5, $0x0  }
0x1f: {  	s9 =	smul.u32 $0xF7A, s1;
	s8 =	simm.s32 @!p0 $0x1BF5;
	p2 =	por !p2, p0  }
0x20: {  	[sflag:s8] =	ssyncset.s32 @!p0 $0xFFFFF086;
	s6 =	sadd.s32 @!p0 s3, s7;
	s7 =	simm.s32 @!p0 $0x108  }
0x21: {  	s3 =	sadd.s32 s3, s9;
	s6 =	sadd.s32 @!p0 $0x88, s6;
	s7 =	simm.s32 @p2 $0x1082  }
0x22: {  	[simem:s7], [sflag:s8] =	dma.local @!p0 [hbm:s6], $0xF7A  }
0x23: {  	s9 =	sor.u32 $0xD0000000, s2;
	s6 =	simm.s32 $0x108;
	_ =	swait.ge @!p0 [sflag:s8], $0x0  }
0x24: {  	s3 =	sadd.s32 $0x88, s3;
	s6 =	simm.s32 @!p1 $0x1082;
	[sflag:s4] =	ssyncset.s32 $0xFFFFF086  }
0x25: {  	[simem:s6], [sflag:s4] =	dma.local [hbm:s3], $0xF7A  }
0x26: {  	[smem:$0x3F8A] =	sst s1;
	(tag) =	ssettag s2;
	_ =	strace s9  }
0x27: {  	s1 =	sld [smem:$0x3F9A]  }
0x28: {  	s2 =	sld [smem:$0x3F9B]  }
0x29: {  	s4 =	sld [smem:$0x3F9D]  }
0x2a: {  	p0 =	seq.s32 s5, $0x0;
	s5 =	sld [smem:$0x3F9E]  }
0x2b: {  	s6 =	sld [smem:$0x3F9F]  }
0x2c: {  	s7 =	sld [smem:$0x3FA0]  }
0x2d: {  	s3 =	simm.s32 $0x108;
	s8 =	sld [smem:$0x3FA1]  }
0x2e: {  	s3 =	simm.s32 @!p0 $0x1082;
	s9 =	sld [smem:$0x3FA2]  }
0x2f: {  	lr =	sadd.s32 s0, s3;
	s0 =	sld [smem:$0x3F99]  }
0x30: {  	s3 =	sld [smem:$0x3F9C]  }
0x31: {  	[smem:$0x3FA5] =	sst s10  }
0x32: {  	s10 =	sld [smem:$0x3FA3];
	_ =	sdelay $0x3  }
0x33: {  	p0 =	seq.s32 s10, $0x1;
	s10 =	sld [smem:$0x3FA5];
	_ =	sdelay $0x3  }
0x34: {  	[smem:$0x3FA5] =	sst s10  }
0x35: {  	s10 =	sld [smem:$0x3FA4];
	_ =	sdelay $0x3  }
0x36: {  	p1 =	seq.s32 s10, $0x1;
	s10 =	sld [smem:$0x3FA5];
	_ =	sdelay $0x3  }
0x37: {  	[smem:$0x3FA5] =	sst s10  }
0x38: {  	s10 =	sld [smem:$0x3FA6]  }
0x39: {  	_ = 	snop;
	(pc) =	sbr.ind lr, $3  }
0x3a: {  	_ = 	snop  }
0x3b: {  	_ = 	snop  }
0x3c: {  	p2 =	seq.s32 s10, $0x1;
	s10 =	sld [smem:$0x3FA5]  }
0x3d: {  	_ =	shalt  }
0x3e: {  	_ =	shalt  }
0x3f: {  	_ =	shalt  }
0x40: {  	_ =	shalt  }
0x41: {  	_ =	shalt  }
0x42: {  	_ =	shalt  }
0x43: {  	_ =	shalt  }
0x44: {  	_ =	shalt  }
0x45: {  	_ =	shalt  }
0x46: {  	_ =	shalt  }
0x47: {  	_ =	shalt  }
0x48: {  	_ =	shalt  }
0x49: {  	_ =	shalt  }
0x4a: {  	_ =	shalt  }
0x4b: {  	_ =	shalt  }
0x4c: {  	_ =	shalt  }
0x4d: {  	_ =	shalt  }
0x4e: {  	_ =	shalt  }
0x4f: {  	_ =	shalt  }
0x50: {  	_ =	shalt  }
0x51: {  	_ =	shalt  }
0x52: {  	_ =	shalt  }
0x53: {  	_ =	shalt  }
0x54: {  	_ =	shalt  }
0x55: {  	_ =	shalt  }
0x56: {  	_ =	shalt  }
0x57: {  	_ =	shalt  }
0x58: {  	_ =	shalt  }
0x59: {  	_ =	shalt  }
0x5a: {  	_ =	shalt  }
0x5b: {  	_ =	shalt  }
0x5c: {  	_ =	shalt  }
0x5d: {  	_ =	shalt  }
0x5e: {  	_ =	shalt  }
0x5f: {  	_ =	shalt  }
0x60: {  	_ =	shalt  }
0x61: {  	_ =	shalt  }
0x62: {  	_ =	shalt  }
0x63: {  	_ =	shalt  }
0x64: {  	_ =	shalt  }
0x65: {  	_ =	shalt  }
0x66: {  	_ =	shalt  }
0x67: {  	_ =	shalt  }
0x68: {  	_ =	shalt  }
0x69: {  	_ =	shalt  }
0x6a: {  	_ =	shalt  }
0x6b: {  	_ =	shalt  }
0x6c: {  	_ =	shalt  }
0x6d: {  	_ =	shalt  }
0x6e: {  	_ =	shalt  }
0x6f: {  	_ =	shalt  }
0x70: {  	_ =	shalt  }
0x71: {  	_ =	shalt  }
0x72: {  	_ =	shalt  }
0x73: {  	_ =	shalt  }
0x74: {  	_ =	shalt  }
0x75: {  	_ =	shalt  }
0x76: {  	_ =	shalt  }
0x77: {  	_ =	shalt  }
0x78: {  	_ =	shalt  }
0x79: {  	_ =	shalt  }
0x7a: {  	_ =	shalt  }
0x7b: {  	_ =	shalt  }
0x7c: {  	_ =	shalt  }
0x7d: {  	_ =	shalt  }
0x7e: {  	_ =	shalt  }
0x7f: {  	_ =	shalt  }
0x80: {  	_ =	shalt  }
0x81: {  	_ =	shalt  }
0x82: {  	_ =	shalt  }
0x83: {  	_ =	shalt  }
0x84: {  	_ =	shalt  }
0x85: {  	_ =	shalt  }
0x86: {  	_ =	shalt  }
0x87: {  	_ =	shalt  }
.Lfunc_end0:
.L_simem_size_0:
called_computation.3_lowered:
.L_overlay_start_0:
0x88: {  	s0 =	sld [smem:$0x3FD9]  }
0x89: {  	s1 =	sld [smem:$0x3FFE];
	_ =	sdelay $0x3  }
0x8a: {  	s0 =	sadd.s32 s1, s0  }
0x8b: {  	[smem:$0x3FB1] =	sst s0  }
0x8c: {  	_ = 	snop  }
0x8d: {  	(tm) =	ssettm $0x1  }
0x8e: {  	s15 =	sld [smem:$0x3FFB];
	_ =	sdelay $0x3  }
0x8f: {  	_ =	strace s15  }
0x90: {  	s0 =	sld [smem:$0x3FFC];
	_ =	sdelay $0x3  }
0x91: {  	_ =	strace s0  }
0x92: {  	s0 =	sld [smem:$0x3FFD];
	_ =	sdelay $0x3  }
0x93: {  	_ =	strace s0  }
0x94: {  	_ =	strace $0x8FFFFFFF  }
0x95: {  	s16 =	sld [smem:$0x3FDB];
	_ =	sdelay $0x1  }
0x96: {  	s17 =	simm.s32 $_scs_section_size  }
0x97: {  	s2 =	simm.s32 $_size__tile_overlayer_lowered;
	s3 =	simm.s32 $_tile_overlayer_lowered  }
0x98: {  	s20 =	simm.s32 $0x1BFF;
	s19 =	sshll.u32 s3, $0x1;
	s0 =	sadd.s32 s17, s16  }
0x99: {  	s4 =	simm.s32 $0x0;
	s18 =	sshll.u32 s2, $0x1;
	s2 =	sadd.s32 s19, s0  }
0x9a: {  	[timem:s4], [sflag:s20] =	dma.local [hbm:s2], s18  }
0x9b: {  	_ =	swait.ge [sflag:s20], s18  }
0x9c: {  	s1 =	ssub.s32 $0x0, s18;
	[sflag:s20] =	ssyncset.done $0x0  }
0x9d: {  	[sflag:s20] =	ssyncadd.s32 s1;
	_ =	sdelay $0x1  }
0x9e: {  	s21 =	simm.s32 $0x1B8B  }
0x9f: {  	_ =	swait.ge [sflag:s21], $0x1  }
0xa0: {  	[sflag:s21] =	ssyncset.done $0x0  }
0xa1: {  	s23 =	simm.s32 $0x1B8E;
	s22 =	sld [smem:$0x3FFE];
	[sflag:s21] =	ssyncadd.s32 $0xFFFFFFFF  }
0xa2: {  	s24 =	simm.s32 $execute0_lowered;
	[smem:$0x3FD2] =	sst s23  }
0xa3: {  	s2 =	sshll.u32 s24, $0x1;
	_ =	strace $0x8000005E;
	[dreg:$0x1] =	wrdreg $0xFFFFFFFF  }
0xa4: {  	s25 =	simm.s32 $_size_execute0_lowered;
	s0 =	sadd.s32 s0, s2;
	[dreg:$0x0] =	wrdreg $0x0  }
0xa5: {  	s2 =	sshll.u32 s25, $0x1;
	[dreg:$0x2] =	wrdreg s0  }
0xa6: {  	[dreg:$0x3] =	wrdreg s2  }
0xa7: {  	[dreg:$0x4] =	wrdreg $0xC0  }
0xa8: {  	_ =	task [dreg:s4], $0x5FFFF  }
0xa9: {  	[dreg:$0x1] =	wrdreg $0xFFFFFFFF  }
0xaa: {  	[dreg:$0x0] =	wrdreg $0x60  }
0xab: {  	[dreg:$0x2] =	wrdreg s22  }
0xac: {  	[dreg:$0x3] =	wrdreg $0x9  }
0xad: {  	_ =	task.clear_ibuf [dreg:s4], $0x4FFFF;
	_ =	strace $0x9000005E  }
0xae: {  	s26 =	simm.s32 $0x9;
	_ =	strace $0x80000060  }
0xaf: {  	_ =	swait.ge [sflag:s26], $0x1  }
0xb0: {  	[sflag:s26] =	ssyncadd.s32 $0xFFFFFFFF  }
0xb1: {  	_ =	strace $0x90000060  }
0xb2: {  	_ =	sfence  }
0xb3: {  	s28 =	sld [smem:$0x0];
	_ =	sdelay $0x1  }
0xb4: {  	s29 =	srdreg.scid  }
0xb5: {  	s30 =	sshll.u32 s29, $0xD;
	s31 =	sshrl.u32 s29, $0x2  }
0xb6: {  	s1 =	sand.u32 $0x1, s29;
	s2 =	sand.u32 $0x4000, s30;
	s0 =	sadd.s32 s31, s28  }
0xb7: {  	s1 =	sor.u32 s2, s1;
	s0 =	sshll.u32 s0, $0x11  }
0xb8: {  	s0 =	sor.u32 s0, s1  }
0xb9: {  	s0 =	sadd.s32 $0x8F2B, s0  }
0xba: {  	[sflag:s0] =	ssyncadd.remote.s32 $0x1  }
0xbb: {  	_ =	sfence.sel $0xFFFF  }
0xbc: {  	[dreg:$0x0] =	wrdreg $0xFFFFFFFF;
	(pc) =	sbr.abs _section_cstart, $3  }
0xbd: {  	[dreg:$0x1] =	wrdreg $0xFFFFFFFF  }
0xbe: {  	_ =	task.clear_ibuf [dreg:s4], $0x2FFFF;
	_ =	strace $0x9FFFFFFF  }
0xbf: {  	(tm) =	ssettm $0x7FFFFFFF  }
tec
execute0_lowered:
.L_overlay_start_1:
0x0: {  	(tag) =	ssettag $0x1  }
0x1: {  	s0 =	rddreg [dreg:$0x0];
	_ =	strace $0x8000005F;
	s1 =	simm.s32 $0x1  }
0x2: {  	s8 =	simm.s32 $0x208;
	v0 =	vimm.s32 $0x0;
	[sflag:s1] =	ssyncpa.u1 $0x0  }
0x3: {  	[tilespmem:s8+$0x70] =	vst v0  }
0x4: {  	[tilespmem:s8+$0x60] =	vst v0  }
0x5: {  	[tilespmem:s8+$0x50] =	vst v0  }
0x6: {  	[tilespmem:s8+$0x40] =	vst v0  }
0x7: {  	[tilespmem:s8+$0x30] =	vst v0  }
0x8: {  	s1 =	sadd.s32 $0xDCA00, s0;
	s10 =	sadd.s32 $0xAA0A00, s0;
	[tilespmem:s8+$0x20] =	vst v0  }
0x9: {  	s4 =	sadd.s32 $0x14D3000, s0;
	s5 =	sadd.s32 $0xAAAC00, s0;
	s0 =	simm.s32 $0x40;
	[tilespmem:s8+$0x10] =	vst v0  }
.LBB2_1:
0xa: {  	s0 =	sadd.s32 $0x40, s0;
	[tilespmem:s8+$0x0] =	vst v0;
	s8 =	sadd.s32 $0x80, s8  }
0xb: {  	p0 =	slt.u32 s0, $0x3880;
	[tilespmem:s8+$0x70] =	vst v0  }
0xc: {  	[tilespmem:s8+$0x60] =	vst v0  }
.Ltmp0:
0xd: {  	[tilespmem:s8+$0x50] =	vst v0;
	(pc) =	sbr.rel @p0 .LBB2_1-.Ltmp0, $4  }
0xe: {  	[tilespmem:s8+$0x40] =	vst v0  }
0xf: {  	[tilespmem:s8+$0x30] =	vst v0  }
0x10: {  	[tilespmem:s8+$0x20] =	vst v0  }
0x11: {  	[tilespmem:s8+$0x10] =	vst v0  }
0x12: {  	s3 =	stileid.u32  }
0x13: {  	s0 =	smul.u32 $0xB8, s3  }
0x14: {  	s2 =	smin.u32 s3, $0x3  }
0x15: {  	s0 =	sor.u32 s2, s0  }
0x16: {  	p0 =	slt.u32 s3, $0x3;
	s6 =	smul.u32 $0x70, s0;
	s0 =	simm.s32 $0x50F0  }
0x17: {  	s0 =	simm.s32 @!p0 $0x5080  }
0x18: {  	s0 =	sadd.s32 s0, s6  }
0x19: {  	s7 =	smin.u32 s0, $0x50910  }
0x1a: {  	s0 =	ssub.s32 s7, s6  }
0x1b: {  	p0 =	sgt.s32 s0, $0x0  }
0x1c: {  	s26 =	simm.s32 $0x2;
	s0 =	simm.s32 @!p0 $0x0  }
0x1d: {  	s29 =	simm.s32 $0x7;
	s30 =	simm.s32 $0x8;
	s28 =	smulhi.u32 $0x92492493, s0  }
0x1e: {  	s31 =	simm.s32 $0x9;
	s11 =	simm.s32 $0x1;
	s21 =	simm.s32 $0x0  }
0x1f: {  	p1 =	por $0x0, $0x0;
	s15 =	simm.s32 $0x80;
	s2 =	sshrl.u32 s28, $0x6  }
0x20: {  	s16 =	simm.s32 $0x400;
	s17 =	simm.s32 $0xA;
	s9 =	smul.u32 $0x70, s2  }
.Ltmp1:
0x21: {  	[tilespmem:s8+$0x0] =	vst v0;
	v0 =	vimm.s32 $0xFFFFFFFF;
	s18 =	simm.s32 $0x0;
	[sflag:s26] =	ssyncpa.u1 $0x0;
	(pc) =	sbr.rel .LBB2_3-.Ltmp1, $4  }
0x22: {  	[tilespmem:$0xE408] =	vst v0;
	[sflag:s29] =	ssyncpa.u1 $0x0;
	p0 =	sne.s32 s0, s9;
	s0 =	simm.s32 $0x1  }
0x23: {  	s20 =	simm.s32 $0x0;
	[sflag:s30] =	ssyncpa.u1 $0x0;
	s0 =	simm.s32 @!p0 $0x0  }
0x24: {  	s13 =	sshll.u32 s3, $0x9;
	[sflag:s31] =	ssyncpa.u1 $0x0;
	s12 =	sadd.s32 s0, s2  }
0x25: {  	v0 =	vlaneseq.u32;
	s19 =	smov.u32 s6;
	p0 =	por $0x1, $0x1;
	s14 =	sadd.s32 $0x1, s12  }
.LBB2_24:
0x26: {  	s0 =	sshrl.u32 s30, $0x2  }
.LBB2_26:
0x27: {  	_ =	swait.ge [sflag:s17], s0  }
0x28: {  	s31 =	ssub.s32 $0x0, s0;
	v1 =	vmov s23;
	vm0 =	veq.s32 v0, $0x0;
	[sflag:s17] =	ssyncset.done $0x0  }
0x29: {  	vm15 =	veq.s32 v0, $0x2;
	v1 =	vsel vm0, s29, v1;
	[sflag:s17] =	ssyncadd.s32 s31  }
0x2a: {  	v1 =	vsel vm15, s21, v1;
	[sflag:s17] =	ssyncpa.u1 $0x1  }
0x2b: {  	[tilespmem:$0xE408] =	vst v1  }
.LBB2_27:
0x2c: {  	s0 =	sadd.s32 $0x70, s19  }
0x2d: {  	s2 =	smov.u32 s6;
	p2 =	slt.s32 s0, s7  }
0x2e: {  	s2 =	smov.u32 @p2 s0;
	p2 =	sne.s32 s20, s14  }
.Ltmp2:
0x2f: {  	_ = 	snop;
	(pc) =	sbr.rel @!p2 .LBB2_28-.Ltmp2, $4  }
0x30: {  	_ = 	snop  }
0x31: {  	s21 =	smov.u32 s18  }
0x32: {  	s31 =	sadd.s32 $0x1, s20;
	s18 =	smov.u32 s19;
	p0 =	por !p0, !p0  }
0x33: {  	p1 =	por !p1, !p1;
	s20 =	smov.u32 s31;
	s19 =	smov.u32 s2  }
.LBB2_3:
0x34: {  	p2 =	sge.u32 s20, s12  }
0x35: {  	s0 =	smulhi.u32 @!p2 $0xAAAAAAAB, s20  }
0x36: {  	s2 =	smov.u32 s19;
	p3 =	sgt.s32 @!p2 s19, $0x508A0  }
0x37: {  	s8 =	sshra.s32 @!p2 s19, $0x1F;
	p3 =	por !p3, p2;
	s0 =	sshrl.u32 @!p2 s0, $0x1  }
0x38: {  	s8 =	sand.u32 @!p2 s8, s19;
	s2 =	simm.s32 @p3 $0x508A0;
	s0 =	smul.u32 @!p2 $0x3, s0  }
0x39: {  	s2 =	ssub.s32 @!p2 s2, s8  }
0x3a: {  	s2 =	sadd.s32 @!p2 $0xFFFAF760, s2;
	s0 =	ssub.s32 @!p2 s20, s0  }
0x3b: {  	s8 =	sshll.u32 @!p2 s2, $0x2;
	p3 =	sgt.s32 @!p2 s2, $0x6F;
	s0 =	smul.u32 @!p2 $0x1C0, s0  }
0x3c: {  	s9 =	sand.u32 @!p2 $0x7, s19;
	s2 =	ssub.s32 @!p2 $0x1C0, s8;
	p3 =	por !p3, p2  }
0x3d: {  	s8 =	sshrl.u32 @!p2 s19, $0x3;
	s2 =	sshrl.u32 @!p2 s2, $0x2;
	s0 =	sshrl.u32 @!p2 s0, $0x2  }
0x3e: {  	s8 =	sadd.s32 @!p2 s5, s8;
	s2 =	simm.s32 @!p3 $0x0;
	s0 =	sadd.s32 @!p2 $0x10438, s0  }
0x3f: {  	[tilespmem:s0], [sflag:$0x8] =	stream.linear.gather @!p2 [hbm4b:s8+s9], s2, $0x38;
	[tilespmem:$0x1E668] =	vst v63  }
0x40: {  	s0 =	sadd.s32 $0xFFFFFFFF, s20  }
0x41: {  	p2 =	sge.u32 s0, s12  }
0x42: {  	p3 =	sgt.s32 @!p2 s18, $0x508A0  }
0x43: {  	s2 =	smov.u32 s18;
	s8 =	sshra.s32 @!p2 s18, $0x1F;
	p3 =	por !p3, p2  }
0x44: {  	s8 =	sand.u32 @!p2 s8, s18;
	s2 =	simm.s32 @p3 $0x508A0  }
0x45: {  	s2 =	ssub.s32 @!p2 s2, s8  }
0x46: {  	s2 =	sadd.s32 @!p2 $0xFFFAF760, s2  }
0x47: {  	s8 =	sshll.u32 @!p2 s2, $0x2  }
0x48: {  	p3 =	sgt.s32 @!p2 s2, $0x6F;
	s2 =	ssub.s32 @!p2 $0x1C0, s8  }
0x49: {  	p3 =	por !p3, p2;
	s2 =	sshrl.u32 @!p2 s2, $0x2  }
0x4a: {  	s9 =	simm.s32 @!p2 $0x8;
	s8 =	sand.u32 @!p2 $0x1, s0;
	s2 =	simm.s32 @!p3 $0x0  }
0x4b: {  	s8 =	smul.u32 @!p2 $0x1C0, s8;
	_ =	swait.ge @!p2 [sflag:s9], s2  }
0x4c: {  	s22 =	ssub.s32 @!p2 $0x0, s2;
	[sflag:s9] =	ssyncset.done @!p2 $0x0  }
0x4d: {  	s8 =	sshrl.u32 @!p2 s8, $0x2;
	[sflag:s9] =	ssyncadd.s32 @!p2 s22;
	s9 =	sshrl.u32 @!p2 s18, $0x3  }
0x4e: {  	s8 =	sor.u32 @!p2 $0x10588, s8;
	s22 =	sand.u32 @!p2 $0x7, s18;
	s9 =	sadd.s32 @!p2 s10, s9  }
0x4f: {  	[tilespmem:s8], [sflag:$0x9] =	stream.linear.gather @!p2 [hbm4b:s9+s22], s2, $0x38;
	[tilespmem:$0x1E668] =	vst v63  }
0x50: {  	s22 =	ssub.s32 @!p2 $0x50910, s18  }
0x51: {  	p3 =	slt.s32 @!p2 s22, $0x1  }
0x52: {  	p3 =	por p2, p3  }
.Ltmp3:
0x53: {  	_ = 	snop;
	(pc) =	sbr.rel @p3 .LBB2_9-.Ltmp3, $1  }
0x54: {  	_ =	sdelay $0x3  }
0x55: {  	s2 =	smulhi.u32 $0xAAAAAAAB, s0;
	_ =	sdelay $0x1  }
0x56: {  	s2 =	sshrl.u32 s2, $0x1  }
0x57: {  	s2 =	smul.u32 $0x3, s2;
	_ =	sdelay $0x1  }
0x58: {  	s29 =	ssub.s32 s0, s2  }
0x59: {  	s8 =	simm.s32 $0x1;
	s0 =	smul.u32 $0x1C0, s29  }
.Ltmp4:
0x5a: {  	s8 =	simm.s32 @!p0 $0x0;
	(pc) =	sbr.rel .LBB2_6-.Ltmp4, $4  }
0x5b: {  	s30 =	smul.u32 $0x1C000, s8  }
0x5c: {  	p3 =	slt.s32 @!p2 s22, $0x70;
	s0 =	sshrl.u32 s0, $0x2  }
0x5d: {  	p2 =	por !p3, p2;
	s2 =	sshrl.u32 s30, $0x2;
	s31 =	sadd.s32 $0x10438, s0  }
0x5e: {  	s22 =	simm.s32 @p2 $0x70;
	s23 =	sor.u32 $0x10668, s2;
	s0 =	simm.s32 $0x0;
	v1 =	vmov s31  }
.LBB2_5:
0x5f: {  	p2 =	sge.s32 s0, s22  }
.Ltmp5:
0x60: {  	_ = 	snop;
	(pc) =	sbr.rel @p2 .LBB2_9-.Ltmp5, $2  }
0x61: {  	_ =	sdelay $0x2  }
0x62: {  	s23 =	sadd.s32 $0x1000, s23  }
.LBB2_6:
0x63: {  	p2 =	sle.s32 s22, s0  }
.Ltmp6:
0x64: {  	_ = 	snop;
	(pc) =	sbr.rel @p2 .LBB2_5-.Ltmp6, $2  }
0x65: {  	_ =	sdelay $0x2  }
0x66: {  	s24 =	smov.u32 s0;
	s0 =	sadd.s32 $0x10, s0  }
0x67: {  	s2 =	ssub.s32 s22, s24  }
0x68: {  	p2 =	slt.s32 s2, $0x10  }
0x69: {  	s2 =	simm.s32 @!p2 $0x10  }
0x6a: {  	v2 =	vmov s2  }
0x6b: {  	vm0 =	vgt.s32 v2, v0;
	_ =	sdelay $0x5  }
0x6c: {  	v2 =	vld.idx.msk [tilespmem:v1+s24+$0x0 ss:$0x1], vm0;
	_ =	sdelay $0x2  }
0x6d: {  	p2 =	slt.s32 s0, s22;
	s2 =	smov.u32 s22  }
0x6e: {  	s8 =	smov.u32 s23;
	s25 =	simm.s32 $0x0;
	s2 =	smov.u32 @p2 s0  }
.LBB2_8:
0x6f: {  	(v2sf) =	vpush v2, s25;
	_ =	sdelay $0xe  }
0x70: {  	s25 =	sadd.s32 $0x1, s25;
	s9 =	spop (v2sf)  }
0x71: {  	s31 =	sadd.s32 s25, s24;
	s26 =	sshll.u32 s9, $0x8;
	s9 =	sshll.u32 s9, $0x7  }
0x72: {  	p2 =	slt.s32 s31, s2;
	s26 =	sand.u32 $0xFFFFF800, s26;
	s9 =	sand.u32 $0x380, s9  }
.Ltmp7:
0x73: {  	s9 =	sor.u32 s9, s26;
	(pc) =	sbr.rel @p2 .LBB2_8-.Ltmp7, $4  }
0x74: {  	s9 =	sshrl.u32 s9, $0x3  }
0x75: {  	s9 =	sadd.s32 s4, s9  }
0x76: {  	[tilespmem:s8], [sflag:$0x7] =	stream.strided.gather [hbm4b:s9+s15], $0x100, s16, s15, $0x38;
	[tilespmem:$0x1E668] =	vst v63  }
0x77: {  	s8 =	sadd.s32 $0x100, s8  }
.Ltmp8:
0x78: {  	_ = 	snop;
	(pc) =	sbr.rel .LBB2_5-.Ltmp8, $1  }
0x79: {  	_ =	sdelay $0x3  }
.LBB2_9:
0x7a: {  	p2 =	slt.u32 s20, $0x2  }
.Ltmp9:
0x7b: {  	_ = 	snop;
	(pc) =	sbr.rel @p2 .LBB2_27-.Ltmp9, $1  }
0x7c: {  	_ =	sdelay $0x3  }
0x7d: {  	p2 =	sgt.s32 s21, $0x508A0;
	s0 =	smov.u32 s21  }
0x7e: {  	s2 =	sshra.s32 s21, $0x1F;
	s8 =	ssub.s32 $0x50910, s21;
	s0 =	simm.s32 @!p2 $0x508A0  }
0x7f: {  	s2 =	sand.u32 s2, s21;
	p2 =	slt.s32 s8, $0x70;
	s9 =	smov.u32 s8  }
0x80: {  	s0 =	ssub.s32 s0, s2;
	s9 =	simm.s32 @!p2 $0x70  }
0x81: {  	s0 =	sadd.s32 $0xFFFAF760, s0;
	s25 =	sshll.u32 s9, $0x8  }
0x82: {  	s3 =	simm.s32 $0x7;
	s26 =	sshll.u32 s0, $0x2;
	s2 =	sand.u32 $0x3FFFFF00, s25  }
0x83: {  	p2 =	sgt.s32 s0, $0x6F;
	s28 =	ssub.s32 $0x1C0, s26;
	_ =	swait.ge [sflag:s3], s2  }
0x84: {  	s2 =	ssub.s32 $0x0, s2;
	[sflag:s3] =	ssyncset.done $0x0;
	s0 =	sshrl.u32 s28, $0x2  }
0x85: {  	s30 =	simm.s32 $0x9;
	[sflag:s3] =	ssyncadd.s32 s2;
	s0 =	simm.s32 @p2 $0x0  }
0x86: {  	_ =	swait.ge [sflag:s30], s0  }
0x87: {  	s0 =	ssub.s32 $0x0, s0;
	[sflag:s30] =	ssyncset.done $0x0  }
0x88: {  	[sflag:s30] =	ssyncadd.s32 s0  }
0x89: {  	v1 =	vld [tilespmem:$0xE408];
	_ =	sdelay $0x4  }
0x8a: {  	(v2sf) =	vpush v1, $0x0  }
0x8b: {  	(v2sf) =	vpush v1, $0x1  }
0x8c: {  	(v2sf) =	vpush v1, $0x2;
	_ =	sdelay $0x3  }
0x8d: {  	s0 =	sadd.s32 $0x70, s21  }
0x8e: {  	p2 =	slt.s32 s7, s0  }
0x8f: {  	s0 =	smov.u32 @p2 s7;
	p2 =	sgt.s32 s8, $0x0  }
0x90: {  	s25 =	ssub.s32 s0, s21;
	s8 =	simm.s32 @!p2 $0x0  }
0x91: {  	p2 =	slt.s32 s8, s25  }
0x92: {  	s25 =	smov.u32 @p2 s8  }
0x93: {  	s24 =	simm.s32 $0x1;
	p2 =	slt.s32 s25, $0x1  }
.Ltmp10:
0x94: {  	s24 =	simm.s32 @!p1 $0x0;
	(pc) =	sbr.rel @p2 .LBB2_14-.Ltmp10, $4  }
0x95: {  	s31 =	smul.u32 $0x1C0, s24  }
0x96: {  	s26 =	spop (v2sf)  }
0x97: {  	s0 =	sshrl.u32 s31, $0x2;
	s29 =	spop (v2sf)  }
0x98: {  	s22 =	sor.u32 $0x10588, s0;
	s21 =	spop (v2sf)  }
0x99: {  	s0 =	smin.u32 s25, $0x10  }
0x9a: {  	v1 =	vmov s0  }
0x9b: {  	vm1 =	vgt.u32 v1, v0  }
0x9c: {  	p3 =	sgt.s32 s25, $0x10  }
.Ltmp11:
0x9d: {  	_ = 	snop;
	(pc) =	sbr.rel @!p3 .LBB2_13-.Ltmp11, $2  }
0x9e: {  	_ =	sdelay $0x2  }
0x9f: {  	s23 =	simm.s32 $0x10;
	s28 =	sadd.s32 $0xFFFFFFF0, s25;
	s0 =	smov.u32 s22;
	vm0 =	vmmov vm1;
	v1 =	vld.msk [tilespmem:s22+$0x0 ss:$0x1], vm1  }
.LBB2_12:
0xa0: {  	s2 =	smin.u32 s28, $0x10;
	s23 =	sadd.s32 $0x10, s23  }
0xa1: {  	v2 =	vmov s2;
	p3 =	slt.s32 s23, s25  }
0xa2: {  	vm1 =	vgt.u32 v2, v0;
	_ =	sdelay $0x1  }
0xa3: {  	v2 =	vshll.u32 v1, $0x5;
	v1 =	vshll.u32 v1, $0x4  }
.Ltmp12:
0xa4: {  	v2 =	vand.u32 $0xFFFFFF00, v2;
	v1 =	vand.u32 $0x70, v1;
	(pc) =	sbr.rel @p3 .LBB2_12-.Ltmp12, $4  }
0xa5: {  	v1 =	vor.u32 v1, v2  }
0xa6: {  	[tilespmem:s0+$0x0] =	vst.msk vm0, v1;
	s0 =	sadd.s32 $0x10, s0;
	vm0 =	vmmov vm1  }
0xa7: {  	v1 =	vld.msk [tilespmem:s0+$0x0 ss:$0x1], vm1  }
0xa8: {  	s28 =	sadd.s32 $0xFFFFFFF0, s28  }
.LBB2_13:
0xa9: {  	_ =	sdelay $0x3  }
0xaa: {  	v2 =	vshll.u32 v1, $0x5;
	v1 =	vshll.u32 v1, $0x4  }
0xab: {  	v2 =	vand.u32 $0xFFFFFF00, v2;
	v1 =	vand.u32 $0x70, v1  }
0xac: {  	v1 =	vor.u32 v1, v2  }
0xad: {  	[tilespmem:s0+$0x0] =	vst.msk vm0, v1  }
.LBB2_14:
0xae: {  	s0 =	sand.u32 $0x1, s20  }
0xaf: {  	s0 =	smul.u32 $0x70, s0  }
0xb0: {  	p3 =	sne.s32 s29, $0xFFFFFFFF  }
0xb1: {  	v1 =	vld.msk @!p3 [tilespmem:s0+$0x10588], $0x1;
	_ =	sdelay $0x4  }
0xb2: {  	(v2sf) =	vpush @!p3 v1, $0x0;
	_ =	sdelay $0xc  }
.Ltmp13:
0xb3: {  	_ = 	snop;
	(pc) =	sbr.rel @p2 .LBB2_25-.Ltmp13, $4  }
0xb4: {  	_ = 	snop  }
0xb5: {  	s28 =	spop @!p3 (v2sf)  }
0xb6: {  	s21 =	simm.s32 @!p3 $0x0;
	s23 =	smov.u32 s28  }
0xb7: {  	[sflag:s17] =	ssyncpa.u1 $0x0;
	s28 =	smov.u32 @p3 s26;
	s23 =	smov.u32 @p3 s29  }
0xb8: {  	v1 =	vld.msk [tilespmem:s22+$0x0], $0x1;
	_ =	sdelay $0x4  }
0xb9: {  	(v2sf) =	vpush v1, $0x0;
	_ =	sdelay $0xd  }
0xba: {  	s17 =	smov.u32 s6  }
0xbb: {  	s6 =	smov.u32 s14;
	s14 =	smov.u32 s5;
	s30 =	spop (v2sf)  }
0xbc: {  	s5 =	smov.u32 s10;
	s0 =	smul.u32 $0x1C000, s24;
	p2 =	seq.s32 s28, s30  }
0xbd: {  	s2 =	smov.u32 s28;
	s25 =	ssub.s32 $0x0, s25;
	p3 =	sgt.s32 @!p2 s28, $0x0  }
0xbe: {  	s26 =	simm.s32 $0x0;
	s0 =	sshrl.u32 s0, $0x2;
	p3 =	por !p3, p2  }
0xbf: {  	s29 =	sadd.s32 $0x1, s25;
	s24 =	sor.u32 $0x106E8, s0;
	s2 =	simm.s32 @p3 $0x0  }
0xc0: {  	s0 =	simm.s32 @!p2 $0x1;
	p3 =	seq.s32 s29, $0x0;
	s2 =	smin.u32 @!p2 s2, $0x4E170  }
.Ltmp14:
0xc1: {  	s9 =	simm.s32 @!p2 $0x7308;
	s8 =	sand.u32 @!p2 $0x7FFF8, s2;
	(pc) =	sbr.rel @p3 .LBB2_17-.Ltmp14, $4  }
0xc2: {  	s31 =	sadd.s32 @!p2 $0x80, s2;
	s10 =	sadd.s32 @!p2 s1, s8;
	s8 =	sand.u32 @!p2 $0x7, s2  }
0xc3: {  	[tilespmem:s9], [sflag:$0x2] =	stream.linear.gather @!p2 [hbm4b:s10+s8], $0x80, $0x38;
	[tilespmem:$0x1E668] =	vst v63  }
0xc4: {  	s0 =	smov.u32 @p2 s26;
	s9 =	sand.u32 @!p2 $0xFFFF8, s31  }
0xc5: {  	s2 =	simm.s32 @!p2 $0x7388;
	s31 =	sadd.s32 $0x1, s22;
	s9 =	sadd.s32 @!p2 s1, s9  }
.LBB2_16:
0xc6: {  	s10 =	smov.u32 s0  }
0xc7: {  	[tilespmem:s2], [sflag:$0x2] =	stream.linear.gather @!p2 [hbm4b:s9+s8], $0x80, $0x38;
	[tilespmem:$0x1E668] =	vst v63  }
0xc8: {  	s29 =	sadd.s32 $0x1, s29;
	s8 =	smov.u32 s30;
	v1 =	vld.msk [tilespmem:s31+$0x0], $0x1  }
0xc9: {  	p3 =	seq.s32 s29, $0x0;
	_ =	sdelay $0x3  }
0xca: {  	(v2sf) =	vpush v1, $0x0;
	_ =	sdelay $0xe  }
0xcb: {  	s30 =	spop (v2sf)  }
0xcc: {  	p2 =	seq.s32 s8, s30  }
0xcd: {  	p4 =	sgt.s32 @!p2 s8, $0x0;
	s2 =	sshll.u32 @!p2 s0, $0xA;
	s0 =	sadd.s32 @!p2 $0x1, s0  }
0xce: {  	p4 =	por !p4, p2;
	s2 =	sshra.s32 @!p2 s2, $0x2;
	s0 =	smov.u32 @p2 s10  }
0xcf: {  	s8 =	simm.s32 @p4 $0x0;
	s9 =	sadd.s32 @!p2 $0x7308, s2;
	s2 =	sadd.s32 @!p2 $0x7388, s2  }
.Ltmp15:
0xd0: {  	s8 =	smin.u32 @!p2 s8, $0x4E170;
	(pc) =	sbr.rel @!p3 .LBB2_16-.Ltmp15, $4  }
0xd1: {  	s10 =	sand.u32 @!p2 $0x7FFF8, s8;
	s3 =	sadd.s32 @!p2 $0x80, s8  }
0xd2: {  	s8 =	sand.u32 @!p2 $0x7, s8;
	s10 =	sadd.s32 @!p2 s1, s10;
	s3 =	sand.u32 @!p2 $0xFFFF8, s3  }
0xd3: {  	[tilespmem:s9], [sflag:$0x2] =	stream.linear.gather @!p2 [hbm4b:s10+s8], $0x80, $0x38;
	[tilespmem:$0x1E668] =	vst v63  }
0xd4: {  	s31 =	sadd.s32 $0x1, s31;
	s9 =	sadd.s32 @!p2 s1, s3  }
.LBB2_17:
0xd5: {  	[tilespmem:s2], [sflag:$0x2] =	stream.linear.gather @!p2 [hbm4b:s9+s8], $0x80, $0x38;
	[tilespmem:$0x1E668] =	vst v63  }
.Ltmp16:
0xd6: {  	s0 =	sshll.u32 s0, $0x8;
	(pc) =	sbr.rel .LBB2_18-.Ltmp16, $4  }
0xd7: {  	s31 =	simm.s32 $0x2;
	s30 =	simm.s32 $0x0;
	s0 =	sand.u32 $0x3FFFFF00, s0  }
0xd8: {  	s10 =	smov.u32 s5;
	s5 =	smov.u32 s14;
	_ =	swait.ge [sflag:s31], s0  }
0xd9: {  	s14 =	smov.u32 s6;
	s0 =	ssub.s32 $0x0, s0;
	[sflag:s31] =	ssyncset.done $0x0  }
0xda: {  	s6 =	smov.u32 s17;
	s17 =	simm.s32 $0xA;
	[sflag:s31] =	ssyncadd.s32 s0  }
.LBB2_19:
0xdb: {  	v1 =	vld [tilespmem:s24+$0xFFFFFF80];
	_ =	sdelay $0x4  }
0xdc: {  	[tilespmem:s31+$0x208] =	vst.add.f32.msk $0xffff, v1  }
0xdd: {  	v1 =	vld [tilespmem:s24+$0xFFFFFF90];
	_ =	sdelay $0x4  }
0xde: {  	[tilespmem:s31+$0x218] =	vst.add.f32.msk $0xffff, v1  }
0xdf: {  	v1 =	vld [tilespmem:s24+$0xFFFFFFA0];
	_ =	sdelay $0x4  }
0xe0: {  	[tilespmem:s31+$0x228] =	vst.add.f32.msk $0xffff, v1  }
0xe1: {  	v1 =	vld [tilespmem:s24+$0xFFFFFFB0];
	_ =	sdelay $0x4  }
0xe2: {  	[tilespmem:s31+$0x238] =	vst.add.f32.msk $0xffff, v1  }
0xe3: {  	v1 =	vld [tilespmem:s24+$0xFFFFFFC0];
	_ =	sdelay $0x4  }
0xe4: {  	[tilespmem:s31+$0x248] =	vst.add.f32.msk $0xffff, v1  }
0xe5: {  	v1 =	vld [tilespmem:s24+$0xFFFFFFD0];
	_ =	sdelay $0x4  }
0xe6: {  	[tilespmem:s31+$0x258] =	vst.add.f32.msk $0xffff, v1  }
0xe7: {  	v1 =	vld [tilespmem:s24+$0xFFFFFFE0];
	_ =	sdelay $0x4  }
0xe8: {  	[tilespmem:s31+$0x268] =	vst.add.f32.msk $0xffff, v1  }
0xe9: {  	v1 =	vld [tilespmem:s24+$0xFFFFFFF0];
	_ =	sdelay $0x4  }
0xea: {  	[tilespmem:s31+$0x278] =	vst.add.f32.msk $0xffff, v1  }
0xeb: {  	v1 =	vld [tilespmem:s24+$0x0];
	_ =	sdelay $0x4  }
0xec: {  	[tilespmem:s31+$0x288] =	vst.add.f32.msk $0xffff, v1  }
0xed: {  	v1 =	vld [tilespmem:s24+$0x10];
	_ =	sdelay $0x4  }
0xee: {  	[tilespmem:s31+$0x298] =	vst.add.f32.msk $0xffff, v1  }
0xef: {  	v1 =	vld [tilespmem:s24+$0x20];
	_ =	sdelay $0x4  }
0xf0: {  	[tilespmem:s31+$0x2A8] =	vst.add.f32.msk $0xffff, v1  }
0xf1: {  	v1 =	vld [tilespmem:s24+$0x30];
	_ =	sdelay $0x4  }
0xf2: {  	[tilespmem:s31+$0x2B8] =	vst.add.f32.msk $0xffff, v1  }
0xf3: {  	v1 =	vld [tilespmem:s24+$0x40];
	_ =	sdelay $0x4  }
0xf4: {  	[tilespmem:s31+$0x2C8] =	vst.add.f32.msk $0xffff, v1  }
0xf5: {  	v1 =	vld [tilespmem:s24+$0x50];
	_ =	sdelay $0x4  }
0xf6: {  	[tilespmem:s31+$0x2D8] =	vst.add.f32.msk $0xffff, v1  }
0xf7: {  	v1 =	vld [tilespmem:s24+$0x60];
	_ =	sdelay $0x4  }
0xf8: {  	[tilespmem:s31+$0x2E8] =	vst.add.f32.msk $0xffff, v1  }
0xf9: {  	v1 =	vld [tilespmem:s24+$0x70];
	_ =	sdelay $0x4  }
0xfa: {  	[tilespmem:s31+$0x2F8] =	vst.add.f32.msk $0xffff, v1  }
.LBB2_23:
0xfb: {  	s25 =	sadd.s32 $0x1, s25  }
0xfc: {  	p2 =	seq.s32 s25, $0x0  }
.Ltmp17:
0xfd: {  	_ = 	snop;
	(pc) =	sbr.rel @p2 .LBB2_24-.Ltmp17, $2  }
0xfe: {  	_ =	sdelay $0x2  }
0xff: {  	s22 =	sadd.s32 $0x1, s22;
	s24 =	sadd.s32 $0x100, s24;
	s28 =	smov.u32 s29  }
.LBB2_18:
0x100: {  	v1 =	vld.msk [tilespmem:s22+$0x0], $0x1;
	_ =	sdelay $0x4  }
0x101: {  	(v2sf) =	vpush v1, $0x0;
	_ =	sdelay $0xe  }
0x102: {  	s29 =	spop (v2sf)  }
0x103: {  	p2 =	sne.s32 s28, s29  }
.Ltmp18:
0x104: {  	_ = 	snop;
	(pc) =	sbr.rel @!p2 .LBB2_19-.Ltmp18, $3  }
0x105: {  	_ =	sdelay $0x1  }
0x106: {  	s0 =	sshll.u32 s21, $0xA  }
0x107: {  	s31 =	sshra.s32 s0, $0x2  }
0x108: {  	p2 =	seq.s32 s28, s23  }
.Ltmp19:
0x109: {  	_ = 	snop;
	(pc) =	sbr.rel @!p2 .LBB2_21-.Ltmp19, $1  }
0x10a: {  	_ =	sdelay $0x3  }
.Ltmp20:
0x10b: {  	s0 =	sadd.s32 $0x208, s31;
	(pc) =	sbr.rel .LBB2_22-.Ltmp20, $4  }
0x10c: {  	[spmem:s13] =	stream.linear.scatter [tilespmem:s0], [sflag:$0x1], $0x100, $0x38;
	[tilespmem:$0x1E668] =	vst v63  }
0x10d: {  	_ =	swait.ge [sflag:s11], $0x100  }
0x10e: {  	[sflag:s11] =	ssyncset.done $0x0  }
0x10f: {  	[sflag:s11] =	ssyncadd.s32 $0xFFFFFF00  }
.LBB2_21:
0x110: {  	s0 =	sshll.u32 s26, $0xA  }
0x111: {  	s0 =	sshra.s32 s0, $0x2  }
0x112: {  	v1 =	vld [tilespmem:s0+$0x7308];
	_ =	sdelay $0x4  }
0x113: {  	[tilespmem:s31+$0x208] =	vst.add.f32.msk $0xffff, v1  }
0x114: {  	v1 =	vld [tilespmem:s0+$0x7318];
	_ =	sdelay $0x4  }
0x115: {  	[tilespmem:s31+$0x218] =	vst.add.f32.msk $0xffff, v1  }
0x116: {  	v1 =	vld [tilespmem:s0+$0x7328];
	_ =	sdelay $0x4  }
0x117: {  	[tilespmem:s31+$0x228] =	vst.add.f32.msk $0xffff, v1  }
0x118: {  	v1 =	vld [tilespmem:s0+$0x7338];
	_ =	sdelay $0x4  }
0x119: {  	[tilespmem:s31+$0x238] =	vst.add.f32.msk $0xffff, v1  }
0x11a: {  	v1 =	vld [tilespmem:s0+$0x7348];
	_ =	sdelay $0x4  }
0x11b: {  	[tilespmem:s31+$0x248] =	vst.add.f32.msk $0xffff, v1  }
0x11c: {  	v1 =	vld [tilespmem:s0+$0x7358];
	_ =	sdelay $0x4  }
0x11d: {  	[tilespmem:s31+$0x258] =	vst.add.f32.msk $0xffff, v1  }
0x11e: {  	v1 =	vld [tilespmem:s0+$0x7368];
	_ =	sdelay $0x4  }
0x11f: {  	[tilespmem:s31+$0x268] =	vst.add.f32.msk $0xffff, v1  }
0x120: {  	v1 =	vld [tilespmem:s0+$0x7378];
	_ =	sdelay $0x4  }
0x121: {  	[tilespmem:s31+$0x278] =	vst.add.f32.msk $0xffff, v1  }
0x122: {  	v1 =	vld [tilespmem:s0+$0x7388];
	_ =	sdelay $0x4  }
0x123: {  	[tilespmem:s31+$0x288] =	vst.add.f32.msk $0xffff, v1  }
0x124: {  	v1 =	vld [tilespmem:s0+$0x7398];
	_ =	sdelay $0x4  }
0x125: {  	[tilespmem:s31+$0x298] =	vst.add.f32.msk $0xffff, v1  }
0x126: {  	v1 =	vld [tilespmem:s0+$0x73A8];
	_ =	sdelay $0x4  }
0x127: {  	[tilespmem:s31+$0x2A8] =	vst.add.f32.msk $0xffff, v1  }
0x128: {  	v1 =	vld [tilespmem:s0+$0x73B8];
	_ =	sdelay $0x4  }
0x129: {  	[tilespmem:s31+$0x2B8] =	vst.add.f32.msk $0xffff, v1  }
0x12a: {  	v1 =	vld [tilespmem:s0+$0x73C8];
	_ =	sdelay $0x4  }
0x12b: {  	[tilespmem:s31+$0x2C8] =	vst.add.f32.msk $0xffff, v1  }
0x12c: {  	v1 =	vld [tilespmem:s0+$0x73D8];
	_ =	sdelay $0x4  }
0x12d: {  	[tilespmem:s31+$0x2D8] =	vst.add.f32.msk $0xffff, v1  }
0x12e: {  	v1 =	vld [tilespmem:s0+$0x73E8];
	_ =	sdelay $0x4  }
0x12f: {  	[tilespmem:s31+$0x2E8] =	vst.add.f32.msk $0xffff, v1  }
0x130: {  	v1 =	vld [tilespmem:s0+$0x73F8];
	_ =	sdelay $0x2  }
0x131: {  	p2 =	sgt.u32 s28, $0x4E170  }
0x132: {  	s0 =	sand.u32 @!p2 $0x7FFF8, s28  }
0x133: {  	s2 =	sadd.s32 $0x208, s31;
	s3 =	sand.u32 @!p2 $0x7, s28;
	s0 =	sadd.s32 @!p2 s1, s0;
	[tilespmem:s31+$0x2F8] =	vst.add.f32.msk $0xffff, v1  }
0x134: {  	[hbm4b:s0+s3] =	stream.linear.scatter @!p2 [tilespmem:s2], [sflag:$0xA], $0x80, $0x38;
	[tilespmem:$0x1E668] =	vst v63  }
0x135: {  	s0 =	sadd.s32 @!p2 $0x80, s28  }
0x136: {  	s0 =	sand.u32 @!p2 $0xFFFF8, s0  }
0x137: {  	s2 =	sadd.s32 $0x288, s31;
	s0 =	sadd.s32 @!p2 s1, s0  }
0x138: {  	[hbm4b:s0+s3] =	stream.linear.scatter @!p2 [tilespmem:s2], [sflag:$0xA], $0x80, $0x38;
	[tilespmem:$0x1E668] =	vst v63  }
0x139: {  	s0 =	simm.s32 $0x0  }
0x13a: {  	s0 =	simm.s32 @!p2 $0x400  }
0x13b: {  	s30 =	sadd.s32 s0, s30  }
.LBB2_22:
0x13c: {  	s0 =	sadd.s32 $0x1, s21  }
0x13d: {  	s2 =	sshrl.u32 s0, $0x4  }
0x13e: {  	s2 =	smulhi.u32 $0x24924925, s2  }
0x13f: {  	v1 =	vld [tilespmem:s24+$0xFFFFFF80]  }
0x140: {  	s2 =	smul.u32 $0x70, s2;
	_ =	sdelay $0x1  }
0x141: {  	s21 =	ssub.s32 s0, s2  }
0x142: {  	s0 =	sshll.u32 s21, $0x8  }
0x143: {  	[tilespmem:s0+$0x208] =	vst v1  }
0x144: {  	v1 =	vld [tilespmem:s24+$0xFFFFFF90];
	_ =	sdelay $0x4  }
0x145: {  	[tilespmem:s0+$0x218] =	vst v1  }
0x146: {  	v1 =	vld [tilespmem:s24+$0xFFFFFFA0];
	_ =	sdelay $0x4  }
0x147: {  	[tilespmem:s0+$0x228] =	vst v1  }
0x148: {  	v1 =	vld [tilespmem:s24+$0xFFFFFFB0];
	_ =	sdelay $0x4  }
0x149: {  	[tilespmem:s0+$0x238] =	vst v1  }
0x14a: {  	v1 =	vld [tilespmem:s24+$0xFFFFFFC0];
	_ =	sdelay $0x4  }
0x14b: {  	[tilespmem:s0+$0x248] =	vst v1  }
0x14c: {  	v1 =	vld [tilespmem:s24+$0xFFFFFFD0];
	_ =	sdelay $0x4  }
0x14d: {  	[tilespmem:s0+$0x258] =	vst v1  }
0x14e: {  	v1 =	vld [tilespmem:s24+$0xFFFFFFE0];
	_ =	sdelay $0x4  }
0x14f: {  	[tilespmem:s0+$0x268] =	vst v1  }
0x150: {  	v1 =	vld [tilespmem:s24+$0xFFFFFFF0];
	_ =	sdelay $0x4  }
0x151: {  	[tilespmem:s0+$0x278] =	vst v1  }
0x152: {  	v1 =	vld [tilespmem:s24+$0x0];
	_ =	sdelay $0x4  }
0x153: {  	[tilespmem:s0+$0x288] =	vst v1  }
0x154: {  	v1 =	vld [tilespmem:s24+$0x10];
	_ =	sdelay $0x4  }
0x155: {  	[tilespmem:s0+$0x298] =	vst v1  }
0x156: {  	v1 =	vld [tilespmem:s24+$0x20];
	_ =	sdelay $0x4  }
0x157: {  	[tilespmem:s0+$0x2A8] =	vst v1  }
0x158: {  	v1 =	vld [tilespmem:s24+$0x30];
	_ =	sdelay $0x4  }
0x159: {  	[tilespmem:s0+$0x2B8] =	vst v1  }
0x15a: {  	v1 =	vld [tilespmem:s24+$0x40];
	_ =	sdelay $0x4  }
0x15b: {  	[tilespmem:s0+$0x2C8] =	vst v1  }
0x15c: {  	v1 =	vld [tilespmem:s24+$0x50];
	_ =	sdelay $0x4  }
0x15d: {  	[tilespmem:s0+$0x2D8] =	vst v1  }
0x15e: {  	v1 =	vld [tilespmem:s24+$0x60];
	_ =	sdelay $0x4  }
0x15f: {  	[tilespmem:s0+$0x2E8] =	vst v1  }
0x160: {  	v1 =	vld [tilespmem:s24+$0x70]  }
.Ltmp21:
0x161: {  	_ = 	snop;
	(pc) =	sbr.rel .LBB2_23-.Ltmp21, $2  }
0x162: {  	_ =	sdelay $0x2  }
0x163: {  	s26 =	sadd.s32 $0x1, s26;
	[tilespmem:s0+$0x2F8] =	vst v1  }
.LBB2_25:
.Ltmp22:
0x164: {  	(pc) =	sbr.rel .LBB2_26-.Ltmp22, $4  }
0x165: {  	_ = 	snop  }
0x166: {  	s0 =	simm.s32 $0x2  }
0x167: {  	_ =	swait.ge [sflag:s0], $0x0  }
0x168: {  	s29 =	smov.u32 s28;
	[sflag:s0] =	ssyncset.done $0x0;
	s0 =	simm.s32 $0x0  }
.LBB2_28:
0x169: {  	_ =	sfence.sel $0x180000  }
0x16a: {  	s0 =	simm.s32 $0x7;
	[bflag:$0x0] =	sbarrier.arrive $0xFFFF  }
0x16b: {  	s25 =	simm.s32 $0x8;
	[sflag:s0] =	ssyncpa.u1 $0x1  }
0x16c: {  	s26 =	simm.s32 $0x9;
	[sflag:s25] =	ssyncpa.u1 $0x1  }
0x16d: {  	s28 =	simm.s32 $0x2;
	[sflag:s26] =	ssyncpa.u1 $0x1  }
0x16e: {  	[sflag:s28] =	ssyncpa.u1 $0x1  }
0x16f: {  	v0 =	vld [tilespmem:$0xE408];
	_ =	sdelay $0x4  }
0x170: {  	(v2sf) =	vpush v0, $0x0  }
0x171: {  	(v2sf) =	vpush v0, $0x1;
	_ =	sdelay $0x1  }
0x172: {  	(v2sf) =	vpush v0, $0x2;
	_ =	sdelay $0xb  }
0x173: {  	s0 =	spop (v2sf)  }
0x174: {  	s2 =	spop (v2sf)  }
0x175: {  	s3 =	smov.u32 s0;
	p0 =	sne.s32 s0, s2  }
0x176: {  	s4 =	spop (v2sf);
	s3 =	simm.s32 @!p0 $0xFFFFFFFF  }
0x177: {  	v2 =	vimm.s32 $0x1;
	v3 =	vlaneseq.u32;
	p0 =	seq.s32 s4, $0xFFFFFFFF;
	v1 =	vmov s3  }
0x178: {  	s7 =	stileid.u32;
	v0 =	vperm.xlane v0, v2;
	p1 =	sne.s32 @!p0 s0, s2;
	v1 =	vperm.xlane v1, v3  }
0x179: {  	vm0 =	vcmask $0x3F04;
	s6 =	simm.s32 $0xE408;
	s0 =	simm.s32 @!p0 $0x1;
	p1 =	por !p1, p0  }
0x17a: {  	s3 =	sshll.u32 s7, $0x1;
	s2 =	sshll.u32 @!p0 s4, $0xA;
	s0 =	simm.s32 @p1 $0x0;
	v0 =	vsel vm0, v1, v0  }
0x17b: {  	s5 =	sor.u32 $0x2000, s3;
	s2 =	sshra.s32 @!p0 s2, $0x2;
	s0 =	sor.u32 @!p0 s0, s3;
	[tilespmem:$0xE408] =	vst v0  }
0x17c: {  	[spmem:s5] =	stream.linear.scatter [tilespmem:s6], [sflag:$0x1], $0x2, $0x38;
	[tilespmem:$0x1E668] =	vst v63  }
0x17d: {  	s2 =	sadd.s32 @!p0 $0x208, s2;
	s0 =	sshll.u32 @!p0 s0, $0x8  }
0x17e: {  	[spmem:s0] =	stream.linear.scatter @!p0 [tilespmem:s2], [sflag:$0x1], $0x100, $0x38;
	[tilespmem:$0x1E668] =	vst v63  }
0x17f: {  	s2 =	simm.s32 @!p0 $0x102  }
0x180: {  	s0 =	simm.s32 $0x1;
	s2 =	simm.s32 @p0 $0x2  }
0x181: {  	_ =	swait.ge [sflag:s0], s2  }
0x182: {  	s2 =	ssub.s32 $0x0, s2;
	[sflag:s0] =	ssyncset.done $0x0  }
0x183: {  	[sflag:s0] =	ssyncadd.s32 s2  }
0x184: {  	_ =	sfence.stream.spmem  }
0x185: {  	s29 =	simm.s32 $0x3;
	[bflag:$0x0] =	sbarrier.arrive $0xFFFF  }
0x186: {  	s30 =	simm.s32 $0x4;
	[sflag:s29] =	ssyncpa.u1 $0x1  }
0x187: {  	s31 =	simm.s32 $0x3C;
	[sflag:s30] =	ssyncpa.u1 $0x1  }
0x188: {  	p0 =	sne.s32 s7, $0x0;
	[sflag:s31] =	ssyncpa.u1 $0x1  }
0x189: {  	_ =	sfence @p0  }
0x18a: {  	[sflag:s0] =	ssyncpa.u1 @p0 $0x1  }
0x18b: {  	_ =	strace @p0 $0x9000005F  }
0x18c: {  	[bflag:$0x2] =	sbarrier.arrive @p0 $0xFFFF  }
0x18d: {  	_ =	shalt @p0  }
.LBB2_29:
0x18e: {  	_ =	sfence.stream.spmem;
	s0 =	simm.s32 $0x5  }
0x18f: {  	s2 =	simm.s32 $0x2000;
	s3 =	simm.s32 $0xE418;
	[sflag:s0] =	ssyncpa.u1 $0x0  }
0x190: {  	[tilespmem:s3], [sflag:$0x5] =	stream.linear.gather [spmem:s2], $0x20, $0x38;
	[tilespmem:$0x1E668] =	vst v63  }
0x191: {  	s30 =	simm.s32 $0xE438;
	s2 =	simm.s32 $0x0  }
0x192: {  	[tilespmem:s30], [sflag:$0x5] =	stream.linear.gather [spmem:s2], $0x2000, $0x38;
	[tilespmem:$0x1E668] =	vst v63  }
.Ltmp23:
0x193: {  	_ = 	snop;
	(pc) =	sbr.rel .LBB2_30-.Ltmp23, $4  }
0x194: {  	_ =	swait.ge [sflag:s0], $0x2020  }
0x195: {  	[sflag:s0] =	ssyncset.done $0x0  }
0x196: {  	s31 =	simm.s32 $0x6;
	[sflag:s0] =	ssyncadd.s32 $0xFFFFDFE0  }
0x197: {  	s3 =	simm.s32 $0x0;
	[sflag:s31] =	ssyncpa.u1 $0x0  }
.LBB2_36:
0x198: {  	p0 =	slt.u32 s4, $0x4E171  }
0x199: {  	s0 =	sand.u32 @p0 $0x7FFF8, s4  }
0x19a: {  	s5 =	sand.u32 @p0 $0x7, s4;
	s6 =	simm.s32 @p0 $0xE308;
	s0 =	sadd.s32 @p0 s1, s0  }
0x19b: {  	[tilespmem:s6], [sflag:$0x6] =	stream.linear.gather @p0 [hbm4b:s0+s5], $0x80, $0x38;
	[tilespmem:$0x1E668] =	vst v63  }
0x19c: {  	s0 =	sadd.s32 @p0 $0x80, s4  }
0x19d: {  	s0 =	sand.u32 @p0 $0xFFFF8, s0  }
0x19e: {  	s4 =	simm.s32 @p0 $0xE388;
	s0 =	sadd.s32 @p0 s1, s0  }
0x19f: {  	[tilespmem:s4], [sflag:$0x6] =	stream.linear.gather @p0 [hbm4b:s0+s5], $0x80, $0x38;
	[tilespmem:$0x1E668] =	vst v63  }
0x1a0: {  	s0 =	simm.s32 @p0 $0x6  }
0x1a1: {  	_ =	swait.ge @p0 [sflag:s0], $0x100  }
0x1a2: {  	[sflag:s0] =	ssyncset.done @p0 $0x0  }
0x1a3: {  	[sflag:s0] =	ssyncadd.s32 @p0 $0xFFFFFF00  }
0x1a4: {  	v1 =	vld @p0 [tilespmem:$0xE308];
	_ =	sdelay $0x2  }
0x1a5: {  	s0 =	sshll.u32 @p0 s3, $0xA  }
0x1a6: {  	s4 =	sshrl.u32 @p0 s0, $0x2  }
0x1a7: {  	[tilespmem:s4+$0xE438] =	vst.add.f32.msk @p0 $0xffff, v1  }
0x1a8: {  	v1 =	vld @p0 [tilespmem:$0xE318];
	_ =	sdelay $0x4  }
0x1a9: {  	[tilespmem:s4+$0xE448] =	vst.add.f32.msk @p0 $0xffff, v1  }
0x1aa: {  	v1 =	vld @p0 [tilespmem:$0xE328];
	_ =	sdelay $0x4  }
0x1ab: {  	[tilespmem:s4+$0xE458] =	vst.add.f32.msk @p0 $0xffff, v1  }
0x1ac: {  	v1 =	vld @p0 [tilespmem:$0xE338];
	_ =	sdelay $0x4  }
0x1ad: {  	[tilespmem:s4+$0xE468] =	vst.add.f32.msk @p0 $0xffff, v1  }
0x1ae: {  	v1 =	vld @p0 [tilespmem:$0xE348];
	_ =	sdelay $0x4  }
0x1af: {  	[tilespmem:s4+$0xE478] =	vst.add.f32.msk @p0 $0xffff, v1  }
0x1b0: {  	v1 =	vld @p0 [tilespmem:$0xE358];
	_ =	sdelay $0x4  }
0x1b1: {  	[tilespmem:s4+$0xE488] =	vst.add.f32.msk @p0 $0xffff, v1  }
0x1b2: {  	v1 =	vld @p0 [tilespmem:$0xE368];
	_ =	sdelay $0x4  }
0x1b3: {  	[tilespmem:s4+$0xE498] =	vst.add.f32.msk @p0 $0xffff, v1  }
0x1b4: {  	v1 =	vld @p0 [tilespmem:$0xE378];
	_ =	sdelay $0x4  }
0x1b5: {  	[tilespmem:s4+$0xE4A8] =	vst.add.f32.msk @p0 $0xffff, v1  }
0x1b6: {  	v1 =	vld @p0 [tilespmem:$0xE388];
	_ =	sdelay $0x4  }
0x1b7: {  	[tilespmem:s4+$0xE4B8] =	vst.add.f32.msk @p0 $0xffff, v1  }
0x1b8: {  	v1 =	vld @p0 [tilespmem:$0xE398];
	_ =	sdelay $0x4  }
0x1b9: {  	[tilespmem:s4+$0xE4C8] =	vst.add.f32.msk @p0 $0xffff, v1  }
0x1ba: {  	v1 =	vld @p0 [tilespmem:$0xE3A8];
	_ =	sdelay $0x4  }
0x1bb: {  	[tilespmem:s4+$0xE4D8] =	vst.add.f32.msk @p0 $0xffff, v1  }
0x1bc: {  	v1 =	vld @p0 [tilespmem:$0xE3B8];
	_ =	sdelay $0x4  }
0x1bd: {  	[tilespmem:s4+$0xE4E8] =	vst.add.f32.msk @p0 $0xffff, v1  }
0x1be: {  	v1 =	vld @p0 [tilespmem:$0xE3C8];
	_ =	sdelay $0x4  }
0x1bf: {  	[tilespmem:s4+$0xE4F8] =	vst.add.f32.msk @p0 $0xffff, v1  }
0x1c0: {  	v1 =	vld @p0 [tilespmem:$0xE3D8];
	_ =	sdelay $0x4  }
0x1c1: {  	[tilespmem:s4+$0xE508] =	vst.add.f32.msk @p0 $0xffff, v1  }
0x1c2: {  	v1 =	vld @p0 [tilespmem:$0xE3E8];
	_ =	sdelay $0x4  }
0x1c3: {  	[tilespmem:s4+$0xE518] =	vst.add.f32.msk @p0 $0xffff, v1  }
0x1c4: {  	v1 =	vld @p0 [tilespmem:$0xE3F8];
	_ =	sdelay $0x3  }
0x1c5: {  	s5 =	sshll.u32 @!p0 s3, $0xA  }
0x1c6: {  	s5 =	smov.u32 @p0 s0;
	[tilespmem:s4+$0xE528] =	vst.add.f32.msk @p0 $0xffff, v1  }
0x1c7: {  	s0 =	sshrl.u32 s5, $0x2;
	[tilespmem:s2+$0xE418] =	vst.msk $0x1, v0  }
0x1c8: {  	v0 =	vld [tilespmem:s0+$0xE438];
	_ =	sdelay $0x2  }
0x1c9: {  	s31 =	sshll.u32 s2, $0xA  }
0x1ca: {  	s4 =	sshra.s32 s31, $0x2  }
0x1cb: {  	[tilespmem:s4+$0xE438] =	vst v0  }
0x1cc: {  	v0 =	vld [tilespmem:s0+$0xE448];
	_ =	sdelay $0x4  }
0x1cd: {  	[tilespmem:s4+$0xE448] =	vst v0  }
0x1ce: {  	v0 =	vld [tilespmem:s0+$0xE458];
	_ =	sdelay $0x4  }
0x1cf: {  	[tilespmem:s4+$0xE458] =	vst v0  }
0x1d0: {  	v0 =	vld [tilespmem:s0+$0xE468];
	_ =	sdelay $0x4  }
0x1d1: {  	[tilespmem:s4+$0xE468] =	vst v0  }
0x1d2: {  	v0 =	vld [tilespmem:s0+$0xE478];
	_ =	sdelay $0x4  }
0x1d3: {  	[tilespmem:s4+$0xE478] =	vst v0  }
0x1d4: {  	v0 =	vld [tilespmem:s0+$0xE488];
	_ =	sdelay $0x4  }
0x1d5: {  	[tilespmem:s4+$0xE488] =	vst v0  }
0x1d6: {  	v0 =	vld [tilespmem:s0+$0xE498];
	_ =	sdelay $0x4  }
0x1d7: {  	[tilespmem:s4+$0xE498] =	vst v0  }
0x1d8: {  	v0 =	vld [tilespmem:s0+$0xE4A8];
	_ =	sdelay $0x4  }
0x1d9: {  	[tilespmem:s4+$0xE4A8] =	vst v0  }
0x1da: {  	v0 =	vld [tilespmem:s0+$0xE4B8];
	_ =	sdelay $0x4  }
0x1db: {  	[tilespmem:s4+$0xE4B8] =	vst v0  }
0x1dc: {  	v0 =	vld [tilespmem:s0+$0xE4C8];
	_ =	sdelay $0x4  }
0x1dd: {  	[tilespmem:s4+$0xE4C8] =	vst v0  }
0x1de: {  	v0 =	vld [tilespmem:s0+$0xE4D8];
	_ =	sdelay $0x4  }
0x1df: {  	[tilespmem:s4+$0xE4D8] =	vst v0  }
0x1e0: {  	v0 =	vld [tilespmem:s0+$0xE4E8];
	_ =	sdelay $0x4  }
0x1e1: {  	[tilespmem:s4+$0xE4E8] =	vst v0  }
0x1e2: {  	v0 =	vld [tilespmem:s0+$0xE4F8];
	_ =	sdelay $0x4  }
0x1e3: {  	[tilespmem:s4+$0xE4F8] =	vst v0  }
0x1e4: {  	v0 =	vld [tilespmem:s0+$0xE508];
	_ =	sdelay $0x4  }
0x1e5: {  	[tilespmem:s4+$0xE508] =	vst v0  }
0x1e6: {  	v0 =	vld [tilespmem:s0+$0xE518];
	_ =	sdelay $0x4  }
0x1e7: {  	[tilespmem:s4+$0xE518] =	vst v0  }
0x1e8: {  	v0 =	vld [tilespmem:s0+$0xE528];
	_ =	sdelay $0x4  }
0x1e9: {  	s2 =	sadd.s32 $0x1, s2;
	[tilespmem:s4+$0xE528] =	vst v0  }
.LBB2_37:
0x1ea: {  	s3 =	sadd.s32 $0x1, s3  }
0x1eb: {  	p0 =	sne.s32 s3, $0x20  }
.Ltmp24:
0x1ec: {  	_ = 	snop;
	(pc) =	sbr.rel @!p0 .LBB2_38-.Ltmp24, $1  }
0x1ed: {  	_ =	sdelay $0x3  }
.LBB2_30:
0x1ee: {  	v0 =	vld.msk [tilespmem:s3+$0xE418], $0x1;
	_ =	sdelay $0x4  }
0x1ef: {  	(v2sf) =	vpush v0, $0x0;
	_ =	sdelay $0xe  }
0x1f0: {  	s4 =	spop (v2sf)  }
0x1f1: {  	p0 =	seq.s32 s4, $0xFFFFFFFF  }
.Ltmp25:
0x1f2: {  	_ = 	snop;
	(pc) =	sbr.rel @p0 .LBB2_37-.Ltmp25, $1  }
0x1f3: {  	_ =	sdelay $0x3  }
0x1f4: {  	p0 =	slt.s32 s2, $0x1  }
.Ltmp26:
0x1f5: {  	_ = 	snop;
	(pc) =	sbr.rel @p0 .LBB2_36-.Ltmp26, $1  }
0x1f6: {  	_ =	sdelay $0x3  }
0x1f7: {  	s5 =	simm.s32 $0xE418;
	p0 =	por $0x0, $0x0  }
0x1f8: {  	v1 =	vld.msk @!p0 [tilespmem:s5+$0x0], $0x1;
	_ =	sdelay $0x4  }
0x1f9: {  	(v2sf) =	vpush @!p0 v1, $0x0;
	_ =	sdelay $0xd  }
0x1fa: {  	p2 =	sne.s32 s2, $0x1  }
.Ltmp27:
0x1fb: {  	s0 =	spop @!p0 (v2sf);
	(pc) =	sbr.rel @!p2 .LBB2_34-.Ltmp27, $4  }
0x1fc: {  	p1 =	seq.s32 @!p0 s4, s0  }
0x1fd: {  	s6 =	simm.s32 $0x0;
	p1 =	por !p1, p0  }
0x1fe: {  	s0 =	simm.s32 $0xFFFFFFFF;
	s6 =	simm.s32 @p1 $0xFFFFFFFF  }
0x1ff: {  	s7 =	simm.s32 $0x1;
	s6 =	smov.u32 @p0 s0  }
.LBB2_33:
0x200: {  	s0 =	smov.u32 s6;
	p0 =	sne.s32 s6, $0xFFFFFFFF  }
0x201: {  	s5 =	sadd.s32 $0x1, s5;
	s6 =	smov.u32 s7;
	s7 =	sadd.s32 $0x1, s7  }
0x202: {  	p1 =	sne.s32 s2, s7;
	v1 =	vld.msk @!p0 [tilespmem:s5+$0x0], $0x1;
	_ =	sdelay $0x4  }
0x203: {  	(v2sf) =	vpush @!p0 v1, $0x0;
	_ =	sdelay $0xe  }
.Ltmp28:
0x204: {  	s8 =	spop @!p0 (v2sf);
	(pc) =	sbr.rel @p1 .LBB2_33-.Ltmp28, $4  }
0x205: {  	p2 =	seq.s32 @!p0 s4, s8  }
0x206: {  	p2 =	por !p2, p0  }
0x207: {  	s6 =	simm.s32 @p2 $0xFFFFFFFF  }
0x208: {  	s6 =	smov.u32 @p0 s0  }
.LBB2_34:
0x209: {  	p0 =	seq.s32 s6, $0xFFFFFFFF  }
.Ltmp29:
0x20a: {  	_ = 	snop;
	(pc) =	sbr.rel @p0 .LBB2_36-.Ltmp29, $1  }
0x20b: {  	_ =	sdelay $0x3  }
0x20c: {  	s0 =	sshll.u32 s3, $0x8  }
0x20d: {  	s0 =	sand.u32 $0x3FFFFF00, s0  }
0x20e: {  	v0 =	vld [tilespmem:s0+$0xE438];
	_ =	sdelay $0x2  }
0x20f: {  	s4 =	sshll.u32 s6, $0xA  }
0x210: {  	s4 =	sshra.s32 s4, $0x2  }
0x211: {  	[tilespmem:s4+$0xE438] =	vst.add.f32.msk $0xffff, v0  }
0x212: {  	v0 =	vld [tilespmem:s0+$0xE448];
	_ =	sdelay $0x4  }
0x213: {  	[tilespmem:s4+$0xE448] =	vst.add.f32.msk $0xffff, v0  }
0x214: {  	v0 =	vld [tilespmem:s0+$0xE458];
	_ =	sdelay $0x4  }
0x215: {  	[tilespmem:s4+$0xE458] =	vst.add.f32.msk $0xffff, v0  }
0x216: {  	v0 =	vld [tilespmem:s0+$0xE468];
	_ =	sdelay $0x4  }
0x217: {  	[tilespmem:s4+$0xE468] =	vst.add.f32.msk $0xffff, v0  }
0x218: {  	v0 =	vld [tilespmem:s0+$0xE478];
	_ =	sdelay $0x4  }
0x219: {  	[tilespmem:s4+$0xE478] =	vst.add.f32.msk $0xffff, v0  }
0x21a: {  	v0 =	vld [tilespmem:s0+$0xE488];
	_ =	sdelay $0x4  }
0x21b: {  	[tilespmem:s4+$0xE488] =	vst.add.f32.msk $0xffff, v0  }
0x21c: {  	v0 =	vld [tilespmem:s0+$0xE498];
	_ =	sdelay $0x4  }
0x21d: {  	[tilespmem:s4+$0xE498] =	vst.add.f32.msk $0xffff, v0  }
0x21e: {  	v0 =	vld [tilespmem:s0+$0xE4A8];
	_ =	sdelay $0x4  }
0x21f: {  	[tilespmem:s4+$0xE4A8] =	vst.add.f32.msk $0xffff, v0  }
0x220: {  	v0 =	vld [tilespmem:s0+$0xE4B8];
	_ =	sdelay $0x4  }
0x221: {  	[tilespmem:s4+$0xE4B8] =	vst.add.f32.msk $0xffff, v0  }
0x222: {  	v0 =	vld [tilespmem:s0+$0xE4C8];
	_ =	sdelay $0x4  }
0x223: {  	[tilespmem:s4+$0xE4C8] =	vst.add.f32.msk $0xffff, v0  }
0x224: {  	v0 =	vld [tilespmem:s0+$0xE4D8];
	_ =	sdelay $0x4  }
0x225: {  	[tilespmem:s4+$0xE4D8] =	vst.add.f32.msk $0xffff, v0  }
0x226: {  	v0 =	vld [tilespmem:s0+$0xE4E8];
	_ =	sdelay $0x4  }
0x227: {  	[tilespmem:s4+$0xE4E8] =	vst.add.f32.msk $0xffff, v0  }
0x228: {  	v0 =	vld [tilespmem:s0+$0xE4F8];
	_ =	sdelay $0x4  }
0x229: {  	[tilespmem:s4+$0xE4F8] =	vst.add.f32.msk $0xffff, v0  }
0x22a: {  	v0 =	vld [tilespmem:s0+$0xE508];
	_ =	sdelay $0x4  }
0x22b: {  	[tilespmem:s4+$0xE508] =	vst.add.f32.msk $0xffff, v0  }
0x22c: {  	v0 =	vld [tilespmem:s0+$0xE518];
	_ =	sdelay $0x4  }
0x22d: {  	[tilespmem:s4+$0xE518] =	vst.add.f32.msk $0xffff, v0  }
0x22e: {  	v0 =	vld [tilespmem:s0+$0xE528]  }
.Ltmp30:
0x22f: {  	_ = 	snop;
	(pc) =	sbr.rel .LBB2_37-.Ltmp30, $2  }
0x230: {  	_ =	sdelay $0x2  }
0x231: {  	[tilespmem:s4+$0xE528] =	vst.add.f32.msk $0xffff, v0  }
.LBB2_38:
0x232: {  	p0 =	slt.s32 s2, $0x1  }
.Ltmp31:
0x233: {  	_ = 	snop;
	(pc) =	sbr.rel @p0 .LBB2_42-.Ltmp31, $3  }
0x234: {  	_ =	sdelay $0x1  }
0x235: {  	s0 =	simm.s32 $0x6  }
0x236: {  	[sflag:s0] =	ssyncpa.u1 $0x1;
	s0 =	simm.s32 $0x0  }
0x237: {  	s3 =	simm.s32 $0xE418  }
0x238: {  	v0 =	vld.msk [tilespmem:s3+$0x0], $0x1;
	_ =	sdelay $0x4  }
0x239: {  	(v2sf) =	vpush v0, $0x0;
	_ =	sdelay $0xe  }
0x23a: {  	s2 =	sadd.s32 $0xFFFFFFFF, s2;
	s4 =	spop (v2sf)  }
0x23b: {  	s5 =	simm.s32 $0xE438;
	p0 =	sne.s32 s2, $0x0;
	p1 =	sgt.u32 s4, $0x4E170  }
.Ltmp32:
0x23c: {  	s3 =	simm.s32 $0xE538;
	s6 =	sand.u32 @!p1 $0x7FFF8, s4;
	(pc) =	sbr.rel @!p0 .LBB2_41-.Ltmp32, $4  }
0x23d: {  	s7 =	sadd.s32 @!p1 $0x80, s4;
	s8 =	sadd.s32 @!p1 s1, s6;
	s6 =	sand.u32 @!p1 $0x7, s4  }
0x23e: {  	[hbm4b:s8+s6] =	stream.linear.scatter @!p1 [tilespmem:s5], [sflag:$0x5], $0x80, $0x38;
	[tilespmem:$0x1E668] =	vst v63  }
0x23f: {  	s0 =	simm.s32 @!p1 $0x400;
	s4 =	simm.s32 $0xE419;
	s5 =	sand.u32 @!p1 $0xFFFF8, s7  }
0x240: {  	s7 =	simm.s32 @!p1 $0xE4B8;
	s8 =	sadd.s32 @!p1 s1, s5;
	s5 =	sadd.s32 $0x0, s0  }
.LBB2_40:
0x241: {  	[hbm4b:s8+s6] =	stream.linear.scatter @!p1 [tilespmem:s7], [sflag:$0x5], $0x80, $0x38;
	[tilespmem:$0x1E668] =	vst v63  }
0x242: {  	s2 =	sadd.s32 $0xFFFFFFFF, s2;
	s0 =	smov.u32 s3;
	v0 =	vld.msk [tilespmem:s4+$0x0], $0x1  }
0x243: {  	p0 =	sne.s32 s2, $0x0;
	_ =	sdelay $0x3  }
0x244: {  	(v2sf) =	vpush v0, $0x0;
	_ =	sdelay $0xe  }
0x245: {  	s3 =	sadd.s32 $0x100, s3;
	s9 =	simm.s32 $0x0;
	s6 =	spop (v2sf)  }
.Ltmp33:
0x246: {  	s4 =	sadd.s32 $0x1, s4;
	p1 =	sgt.u32 s6, $0x4E170;
	(pc) =	sbr.rel @p0 .LBB2_40-.Ltmp33, $4  }
0x247: {  	s9 =	simm.s32 @!p1 $0x400;
	s7 =	sand.u32 @!p1 $0x7FFF8, s6;
	s8 =	sadd.s32 @!p1 $0x80, s6  }
0x248: {  	s6 =	sand.u32 @!p1 $0x7, s6;
	s7 =	sadd.s32 @!p1 s1, s7;
	s8 =	sand.u32 @!p1 $0xFFFF8, s8  }
0x249: {  	[hbm4b:s7+s6] =	stream.linear.scatter @!p1 [tilespmem:s0], [sflag:$0x5], $0x80, $0x38;
	[tilespmem:$0x1E668] =	vst v63  }
0x24a: {  	s5 =	sadd.s32 s5, s9;
	s7 =	sadd.s32 @!p1 $0x80, s0;
	s8 =	sadd.s32 @!p1 s1, s8  }
.LBB2_41:
0x24b: {  	[hbm4b:s8+s6] =	stream.linear.scatter @!p1 [tilespmem:s7], [sflag:$0x5], $0x80, $0x38;
	[tilespmem:$0x1E668] =	vst v63  }
0x24c: {  	s0 =	sshrl.u32 s5, $0x2  }
.LBB2_42:
0x24d: {  	s1 =	simm.s32 $0x5  }
0x24e: {  	_ =	swait.ge [sflag:s1], s0  }
0x24f: {  	s29 =	ssub.s32 $0x0, s0;
	[sflag:s1] =	ssyncset.done $0x0  }
0x250: {  	[sflag:s1] =	ssyncadd.s32 s29  }
0x251: {  	[sflag:s1] =	ssyncpa.u1 $0x1  }
0x252: {  	s30 =	simm.s32 $0x1;
	_ =	sfence  }
0x253: {  	[sflag:s30] =	ssyncpa.u1 $0x1  }
0x254: {  	_ =	strace $0x9000005F  }
0x255: {  	[bflag:$0x2] =	sbarrier.arrive $0xFFFF  }
0x256: {  	s31 =	rddreg [dreg:$0x1]  }
0x257: {  	s0 =	sadd.s32 $0x100000, s31  }
0x258: {  	[sflag:s0] =	ssyncadd.tile.s32 $0x1;
	_ =	shalt  }
.Lfunc_end2:
_tile_overlayer_lowered:
.L_overlay_start_2:
0x259: {  	(tag) =	ssettag $0x2  }
0x25a: {  	s0 =	rddreg [dreg:$0x0];
	s2 =	stileid.u32  }
0x25b: {  	s1 =	rddreg [dreg:$0x1];
	p0 =	sne.s32 s2, $0x0  }
0x25c: {  	s3 =	rddreg [dreg:$0x2];
	[bflag:$0x3] =	sbarrier.arrive $0xFFFF;
	s2 =	simm.s32 @!p0 $0x1C01  }
0x25d: {  	[timem:s3], [sflag:s2] =	dma.local @!p0 [hbm:s0], s1  }
0x25e: {  	s0 =	simm.s32 @!p0 $0x1  }
0x25f: {  	_ =	swait.ge @!p0 [sflag:s0], s1  }
0x260: {  	s1 =	ssub.s32 @!p0 $0x0, s1;
	[sflag:s0] =	ssyncset.done @!p0 $0x0  }
0x261: {  	[sflag:s0] =	ssyncadd.s32 @!p0 s1  }
0x262: {  	[bflag:$0x3] =	sbarrier.arrive $0xFFFF  }
0x263: {  	_ =	shalt  }

// kernel: scatter_offload_async_start.4
scs
__scs_entry_jumppad:
0x0: {  	(pc) =	sbr.rel $0x88, $3  }
0x1: {  	(tag) =	ssettag $0x0;
	lr =	simm.s32 $0x1  }
0x2: {  	[smem:$0x3F8A] =	sst lr;
	_ =	strace $0xD0000000  }
0x3: {  	_ = 	snop  }
0x4: {  	_ = 	snop  }
0x5: {  	_ = 	snop  }
0x6: {  	_ = 	snop  }
0x7: {  	_ = 	snop  }
__scs_overlays_trampoline_lowered:
0x8: {  	[smem:$0x3F99] =	sst s0  }
0x9: {  	[smem:$0x3F9A] =	sst s1  }
0xa: {  	[smem:$0x3F9B] =	sst s2  }
0xb: {  	[smem:$0x3F9C] =	sst s3  }
0xc: {  	[smem:$0x3F9D] =	sst s4  }
0xd: {  	[smem:$0x3F9E] =	sst s5  }
0xe: {  	[smem:$0x3F9F] =	sst s6  }
0xf: {  	[smem:$0x3FA0] =	sst s7  }
0x10: {  	[smem:$0x3FA1] =	sst s8  }
0x11: {  	[smem:$0x3FA2] =	sst s9;
	s0 =	simm.s32 @!p0 $0x0  }
0x12: {  	s1 =	sld [smem:$0x3F88];
	s0 =	simm.s32 @p0 $0x1  }
0x13: {  	[smem:$0x3FA3] =	sst s0;
	s0 =	simm.s32 @!p1 $0x0  }
0x14: {  	s2 =	sld [smem:$0x3F87];
	s0 =	simm.s32 @p1 $0x1  }
0x15: {  	[smem:$0x3FA4] =	sst s0;
	s0 =	simm.s32 @!p2 $0x0  }
0x16: {  	s3 =	sld [smem:$0x3FDB];
	s0 =	simm.s32 @p2 $0x1  }
0x17: {  	s4 =	simm.s32 $0x1BF5;
	[smem:$0x3FA6] =	sst s0  }
0x18: {  	s0 =	sld [smem:$0x3F89];
	_ =	swait.ge [sflag:s4], $0x0  }
0x19: {  	s7 =	sld [smem:$0x3F8A]  }
0x1a: {  	s8 =	sadd.s32 $0xFFFFE003, lr  }
0x1b: {  	s9 =	sadd.s32 $0xFFFFFEF7, lr;
	s5 =	simm.s32 $0xFFFFFFFF;
	p2 =	slt.u32 s8, $0xFFFFF086  }
0x1c: {  	p1 =	slt.u32 s9, $0xF7A;
	s5 =	simm.s32 @!p2 $0x0  }
0x1d: {  	s5 =	simm.s32 @p1 $0x1;
	p0 =	seq.s32 s7, s2  }
0x1e: {  	s7 =	smul.u32 @!p0 $0xF7A, s2;
	p2 =	seq.s32 @!p0 s5, $0x0  }
0x1f: {  	s9 =	smul.u32 $0xF7A, s1;
	s8 =	simm.s32 @!p0 $0x1BF5;
	p2 =	por !p2, p0  }
0x20: {  	[sflag:s8] =	ssyncset.s32 @!p0 $0xFFFFF086;
	s6 =	sadd.s32 @!p0 s3, s7;
	s7 =	simm.s32 @!p0 $0x108  }
0x21: {  	s3 =	sadd.s32 s3, s9;
	s6 =	sadd.s32 @!p0 $0x88, s6;
	s7 =	simm.s32 @p2 $0x1082  }
0x22: {  	[simem:s7], [sflag:s8] =	dma.local @!p0 [hbm:s6], $0xF7A  }
0x23: {  	s9 =	sor.u32 $0xD0000000, s2;
	s6 =	simm.s32 $0x108;
	_ =	swait.ge @!p0 [sflag:s8], $0x0  }
0x24: {  	s3 =	sadd.s32 $0x88, s3;
	s6 =	simm.s32 @!p1 $0x1082;
	[sflag:s4] =	ssyncset.s32 $0xFFFFF086  }
0x25: {  	[simem:s6], [sflag:s4] =	dma.local [hbm:s3], $0xF7A  }
0x26: {  	[smem:$0x3F8A] =	sst s1;
	(tag) =	ssettag s2;
	_ =	strace s9  }
0x27: {  	s1 =	sld [smem:$0x3F9A]  }
0x28: {  	s2 =	sld [smem:$0x3F9B]  }
0x29: {  	s4 =	sld [smem:$0x3F9D]  }
0x2a: {  	p0 =	seq.s32 s5, $0x0;
	s5 =	sld [smem:$0x3F9E]  }
0x2b: {  	s6 =	sld [smem:$0x3F9F]  }
0x2c: {  	s7 =	sld [smem:$0x3FA0]  }
0x2d: {  	s3 =	simm.s32 $0x108;
	s8 =	sld [smem:$0x3FA1]  }
0x2e: {  	s3 =	simm.s32 @!p0 $0x1082;
	s9 =	sld [smem:$0x3FA2]  }
0x2f: {  	lr =	sadd.s32 s0, s3;
	s0 =	sld [smem:$0x3F99]  }
0x30: {  	s3 =	sld [smem:$0x3F9C]  }
0x31: {  	[smem:$0x3FA5] =	sst s10  }
0x32: {  	s10 =	sld [smem:$0x3FA3];
	_ =	sdelay $0x3  }
0x33: {  	p0 =	seq.s32 s10, $0x1;
	s10 =	sld [smem:$0x3FA5];
	_ =	sdelay $0x3  }
0x34: {  	[smem:$0x3FA5] =	sst s10  }
0x35: {  	s10 =	sld [smem:$0x3FA4];
	_ =	sdelay $0x3  }
0x36: {  	p1 =	seq.s32 s10, $0x1;
	s10 =	sld [smem:$0x3FA5];
	_ =	sdelay $0x3  }
0x37: {  	[smem:$0x3FA5] =	sst s10  }
0x38: {  	s10 =	sld [smem:$0x3FA6]  }
0x39: {  	_ = 	snop;
	(pc) =	sbr.ind lr, $3  }
0x3a: {  	_ = 	snop  }
0x3b: {  	_ = 	snop  }
0x3c: {  	p2 =	seq.s32 s10, $0x1;
	s10 =	sld [smem:$0x3FA5]  }
0x3d: {  	_ =	shalt  }
0x3e: {  	_ =	shalt  }
0x3f: {  	_ =	shalt  }
0x40: {  	_ =	shalt  }
0x41: {  	_ =	shalt  }
0x42: {  	_ =	shalt  }
0x43: {  	_ =	shalt  }
0x44: {  	_ =	shalt  }
0x45: {  	_ =	shalt  }
0x46: {  	_ =	shalt  }
0x47: {  	_ =	shalt  }
0x48: {  	_ =	shalt  }
0x49: {  	_ =	shalt  }
0x4a: {  	_ =	shalt  }
0x4b: {  	_ =	shalt  }
0x4c: {  	_ =	shalt  }
0x4d: {  	_ =	shalt  }
0x4e: {  	_ =	shalt  }
0x4f: {  	_ =	shalt  }
0x50: {  	_ =	shalt  }
0x51: {  	_ =	shalt  }
0x52: {  	_ =	shalt  }
0x53: {  	_ =	shalt  }
0x54: {  	_ =	shalt  }
0x55: {  	_ =	shalt  }
0x56: {  	_ =	shalt  }
0x57: {  	_ =	shalt  }
0x58: {  	_ =	shalt  }
0x59: {  	_ =	shalt  }
0x5a: {  	_ =	shalt  }
0x5b: {  	_ =	shalt  }
0x5c: {  	_ =	shalt  }
0x5d: {  	_ =	shalt  }
0x5e: {  	_ =	shalt  }
0x5f: {  	_ =	shalt  }
0x60: {  	_ =	shalt  }
0x61: {  	_ =	shalt  }
0x62: {  	_ =	shalt  }
0x63: {  	_ =	shalt  }
0x64: {  	_ =	shalt  }
0x65: {  	_ =	shalt  }
0x66: {  	_ =	shalt  }
0x67: {  	_ =	shalt  }
0x68: {  	_ =	shalt  }
0x69: {  	_ =	shalt  }
0x6a: {  	_ =	shalt  }
0x6b: {  	_ =	shalt  }
0x6c: {  	_ =	shalt  }
0x6d: {  	_ =	shalt  }
0x6e: {  	_ =	shalt  }
0x6f: {  	_ =	shalt  }
0x70: {  	_ =	shalt  }
0x71: {  	_ =	shalt  }
0x72: {  	_ =	shalt  }
0x73: {  	_ =	shalt  }
0x74: {  	_ =	shalt  }
0x75: {  	_ =	shalt  }
0x76: {  	_ =	shalt  }
0x77: {  	_ =	shalt  }
0x78: {  	_ =	shalt  }
0x79: {  	_ =	shalt  }
0x7a: {  	_ =	shalt  }
0x7b: {  	_ =	shalt  }
0x7c: {  	_ =	shalt  }
0x7d: {  	_ =	shalt  }
0x7e: {  	_ =	shalt  }
0x7f: {  	_ =	shalt  }
0x80: {  	_ =	shalt  }
0x81: {  	_ =	shalt  }
0x82: {  	_ =	shalt  }
0x83: {  	_ =	shalt  }
0x84: {  	_ =	shalt  }
0x85: {  	_ =	shalt  }
0x86: {  	_ =	shalt  }
0x87: {  	_ =	shalt  }
.Lfunc_end0:
.L_simem_size_0:
called_computation.4_lowered:
.L_overlay_start_0:
0x88: {  	s0 =	sld [smem:$0x3FD9]  }
0x89: {  	s1 =	sld [smem:$0x3FFE];
	_ =	sdelay $0x3  }
0x8a: {  	s0 =	sadd.s32 s1, s0  }
0x8b: {  	[smem:$0x3FB1] =	sst s0  }
0x8c: {  	_ = 	snop  }
0x8d: {  	(tm) =	ssettm $0x1  }
0x8e: {  	s15 =	sld [smem:$0x3FFB];
	_ =	sdelay $0x3  }
0x8f: {  	_ =	strace s15  }
0x90: {  	s0 =	sld [smem:$0x3FFC];
	_ =	sdelay $0x3  }
0x91: {  	_ =	strace s0  }
0x92: {  	s0 =	sld [smem:$0x3FFD];
	_ =	sdelay $0x3  }
0x93: {  	_ =	strace s0  }
0x94: {  	_ =	strace $0x8FFFFFFF  }
0x95: {  	s16 =	sld [smem:$0x3FDB];
	_ =	sdelay $0x1  }
0x96: {  	s17 =	simm.s32 $_scs_section_size  }
0x97: {  	s2 =	simm.s32 $_size__tile_overlayer_lowered;
	s3 =	simm.s32 $_tile_overlayer_lowered  }
0x98: {  	s20 =	simm.s32 $0x1BFF;
	s19 =	sshll.u32 s3, $0x1;
	s0 =	sadd.s32 s17, s16  }
0x99: {  	s4 =	simm.s32 $0x0;
	s18 =	sshll.u32 s2, $0x1;
	s2 =	sadd.s32 s19, s0  }
0x9a: {  	[timem:s4], [sflag:s20] =	dma.local [hbm:s2], s18  }
0x9b: {  	_ =	swait.ge [sflag:s20], s18  }
0x9c: {  	s1 =	ssub.s32 $0x0, s18;
	[sflag:s20] =	ssyncset.done $0x0  }
0x9d: {  	[sflag:s20] =	ssyncadd.s32 s1;
	_ =	sdelay $0x1  }
0x9e: {  	s21 =	simm.s32 $0x1B8B  }
0x9f: {  	_ =	swait.ge [sflag:s21], $0x1  }
0xa0: {  	[sflag:s21] =	ssyncset.done $0x0  }
0xa1: {  	s23 =	simm.s32 $0x1B8E;
	s22 =	sld [smem:$0x3FFE];
	[sflag:s21] =	ssyncadd.s32 $0xFFFFFFFF  }
0xa2: {  	s24 =	simm.s32 $execute0_lowered;
	[smem:$0x3FD2] =	sst s23  }
0xa3: {  	s2 =	sshll.u32 s24, $0x1;
	_ =	strace $0x80000061;
	[dreg:$0x1] =	wrdreg $0xFFFFFFFF  }
0xa4: {  	s25 =	simm.s32 $_size_execute0_lowered;
	s0 =	sadd.s32 s0, s2;
	[dreg:$0x0] =	wrdreg $0x0  }
0xa5: {  	s2 =	sshll.u32 s25, $0x1;
	[dreg:$0x2] =	wrdreg s0  }
0xa6: {  	[dreg:$0x3] =	wrdreg s2  }
0xa7: {  	[dreg:$0x4] =	wrdreg $0xC0  }
0xa8: {  	_ =	task [dreg:s4], $0x5FFFF  }
0xa9: {  	[dreg:$0x1] =	wrdreg $0xFFFFFFFF  }
0xaa: {  	[dreg:$0x0] =	wrdreg $0x60  }
0xab: {  	[dreg:$0x2] =	wrdreg s22  }
0xac: {  	[dreg:$0x3] =	wrdreg $0x9  }
0xad: {  	_ =	task.clear_ibuf [dreg:s4], $0x4FFFF;
	_ =	strace $0x90000061  }
0xae: {  	s26 =	simm.s32 $0x9;
	_ =	strace $0x80000063  }
0xaf: {  	_ =	swait.ge [sflag:s26], $0x1  }
0xb0: {  	[sflag:s26] =	ssyncadd.s32 $0xFFFFFFFF  }
0xb1: {  	_ =	strace $0x90000063  }
0xb2: {  	_ =	sfence  }
0xb3: {  	s28 =	sld [smem:$0x0];
	_ =	sdelay $0x1  }
0xb4: {  	s29 =	srdreg.scid  }
0xb5: {  	s30 =	sshll.u32 s29, $0xD;
	s31 =	sshrl.u32 s29, $0x2  }
0xb6: {  	s1 =	sand.u32 $0x1, s29;
	s2 =	sand.u32 $0x4000, s30;
	s0 =	sadd.s32 s31, s28  }
0xb7: {  	s1 =	sor.u32 s2, s1;
	s0 =	sshll.u32 s0, $0x11  }
0xb8: {  	s0 =	sor.u32 s0, s1  }
0xb9: {  	s0 =	sadd.s32 $0x8F2B, s0  }
0xba: {  	[sflag:s0] =	ssyncadd.remote.s32 $0x1  }
0xbb: {  	_ =	sfence.sel $0xFFFF  }
0xbc: {  	[dreg:$0x0] =	wrdreg $0xFFFFFFFF;
	(pc) =	sbr.abs _section_cstart, $3  }
0xbd: {  	[dreg:$0x1] =	wrdreg $0xFFFFFFFF  }
0xbe: {  	_ =	task.clear_ibuf [dreg:s4], $0x2FFFF;
	_ =	strace $0x9FFFFFFF  }
0xbf: {  	(tm) =	ssettm $0x7FFFFFFF  }
tec
execute0_lowered:
.L_overlay_start_1:
0x0: {  	(tag) =	ssettag $0x1  }
0x1: {  	s0 =	rddreg [dreg:$0x0]  }
0x2: {  	s6 =	stileid.u32;
	_ =	strace $0x80000062;
	s2 =	simm.s32 $0x1  }
0x3: {  	v1 =	vimm.s32 $0xFFFFFFFF;
	s1 =	smul.u32 $0x3, s6;
	[sflag:s2] =	ssyncpa.u1 $0x0  }
0x4: {  	s3 =	smin.u32 s6, $0x7;
	[tilespmem:$0x10] =	vst v1  }
0x5: {  	v0 =	vimm.f32 $0.0e+00;
	[tilespmem:$0x20] =	vst v1;
	s1 =	sadd.s32 s3, s1  }
0x6: {  	p0 =	slt.u32 s6, $0x7;
	[tilespmem:$0x30] =	vst v0;
	s3 =	smul.u32 $0x1770, s1;
	s1 =	simm.s32 $0x5DC0  }
0x7: {  	[tilespmem:$0x40] =	vst v0;
	s1 =	simm.s32 @!p0 $0x4650  }
0x8: {  	[tilespmem:$0x50] =	vst v0;
	s1 =	sadd.s32 s1, s3  }
0x9: {  	[tilespmem:$0x60] =	vst v1;
	s4 =	smin.u32 s1, $0x50910  }
0xa: {  	s7 =	simm.s32 $0x2;
	[tilespmem:$0x70] =	vst v1;
	s9 =	ssub.s32 s4, s3  }
0xb: {  	s8 =	simm.s32 $0x8;
	s31 =	simm.s32 $0x9;
	[tilespmem:$0x80] =	vst v1;
	p0 =	sgt.s32 s9, $0x0  }
0xc: {  	s16 =	simm.s32 $0x0;
	s17 =	simm.s32 $0xF0;
	v1 =	vimm.s32 $0x0;
	[tilespmem:$0xB0] =	vst v0;
	s9 =	simm.s32 @!p0 $0x0  }
0xd: {  	s18 =	simm.s32 $0xFFFFFFFF;
	s19 =	simm.s32 $0xFFFFD220;
	[tilespmem:$0x90] =	vst v1;
	s5 =	smulhi.u32 $0x57619F1, s9  }
0xe: {  	s20 =	simm.s32 $0xFFFFFFFE;
	[tilespmem:$0xA0] =	vst v1;
	[sflag:s7] =	ssyncpa.u1 $0x0;
	s7 =	simm.s32 $0x7  }
0xf: {  	s21 =	simm.s32 $0xF;
	[sflag:s7] =	ssyncpa.u1 $0x0;
	s10 =	sshrl.u32 s5, $0x7  }
0x10: {  	s25 =	simm.s32 $0x0;
	[sflag:s8] =	ssyncpa.u1 $0x0;
	s11 =	smul.u32 $0x1770, s10  }
0x11: {  	s24 =	simm.s32 $0x0;
	s14 =	sshllo.u32 s6, $0x1;
	[sflag:s31] =	ssyncpa.u1 $0x0  }
.Ltmp0:
0x12: {  	s1 =	sadd.s32 $0x5A200, s0;
	p0 =	sne.s32 s9, s11;
	(pc) =	sbr.rel .LBB2_1-.Ltmp0, $4  }
0x13: {  	s5 =	sadd.s32 $0x50000, s0;
	s0 =	sadd.s32 $0x5B000, s0;
	s2 =	simm.s32 @!p0 $0x0  }
0x14: {  	s23 =	smov.u32 s3;
	[dreg:$0x2] =	wrdreg s0;
	s9 =	sadd.s32 s2, s10  }
0x15: {  	vm0 =	vmmov $0xffff;
	v2 =	vlaneseq.u32;
	p0 =	por $0x0, $0x0;
	s10 =	sshll.u32 s6, $0x1;
	s11 =	sadd.s32 $0x1, s9  }
0x16: {  	vm1 =	vmxor vm1, vm1;
	vm2 =	vmmov $0x1;
	vm3 =	vcmask $0x3F3C;
	s12 =	sadd.s32 $0x2, s9;
	s13 =	sor.u32 $0x81, s10;
	s15 =	sor.u32 $0x80, s10  }
.LBB2_9:
0x17: {  	p1 =	slt.u32 s24, $0x3  }
0x18: {  	s0 =	simm.s32 @!p1 $0x2  }
0x19: {  	_ =	swait.ge @!p1 [sflag:s0], $0x1770  }
0x1a: {  	[sflag:s0] =	ssyncset.done @!p1 $0x0  }
0x1b: {  	[sflag:s0] =	ssyncadd.s32 @!p1 $0xFFFFE890;
	s0 =	simm.s32 @!p1 $0x9  }
0x1c: {  	_ =	swait.ge @!p1 [sflag:s0], $0x10  }
0x1d: {  	[sflag:s0] =	ssyncset.done @!p1 $0x0  }
0x1e: {  	[sflag:s0] =	ssyncadd.s32 @!p1 $0xFFFFFFF0;
	p1 =	sne.s32 s24, s12  }
.Ltmp1:
0x1f: {  	s2 =	sadd.s32 $0x1770, s23;
	(pc) =	sbr.rel @!p1 .LBB2_10-.Ltmp1, $4  }
0x20: {  	s6 =	smov.u32 s3;
	s31 =	sadd.s32 $0x1, s24;
	s17 =	sadd.s32 $0x1770, s17  }
0x21: {  	s18 =	sadd.s32 $0x1, s18;
	s25 =	smov.u32 s23;
	p2 =	slt.s32 s2, s4  }
0x22: {  	p0 =	por !p0, !p0;
	s19 =	sadd.s32 $0x1770, s19;
	s6 =	smov.u32 @p2 s2  }
0x23: {  	s20 =	sadd.s32 $0x1, s20;
	s23 =	smov.u32 s6;
	s24 =	smov.u32 s31  }
.LBB2_1:
0x24: {  	p1 =	sge.u32 s24, s9  }
0x25: {  	s0 =	smulhi.u32 @!p1 $0xAAAAAAAB, s24;
	_ =	sdelay $0x1  }
0x26: {  	s0 =	sshrl.u32 @!p1 s0, $0x1  }
0x27: {  	s0 =	smul.u32 @!p1 $0x3, s0;
	_ =	sdelay $0x1  }
0x28: {  	s0 =	ssub.s32 @!p1 s24, s0  }
0x29: {  	s0 =	smul.u32 @!p1 $0x5DC0, s0;
	_ =	sdelay $0x1  }
0x2a: {  	s2 =	sshrl.u32 @!p1 s23, $0x3;
	s0 =	sshrl.u32 @!p1 s0, $0x2  }
0x2b: {  	s22 =	sand.u32 @!p1 $0x7, s23;
	s2 =	sadd.s32 @!p1 s5, s2;
	s0 =	sadd.s32 @!p1 $0x100, s0  }
0x2c: {  	[tilespmem:s0], [sflag:$0x7] =	stream.linear.gather @!p1 [hbm4b:s2+s22], $0x1770, $0x38;
	[tilespmem:$0xD410] =	vst v63  }
0x2d: {  	s0 =	sadd.s32 $0xFFFFFFFF, s24  }
0x2e: {  	p1 =	sge.u32 s0, s9  }
.Ltmp2:
0x2f: {  	_ = 	snop;
	(pc) =	sbr.rel @p1 .LBB2_5-.Ltmp2, $1  }
0x30: {  	_ =	sdelay $0x3  }
0x31: {  	s2 =	smulhi.u32 $0xAAAAAAAB, s0;
	_ =	sdelay $0x1  }
0x32: {  	s2 =	sshrl.u32 s2, $0x1  }
0x33: {  	s2 =	smul.u32 $0x3, s2;
	_ =	sdelay $0x1  }
0x34: {  	s2 =	ssub.s32 s0, s2  }
0x35: {  	s2 =	smul.u32 $0x5DC0, s2  }
0x36: {  	_ =	swait.ge [sflag:s7], $0x1770  }
0x37: {  	[sflag:s7] =	ssyncset.done $0x0;
	s2 =	sshrl.u32 s2, $0x2  }
0x38: {  	[sflag:s7] =	ssyncadd.s32 $0xFFFFE890;
	(ifvalue) =	ssetifvalue $0xFFFFFFFF;
	v3 =	vld.msk [tilespmem:s2+$0x100 ss:$0x1], $0xffff;
	_ =	sdelay $0x2  }
0x39: {  	s30 =	smulhi.u32 $0xAAAAAAAB, s18;
	p1 =	sne.s32 s24, $0x1  }
0x3a: {  	v4 =	vimm.s32 @!p1 $0x0  }
0x3b: {  	s2 =	sshrl.u32 s30, $0x1;
	v4 =	vperm.xlane @!p1 v3, v4  }
0x3c: {  	s22 =	sshll.u32 s24, $0x4;
	s2 =	smul.u32 $0xFFFEE6C0, s2;
	vm4 =	vlt.u32 v3, $0x2800  }
0x3d: {  	s22 =	sand.u32 $0x10, s22;
	v3 =	vnsel vm4, $0xFFFFFFFE, v3;
	vm4 =	vlt.u32 @!p1 v4, $0x2800  }
0x3e: {  	s2 =	sshra.s32 s2, $0x2;
	[tilespmem:s22+$0x60] =	vst v3;
	v3 =	vnsel @!p1 vm4, $0xFFFFFFFE, v4  }
0x3f: {  	s28 =	sadd.s32 s2, s17;
	[tilespmem:$0x80] =	vst @!p1 v3  }
0x40: {  	v3 =	vld.msk [tilespmem:s28+$0x0 ss:$0x1], $0xffff;
	_ =	sdelay $0x4  }
0x41: {  	(xrf1) =	vunique.msk.u32 $0xffff, v3;
	_ =	sdelay $0xd  }
0x42: {  	v4 =	vimm.s32 $0xFFFFFFFF;
	v5, _, _ =	vpop (xrf1)  }
0x43: {  	vm5 =	vne.s32 v3, v4;
	vm4 =	veq.s32 v5, v2  }
0x44: {  	vm6 =	vlt.u32 v3, $0x2800;
	vm4 =	vmand vm5, vm4  }
0x45: {  	vm4 =	vmand vm6, vm4  }
0x46: {  	v4 =	vnsel vm4, $0xFFFFFFFF, v3  }
0x47: {  	s31 =	sand.u32 $0x1, s0  }
0x48: {  	s0 =	simm.s32 $0x1770;
	p1 =	seq.s32 s31, $0x1  }
0x49: {  	s0 =	simm.s32 @!p1 $0x0  }
0x4a: {  	s26 =	sadd.s32 $0x5EB0, s0;
	(ifvalue) =	ssetifvalue $0xFFFFFFFF  }
0x4b: {  	v3 =	vperm.xlane v3, v1;
	[tilespmem:s26], [sflag:$0x8] =	stream.indirect_vreg.gather [hbm4b:s1+s16], $0x1, v4, vm0, $0x4038;
	v4 =	vnsel vm6, $0xFFFFFFFE, v4;
	[tilespmem:$0xD410] =	vst v63  }
0x4c: {  	s2 =	simm.s32 $0x0;
	s22 =	sadd.s32 $0xFFFFFFF0, s28;
	[tilespmem:s28+$0x0] =	vst v4  }
.LBB2_3:
0x4d: {  	v4 =	vld.msk [tilespmem:s22+$0x0 ss:$0x1], $0xffff;
	s2 =	sadd.s32 $0x10, s2;
	v5 =	vmov v3;
	s28 =	smov.u32 s22  }
0x4e: {  	p1 =	slt.u32 s2, $0x1760;
	_ =	sdelay $0x4  }
0x4f: {  	v3 =	vperm.xlane v4, v1;
	(xrf1) =	vunique.msk.u32 $0xffff, v4;
	_ =	sdelay $0xd  }
0x50: {  	v6, _, _ =	vpop (xrf1)  }
0x51: {  	vm5 =	vne.s32 v4, v5;
	vm4 =	veq.s32 v6, v2  }
0x52: {  	vm6 =	vlt.u32 v4, $0x2800;
	vm4 =	vmand vm5, vm4  }
0x53: {  	vm4 =	vmand vm6, vm4  }
0x54: {  	v4 =	vnsel vm4, $0xFFFFFFFF, v4  }
.Ltmp3:
0x55: {  	v5 =	vnsel vm6, $0xFFFFFFFE, v4;
	(pc) =	sbr.rel @p1 .LBB2_3-.Ltmp3, $3  }
0x56: {  	_ =	sdelay $0x1  }
0x57: {  	s22 =	sadd.s32 $0xFFFFFFF0, s22;
	s26 =	sadd.s32 $0xFFFFFFF0, s26;
	(ifvalue) =	ssetifvalue $0xFFFFFFFF  }
0x58: {  	[tilespmem:s26], [sflag:$0x8] =	stream.indirect_vreg.gather [hbm4b:s1+s16], $0x1, v4, vm0, $0x4038;
	[tilespmem:s28+$0x0] =	vst v5  }
0x59: {  	s2 =	sshrl.u32 s25, $0x3;
	s6 =	rddreg [dreg:$0x2]  }
0x5a: {  	s0 =	sadd.s32 $0x7630, s0;
	s2 =	sadd.s32 s6, s2  }
0x5b: {  	[tilespmem:s0], [sflag:$0x8] =	stream.linear.gather [hbm:s2], $0x1770, $0x38;
	[tilespmem:$0xD410] =	vst v63  }
.LBB2_5:
0x5c: {  	p1 =	slt.u32 s24, $0x2  }
0x5d: {  	p2 =	sge.u32 @!p1 s24, s12  }
0x5e: {  	p1 =	por p1, p2  }
.Ltmp4:
0x5f: {  	_ = 	snop;
	(pc) =	sbr.rel @p1 .LBB2_9-.Ltmp4, $1  }
0x60: {  	_ =	sdelay $0x3  }
0x61: {  	s0 =	sadd.s32 $0xFFFFFFFE, s24  }
0x62: {  	s2 =	smulhi.u32 $0xAAAAAAAB, s0;
	_ =	sdelay $0x1  }
0x63: {  	s2 =	sshrl.u32 s2, $0x1  }
0x64: {  	s2 =	smul.u32 $0x3, s2;
	_ =	sdelay $0x1  }
0x65: {  	s0 =	ssub.s32 s0, s2  }
0x66: {  	_ =	swait.ge [sflag:s8], $0x2EE0;
	s0 =	smul.u32 $0x1770, s0  }
0x67: {  	p1 =	sne.s32 s24, s11;
	[sflag:s8] =	ssyncset.done $0x0  }
0x68: {  	[sflag:s8] =	ssyncadd.s32 $0xFFFFD120;
	s2 =	sadd.s32 @!p1 $0x186F, s0  }
0x69: {  	[spmem:s13] =	stream.linear.scatter @!p1 [tilespmem:s2], [sflag:$0x1], $0x1, $0x38;
	[tilespmem:$0xD410] =	vst v63  }
0x6a: {  	s2 =	simm.s32 @!p1 $0x1  }
0x6b: {  	_ =	swait.ge @!p1 [sflag:s2], $0x1  }
0x6c: {  	s22 =	sshll.u32 s24, $0x4;
	[sflag:s2] =	ssyncset.done @!p1 $0x0  }
0x6d: {  	s25 =	sand.u32 $0x10, s22;
	[sflag:s2] =	ssyncadd.s32 @!p1 $0xFFFFFFFF  }
0x6e: {  	s2 =	sxor.u32 $0x10, s25;
	v4 =	vld [tilespmem:s25+$0x10]  }
0x6f: {  	v5 =	vld [tilespmem:s2+$0x60]  }
0x70: {  	v3 =	vld [tilespmem:$0x80];
	_ =	sdelay $0x2  }
0x71: {  	(v2sf) =	vpush v4, $0x0  }
0x72: {  	(v2sf) =	vpush v5, $0x0  }
0x73: {  	(v2sf) =	vpush v3, $0x0;
	_ =	sdelay $0xc  }
0x74: {  	s6 =	spop (v2sf)  }
0x75: {  	s28 =	spop (v2sf)  }
0x76: {  	s26 =	spop (v2sf)  }
0x77: {  	p2 =	seq.s32 s6, s28;
	p3 =	seq.s32 s26, s6  }
0x78: {  	p3 =	por p2, p3  }
0x79: {  	s6 =	sand.u32 $0x1, s24;
	v4 =	vpsel p3, $0xFFFFFFFF, v4  }
0x7a: {  	s28 =	smul.u32 $0x1770, s6;
	[tilespmem:s25+$0x10] =	vst.msk $0x1, v4  }
0x7b: {  	v4 =	vld [tilespmem:$0x30]  }
0x7c: {  	v5 =	vld [tilespmem:s28+$0x7630]  }
0x7d: {  	v6 =	vld [tilespmem:s25+$0x40];
	_ =	sdelay $0x3  }
0x7e: {  	vm4 =	vmmov vm1;
	v5 =	vadd.f32 v5, v4  }
0x7f: {  	vm5 =	vmmov vm2;
	vm4 =	vmmov @p2 vm2;
	v4 =	vadd.f32 v6, v4  }
0x80: {  	s22 =	sshll.u32 s6, $0x4;
	vm5 =	vmmov @p3 vm1;
	[tilespmem:s28+$0x7630] =	vst.msk vm4, v5  }
0x81: {  	[tilespmem:s22+$0xD3F0] =	vst.msk vm5, v4  }
0x82: {  	v4 =	vld [tilespmem:s28+$0x5EB0];
	_ =	sdelay $0x3  }
0x83: {  	v5 =	vimm.f32 $0.0e+00  }
0x84: {  	v4 =	vshift.insert v4, v5, s21  }
0x85: {  	s29 =	sor.u32 $0x40, s2  }
0x86: {  	[tilespmem:s29+$0x0] =	vst.msk $0x1, v4  }
0x87: {  	[tilespmem:s28+$0x5EBF] =	vst.msk $0x1, v5  }
0x88: {  	v4 =	vld [tilespmem:s0+$0x1860];
	_ =	sdelay $0x1  }
0x89: {  	s29 =	smulhi.u32 $0xAAAAAAAB, s20;
	s0 =	simm.s32 $0x1  }
0x8a: {  	s0 =	simm.s32 @!p0 $0x0  }
0x8b: {  	s29 =	sshrl.u32 s29, $0x1;
	s0 =	smul.u32 $0x5DC0, s0  }
0x8c: {  	s29 =	smul.u32 $0xFFFEE6C0, s29;
	v4 =	vshift.insert v4, v1, s21  }
0x8d: {  	s0 =	sshrl.u32 s0, $0x2  }
0x8e: {  	s29 =	sshra.s32 s29, $0x2;
	s30 =	sadd.s32 $0x7630, s0;
	[tilespmem:s2+$0x10] =	vst.msk $0x1, v4  }
0x8f: {  	s6 =	sadd.s32 s29, s19;
	v6 =	vld [tilespmem:s30+$0x0]  }
0x90: {  	v7 =	vld [tilespmem:s6+$0x0];
	_ =	sdelay $0x3  }
0x91: {  	v5 =	vadd.f32 v6, v5  }
0x92: {  	vm4 =	vne.s32 v7, $0xFFFFFFFF  }
0x93: {  	(xrf2) =	vadd.seg.scan.f32 vm4, v5;
	_ =	sdelay $0x3  }
0x94: {  	s31 =	sadd.s32 $0x4750, s0;
	v5 =	vperm.xlane v4, v1  }
0x95: {  	v6 =	vld [tilespmem:s31+$0x0]  }
0x96: {  	vm5 =	veq.s32 v7, v3;
	vm6 =	veq.s32 v7, v5  }
0x97: {  	vm7 =	vgt.u32 v7, $0xFFFFFFFD;
	vm6 =	vmor vm6, vm5  }
0x98: {  	vm6 =	vmor vm6, vm7  }
0x99: {  	v9 =	vld [tilespmem:$0xA0];
	v7 =	vsel vm6, $0xFFFFFFFF, v7  }
0x9a: {  	v10 =	vld [tilespmem:$0x90];
	v6 =	vsel vm5, $0x0, v6;
	v8, _, _ =	vpop (xrf2)  }
0x9b: {  	v6 =	vadd.f32 v8, v6  }
0x9c: {  	s0 =	sadd.s32 $0xA510, s0  }
0x9d: {  	vm4 =	vmand vm4, vm3;
	[tilespmem:s0+$0x0] =	vst v6;
	(ifvalue) =	ssetifvalue $0xFFFFFFFF  }
0x9e: {  	vm6 =	veq.s32 v9, $0x1;
	[hbm4b:s1+s16] =	stream.indirect_vreg.scatter [tilespmem:s0], [sflag:$0x2], $0x1, v7, vm0, $0x4038;
	v7 =	vsel vm4, $0x0, v8;
	[tilespmem:$0xD410] =	vst v63  }
0x9f: {  	s29 =	sadd.s32 $0xD3F0, s22;
	s22 =	sadd.s32 $0x10, s6;
	s2 =	simm.s32 $0x0;
	vm4 =	vmor vm6, vm5;
	v6 =	vsel vm5, v8, v10;
	v7 =	vshift.insert v7, v0, s21  }
.LBB2_7:
0xa0: {  	v8 =	vld [tilespmem:s22+$0x0];
	s30 =	sadd.s32 $0x10, s30  }
0xa1: {  	s31 =	sadd.s32 $0x10, s31;
	v9 =	vld [tilespmem:s30+$0x0]  }
0xa2: {  	s2 =	sadd.s32 $0x10, s2;
	v10 =	vld [tilespmem:s31+$0x0]  }
0xa3: {  	p2 =	slt.u32 s2, $0x1760;
	_ =	sdelay $0x2  }
0xa4: {  	v7 =	vadd.f32 v9, v7  }
0xa5: {  	vm5 =	vne.s32 v8, $0xFFFFFFFF  }
0xa6: {  	vm6 =	vmand vm5, vm3;
	(xrf2) =	vadd.seg.scan.f32 vm5, v7;
	_ =	sdelay $0x5  }
0xa7: {  	vm7 =	veq.s32 v8, v5;
	vm5 =	veq.s32 v8, v3  }
0xa8: {  	vm8 =	vgt.u32 v8, $0xFFFFFFFD;
	vm4 =	vmor vm4, vm5;
	vm7 =	vmor vm7, vm5  }
0xa9: {  	vm7 =	vmor vm7, vm8  }
0xaa: {  	v8 =	vsel vm7, $0xFFFFFFFF, v8  }
.Ltmp5:
0xab: {  	v7 =	vsel vm5, $0x0, v10;
	v9, _, _ =	vpop (xrf2);
	(pc) =	sbr.rel @p2 .LBB2_7-.Ltmp5, $4  }
0xac: {  	v6 =	vsel vm5, v9, v6;
	v10 =	vadd.f32 v9, v7;
	v7 =	vsel vm6, $0x0, v9  }
0xad: {  	s0 =	sadd.s32 $0x10, s0;
	v7 =	vshift.insert v7, v0, s21  }
0xae: {  	s22 =	sadd.s32 $0x10, s22;
	[tilespmem:s0+$0x0] =	vst v10;
	(ifvalue) =	ssetifvalue $0xFFFFFFFF  }
0xaf: {  	[hbm4b:s1+s16] =	stream.indirect_vreg.scatter [tilespmem:s0], [sflag:$0x2], $0x1, v8, vm0, $0x4038;
	[tilespmem:$0xD410] =	vst v63  }
0xb0: {  	v3 =	vld [tilespmem:s28+$0xBC70];
	_ =	sdelay $0x4  }
0xb1: {  	v3 =	vshift.insert v3, v0, s21  }
0xb2: {  	s0 =	simm.s32 $0x30  }
0xb3: {  	[tilespmem:s0+$0x0] =	vst.msk $0x1, v3  }
0xb4: {  	v3 =	vsel vm4, $0x1, v1;
	[tilespmem:$0x90] =	vst v6  }
0xb5: {  	s0 =	sadd.s32 @!p1 $0xBC7F, s28;
	[tilespmem:$0xA0] =	vst v3  }
0xb6: {  	[spmem:s14] =	stream.linear.scatter @!p1 [tilespmem:s0], [sflag:$0x1], $0x1, $0x38;
	[tilespmem:$0xD410] =	vst v63  }
0xb7: {  	s0 =	simm.s32 @!p1 $0x1  }
0xb8: {  	v3 =	vmctz.xlane @!p1 vm4;
	_ =	swait.ge @!p1 [sflag:s0], $0x1  }
0xb9: {  	(v2sf) =	vpush @!p1 v4, $0x0  }
0xba: {  	(v2sf) =	vpush @!p1 v3, $0x0;
	_ =	sdelay $0xd  }
0xbb: {  	s2 =	spop @!p1 (v2sf)  }
0xbc: {  	s6 =	spop @!p1 (v2sf)  }
0xbd: {  	p2 =	sne.s32 @!p1 s26, s2;
	p3 =	slt.s32 @!p1 s6, $0xF  }
0xbe: {  	[sflag:s0] =	ssyncset.done @!p1 $0x0;
	p2 =	por p2, p1;
	p3 =	por !p3, p1  }
0xbf: {  	[sflag:s0] =	ssyncadd.s32 @!p1 $0xFFFFFFFF;
	v3 =	vimm.s32 @!p2 $0xFFFFFFFF;
	s6 =	simm.s32 @p3 $0xF  }
0xc0: {  	[tilespmem:$0x80] =	vst @!p2 v3;
	s2 =	sadd.s32 @!p1 $0x90, s6  }
0xc1: {  	[spmem:s10] =	stream.linear.scatter @!p1 [tilespmem:s2], [sflag:$0x1], $0x1, $0x38;
	[tilespmem:$0xD410] =	vst v63  }
0xc2: {  	_ =	swait.ge @!p1 [sflag:s0], $0x1  }
0xc3: {  	[sflag:s0] =	ssyncset.done @!p1 $0x0  }
0xc4: {  	s2 =	simm.s32 @!p1 $0x80;
	[sflag:s0] =	ssyncadd.s32 @!p1 $0xFFFFFFFF  }
0xc5: {  	[spmem:s15] =	stream.linear.scatter @!p1 [tilespmem:s2], [sflag:$0x1], $0x1, $0x38;
	[tilespmem:$0xD410] =	vst v63  }
0xc6: {  	_ =	swait.ge @!p1 [sflag:s0], $0x1  }
0xc7: {  	[sflag:s0] =	ssyncset.done @!p1 $0x0  }
0xc8: {  	[sflag:s0] =	ssyncadd.s32 @!p1 $0xFFFFFFFF;
	(ifvalue) =	ssetifvalue $0xFFFFFFFF;
	v3 =	vld [tilespmem:s25+$0x10];
	_ =	sdelay $0x3  }
.Ltmp6:
0xc9: {  	_ = 	snop;
	(pc) =	sbr.rel .LBB2_9-.Ltmp6, $3  }
0xca: {  	_ =	sdelay $0x1  }
0xcb: {  	(ifvalue) =	ssetifvalue $0xFFFFFFFF  }
0xcc: {  	[hbm4b:s1+s16] =	stream.indirect_vreg.scatter [tilespmem:s29], [sflag:$0x9], $0x1, v3, vm0, $0x4038;
	[tilespmem:$0xD410] =	vst v63  }
.LBB2_10:
0xcd: {  	_ =	sfence.sel $0x180000  }
0xce: {  	s0 =	simm.s32 $0x7;
	[bflag:$0x0] =	sbarrier.arrive $0xFFFF  }
0xcf: {  	s26 =	simm.s32 $0x8;
	[sflag:s0] =	ssyncpa.u1 $0x1  }
0xd0: {  	s28 =	simm.s32 $0x9;
	[sflag:s26] =	ssyncpa.u1 $0x1  }
0xd1: {  	[sflag:s28] =	ssyncpa.u1 $0x1  }
0xd2: {  	_ =	sfence.stream.spmem  }
0xd3: {  	s29 =	simm.s32 $0x3;
	[bflag:$0x0] =	sbarrier.arrive $0xFFFF  }
0xd4: {  	s30 =	simm.s32 $0x4;
	[sflag:s29] =	ssyncpa.u1 $0x1  }
0xd5: {  	s31 =	simm.s32 $0x3C;
	s2 =	stileid.u32;
	[sflag:s30] =	ssyncpa.u1 $0x1  }
0xd6: {  	p0 =	sne.s32 s2, $0x0;
	[sflag:s31] =	ssyncpa.u1 $0x1  }
0xd7: {  	s0 =	simm.s32 @p0 $0x1;
	_ =	sfence @p0  }
0xd8: {  	[sflag:s0] =	ssyncpa.u1 @p0 $0x1;
	s0 =	simm.s32 @p0 $0x2  }
0xd9: {  	[sflag:s0] =	ssyncpa.u1 @p0 $0x1  }
0xda: {  	_ =	strace @p0 $0x90000062  }
0xdb: {  	[bflag:$0x2] =	sbarrier.arrive @p0 $0xFFFF  }
0xdc: {  	_ =	shalt @p0  }
.LBB2_11:
0xdd: {  	_ =	sfence.stream.spmem;
	s0 =	simm.s32 $0x5  }
0xde: {  	s2 =	simm.s32 $0x80;
	s3 =	simm.s32 $0xC0;
	[sflag:s0] =	ssyncpa.u1 $0x0  }
0xdf: {  	[tilespmem:s3], [sflag:$0x5] =	stream.linear.gather [spmem:s2], $0x20, $0x38;
	[tilespmem:$0xD410] =	vst v63  }
0xe0: {  	s2 =	simm.s32 $0x0;
	s3 =	simm.s32 $0xE0  }
0xe1: {  	[tilespmem:s3], [sflag:$0x5] =	stream.linear.gather [spmem:s2], $0x20, $0x38;
	[tilespmem:$0xD410] =	vst v63  }
.Ltmp7:
0xe2: {  	_ = 	snop;
	(pc) =	sbr.rel .LBB2_12-.Ltmp7, $4  }
0xe3: {  	_ =	swait.ge [sflag:s0], $0x40  }
0xe4: {  	[sflag:s0] =	ssyncset.done $0x0  }
0xe5: {  	s31 =	simm.s32 $0x6;
	[sflag:s0] =	ssyncadd.s32 $0xFFFFFFC0  }
0xe6: {  	s4 =	simm.s32 $0x0;
	[sflag:s31] =	ssyncpa.u1 $0x0  }
.LBB2_17:
0xe7: {  	p0 =	sgt.u32 s5, $0x27FF  }
0xe8: {  	s0 =	sshrl.u32 @!p0 s5, $0x3  }
0xe9: {  	s5 =	sand.u32 @!p0 $0x7, s5;
	s6 =	simm.s32 @!p0 $0xB0;
	s0 =	sadd.s32 @!p0 s1, s0  }
0xea: {  	[tilespmem:s6], [sflag:$0x6] =	stream.linear.gather @!p0 [hbm4b:s0+s5], $0x1, $0x38;
	[tilespmem:$0xD410] =	vst v63  }
0xeb: {  	s0 =	simm.s32 @!p0 $0x6  }
0xec: {  	_ =	swait.ge @!p0 [sflag:s0], $0x1  }
0xed: {  	[sflag:s0] =	ssyncset.done @!p0 $0x0  }
0xee: {  	[sflag:s0] =	ssyncadd.s32 @!p0 $0xFFFFFFFF  }
0xef: {  	v2 =	vmov @!p0 s4;
	v1 =	vld.msk @!p0 [tilespmem:$0xB0], $0x1;
	_ =	sdelay $0x3  }
0xf0: {  	s0 =	simm.s32 @!p0 $0xE0  }
0xf1: {  	[tilespmem:v2+s0+$0x0], v1 =	vst.idx.ret.add.f32.msk @!p0 $0x1, v1  }
0xf2: {  	[tilespmem:s2+$0xC0] =	vst.msk $0x1, v0  }
0xf3: {  	v0 =	vld.msk [tilespmem:s4+$0xE0], $0x1;
	_ =	sdelay $0x4  }
0xf4: {  	[tilespmem:s2+$0xE0] =	vst.msk $0x1, v0;
	s2 =	sadd.s32 $0x1, s2  }
.LBB2_19:
0xf5: {  	s4 =	sadd.s32 $0x1, s4  }
0xf6: {  	p0 =	sne.s32 s4, $0x20  }
.Ltmp8:
0xf7: {  	_ = 	snop;
	(pc) =	sbr.rel @!p0 .LBB2_20-.Ltmp8, $1  }
0xf8: {  	_ =	sdelay $0x3  }
.LBB2_12:
0xf9: {  	v0 =	vld.msk [tilespmem:s4+$0xC0], $0x1;
	_ =	sdelay $0x4  }
0xfa: {  	(v2sf) =	vpush v0, $0x0;
	_ =	sdelay $0xe  }
0xfb: {  	s5 =	spop (v2sf)  }
0xfc: {  	p0 =	seq.s32 s5, $0xFFFFFFFF  }
.Ltmp9:
0xfd: {  	_ = 	snop;
	(pc) =	sbr.rel @p0 .LBB2_19-.Ltmp9, $1  }
0xfe: {  	_ =	sdelay $0x3  }
0xff: {  	p0 =	slt.s32 s2, $0x1  }
.Ltmp10:
0x100: {  	_ = 	snop;
	(pc) =	sbr.rel @p0 .LBB2_17-.Ltmp10, $1  }
0x101: {  	_ =	sdelay $0x3  }
0x102: {  	s0 =	simm.s32 $0xC0;
	p0 =	por $0x0, $0x0  }
0x103: {  	v1 =	vld.msk @!p0 [tilespmem:s0+$0x0], $0x1;
	_ =	sdelay $0x4  }
0x104: {  	(v2sf) =	vpush @!p0 v1, $0x0;
	_ =	sdelay $0xd  }
0x105: {  	p2 =	sne.s32 s2, $0x1  }
.Ltmp11:
0x106: {  	s6 =	spop @!p0 (v2sf);
	(pc) =	sbr.rel @!p2 .LBB2_16-.Ltmp11, $4  }
0x107: {  	p1 =	seq.s32 @!p0 s5, s6  }
0x108: {  	s6 =	simm.s32 $0x0;
	p1 =	por !p1, p0  }
0x109: {  	s8 =	simm.s32 $0xFFFFFFFF;
	s6 =	simm.s32 @p1 $0xFFFFFFFF  }
0x10a: {  	s7 =	simm.s32 $0x1;
	s6 =	smov.u32 @p0 s8  }
.LBB2_15:
0x10b: {  	s8 =	smov.u32 s6;
	p0 =	sne.s32 s6, $0xFFFFFFFF  }
0x10c: {  	s0 =	sadd.s32 $0x1, s0;
	s6 =	smov.u32 s7;
	s7 =	sadd.s32 $0x1, s7  }
0x10d: {  	p1 =	sne.s32 s2, s7;
	v1 =	vld.msk @!p0 [tilespmem:s0+$0x0], $0x1;
	_ =	sdelay $0x4  }
0x10e: {  	(v2sf) =	vpush @!p0 v1, $0x0;
	_ =	sdelay $0xe  }
.Ltmp12:
0x10f: {  	s9 =	spop @!p0 (v2sf);
	(pc) =	sbr.rel @p1 .LBB2_15-.Ltmp12, $4  }
0x110: {  	p2 =	seq.s32 @!p0 s5, s9  }
0x111: {  	p2 =	por !p2, p0  }
0x112: {  	s6 =	simm.s32 @p2 $0xFFFFFFFF  }
0x113: {  	s6 =	smov.u32 @p0 s8  }
.LBB2_16:
0x114: {  	p0 =	sne.s32 s6, $0xFFFFFFFF  }
.Ltmp13:
0x115: {  	_ = 	snop;
	(pc) =	sbr.rel @!p0 .LBB2_17-.Ltmp13, $1  }
0x116: {  	_ =	sdelay $0x3  }
0x117: {  	v0 =	vld.msk [tilespmem:s4+$0xE0], $0x1;
	v1 =	vmov s6  }
.Ltmp14:
0x118: {  	_ = 	snop;
	(pc) =	sbr.rel .LBB2_19-.Ltmp14, $2  }
0x119: {  	_ =	sdelay $0x2  }
0x11a: {  	[tilespmem:v1+s3+$0x0], v0 =	vst.idx.ret.add.f32.msk $0x1, v0  }
.LBB2_20:
0x11b: {  	p0 =	slt.s32 s2, $0x1  }
.Ltmp15:
0x11c: {  	_ = 	snop;
	(pc) =	sbr.rel @p0 .LBB2_24-.Ltmp15, $3  }
0x11d: {  	_ =	sdelay $0x1  }
0x11e: {  	s0 =	simm.s32 $0x6  }
0x11f: {  	s3 =	simm.s32 $0x0;
	[sflag:s0] =	ssyncpa.u1 $0x1  }
0x120: {  	s0 =	simm.s32 $0xC0  }
0x121: {  	v0 =	vld.msk [tilespmem:s0+$0x0], $0x1;
	_ =	sdelay $0x4  }
0x122: {  	(v2sf) =	vpush v0, $0x0;
	_ =	sdelay $0xe  }
0x123: {  	s2 =	sadd.s32 $0xFFFFFFFF, s2;
	s4 =	spop (v2sf)  }
0x124: {  	p1 =	sne.s32 s2, $0x0;
	p0 =	sgt.u32 s4, $0x27FF  }
.Ltmp16:
0x125: {  	s5 =	sshrl.u32 @!p0 s4, $0x3;
	(pc) =	sbr.rel @!p1 .LBB2_23-.Ltmp16, $4  }
0x126: {  	s0 =	simm.s32 $0xE0;
	s4 =	sand.u32 @!p0 $0x7, s4;
	s5 =	sadd.s32 @!p0 s1, s5  }
0x127: {  	[hbm4b:s5+s4] =	stream.linear.scatter @!p0 [tilespmem:s0], [sflag:$0x5], $0x1, $0x38;
	[tilespmem:$0xD410] =	vst v63  }
0x128: {  	s5 =	simm.s32 $0x0  }
0x129: {  	s4 =	simm.s32 $0xC1;
	s5 =	simm.s32 @!p0 $0x4  }
.LBB2_22:
0x12a: {  	v0 =	vld.msk [tilespmem:s4+$0x0], $0x1;
	s2 =	sadd.s32 $0xFFFFFFFF, s2;
	s3 =	sadd.s32 s3, s5  }
0x12b: {  	p0 =	sne.s32 s2, $0x0;
	_ =	sdelay $0x3  }
0x12c: {  	(v2sf) =	vpush v0, $0x0;
	_ =	sdelay $0xe  }
.Ltmp17:
0x12d: {  	s6 =	spop (v2sf);
	(pc) =	sbr.rel @p0 .LBB2_22-.Ltmp17, $4  }
0x12e: {  	s5 =	simm.s32 $0x0;
	p1 =	sgt.u32 s6, $0x27FF  }
0x12f: {  	s0 =	sadd.s32 $0x1, s0;
	s5 =	simm.s32 @!p1 $0x4;
	s7 =	sshrl.u32 @!p1 s6, $0x3  }
0x130: {  	s4 =	sadd.s32 $0x1, s4;
	s6 =	sand.u32 @!p1 $0x7, s6;
	s7 =	sadd.s32 @!p1 s1, s7  }
0x131: {  	[hbm4b:s7+s6] =	stream.linear.scatter @!p1 [tilespmem:s0], [sflag:$0x5], $0x1, $0x38;
	[tilespmem:$0xD410] =	vst v63  }
.LBB2_23:
0x132: {  	s0 =	sadd.s32 s3, s5  }
0x133: {  	s3 =	sshrl.u32 s0, $0x2  }
.LBB2_24:
0x134: {  	s0 =	simm.s32 $0x5  }
0x135: {  	_ =	swait.ge [sflag:s0], s3  }
0x136: {  	s1 =	ssub.s32 $0x0, s3;
	[sflag:s0] =	ssyncset.done $0x0  }
0x137: {  	[sflag:s0] =	ssyncadd.s32 s1  }
0x138: {  	[sflag:s0] =	ssyncpa.u1 $0x1  }
0x139: {  	s29 =	simm.s32 $0x1;
	_ =	sfence  }
0x13a: {  	s30 =	simm.s32 $0x2;
	[sflag:s29] =	ssyncpa.u1 $0x1  }
0x13b: {  	[sflag:s30] =	ssyncpa.u1 $0x1  }
0x13c: {  	_ =	strace $0x90000062  }
0x13d: {  	[bflag:$0x2] =	sbarrier.arrive $0xFFFF  }
0x13e: {  	s31 =	rddreg [dreg:$0x1]  }
0x13f: {  	s0 =	sadd.s32 $0x100000, s31  }
0x140: {  	[sflag:s0] =	ssyncadd.tile.s32 $0x1;
	_ =	shalt  }
.Lfunc_end2:
_tile_overlayer_lowered:
.L_overlay_start_2:
0x141: {  	(tag) =	ssettag $0x2  }
0x142: {  	s0 =	rddreg [dreg:$0x0];
	s2 =	stileid.u32  }
0x143: {  	s1 =	rddreg [dreg:$0x1];
	p0 =	sne.s32 s2, $0x0  }
0x144: {  	s3 =	rddreg [dreg:$0x2];
	[bflag:$0x3] =	sbarrier.arrive $0xFFFF;
	s2 =	simm.s32 @!p0 $0x1C01  }
0x145: {  	[timem:s3], [sflag:s2] =	dma.local @!p0 [hbm:s0], s1  }
0x146: {  	s0 =	simm.s32 @!p0 $0x1  }
0x147: {  	_ =	swait.ge @!p0 [sflag:s0], s1  }
0x148: {  	s1 =	ssub.s32 @!p0 $0x0, s1;
	[sflag:s0] =	ssyncset.done @!p0 $0x0  }
0x149: {  	[sflag:s0] =	ssyncadd.s32 @!p0 s1  }
0x14a: {  	[bflag:$0x3] =	sbarrier.arrive $0xFFFF  }
0x14b: {  	_ =	shalt  }

// kernel: scatter_offload_async_start.5
scs
__scs_entry_jumppad:
0x0: {  	(pc) =	sbr.rel $0x88, $3  }
0x1: {  	(tag) =	ssettag $0x0;
	lr =	simm.s32 $0x1  }
0x2: {  	[smem:$0x3F8A] =	sst lr;
	_ =	strace $0xD0000000  }
0x3: {  	_ = 	snop  }
0x4: {  	_ = 	snop  }
0x5: {  	_ = 	snop  }
0x6: {  	_ = 	snop  }
0x7: {  	_ = 	snop  }
__scs_overlays_trampoline_lowered:
0x8: {  	[smem:$0x3F99] =	sst s0  }
0x9: {  	[smem:$0x3F9A] =	sst s1  }
0xa: {  	[smem:$0x3F9B] =	sst s2  }
0xb: {  	[smem:$0x3F9C] =	sst s3  }
0xc: {  	[smem:$0x3F9D] =	sst s4  }
0xd: {  	[smem:$0x3F9E] =	sst s5  }
0xe: {  	[smem:$0x3F9F] =	sst s6  }
0xf: {  	[smem:$0x3FA0] =	sst s7  }
0x10: {  	[smem:$0x3FA1] =	sst s8  }
0x11: {  	[smem:$0x3FA2] =	sst s9;
	s0 =	simm.s32 @!p0 $0x0  }
0x12: {  	s1 =	sld [smem:$0x3F88];
	s0 =	simm.s32 @p0 $0x1  }
0x13: {  	[smem:$0x3FA3] =	sst s0;
	s0 =	simm.s32 @!p1 $0x0  }
0x14: {  	s2 =	sld [smem:$0x3F87];
	s0 =	simm.s32 @p1 $0x1  }
0x15: {  	[smem:$0x3FA4] =	sst s0;
	s0 =	simm.s32 @!p2 $0x0  }
0x16: {  	s3 =	sld [smem:$0x3FDB];
	s0 =	simm.s32 @p2 $0x1  }
0x17: {  	s4 =	simm.s32 $0x1BF5;
	[smem:$0x3FA6] =	sst s0  }
0x18: {  	s0 =	sld [smem:$0x3F89];
	_ =	swait.ge [sflag:s4], $0x0  }
0x19: {  	s7 =	sld [smem:$0x3F8A]  }
0x1a: {  	s8 =	sadd.s32 $0xFFFFE003, lr  }
0x1b: {  	s9 =	sadd.s32 $0xFFFFFEF7, lr;
	s5 =	simm.s32 $0xFFFFFFFF;
	p2 =	slt.u32 s8, $0xFFFFF086  }
0x1c: {  	p1 =	slt.u32 s9, $0xF7A;
	s5 =	simm.s32 @!p2 $0x0  }
0x1d: {  	s5 =	simm.s32 @p1 $0x1;
	p0 =	seq.s32 s7, s2  }
0x1e: {  	s7 =	smul.u32 @!p0 $0xF7A, s2;
	p2 =	seq.s32 @!p0 s5, $0x0  }
0x1f: {  	s9 =	smul.u32 $0xF7A, s1;
	s8 =	simm.s32 @!p0 $0x1BF5;
	p2 =	por !p2, p0  }
0x20: {  	[sflag:s8] =	ssyncset.s32 @!p0 $0xFFFFF086;
	s6 =	sadd.s32 @!p0 s3, s7;
	s7 =	simm.s32 @!p0 $0x108  }
0x21: {  	s3 =	sadd.s32 s3, s9;
	s6 =	sadd.s32 @!p0 $0x88, s6;
	s7 =	simm.s32 @p2 $0x1082  }
0x22: {  	[simem:s7], [sflag:s8] =	dma.local @!p0 [hbm:s6], $0xF7A  }
0x23: {  	s9 =	sor.u32 $0xD0000000, s2;
	s6 =	simm.s32 $0x108;
	_ =	swait.ge @!p0 [sflag:s8], $0x0  }
0x24: {  	s3 =	sadd.s32 $0x88, s3;
	s6 =	simm.s32 @!p1 $0x1082;
	[sflag:s4] =	ssyncset.s32 $0xFFFFF086  }
0x25: {  	[simem:s6], [sflag:s4] =	dma.local [hbm:s3], $0xF7A  }
0x26: {  	[smem:$0x3F8A] =	sst s1;
	(tag) =	ssettag s2;
	_ =	strace s9  }
0x27: {  	s1 =	sld [smem:$0x3F9A]  }
0x28: {  	s2 =	sld [smem:$0x3F9B]  }
0x29: {  	s4 =	sld [smem:$0x3F9D]  }
0x2a: {  	p0 =	seq.s32 s5, $0x0;
	s5 =	sld [smem:$0x3F9E]  }
0x2b: {  	s6 =	sld [smem:$0x3F9F]  }
0x2c: {  	s7 =	sld [smem:$0x3FA0]  }
0x2d: {  	s3 =	simm.s32 $0x108;
	s8 =	sld [smem:$0x3FA1]  }
0x2e: {  	s3 =	simm.s32 @!p0 $0x1082;
	s9 =	sld [smem:$0x3FA2]  }
0x2f: {  	lr =	sadd.s32 s0, s3;
	s0 =	sld [smem:$0x3F99]  }
0x30: {  	s3 =	sld [smem:$0x3F9C]  }
0x31: {  	[smem:$0x3FA5] =	sst s10  }
0x32: {  	s10 =	sld [smem:$0x3FA3];
	_ =	sdelay $0x3  }
0x33: {  	p0 =	seq.s32 s10, $0x1;
	s10 =	sld [smem:$0x3FA5];
	_ =	sdelay $0x3  }
0x34: {  	[smem:$0x3FA5] =	sst s10  }
0x35: {  	s10 =	sld [smem:$0x3FA4];
	_ =	sdelay $0x3  }
0x36: {  	p1 =	seq.s32 s10, $0x1;
	s10 =	sld [smem:$0x3FA5];
	_ =	sdelay $0x3  }
0x37: {  	[smem:$0x3FA5] =	sst s10  }
0x38: {  	s10 =	sld [smem:$0x3FA6]  }
0x39: {  	_ = 	snop;
	(pc) =	sbr.ind lr, $3  }
0x3a: {  	_ = 	snop  }
0x3b: {  	_ = 	snop  }
0x3c: {  	p2 =	seq.s32 s10, $0x1;
	s10 =	sld [smem:$0x3FA5]  }
0x3d: {  	_ =	shalt  }
0x3e: {  	_ =	shalt  }
0x3f: {  	_ =	shalt  }
0x40: {  	_ =	shalt  }
0x41: {  	_ =	shalt  }
0x42: {  	_ =	shalt  }
0x43: {  	_ =	shalt  }
0x44: {  	_ =	shalt  }
0x45: {  	_ =	shalt  }
0x46: {  	_ =	shalt  }
0x47: {  	_ =	shalt  }
0x48: {  	_ =	shalt  }
0x49: {  	_ =	shalt  }
0x4a: {  	_ =	shalt  }
0x4b: {  	_ =	shalt  }
0x4c: {  	_ =	shalt  }
0x4d: {  	_ =	shalt  }
0x4e: {  	_ =	shalt  }
0x4f: {  	_ =	shalt  }
0x50: {  	_ =	shalt  }
0x51: {  	_ =	shalt  }
0x52: {  	_ =	shalt  }
0x53: {  	_ =	shalt  }
0x54: {  	_ =	shalt  }
0x55: {  	_ =	shalt  }
0x56: {  	_ =	shalt  }
0x57: {  	_ =	shalt  }
0x58: {  	_ =	shalt  }
0x59: {  	_ =	shalt  }
0x5a: {  	_ =	shalt  }
0x5b: {  	_ =	shalt  }
0x5c: {  	_ =	shalt  }
0x5d: {  	_ =	shalt  }
0x5e: {  	_ =	shalt  }
0x5f: {  	_ =	shalt  }
0x60: {  	_ =	shalt  }
0x61: {  	_ =	shalt  }
0x62: {  	_ =	shalt  }
0x63: {  	_ =	shalt  }
0x64: {  	_ =	shalt  }
0x65: {  	_ =	shalt  }
0x66: {  	_ =	shalt  }
0x67: {  	_ =	shalt  }
0x68: {  	_ =	shalt  }
0x69: {  	_ =	shalt  }
0x6a: {  	_ =	shalt  }
0x6b: {  	_ =	shalt  }
0x6c: {  	_ =	shalt  }
0x6d: {  	_ =	shalt  }
0x6e: {  	_ =	shalt  }
0x6f: {  	_ =	shalt  }
0x70: {  	_ =	shalt  }
0x71: {  	_ =	shalt  }
0x72: {  	_ =	shalt  }
0x73: {  	_ =	shalt  }
0x74: {  	_ =	shalt  }
0x75: {  	_ =	shalt  }
0x76: {  	_ =	shalt  }
0x77: {  	_ =	shalt  }
0x78: {  	_ =	shalt  }
0x79: {  	_ =	shalt  }
0x7a: {  	_ =	shalt  }
0x7b: {  	_ =	shalt  }
0x7c: {  	_ =	shalt  }
0x7d: {  	_ =	shalt  }
0x7e: {  	_ =	shalt  }
0x7f: {  	_ =	shalt  }
0x80: {  	_ =	shalt  }
0x81: {  	_ =	shalt  }
0x82: {  	_ =	shalt  }
0x83: {  	_ =	shalt  }
0x84: {  	_ =	shalt  }
0x85: {  	_ =	shalt  }
0x86: {  	_ =	shalt  }
0x87: {  	_ =	shalt  }
.Lfunc_end0:
.L_simem_size_0:
called_computation.5_lowered:
.L_overlay_start_0:
0x88: {  	s0 =	sld [smem:$0x3FD9]  }
0x89: {  	s1 =	sld [smem:$0x3FFE];
	_ =	sdelay $0x3  }
0x8a: {  	s0 =	sadd.s32 s1, s0  }
0x8b: {  	[smem:$0x3FB1] =	sst s0  }
0x8c: {  	_ = 	snop  }
0x8d: {  	(tm) =	ssettm $0x1  }
0x8e: {  	s15 =	sld [smem:$0x3FFB];
	_ =	sdelay $0x3  }
0x8f: {  	_ =	strace s15  }
0x90: {  	s0 =	sld [smem:$0x3FFC];
	_ =	sdelay $0x3  }
0x91: {  	_ =	strace s0  }
0x92: {  	s0 =	sld [smem:$0x3FFD];
	_ =	sdelay $0x3  }
0x93: {  	_ =	strace s0  }
0x94: {  	_ =	strace $0x8FFFFFFF  }
0x95: {  	s16 =	sld [smem:$0x3FDB];
	_ =	sdelay $0x1  }
0x96: {  	s17 =	simm.s32 $_scs_section_size  }
0x97: {  	s2 =	simm.s32 $_size__tile_overlayer_lowered;
	s3 =	simm.s32 $_tile_overlayer_lowered  }
0x98: {  	s20 =	simm.s32 $0x1BFF;
	s19 =	sshll.u32 s3, $0x1;
	s0 =	sadd.s32 s17, s16  }
0x99: {  	s4 =	simm.s32 $0x0;
	s18 =	sshll.u32 s2, $0x1;
	s2 =	sadd.s32 s19, s0  }
0x9a: {  	[timem:s4], [sflag:s20] =	dma.local [hbm:s2], s18  }
0x9b: {  	_ =	swait.ge [sflag:s20], s18  }
0x9c: {  	s1 =	ssub.s32 $0x0, s18;
	[sflag:s20] =	ssyncset.done $0x0  }
0x9d: {  	[sflag:s20] =	ssyncadd.s32 s1;
	_ =	sdelay $0x1  }
0x9e: {  	s21 =	simm.s32 $0x1B8B  }
0x9f: {  	_ =	swait.ge [sflag:s21], $0x1  }
0xa0: {  	[sflag:s21] =	ssyncset.done $0x0  }
0xa1: {  	s23 =	simm.s32 $0x1B8E;
	s22 =	sld [smem:$0x3FFE];
	[sflag:s21] =	ssyncadd.s32 $0xFFFFFFFF  }
0xa2: {  	s24 =	simm.s32 $execute0_lowered;
	[smem:$0x3FD2] =	sst s23  }
0xa3: {  	s2 =	sshll.u32 s24, $0x1;
	_ =	strace $0x8000005B;
	[dreg:$0x1] =	wrdreg $0xFFFFFFFF  }
0xa4: {  	s25 =	simm.s32 $_size_execute0_lowered;
	s0 =	sadd.s32 s0, s2;
	[dreg:$0x0] =	wrdreg $0x0  }
0xa5: {  	s2 =	sshll.u32 s25, $0x1;
	[dreg:$0x2] =	wrdreg s0  }
0xa6: {  	[dreg:$0x3] =	wrdreg s2  }
0xa7: {  	[dreg:$0x4] =	wrdreg $0xC0  }
0xa8: {  	_ =	task [dreg:s4], $0x5FFFF  }
0xa9: {  	[dreg:$0x1] =	wrdreg $0xFFFFFFFF  }
0xaa: {  	[dreg:$0x0] =	wrdreg $0x60  }
0xab: {  	[dreg:$0x2] =	wrdreg s22  }
0xac: {  	[dreg:$0x3] =	wrdreg $0xA  }
0xad: {  	_ =	task.clear_ibuf [dreg:s4], $0x4FFFF;
	_ =	strace $0x9000005B  }
0xae: {  	s26 =	simm.s32 $0xA;
	_ =	strace $0x8000005D  }
0xaf: {  	_ =	swait.ge [sflag:s26], $0x1  }
0xb0: {  	[sflag:s26] =	ssyncadd.s32 $0xFFFFFFFF  }
0xb1: {  	_ =	strace $0x9000005D  }
0xb2: {  	_ =	sfence  }
0xb3: {  	s28 =	sld [smem:$0x0];
	_ =	sdelay $0x1  }
0xb4: {  	s29 =	srdreg.scid  }
0xb5: {  	s30 =	sshll.u32 s29, $0xD;
	s31 =	sshrl.u32 s29, $0x2  }
0xb6: {  	s1 =	sand.u32 $0x1, s29;
	s2 =	sand.u32 $0x4000, s30;
	s0 =	sadd.s32 s31, s28  }
0xb7: {  	s1 =	sor.u32 s2, s1;
	s0 =	sshll.u32 s0, $0x11  }
0xb8: {  	s0 =	sor.u32 s0, s1  }
0xb9: {  	s0 =	sadd.s32 $0x8F2B, s0  }
0xba: {  	[sflag:s0] =	ssyncadd.remote.s32 $0x1  }
0xbb: {  	_ =	sfence.sel $0xFFFF  }
0xbc: {  	[dreg:$0x0] =	wrdreg $0xFFFFFFFF;
	(pc) =	sbr.abs _section_cstart, $3  }
0xbd: {  	[dreg:$0x1] =	wrdreg $0xFFFFFFFF  }
0xbe: {  	_ =	task.clear_ibuf [dreg:s4], $0x2FFFF;
	_ =	strace $0x9FFFFFFF  }
0xbf: {  	(tm) =	ssettm $0x7FFFFFFF  }
tec
execute0_lowered:
.L_overlay_start_1:
0x0: {  	(tag) =	ssettag $0x1  }
0x1: {  	s7 =	rddreg [dreg:$0x0]  }
0x2: {  	s0 =	rddreg [dreg:$0x1]  }
0x3: {  	_ =	strace $0x8000005C;
	s3 =	stileid.u32;
	s4 =	simm.s32 $0x3E  }
0x4: {  	s1 =	sadd.s32 $0x5AE00, s7;
	p0 =	sne.s32 s3, $0x0;
	[sflag:s4] =	ssyncpa.u1 $0x0  }
0x5: {  	s30 =	smin.u32 s3, $0x9;
	s2 =	simm.s32 @!p0 $0x1C3E;
	s5 =	simm.s32 @!p0 $0x0  }
0x6: {  	[spmem:s5], [sflag:s2] =	dma.local @!p0 [hbm:s1], $0x10  }
0x7: {  	s2 =	sadd.s32 s3, s30  }
0x8: {  	p1 =	slt.u32 s3, $0x9;
	s3 =	simm.s32 $0x320;
	s2 =	smul.u32 $0x190, s2  }
0x9: {  	s3 =	simm.s32 @!p1 $0x190  }
0xa: {  	s3 =	sadd.s32 s3, s2  }
0xb: {  	s3 =	smin.u32 s3, $0x2710  }
0xc: {  	s8 =	ssub.s32 s3, s2  }
0xd: {  	p1 =	sgt.s32 s8, $0x0  }
0xe: {  	s8 =	simm.s32 @!p1 $0x0  }
0xf: {  	s6 =	sand.u32 $0xFFF0, s8  }
0x10: {  	s5 =	simm.s32 @!p0 $0x3E;
	s6 =	sshrl.u32 s6, $0x4  }
0x11: {  	_ =	swait.ge @!p0 [sflag:s5], $0x10;
	s31 =	smul.u32 $0xA3E, s6  }
0x12: {  	[sflag:s5] =	ssyncset.done @!p0 $0x0  }
0x13: {  	[sflag:s5] =	ssyncadd.s32 @!p0 $0xFFFFFFF0;
	s9 =	sshrl.u32 s31, $0x10  }
0x14: {  	s11 =	simm.s32 $0x0;
	[bflag:$0x0] =	sbarrier.arrive $0xFFFF;
	s10 =	smul.u32 $0x190, s9  }
.Ltmp0:
0x15: {  	[sflag:s4] =	ssyncpa.u1 $0x1;
	s4 =	simm.s32 $0x1;
	(pc) =	sbr.rel .LBB2_1-.Ltmp0, $4  }
0x16: {  	s5 =	sadd.s32 $0x50000, s7;
	s7 =	sadd.s32 $0x5A800, s7;
	[sflag:s4] =	ssyncpa.u1 $0x0  }
0x17: {  	s6 =	simm.s32 $0x2;
	p1 =	sne.s32 s8, s10;
	s8 =	simm.s32 $0x1  }
0x18: {  	(ifvalue) =	ssetifvalue $0x80;
	[sflag:s6] =	ssyncpa.u1 $0x0;
	s8 =	simm.s32 @!p1 $0x0  }
0x19: {  	vm0 =	vmmov $0xffff;
	s10 =	smov.u32 s2;
	s8 =	sadd.s32 s9, s8;
	s9 =	simm.s32 $0x0  }
.LBB2_5:
0x1a: {  	p2 =	sne.s32 s11, s8  }
.Ltmp1:
0x1b: {  	_ = 	snop;
	(pc) =	sbr.rel @!p2 .LBB2_6-.Ltmp1, $4  }
0x1c: {  	_ = 	snop  }
0x1d: {  	s12 =	sadd.s32 $0x190, s10  }
0x1e: {  	s10 =	smov.u32 s2;
	s13 =	sadd.s32 $0x1, s11;
	p1 =	slt.s32 s12, s3  }
0x1f: {  	s11 =	smov.u32 s13;
	s10 =	smov.u32 @p1 s12  }
.LBB2_1:
0x20: {  	p1 =	sge.u32 s11, s8  }
0x21: {  	s12 =	sxor.u32 @!p1 $0xFFFFFFFF, s11  }
0x22: {  	s12 =	sand.u32 @!p1 $0x1, s12  }
0x23: {  	s12 =	smul.u32 @!p1 $0x190, s12  }
0x24: {  	s13 =	sshrl.u32 @!p1 s10, $0x3  }
0x25: {  	s16 =	sand.u32 @!p1 $0x7, s10;
	s14 =	sadd.s32 @!p1 s5, s13;
	s15 =	sor.u32 @!p1 $0x8, s12  }
0x26: {  	[tilespmem:s15], [sflag:$0x2] =	stream.linear.gather @!p1 [hbm4b:s14+s16], $0x190, $0x38;
	[tilespmem:$0x648] =	vst v63  }
0x27: {  	s13 =	sadd.s32 @!p1 s7, s13;
	s12 =	sadd.s32 @!p1 $0x328, s12  }
0x28: {  	[tilespmem:s12], [sflag:$0x2] =	stream.linear.gather @!p1 [hbm4b:s13+s16], $0x190, $0x38;
	[tilespmem:$0x648] =	vst v63  }
0x29: {  	p1 =	seq.s32 s11, $0x0  }
.Ltmp2:
0x2a: {  	_ = 	snop;
	(pc) =	sbr.rel @p1 .LBB2_5-.Ltmp2, $1  }
0x2b: {  	_ =	sdelay $0x3  }
0x2c: {  	s12 =	sand.u32 $0x1, s11  }
0x2d: {  	_ =	swait.ge [sflag:s6], $0x320;
	p1 =	seq.s32 s12, $0x1;
	s12 =	simm.s32 $0x190  }
0x2e: {  	[sflag:s6] =	ssyncset.done $0x0;
	s12 =	simm.s32 @!p1 $0x0  }
0x2f: {  	[sflag:s6] =	ssyncadd.s32 $0xFFFFFCE0;
	s14 =	sor.u32 $0x8, s12  }
0x30: {  	v0 =	vld.msk [tilespmem:s14+$0x0 ss:$0x1], $0xffff;
	_ =	sdelay $0x4  }
0x31: {  	v0 =	vmin.u32 v0, $0x80;
	_ =	sdelay $0x3  }
0x32: {  	s13 =	simm.s32 $0x0;
	s12 =	sadd.s32 $0x328, s12;
	s14 =	sadd.s32 $0x10, s14  }
0x33: {  	[spmem:s9] =	stream.indirect_vreg.scatter.add.s32 [tilespmem:s12], [sflag:$0x1], $0x1, v0, vm0, $0x4038;
	[tilespmem:$0x648] =	vst v63  }
.LBB2_3:
0x34: {  	v0 =	vld.msk [tilespmem:s14+$0x0 ss:$0x1], $0xffff;
	s13 =	sadd.s32 $0x10, s13  }
0x35: {  	p1 =	slt.u32 s13, $0x180;
	_ =	sdelay $0x4  }
0x36: {  	v0 =	vmin.u32 v0, $0x80  }
.Ltmp3:
0x37: {  	(pc) =	sbr.rel @p1 .LBB2_3-.Ltmp3, $3  }
0x38: {  	_ =	sdelay $0x1  }
0x39: {  	s14 =	sadd.s32 $0x10, s14;
	s12 =	sadd.s32 $0x10, s12  }
0x3a: {  	[spmem:s9] =	stream.indirect_vreg.scatter.add.s32 [tilespmem:s12], [sflag:$0x1], $0x1, v0, vm0, $0x4038;
	[tilespmem:$0x648] =	vst v63  }
.Ltmp4:
0x3b: {  	(pc) =	sbr.rel .LBB2_5-.Ltmp4, $4  }
0x3c: {  	_ = 	snop  }
0x3d: {  	_ =	swait.ge [sflag:s4], $0x190  }
0x3e: {  	[sflag:s4] =	ssyncset.done $0x0  }
0x3f: {  	[sflag:s4] =	ssyncadd.s32 $0xFFFFFE70  }
.LBB2_6:
0x40: {  	_ =	sfence.sel $0x180000  }
0x41: {  	s2 =	simm.s32 $0x2;
	[bflag:$0x0] =	sbarrier.arrive $0xFFFF  }
0x42: {  	s30 =	simm.s32 $0x1;
	[sflag:s2] =	ssyncpa.u1 $0x1  }
0x43: {  	[sflag:s30] =	ssyncpa.u1 $0x1  }
0x44: {  	_ =	sfence.stream.spmem  }
0x45: {  	s31 =	simm.s32 $0x3D;
	[bflag:$0x0] =	sbarrier.arrive $0xFFFF  }
0x46: {  	s2 =	simm.s32 @p0 $0x3D;
	[sflag:s31] =	ssyncpa.u1 $0x0  }
0x47: {  	[sflag:s2] =	ssyncpa.u1 @p0 $0x1  }
0x48: {  	[bflag:$0x0] =	sbarrier.arrive @p0 $0xFFFF  }
0x49: {  	_ =	strace @p0 $0x9000005C  }
0x4a: {  	s3 =	simm.s32 @!p0 $0x1C3D;
	s2 =	simm.s32 @!p0 $0x0;
	[bflag:$0x2] =	sbarrier.arrive @p0 $0xFFFF  }
0x4b: {  	[hbm:s1], [sflag:s3] =	dma.local @!p0 [spmem:s2], $0x10  }
0x4c: {  	s1 =	simm.s32 @!p0 $0x3D  }
0x4d: {  	_ =	swait.ge @!p0 [sflag:s1], $0x10  }
0x4e: {  	[sflag:s1] =	ssyncset.done @!p0 $0x0  }
0x4f: {  	[sflag:s1] =	ssyncadd.s32 @!p0 $0xFFFFFFF0  }
0x50: {  	[sflag:s1] =	ssyncpa.u1 @!p0 $0x1  }
0x51: {  	[bflag:$0x0] =	sbarrier.arrive @!p0 $0xFFFF  }
0x52: {  	_ =	strace @!p0 $0x9000005C  }
0x53: {  	s0 =	sadd.s32 @!p0 $0x100000, s0;
	[bflag:$0x2] =	sbarrier.arrive @!p0 $0xFFFF  }
0x54: {  	[sflag:s0] =	ssyncadd.tile.s32 @!p0 $0x1;
	_ =	shalt  }
.Lfunc_end2:
_tile_overlayer_lowered:
.L_overlay_start_2:
0x55: {  	(tag) =	ssettag $0x2  }
0x56: {  	s0 =	rddreg [dreg:$0x0];
	s2 =	stileid.u32  }
0x57: {  	s1 =	rddreg [dreg:$0x1];
	p0 =	sne.s32 s2, $0x0  }
0x58: {  	s3 =	rddreg [dreg:$0x2];
	[bflag:$0x3] =	sbarrier.arrive $0xFFFF;
	s2 =	simm.s32 @!p0 $0x1C01  }
0x59: {  	[timem:s3], [sflag:s2] =	dma.local @!p0 [hbm:s0], s1  }
0x5a: {  	s0 =	simm.s32 @!p0 $0x1  }
0x5b: {  	_ =	swait.ge @!p0 [sflag:s0], s1  }
0x5c: {  	s1 =	ssub.s32 @!p0 $0x0, s1;
	[sflag:s0] =	ssyncset.done @!p0 $0x0  }
0x5d: {  	[sflag:s0] =	ssyncadd.s32 @!p0 s1  }
0x5e: {  	[bflag:$0x3] =	sbarrier.arrive $0xFFFF  }
0x5f: {  	_ =	shalt  }

// kernel: scatter_offload_async_start
scs
__scs_entry_jumppad:
0x0: {  	(pc) =	sbr.rel $0x88, $3  }
0x1: {  	(tag) =	ssettag $0x0;
	lr =	simm.s32 $0x1  }
0x2: {  	[smem:$0x3F8A] =	sst lr;
	_ =	strace $0xD0000000  }
0x3: {  	_ = 	snop  }
0x4: {  	_ = 	snop  }
0x5: {  	_ = 	snop  }
0x6: {  	_ = 	snop  }
0x7: {  	_ = 	snop  }
__scs_overlays_trampoline_lowered:
0x8: {  	[smem:$0x3F99] =	sst s0  }
0x9: {  	[smem:$0x3F9A] =	sst s1  }
0xa: {  	[smem:$0x3F9B] =	sst s2  }
0xb: {  	[smem:$0x3F9C] =	sst s3  }
0xc: {  	[smem:$0x3F9D] =	sst s4  }
0xd: {  	[smem:$0x3F9E] =	sst s5  }
0xe: {  	[smem:$0x3F9F] =	sst s6  }
0xf: {  	[smem:$0x3FA0] =	sst s7  }
0x10: {  	[smem:$0x3FA1] =	sst s8  }
0x11: {  	[smem:$0x3FA2] =	sst s9;
	s0 =	simm.s32 @!p0 $0x0  }
0x12: {  	s1 =	sld [smem:$0x3F88];
	s0 =	simm.s32 @p0 $0x1  }
0x13: {  	[smem:$0x3FA3] =	sst s0;
	s0 =	simm.s32 @!p1 $0x0  }
0x14: {  	s2 =	sld [smem:$0x3F87];
	s0 =	simm.s32 @p1 $0x1  }
0x15: {  	[smem:$0x3FA4] =	sst s0;
	s0 =	simm.s32 @!p2 $0x0  }
0x16: {  	s3 =	sld [smem:$0x3FDB];
	s0 =	simm.s32 @p2 $0x1  }
0x17: {  	s4 =	simm.s32 $0x1BF5;
	[smem:$0x3FA6] =	sst s0  }
0x18: {  	s0 =	sld [smem:$0x3F89];
	_ =	swait.ge [sflag:s4], $0x0  }
0x19: {  	s7 =	sld [smem:$0x3F8A]  }
0x1a: {  	s8 =	sadd.s32 $0xFFFFE003, lr  }
0x1b: {  	s9 =	sadd.s32 $0xFFFFFEF7, lr;
	s5 =	simm.s32 $0xFFFFFFFF;
	p2 =	slt.u32 s8, $0xFFFFF086  }
0x1c: {  	p1 =	slt.u32 s9, $0xF7A;
	s5 =	simm.s32 @!p2 $0x0  }
0x1d: {  	s5 =	simm.s32 @p1 $0x1;
	p0 =	seq.s32 s7, s2  }
0x1e: {  	s7 =	smul.u32 @!p0 $0xF7A, s2;
	p2 =	seq.s32 @!p0 s5, $0x0  }
0x1f: {  	s9 =	smul.u32 $0xF7A, s1;
	s8 =	simm.s32 @!p0 $0x1BF5;
	p2 =	por !p2, p0  }
0x20: {  	[sflag:s8] =	ssyncset.s32 @!p0 $0xFFFFF086;
	s6 =	sadd.s32 @!p0 s3, s7;
	s7 =	simm.s32 @!p0 $0x108  }
0x21: {  	s3 =	sadd.s32 s3, s9;
	s6 =	sadd.s32 @!p0 $0x88, s6;
	s7 =	simm.s32 @p2 $0x1082  }
0x22: {  	[simem:s7], [sflag:s8] =	dma.local @!p0 [hbm:s6], $0xF7A  }
0x23: {  	s9 =	sor.u32 $0xD0000000, s2;
	s6 =	simm.s32 $0x108;
	_ =	swait.ge @!p0 [sflag:s8], $0x0  }
0x24: {  	s3 =	sadd.s32 $0x88, s3;
	s6 =	simm.s32 @!p1 $0x1082;
	[sflag:s4] =	ssyncset.s32 $0xFFFFF086  }
0x25: {  	[simem:s6], [sflag:s4] =	dma.local [hbm:s3], $0xF7A  }
0x26: {  	[smem:$0x3F8A] =	sst s1;
	(tag) =	ssettag s2;
	_ =	strace s9  }
0x27: {  	s1 =	sld [smem:$0x3F9A]  }
0x28: {  	s2 =	sld [smem:$0x3F9B]  }
0x29: {  	s4 =	sld [smem:$0x3F9D]  }
0x2a: {  	p0 =	seq.s32 s5, $0x0;
	s5 =	sld [smem:$0x3F9E]  }
0x2b: {  	s6 =	sld [smem:$0x3F9F]  }
0x2c: {  	s7 =	sld [smem:$0x3FA0]  }
0x2d: {  	s3 =	simm.s32 $0x108;
	s8 =	sld [smem:$0x3FA1]  }
0x2e: {  	s3 =	simm.s32 @!p0 $0x1082;
	s9 =	sld [smem:$0x3FA2]  }
0x2f: {  	lr =	sadd.s32 s0, s3;
	s0 =	sld [smem:$0x3F99]  }
0x30: {  	s3 =	sld [smem:$0x3F9C]  }
0x31: {  	[smem:$0x3FA5] =	sst s10  }
0x32: {  	s10 =	sld [smem:$0x3FA3];
	_ =	sdelay $0x3  }
0x33: {  	p0 =	seq.s32 s10, $0x1;
	s10 =	sld [smem:$0x3FA5];
	_ =	sdelay $0x3  }
0x34: {  	[smem:$0x3FA5] =	sst s10  }
0x35: {  	s10 =	sld [smem:$0x3FA4];
	_ =	sdelay $0x3  }
0x36: {  	p1 =	seq.s32 s10, $0x1;
	s10 =	sld [smem:$0x3FA5];
	_ =	sdelay $0x3  }
0x37: {  	[smem:$0x3FA5] =	sst s10  }
0x38: {  	s10 =	sld [smem:$0x3FA6]  }
0x39: {  	_ = 	snop;
	(pc) =	sbr.ind lr, $3  }
0x3a: {  	_ = 	snop  }
0x3b: {  	_ = 	snop  }
0x3c: {  	p2 =	seq.s32 s10, $0x1;
	s10 =	sld [smem:$0x3FA5]  }
0x3d: {  	_ =	shalt  }
0x3e: {  	_ =	shalt  }
0x3f: {  	_ =	shalt  }
0x40: {  	_ =	shalt  }
0x41: {  	_ =	shalt  }
0x42: {  	_ =	shalt  }
0x43: {  	_ =	shalt  }
0x44: {  	_ =	shalt  }
0x45: {  	_ =	shalt  }
0x46: {  	_ =	shalt  }
0x47: {  	_ =	shalt  }
0x48: {  	_ =	shalt  }
0x49: {  	_ =	shalt  }
0x4a: {  	_ =	shalt  }
0x4b: {  	_ =	shalt  }
0x4c: {  	_ =	shalt  }
0x4d: {  	_ =	shalt  }
0x4e: {  	_ =	shalt  }
0x4f: {  	_ =	shalt  }
0x50: {  	_ =	shalt  }
0x51: {  	_ =	shalt  }
0x52: {  	_ =	shalt  }
0x53: {  	_ =	shalt  }
0x54: {  	_ =	shalt  }
0x55: {  	_ =	shalt  }
0x56: {  	_ =	shalt  }
0x57: {  	_ =	shalt  }
0x58: {  	_ =	shalt  }
0x59: {  	_ =	shalt  }
0x5a: {  	_ =	shalt  }
0x5b: {  	_ =	shalt  }
0x5c: {  	_ =	shalt  }
0x5d: {  	_ =	shalt  }
0x5e: {  	_ =	shalt  }
0x5f: {  	_ =	shalt  }
0x60: {  	_ =	shalt  }
0x61: {  	_ =	shalt  }
0x62: {  	_ =	shalt  }
0x63: {  	_ =	shalt  }
0x64: {  	_ =	shalt  }
0x65: {  	_ =	shalt  }
0x66: {  	_ =	shalt  }
0x67: {  	_ =	shalt  }
0x68: {  	_ =	shalt  }
0x69: {  	_ =	shalt  }
0x6a: {  	_ =	shalt  }
0x6b: {  	_ =	shalt  }
0x6c: {  	_ =	shalt  }
0x6d: {  	_ =	shalt  }
0x6e: {  	_ =	shalt  }
0x6f: {  	_ =	shalt  }
0x70: {  	_ =	shalt  }
0x71: {  	_ =	shalt  }
0x72: {  	_ =	shalt  }
0x73: {  	_ =	shalt  }
0x74: {  	_ =	shalt  }
0x75: {  	_ =	shalt  }
0x76: {  	_ =	shalt  }
0x77: {  	_ =	shalt  }
0x78: {  	_ =	shalt  }
0x79: {  	_ =	shalt  }
0x7a: {  	_ =	shalt  }
0x7b: {  	_ =	shalt  }
0x7c: {  	_ =	shalt  }
0x7d: {  	_ =	shalt  }
0x7e: {  	_ =	shalt  }
0x7f: {  	_ =	shalt  }
0x80: {  	_ =	shalt  }
0x81: {  	_ =	shalt  }
0x82: {  	_ =	shalt  }
0x83: {  	_ =	shalt  }
0x84: {  	_ =	shalt  }
0x85: {  	_ =	shalt  }
0x86: {  	_ =	shalt  }
0x87: {  	_ =	shalt  }
.Lfunc_end0:
.L_simem_size_0:
called_computation_lowered:
.L_overlay_start_0:
0x88: {  	s0 =	sld [smem:$0x3FD9]  }
0x89: {  	s1 =	sld [smem:$0x3FFE];
	_ =	sdelay $0x3  }
0x8a: {  	s0 =	sadd.s32 s1, s0  }
0x8b: {  	[smem:$0x3FB1] =	sst s0  }
0x8c: {  	_ = 	snop  }
0x8d: {  	(tm) =	ssettm $0x1  }
0x8e: {  	s15 =	sld [smem:$0x3FFB];
	_ =	sdelay $0x3  }
0x8f: {  	_ =	strace s15  }
0x90: {  	s0 =	sld [smem:$0x3FFC];
	_ =	sdelay $0x3  }
0x91: {  	_ =	strace s0  }
0x92: {  	s0 =	sld [smem:$0x3FFD];
	_ =	sdelay $0x3  }
0x93: {  	_ =	strace s0  }
0x94: {  	_ =	strace $0x8FFFFFFF  }
0x95: {  	s16 =	sld [smem:$0x3FDB];
	_ =	sdelay $0x1  }
0x96: {  	s17 =	simm.s32 $_scs_section_size  }
0x97: {  	s2 =	simm.s32 $_size__tile_overlayer_lowered;
	s3 =	simm.s32 $_tile_overlayer_lowered  }
0x98: {  	s20 =	simm.s32 $0x1BFF;
	s19 =	sshll.u32 s3, $0x1;
	s0 =	sadd.s32 s17, s16  }
0x99: {  	s4 =	simm.s32 $0x0;
	s18 =	sshll.u32 s2, $0x1;
	s2 =	sadd.s32 s19, s0  }
0x9a: {  	[timem:s4], [sflag:s20] =	dma.local [hbm:s2], s18  }
0x9b: {  	_ =	swait.ge [sflag:s20], s18  }
0x9c: {  	s1 =	ssub.s32 $0x0, s18;
	[sflag:s20] =	ssyncset.done $0x0  }
0x9d: {  	[sflag:s20] =	ssyncadd.s32 s1;
	_ =	sdelay $0x1  }
0x9e: {  	s21 =	simm.s32 $0x1B8B  }
0x9f: {  	_ =	swait.ge [sflag:s21], $0x1  }
0xa0: {  	[sflag:s21] =	ssyncset.done $0x0  }
0xa1: {  	s23 =	simm.s32 $0x1B8E;
	s22 =	sld [smem:$0x3FFE];
	[sflag:s21] =	ssyncadd.s32 $0xFFFFFFFF  }
0xa2: {  	s24 =	simm.s32 $execute0_lowered;
	[smem:$0x3FD2] =	sst s23  }
0xa3: {  	s2 =	sshll.u32 s24, $0x1;
	_ =	strace $0x80000049;
	[dreg:$0x1] =	wrdreg $0xFFFFFFFF  }
0xa4: {  	s25 =	simm.s32 $_size_execute0_lowered;
	s0 =	sadd.s32 s0, s2;
	[dreg:$0x0] =	wrdreg $0x0  }
0xa5: {  	s2 =	sshll.u32 s25, $0x1;
	[dreg:$0x2] =	wrdreg s0  }
0xa6: {  	[dreg:$0x3] =	wrdreg s2  }
0xa7: {  	[dreg:$0x4] =	wrdreg $0xC0  }
0xa8: {  	_ =	task [dreg:s4], $0x5FFFF  }
0xa9: {  	[dreg:$0x1] =	wrdreg $0xFFFFFFFF  }
0xaa: {  	[dreg:$0x0] =	wrdreg $0x60  }
0xab: {  	[dreg:$0x2] =	wrdreg s22  }
0xac: {  	[dreg:$0x3] =	wrdreg $0x9  }
0xad: {  	_ =	task.clear_ibuf [dreg:s4], $0x4FFFF;
	_ =	strace $0x90000049  }
0xae: {  	s26 =	simm.s32 $0x9;
	_ =	strace $0x8000004B  }
0xaf: {  	_ =	swait.ge [sflag:s26], $0x1  }
0xb0: {  	[sflag:s26] =	ssyncadd.s32 $0xFFFFFFFF  }
0xb1: {  	_ =	strace $0x9000004B  }
0xb2: {  	_ =	sfence  }
0xb3: {  	s28 =	sld [smem:$0x0];
	_ =	sdelay $0x1  }
0xb4: {  	s29 =	srdreg.scid  }
0xb5: {  	s30 =	sshll.u32 s29, $0xD;
	s31 =	sshrl.u32 s29, $0x2  }
0xb6: {  	s1 =	sand.u32 $0x1, s29;
	s2 =	sand.u32 $0x4000, s30;
	s0 =	sadd.s32 s31, s28  }
0xb7: {  	s1 =	sor.u32 s2, s1;
	s0 =	sshll.u32 s0, $0x11  }
0xb8: {  	s0 =	sor.u32 s0, s1  }
0xb9: {  	s0 =	sadd.s32 $0x8F2B, s0  }
0xba: {  	[sflag:s0] =	ssyncadd.remote.s32 $0x1  }
0xbb: {  	_ =	sfence.sel $0xFFFF  }
0xbc: {  	[dreg:$0x0] =	wrdreg $0xFFFFFFFF;
	(pc) =	sbr.abs _section_cstart, $3  }
0xbd: {  	[dreg:$0x1] =	wrdreg $0xFFFFFFFF  }
0xbe: {  	_ =	task.clear_ibuf [dreg:s4], $0x2FFFF;
	_ =	strace $0x9FFFFFFF  }
0xbf: {  	(tm) =	ssettm $0x7FFFFFFF  }
tec
execute0_lowered:
.L_overlay_start_1:
0x0: {  	(tag) =	ssettag $0x1  }
0x1: {  	s1 =	rddreg [dreg:$0x0];
	s6 =	stileid.u32  }
0x2: {  	_ =	strace $0x8000004A;
	s2 =	simm.s32 $0x1;
	s0 =	smul.u32 $0x3, s6  }
0x3: {  	v1 =	vimm.s32 $0xFFFFFFFF;
	s3 =	smin.u32 s6, $0x7;
	[sflag:s2] =	ssyncpa.u1 $0x0  }
0x4: {  	[tilespmem:$0x10] =	vst v1;
	s0 =	sadd.s32 s3, s0  }
0x5: {  	v0 =	vimm.f32 $0.0e+00;
	p0 =	slt.u32 s6, $0x7;
	[tilespmem:$0x20] =	vst v1;
	s3 =	smul.u32 $0x1770, s0;
	s0 =	simm.s32 $0x5DC0  }
0x6: {  	[tilespmem:$0x30] =	vst v0;
	s0 =	simm.s32 @!p0 $0x4650  }
0x7: {  	[tilespmem:$0x40] =	vst v0;
	s0 =	sadd.s32 s0, s3  }
0x8: {  	s7 =	simm.s32 $0x2;
	[tilespmem:$0x50] =	vst v0;
	s4 =	smin.u32 s0, $0x50910  }
0x9: {  	s31 =	simm.s32 $0x9;
	s16 =	simm.s32 $0x0;
	[tilespmem:$0x60] =	vst v1;
	s0 =	ssub.s32 s4, s3  }
0xa: {  	s17 =	simm.s32 $0xF0;
	s18 =	simm.s32 $0xFFFFFFFF;
	[tilespmem:$0x70] =	vst v1;
	p0 =	sgt.s32 s0, $0x0  }
0xb: {  	s19 =	simm.s32 $0xFFFFD220;
	s20 =	simm.s32 $0xFFFFFFFE;
	[tilespmem:$0x80] =	vst v1;
	s0 =	simm.s32 @!p0 $0x0  }
0xc: {  	s21 =	simm.s32 $0xF;
	s8 =	sadd.s32 $0x78600, s1;
	v1 =	vimm.s32 $0x0;
	[tilespmem:$0xB0] =	vst v0;
	s5 =	smulhi.u32 $0x57619F1, s0  }
0xd: {  	s25 =	simm.s32 $0x0;
	s24 =	simm.s32 $0x0;
	[dreg:$0x2] =	wrdreg s8;
	[tilespmem:$0x90] =	vst v1  }
0xe: {  	[tilespmem:$0xA0] =	vst v1;
	[sflag:s7] =	ssyncpa.u1 $0x0;
	s7 =	simm.s32 $0x7;
	s9 =	sshrl.u32 s5, $0x7  }
0xf: {  	s8 =	simm.s32 $0x8;
	[sflag:s7] =	ssyncpa.u1 $0x0;
	s10 =	smul.u32 $0x1770, s9  }
.Ltmp0:
0x10: {  	s14 =	sshllo.u32 s6, $0x1;
	[sflag:s8] =	ssyncpa.u1 $0x0;
	(pc) =	sbr.rel .LBB2_1-.Ltmp0, $4  }
0x11: {  	[sflag:s31] =	ssyncpa.u1 $0x0;
	s23 =	smov.u32 s3;
	p0 =	sne.s32 s0, s10  }
0x12: {  	s5 =	sadd.s32 $0x6E400, s1;
	s10 =	sshll.u32 s6, $0x1;
	s2 =	simm.s32 @!p0 $0x0  }
0x13: {  	vm0 =	vmmov $0xffff;
	v2 =	vlaneseq.u32;
	s13 =	sor.u32 $0x81, s10;
	s15 =	sor.u32 $0x80, s10;
	s9 =	sadd.s32 s2, s9  }
0x14: {  	vm1 =	vmxor vm1, vm1;
	vm2 =	vmmov $0x1;
	vm3 =	vcmask $0x3F3C;
	p0 =	por $0x0, $0x0;
	s11 =	sadd.s32 $0x1, s9;
	s12 =	sadd.s32 $0x2, s9  }
.LBB2_9:
0x15: {  	p1 =	slt.u32 s24, $0x3  }
0x16: {  	s0 =	simm.s32 @!p1 $0x2  }
0x17: {  	_ =	swait.ge @!p1 [sflag:s0], $0x1770  }
0x18: {  	[sflag:s0] =	ssyncset.done @!p1 $0x0  }
0x19: {  	[sflag:s0] =	ssyncadd.s32 @!p1 $0xFFFFE890;
	s0 =	simm.s32 @!p1 $0x9  }
0x1a: {  	_ =	swait.ge @!p1 [sflag:s0], $0x10  }
0x1b: {  	[sflag:s0] =	ssyncset.done @!p1 $0x0  }
0x1c: {  	[sflag:s0] =	ssyncadd.s32 @!p1 $0xFFFFFFF0;
	p1 =	sne.s32 s24, s12  }
.Ltmp1:
0x1d: {  	s2 =	sadd.s32 $0x1770, s23;
	(pc) =	sbr.rel @!p1 .LBB2_10-.Ltmp1, $4  }
0x1e: {  	s6 =	smov.u32 s3;
	s31 =	sadd.s32 $0x1, s24;
	s17 =	sadd.s32 $0x1770, s17  }
0x1f: {  	s18 =	sadd.s32 $0x1, s18;
	s25 =	smov.u32 s23;
	p2 =	slt.s32 s2, s4  }
0x20: {  	p0 =	por !p0, !p0;
	s19 =	sadd.s32 $0x1770, s19;
	s6 =	smov.u32 @p2 s2  }
0x21: {  	s20 =	sadd.s32 $0x1, s20;
	s23 =	smov.u32 s6;
	s24 =	smov.u32 s31  }
.LBB2_1:
0x22: {  	p1 =	sge.u32 s24, s9  }
0x23: {  	s0 =	smulhi.u32 @!p1 $0xAAAAAAAB, s24;
	_ =	sdelay $0x1  }
0x24: {  	s0 =	sshrl.u32 @!p1 s0, $0x1  }
0x25: {  	s0 =	smul.u32 @!p1 $0x3, s0;
	_ =	sdelay $0x1  }
0x26: {  	s0 =	ssub.s32 @!p1 s24, s0  }
0x27: {  	s0 =	smul.u32 @!p1 $0x5DC0, s0;
	_ =	sdelay $0x1  }
0x28: {  	s2 =	sshrl.u32 @!p1 s23, $0x3;
	s0 =	sshrl.u32 @!p1 s0, $0x2  }
0x29: {  	s22 =	sand.u32 @!p1 $0x7, s23;
	s2 =	sadd.s32 @!p1 s5, s2;
	s0 =	sadd.s32 @!p1 $0x100, s0  }
0x2a: {  	[tilespmem:s0], [sflag:$0x7] =	stream.linear.gather @!p1 [hbm4b:s2+s22], $0x1770, $0x38;
	[tilespmem:$0xD410] =	vst v63  }
0x2b: {  	s0 =	sadd.s32 $0xFFFFFFFF, s24  }
0x2c: {  	p1 =	sge.u32 s0, s9  }
.Ltmp2:
0x2d: {  	_ = 	snop;
	(pc) =	sbr.rel @p1 .LBB2_5-.Ltmp2, $1  }
0x2e: {  	_ =	sdelay $0x3  }
0x2f: {  	s2 =	smulhi.u32 $0xAAAAAAAB, s0;
	_ =	sdelay $0x1  }
0x30: {  	s2 =	sshrl.u32 s2, $0x1  }
0x31: {  	s2 =	smul.u32 $0x3, s2;
	_ =	sdelay $0x1  }
0x32: {  	s2 =	ssub.s32 s0, s2  }
0x33: {  	s2 =	smul.u32 $0x5DC0, s2  }
0x34: {  	_ =	swait.ge [sflag:s7], $0x1770  }
0x35: {  	[sflag:s7] =	ssyncset.done $0x0;
	s2 =	sshrl.u32 s2, $0x2  }
0x36: {  	[sflag:s7] =	ssyncadd.s32 $0xFFFFE890;
	(ifvalue) =	ssetifvalue $0xFFFFFFFF;
	v3 =	vld.msk [tilespmem:s2+$0x100 ss:$0x1], $0xffff;
	_ =	sdelay $0x2  }
0x37: {  	s30 =	smulhi.u32 $0xAAAAAAAB, s18;
	p1 =	sne.s32 s24, $0x1  }
0x38: {  	v4 =	vimm.s32 @!p1 $0x0  }
0x39: {  	s2 =	sshrl.u32 s30, $0x1;
	v4 =	vperm.xlane @!p1 v3, v4  }
0x3a: {  	s22 =	sshll.u32 s24, $0x4;
	s2 =	smul.u32 $0xFFFEE6C0, s2;
	vm4 =	vlt.u32 v3, $0x2800  }
0x3b: {  	s22 =	sand.u32 $0x10, s22;
	v3 =	vnsel vm4, $0xFFFFFFFE, v3;
	vm4 =	vlt.u32 @!p1 v4, $0x2800  }
0x3c: {  	s2 =	sshra.s32 s2, $0x2;
	[tilespmem:s22+$0x60] =	vst v3;
	v3 =	vnsel @!p1 vm4, $0xFFFFFFFE, v4  }
0x3d: {  	s28 =	sadd.s32 s2, s17;
	[tilespmem:$0x80] =	vst @!p1 v3  }
0x3e: {  	v3 =	vld.msk [tilespmem:s28+$0x0 ss:$0x1], $0xffff;
	_ =	sdelay $0x4  }
0x3f: {  	(xrf1) =	vunique.msk.u32 $0xffff, v3;
	_ =	sdelay $0xd  }
0x40: {  	v4 =	vimm.s32 $0xFFFFFFFF;
	v5, _, _ =	vpop (xrf1)  }
0x41: {  	vm5 =	vne.s32 v3, v4;
	vm4 =	veq.s32 v5, v2  }
0x42: {  	vm6 =	vlt.u32 v3, $0x2800;
	vm4 =	vmand vm5, vm4  }
0x43: {  	vm4 =	vmand vm6, vm4  }
0x44: {  	v4 =	vnsel vm4, $0xFFFFFFFF, v3  }
0x45: {  	s31 =	sand.u32 $0x1, s0  }
0x46: {  	s0 =	simm.s32 $0x1770;
	p1 =	seq.s32 s31, $0x1  }
0x47: {  	s0 =	simm.s32 @!p1 $0x0  }
0x48: {  	s26 =	sadd.s32 $0x5EB0, s0;
	(ifvalue) =	ssetifvalue $0xFFFFFFFF  }
0x49: {  	v3 =	vperm.xlane v3, v1;
	[tilespmem:s26], [sflag:$0x8] =	stream.indirect_vreg.gather [hbm4b:s1+s16], $0x1, v4, vm0, $0x4038;
	v4 =	vnsel vm6, $0xFFFFFFFE, v4;
	[tilespmem:$0xD410] =	vst v63  }
0x4a: {  	s2 =	simm.s32 $0x0;
	s22 =	sadd.s32 $0xFFFFFFF0, s28;
	[tilespmem:s28+$0x0] =	vst v4  }
.LBB2_3:
0x4b: {  	v4 =	vld.msk [tilespmem:s22+$0x0 ss:$0x1], $0xffff;
	s2 =	sadd.s32 $0x10, s2;
	v5 =	vmov v3;
	s28 =	smov.u32 s22  }
0x4c: {  	p1 =	slt.u32 s2, $0x1760;
	_ =	sdelay $0x4  }
0x4d: {  	v3 =	vperm.xlane v4, v1;
	(xrf1) =	vunique.msk.u32 $0xffff, v4;
	_ =	sdelay $0xd  }
0x4e: {  	v6, _, _ =	vpop (xrf1)  }
0x4f: {  	vm5 =	vne.s32 v4, v5;
	vm4 =	veq.s32 v6, v2  }
0x50: {  	vm6 =	vlt.u32 v4, $0x2800;
	vm4 =	vmand vm5, vm4  }
0x51: {  	vm4 =	vmand vm6, vm4  }
0x52: {  	v4 =	vnsel vm4, $0xFFFFFFFF, v4  }
.Ltmp3:
0x53: {  	v5 =	vnsel vm6, $0xFFFFFFFE, v4;
	(pc) =	sbr.rel @p1 .LBB2_3-.Ltmp3, $3  }
0x54: {  	_ =	sdelay $0x1  }
0x55: {  	s22 =	sadd.s32 $0xFFFFFFF0, s22;
	s26 =	sadd.s32 $0xFFFFFFF0, s26;
	(ifvalue) =	ssetifvalue $0xFFFFFFFF  }
0x56: {  	[tilespmem:s26], [sflag:$0x8] =	stream.indirect_vreg.gather [hbm4b:s1+s16], $0x1, v4, vm0, $0x4038;
	[tilespmem:s28+$0x0] =	vst v5  }
0x57: {  	s2 =	sshrl.u32 s25, $0x3;
	s6 =	rddreg [dreg:$0x2]  }
0x58: {  	s0 =	sadd.s32 $0x7630, s0;
	s2 =	sadd.s32 s6, s2  }
0x59: {  	[tilespmem:s0], [sflag:$0x8] =	stream.linear.gather [hbm:s2], $0x1770, $0x38;
	[tilespmem:$0xD410] =	vst v63  }
.LBB2_5:
0x5a: {  	p1 =	slt.u32 s24, $0x2  }
0x5b: {  	p2 =	sge.u32 @!p1 s24, s12  }
0x5c: {  	p1 =	por p1, p2  }
.Ltmp4:
0x5d: {  	_ = 	snop;
	(pc) =	sbr.rel @p1 .LBB2_9-.Ltmp4, $1  }
0x5e: {  	_ =	sdelay $0x3  }
0x5f: {  	s0 =	sadd.s32 $0xFFFFFFFE, s24  }
0x60: {  	s2 =	smulhi.u32 $0xAAAAAAAB, s0;
	_ =	sdelay $0x1  }
0x61: {  	s2 =	sshrl.u32 s2, $0x1  }
0x62: {  	s2 =	smul.u32 $0x3, s2;
	_ =	sdelay $0x1  }
0x63: {  	s0 =	ssub.s32 s0, s2  }
0x64: {  	_ =	swait.ge [sflag:s8], $0x2EE0;
	s0 =	smul.u32 $0x1770, s0  }
0x65: {  	p1 =	sne.s32 s24, s11;
	[sflag:s8] =	ssyncset.done $0x0  }
0x66: {  	[sflag:s8] =	ssyncadd.s32 $0xFFFFD120;
	s2 =	sadd.s32 @!p1 $0x186F, s0  }
0x67: {  	[spmem:s13] =	stream.linear.scatter @!p1 [tilespmem:s2], [sflag:$0x1], $0x1, $0x38;
	[tilespmem:$0xD410] =	vst v63  }
0x68: {  	s2 =	simm.s32 @!p1 $0x1  }
0x69: {  	_ =	swait.ge @!p1 [sflag:s2], $0x1  }
0x6a: {  	s22 =	sshll.u32 s24, $0x4;
	[sflag:s2] =	ssyncset.done @!p1 $0x0  }
0x6b: {  	s25 =	sand.u32 $0x10, s22;
	[sflag:s2] =	ssyncadd.s32 @!p1 $0xFFFFFFFF  }
0x6c: {  	s2 =	sxor.u32 $0x10, s25;
	v4 =	vld [tilespmem:s25+$0x10]  }
0x6d: {  	v5 =	vld [tilespmem:s2+$0x60]  }
0x6e: {  	v3 =	vld [tilespmem:$0x80];
	_ =	sdelay $0x2  }
0x6f: {  	(v2sf) =	vpush v4, $0x0  }
0x70: {  	(v2sf) =	vpush v5, $0x0  }
0x71: {  	(v2sf) =	vpush v3, $0x0;
	_ =	sdelay $0xc  }
0x72: {  	s6 =	spop (v2sf)  }
0x73: {  	s28 =	spop (v2sf)  }
0x74: {  	s26 =	spop (v2sf)  }
0x75: {  	p2 =	seq.s32 s6, s28;
	p3 =	seq.s32 s26, s6  }
0x76: {  	p3 =	por p2, p3  }
0x77: {  	s6 =	sand.u32 $0x1, s24;
	v4 =	vpsel p3, $0xFFFFFFFF, v4  }
0x78: {  	s28 =	smul.u32 $0x1770, s6;
	[tilespmem:s25+$0x10] =	vst.msk $0x1, v4  }
0x79: {  	v4 =	vld [tilespmem:$0x30]  }
0x7a: {  	v5 =	vld [tilespmem:s28+$0x7630]  }
0x7b: {  	v6 =	vld [tilespmem:s25+$0x40];
	_ =	sdelay $0x3  }
0x7c: {  	vm4 =	vmmov vm1;
	v5 =	vadd.f32 v5, v4  }
0x7d: {  	vm5 =	vmmov vm2;
	vm4 =	vmmov @p2 vm2;
	v4 =	vadd.f32 v6, v4  }
0x7e: {  	s22 =	sshll.u32 s6, $0x4;
	vm5 =	vmmov @p3 vm1;
	[tilespmem:s28+$0x7630] =	vst.msk vm4, v5  }
0x7f: {  	[tilespmem:s22+$0xD3F0] =	vst.msk vm5, v4  }
0x80: {  	v4 =	vld [tilespmem:s28+$0x5EB0];
	_ =	sdelay $0x3  }
0x81: {  	v5 =	vimm.f32 $0.0e+00  }
0x82: {  	v4 =	vshift.insert v4, v5, s21  }
0x83: {  	s29 =	sor.u32 $0x40, s2  }
0x84: {  	[tilespmem:s29+$0x0] =	vst.msk $0x1, v4  }
0x85: {  	[tilespmem:s28+$0x5EBF] =	vst.msk $0x1, v5  }
0x86: {  	v4 =	vld [tilespmem:s0+$0x1860];
	_ =	sdelay $0x1  }
0x87: {  	s29 =	smulhi.u32 $0xAAAAAAAB, s20;
	s0 =	simm.s32 $0x1  }
0x88: {  	s0 =	simm.s32 @!p0 $0x0  }
0x89: {  	s29 =	sshrl.u32 s29, $0x1;
	s0 =	smul.u32 $0x5DC0, s0  }
0x8a: {  	s29 =	smul.u32 $0xFFFEE6C0, s29;
	v4 =	vshift.insert v4, v1, s21  }
0x8b: {  	s0 =	sshrl.u32 s0, $0x2  }
0x8c: {  	s29 =	sshra.s32 s29, $0x2;
	s30 =	sadd.s32 $0x7630, s0;
	[tilespmem:s2+$0x10] =	vst.msk $0x1, v4  }
0x8d: {  	s6 =	sadd.s32 s29, s19;
	v6 =	vld [tilespmem:s30+$0x0]  }
0x8e: {  	v7 =	vld [tilespmem:s6+$0x0];
	_ =	sdelay $0x3  }
0x8f: {  	v5 =	vadd.f32 v6, v5  }
0x90: {  	vm4 =	vne.s32 v7, $0xFFFFFFFF  }
0x91: {  	(xrf2) =	vadd.seg.scan.f32 vm4, v5;
	_ =	sdelay $0x3  }
0x92: {  	s31 =	sadd.s32 $0x4750, s0;
	v5 =	vperm.xlane v4, v1  }
0x93: {  	v6 =	vld [tilespmem:s31+$0x0]  }
0x94: {  	vm5 =	veq.s32 v7, v3;
	vm6 =	veq.s32 v7, v5  }
0x95: {  	vm7 =	vgt.u32 v7, $0xFFFFFFFD;
	vm6 =	vmor vm6, vm5  }
0x96: {  	vm6 =	vmor vm6, vm7  }
0x97: {  	v9 =	vld [tilespmem:$0xA0];
	v7 =	vsel vm6, $0xFFFFFFFF, v7  }
0x98: {  	v10 =	vld [tilespmem:$0x90];
	v6 =	vsel vm5, $0x0, v6;
	v8, _, _ =	vpop (xrf2)  }
0x99: {  	v6 =	vadd.f32 v8, v6  }
0x9a: {  	s0 =	sadd.s32 $0xA510, s0  }
0x9b: {  	vm4 =	vmand vm4, vm3;
	[tilespmem:s0+$0x0] =	vst v6;
	(ifvalue) =	ssetifvalue $0xFFFFFFFF  }
0x9c: {  	vm6 =	veq.s32 v9, $0x1;
	[hbm4b:s1+s16] =	stream.indirect_vreg.scatter [tilespmem:s0], [sflag:$0x2], $0x1, v7, vm0, $0x4038;
	v7 =	vsel vm4, $0x0, v8;
	[tilespmem:$0xD410] =	vst v63  }
0x9d: {  	s29 =	sadd.s32 $0xD3F0, s22;
	s22 =	sadd.s32 $0x10, s6;
	s2 =	simm.s32 $0x0;
	vm4 =	vmor vm6, vm5;
	v6 =	vsel vm5, v8, v10;
	v7 =	vshift.insert v7, v0, s21  }
.LBB2_7:
0x9e: {  	v8 =	vld [tilespmem:s22+$0x0];
	s30 =	sadd.s32 $0x10, s30  }
0x9f: {  	s31 =	sadd.s32 $0x10, s31;
	v9 =	vld [tilespmem:s30+$0x0]  }
0xa0: {  	s2 =	sadd.s32 $0x10, s2;
	v10 =	vld [tilespmem:s31+$0x0]  }
0xa1: {  	p2 =	slt.u32 s2, $0x1760;
	_ =	sdelay $0x2  }
0xa2: {  	v7 =	vadd.f32 v9, v7  }
0xa3: {  	vm5 =	vne.s32 v8, $0xFFFFFFFF  }
0xa4: {  	vm6 =	vmand vm5, vm3;
	(xrf2) =	vadd.seg.scan.f32 vm5, v7;
	_ =	sdelay $0x5  }
0xa5: {  	vm7 =	veq.s32 v8, v5;
	vm5 =	veq.s32 v8, v3  }
0xa6: {  	vm8 =	vgt.u32 v8, $0xFFFFFFFD;
	vm4 =	vmor vm4, vm5;
	vm7 =	vmor vm7, vm5  }
0xa7: {  	vm7 =	vmor vm7, vm8  }
0xa8: {  	v8 =	vsel vm7, $0xFFFFFFFF, v8  }
.Ltmp5:
0xa9: {  	v7 =	vsel vm5, $0x0, v10;
	v9, _, _ =	vpop (xrf2);
	(pc) =	sbr.rel @p2 .LBB2_7-.Ltmp5, $4  }
0xaa: {  	v6 =	vsel vm5, v9, v6;
	v10 =	vadd.f32 v9, v7;
	v7 =	vsel vm6, $0x0, v9  }
0xab: {  	s0 =	sadd.s32 $0x10, s0;
	v7 =	vshift.insert v7, v0, s21  }
0xac: {  	s22 =	sadd.s32 $0x10, s22;
	[tilespmem:s0+$0x0] =	vst v10;
	(ifvalue) =	ssetifvalue $0xFFFFFFFF  }
0xad: {  	[hbm4b:s1+s16] =	stream.indirect_vreg.scatter [tilespmem:s0], [sflag:$0x2], $0x1, v8, vm0, $0x4038;
	[tilespmem:$0xD410] =	vst v63  }
0xae: {  	v3 =	vld [tilespmem:s28+$0xBC70];
	_ =	sdelay $0x4  }
0xaf: {  	v3 =	vshift.insert v3, v0, s21  }
0xb0: {  	s0 =	simm.s32 $0x30  }
0xb1: {  	[tilespmem:s0+$0x0] =	vst.msk $0x1, v3  }
0xb2: {  	v3 =	vsel vm4, $0x1, v1;
	[tilespmem:$0x90] =	vst v6  }
0xb3: {  	s0 =	sadd.s32 @!p1 $0xBC7F, s28;
	[tilespmem:$0xA0] =	vst v3  }
0xb4: {  	[spmem:s14] =	stream.linear.scatter @!p1 [tilespmem:s0], [sflag:$0x1], $0x1, $0x38;
	[tilespmem:$0xD410] =	vst v63  }
0xb5: {  	s0 =	simm.s32 @!p1 $0x1  }
0xb6: {  	v3 =	vmctz.xlane @!p1 vm4;
	_ =	swait.ge @!p1 [sflag:s0], $0x1  }
0xb7: {  	(v2sf) =	vpush @!p1 v4, $0x0  }
0xb8: {  	(v2sf) =	vpush @!p1 v3, $0x0;
	_ =	sdelay $0xd  }
0xb9: {  	s2 =	spop @!p1 (v2sf)  }
0xba: {  	s6 =	spop @!p1 (v2sf)  }
0xbb: {  	p2 =	sne.s32 @!p1 s26, s2;
	p3 =	slt.s32 @!p1 s6, $0xF  }
0xbc: {  	[sflag:s0] =	ssyncset.done @!p1 $0x0;
	p2 =	por p2, p1;
	p3 =	por !p3, p1  }
0xbd: {  	[sflag:s0] =	ssyncadd.s32 @!p1 $0xFFFFFFFF;
	v3 =	vimm.s32 @!p2 $0xFFFFFFFF;
	s6 =	simm.s32 @p3 $0xF  }
0xbe: {  	[tilespmem:$0x80] =	vst @!p2 v3;
	s2 =	sadd.s32 @!p1 $0x90, s6  }
0xbf: {  	[spmem:s10] =	stream.linear.scatter @!p1 [tilespmem:s2], [sflag:$0x1], $0x1, $0x38;
	[tilespmem:$0xD410] =	vst v63  }
0xc0: {  	_ =	swait.ge @!p1 [sflag:s0], $0x1  }
0xc1: {  	[sflag:s0] =	ssyncset.done @!p1 $0x0  }
0xc2: {  	s2 =	simm.s32 @!p1 $0x80;
	[sflag:s0] =	ssyncadd.s32 @!p1 $0xFFFFFFFF  }
0xc3: {  	[spmem:s15] =	stream.linear.scatter @!p1 [tilespmem:s2], [sflag:$0x1], $0x1, $0x38;
	[tilespmem:$0xD410] =	vst v63  }
0xc4: {  	_ =	swait.ge @!p1 [sflag:s0], $0x1  }
0xc5: {  	[sflag:s0] =	ssyncset.done @!p1 $0x0  }
0xc6: {  	[sflag:s0] =	ssyncadd.s32 @!p1 $0xFFFFFFFF;
	(ifvalue) =	ssetifvalue $0xFFFFFFFF;
	v3 =	vld [tilespmem:s25+$0x10];
	_ =	sdelay $0x3  }
.Ltmp6:
0xc7: {  	_ = 	snop;
	(pc) =	sbr.rel .LBB2_9-.Ltmp6, $3  }
0xc8: {  	_ =	sdelay $0x1  }
0xc9: {  	(ifvalue) =	ssetifvalue $0xFFFFFFFF  }
0xca: {  	[hbm4b:s1+s16] =	stream.indirect_vreg.scatter [tilespmem:s29], [sflag:$0x9], $0x1, v3, vm0, $0x4038;
	[tilespmem:$0xD410] =	vst v63  }
.LBB2_10:
0xcb: {  	_ =	sfence.sel $0x180000  }
0xcc: {  	s0 =	simm.s32 $0x7;
	[bflag:$0x0] =	sbarrier.arrive $0xFFFF  }
0xcd: {  	s26 =	simm.s32 $0x8;
	[sflag:s0] =	ssyncpa.u1 $0x1  }
0xce: {  	s28 =	simm.s32 $0x9;
	[sflag:s26] =	ssyncpa.u1 $0x1  }
0xcf: {  	[sflag:s28] =	ssyncpa.u1 $0x1  }
0xd0: {  	_ =	sfence.stream.spmem  }
0xd1: {  	s29 =	simm.s32 $0x3;
	[bflag:$0x0] =	sbarrier.arrive $0xFFFF  }
0xd2: {  	s30 =	simm.s32 $0x4;
	[sflag:s29] =	ssyncpa.u1 $0x1  }
0xd3: {  	s31 =	simm.s32 $0x3C;
	s2 =	stileid.u32;
	[sflag:s30] =	ssyncpa.u1 $0x1  }
0xd4: {  	p0 =	sne.s32 s2, $0x0;
	[sflag:s31] =	ssyncpa.u1 $0x1  }
0xd5: {  	s0 =	simm.s32 @p0 $0x1;
	_ =	sfence @p0  }
0xd6: {  	[sflag:s0] =	ssyncpa.u1 @p0 $0x1;
	s0 =	simm.s32 @p0 $0x2  }
0xd7: {  	[sflag:s0] =	ssyncpa.u1 @p0 $0x1  }
0xd8: {  	_ =	strace @p0 $0x9000004A  }
0xd9: {  	[bflag:$0x2] =	sbarrier.arrive @p0 $0xFFFF  }
0xda: {  	_ =	shalt @p0  }
.LBB2_11:
0xdb: {  	_ =	sfence.stream.spmem;
	s0 =	simm.s32 $0x5  }
0xdc: {  	s2 =	simm.s32 $0x80;
	s3 =	simm.s32 $0xC0;
	[sflag:s0] =	ssyncpa.u1 $0x0  }
0xdd: {  	[tilespmem:s3], [sflag:$0x5] =	stream.linear.gather [spmem:s2], $0x20, $0x38;
	[tilespmem:$0xD410] =	vst v63  }
0xde: {  	s2 =	simm.s32 $0x0;
	s3 =	simm.s32 $0xE0  }
0xdf: {  	[tilespmem:s3], [sflag:$0x5] =	stream.linear.gather [spmem:s2], $0x20, $0x38;
	[tilespmem:$0xD410] =	vst v63  }
.Ltmp7:
0xe0: {  	_ = 	snop;
	(pc) =	sbr.rel .LBB2_12-.Ltmp7, $4  }
0xe1: {  	_ =	swait.ge [sflag:s0], $0x40  }
0xe2: {  	[sflag:s0] =	ssyncset.done $0x0  }
0xe3: {  	s31 =	simm.s32 $0x6;
	[sflag:s0] =	ssyncadd.s32 $0xFFFFFFC0  }
0xe4: {  	s4 =	simm.s32 $0x0;
	[sflag:s31] =	ssyncpa.u1 $0x0  }
.LBB2_17:
0xe5: {  	p0 =	sgt.u32 s5, $0x27FF  }
0xe6: {  	s0 =	sshrl.u32 @!p0 s5, $0x3  }
0xe7: {  	s5 =	sand.u32 @!p0 $0x7, s5;
	s6 =	simm.s32 @!p0 $0xB0;
	s0 =	sadd.s32 @!p0 s1, s0  }
0xe8: {  	[tilespmem:s6], [sflag:$0x6] =	stream.linear.gather @!p0 [hbm4b:s0+s5], $0x1, $0x38;
	[tilespmem:$0xD410] =	vst v63  }
0xe9: {  	s0 =	simm.s32 @!p0 $0x6  }
0xea: {  	_ =	swait.ge @!p0 [sflag:s0], $0x1  }
0xeb: {  	[sflag:s0] =	ssyncset.done @!p0 $0x0  }
0xec: {  	[sflag:s0] =	ssyncadd.s32 @!p0 $0xFFFFFFFF  }
0xed: {  	v2 =	vmov @!p0 s4;
	v1 =	vld.msk @!p0 [tilespmem:$0xB0], $0x1;
	_ =	sdelay $0x3  }
0xee: {  	s0 =	simm.s32 @!p0 $0xE0  }
0xef: {  	[tilespmem:v2+s0+$0x0], v1 =	vst.idx.ret.add.f32.msk @!p0 $0x1, v1  }
0xf0: {  	[tilespmem:s2+$0xC0] =	vst.msk $0x1, v0  }
0xf1: {  	v0 =	vld.msk [tilespmem:s4+$0xE0], $0x1;
	_ =	sdelay $0x4  }
0xf2: {  	[tilespmem:s2+$0xE0] =	vst.msk $0x1, v0;
	s2 =	sadd.s32 $0x1, s2  }
.LBB2_19:
0xf3: {  	s4 =	sadd.s32 $0x1, s4  }
0xf4: {  	p0 =	sne.s32 s4, $0x20  }
.Ltmp8:
0xf5: {  	_ = 	snop;
	(pc) =	sbr.rel @!p0 .LBB2_20-.Ltmp8, $1  }
0xf6: {  	_ =	sdelay $0x3  }
.LBB2_12:
0xf7: {  	v0 =	vld.msk [tilespmem:s4+$0xC0], $0x1;
	_ =	sdelay $0x4  }
0xf8: {  	(v2sf) =	vpush v0, $0x0;
	_ =	sdelay $0xe  }
0xf9: {  	s5 =	spop (v2sf)  }
0xfa: {  	p0 =	seq.s32 s5, $0xFFFFFFFF  }
.Ltmp9:
0xfb: {  	_ = 	snop;
	(pc) =	sbr.rel @p0 .LBB2_19-.Ltmp9, $1  }
0xfc: {  	_ =	sdelay $0x3  }
0xfd: {  	p0 =	slt.s32 s2, $0x1  }
.Ltmp10:
0xfe: {  	_ = 	snop;
	(pc) =	sbr.rel @p0 .LBB2_17-.Ltmp10, $1  }
0xff: {  	_ =	sdelay $0x3  }
0x100: {  	s0 =	simm.s32 $0xC0;
	p0 =	por $0x0, $0x0  }
0x101: {  	v1 =	vld.msk @!p0 [tilespmem:s0+$0x0], $0x1;
	_ =	sdelay $0x4  }
0x102: {  	(v2sf) =	vpush @!p0 v1, $0x0;
	_ =	sdelay $0xd  }
0x103: {  	p2 =	sne.s32 s2, $0x1  }
.Ltmp11:
0x104: {  	s6 =	spop @!p0 (v2sf);
	(pc) =	sbr.rel @!p2 .LBB2_16-.Ltmp11, $4  }
0x105: {  	p1 =	seq.s32 @!p0 s5, s6  }
0x106: {  	s6 =	simm.s32 $0x0;
	p1 =	por !p1, p0  }
0x107: {  	s8 =	simm.s32 $0xFFFFFFFF;
	s6 =	simm.s32 @p1 $0xFFFFFFFF  }
0x108: {  	s7 =	simm.s32 $0x1;
	s6 =	smov.u32 @p0 s8  }
.LBB2_15:
0x109: {  	s8 =	smov.u32 s6;
	p0 =	sne.s32 s6, $0xFFFFFFFF  }
0x10a: {  	s0 =	sadd.s32 $0x1, s0;
	s6 =	smov.u32 s7;
	s7 =	sadd.s32 $0x1, s7  }
0x10b: {  	p1 =	sne.s32 s2, s7;
	v1 =	vld.msk @!p0 [tilespmem:s0+$0x0], $0x1;
	_ =	sdelay $0x4  }
0x10c: {  	(v2sf) =	vpush @!p0 v1, $0x0;
	_ =	sdelay $0xe  }
.Ltmp12:
0x10d: {  	s9 =	spop @!p0 (v2sf);
	(pc) =	sbr.rel @p1 .LBB2_15-.Ltmp12, $4  }
0x10e: {  	p2 =	seq.s32 @!p0 s5, s9  }
0x10f: {  	p2 =	por !p2, p0  }
0x110: {  	s6 =	simm.s32 @p2 $0xFFFFFFFF  }
0x111: {  	s6 =	smov.u32 @p0 s8  }
.LBB2_16:
0x112: {  	p0 =	sne.s32 s6, $0xFFFFFFFF  }
.Ltmp13:
0x113: {  	_ = 	snop;
	(pc) =	sbr.rel @!p0 .LBB2_17-.Ltmp13, $1  }
0x114: {  	_ =	sdelay $0x3  }
0x115: {  	v0 =	vld.msk [tilespmem:s4+$0xE0], $0x1;
	v1 =	vmov s6  }
.Ltmp14:
0x116: {  	_ = 	snop;
	(pc) =	sbr.rel .LBB2_19-.Ltmp14, $2  }
0x117: {  	_ =	sdelay $0x2  }
0x118: {  	[tilespmem:v1+s3+$0x0], v0 =	vst.idx.ret.add.f32.msk $0x1, v0  }
.LBB2_20:
0x119: {  	p0 =	slt.s32 s2, $0x1  }
.Ltmp15:
0x11a: {  	_ = 	snop;
	(pc) =	sbr.rel @p0 .LBB2_24-.Ltmp15, $3  }
0x11b: {  	_ =	sdelay $0x1  }
0x11c: {  	s0 =	simm.s32 $0x6  }
0x11d: {  	s3 =	simm.s32 $0x0;
	[sflag:s0] =	ssyncpa.u1 $0x1  }
0x11e: {  	s0 =	simm.s32 $0xC0  }
0x11f: {  	v0 =	vld.msk [tilespmem:s0+$0x0], $0x1;
	_ =	sdelay $0x4  }
0x120: {  	(v2sf) =	vpush v0, $0x0;
	_ =	sdelay $0xe  }
0x121: {  	s2 =	sadd.s32 $0xFFFFFFFF, s2;
	s4 =	spop (v2sf)  }
0x122: {  	p1 =	sne.s32 s2, $0x0;
	p0 =	sgt.u32 s4, $0x27FF  }
.Ltmp16:
0x123: {  	s5 =	sshrl.u32 @!p0 s4, $0x3;
	(pc) =	sbr.rel @!p1 .LBB2_23-.Ltmp16, $4  }
0x124: {  	s0 =	simm.s32 $0xE0;
	s4 =	sand.u32 @!p0 $0x7, s4;
	s5 =	sadd.s32 @!p0 s1, s5  }
0x125: {  	[hbm4b:s5+s4] =	stream.linear.scatter @!p0 [tilespmem:s0], [sflag:$0x5], $0x1, $0x38;
	[tilespmem:$0xD410] =	vst v63  }
0x126: {  	s5 =	simm.s32 $0x0  }
0x127: {  	s4 =	simm.s32 $0xC1;
	s5 =	simm.s32 @!p0 $0x4  }
.LBB2_22:
0x128: {  	v0 =	vld.msk [tilespmem:s4+$0x0], $0x1;
	s2 =	sadd.s32 $0xFFFFFFFF, s2;
	s3 =	sadd.s32 s3, s5  }
0x129: {  	p0 =	sne.s32 s2, $0x0;
	_ =	sdelay $0x3  }
0x12a: {  	(v2sf) =	vpush v0, $0x0;
	_ =	sdelay $0xe  }
.Ltmp17:
0x12b: {  	s6 =	spop (v2sf);
	(pc) =	sbr.rel @p0 .LBB2_22-.Ltmp17, $4  }
0x12c: {  	s5 =	simm.s32 $0x0;
	p1 =	sgt.u32 s6, $0x27FF  }
0x12d: {  	s0 =	sadd.s32 $0x1, s0;
	s5 =	simm.s32 @!p1 $0x4;
	s7 =	sshrl.u32 @!p1 s6, $0x3  }
0x12e: {  	s4 =	sadd.s32 $0x1, s4;
	s6 =	sand.u32 @!p1 $0x7, s6;
	s7 =	sadd.s32 @!p1 s1, s7  }
0x12f: {  	[hbm4b:s7+s6] =	stream.linear.scatter @!p1 [tilespmem:s0], [sflag:$0x5], $0x1, $0x38;
	[tilespmem:$0xD410] =	vst v63  }
.LBB2_23:
0x130: {  	s0 =	sadd.s32 s3, s5  }
0x131: {  	s3 =	sshrl.u32 s0, $0x2  }
.LBB2_24:
0x132: {  	s0 =	simm.s32 $0x5  }
0x133: {  	_ =	swait.ge [sflag:s0], s3  }
0x134: {  	s1 =	ssub.s32 $0x0, s3;
	[sflag:s0] =	ssyncset.done $0x0  }
0x135: {  	[sflag:s0] =	ssyncadd.s32 s1  }
0x136: {  	[sflag:s0] =	ssyncpa.u1 $0x1  }
0x137: {  	s29 =	simm.s32 $0x1;
	_ =	sfence  }
0x138: {  	s30 =	simm.s32 $0x2;
	[sflag:s29] =	ssyncpa.u1 $0x1  }
0x139: {  	[sflag:s30] =	ssyncpa.u1 $0x1  }
0x13a: {  	_ =	strace $0x9000004A  }
0x13b: {  	[bflag:$0x2] =	sbarrier.arrive $0xFFFF  }
0x13c: {  	s31 =	rddreg [dreg:$0x1]  }
0x13d: {  	s0 =	sadd.s32 $0x100000, s31  }
0x13e: {  	[sflag:s0] =	ssyncadd.tile.s32 $0x1;
	_ =	shalt  }
.Lfunc_end2:
_tile_overlayer_lowered:
.L_overlay_start_2:
0x13f: {  	(tag) =	ssettag $0x2  }
0x140: {  	s0 =	rddreg [dreg:$0x0];
	s2 =	stileid.u32  }
0x141: {  	s1 =	rddreg [dreg:$0x1];
	p0 =	sne.s32 s2, $0x0  }
0x142: {  	s3 =	rddreg [dreg:$0x2];
	[bflag:$0x3] =	sbarrier.arrive $0xFFFF;
	s2 =	simm.s32 @!p0 $0x1C01  }
0x143: {  	[timem:s3], [sflag:s2] =	dma.local @!p0 [hbm:s0], s1  }
0x144: {  	s0 =	simm.s32 @!p0 $0x1  }
0x145: {  	_ =	swait.ge @!p0 [sflag:s0], s1  }
0x146: {  	s1 =	ssub.s32 @!p0 $0x0, s1;
	[sflag:s0] =	ssyncset.done @!p0 $0x0  }
0x147: {  	[sflag:s0] =	ssyncadd.s32 @!p0 s1  }
0x148: {  	[bflag:$0x3] =	sbarrier.arrive $0xFFFF  }
0x149: {  	_ =	shalt  }

</sc_bundles>
